<compile_context>
chip_gen: v7x
topology: tpu7x:2x2x1
jax: 0.10.2.dev20260603
libtpu: 0.0.44.dev20260713+nightly
codegen_flags: <defaults>
</compile_context>

<pallas_src>
import functools

import jax
import jax.numpy as jnp
from jax import lax
from jax.experimental import pallas as pl
from jax.experimental.pallas import tpu as pltpu
from jax.experimental.pallas import tpu_sc as plsc

N = 10000
E = 320000
D = 128
DH = 64
K = 10
ALPHA = 0.1

NC = 2
NS = 16
L = 16

NPAD = 10240
NT = NPAD // NS
ECH = 128
NCHUNK = 160
EPAD = NS * NCHUNK * ECH - E
UCH = NT // ECH


def _c(v, dtype=jnp.float32):
  return jnp.full((L,), v, dtype)


_BN = 512


def _mm_body(x_ref, w_ref, b_ref, o_ref):
  y = jnp.dot(x_ref[...], w_ref[...], preferred_element_type=jnp.float32)
  y = jnp.maximum(y + b_ref[...], 0.0)
  o_ref[0] = y[:, :DH]
  o_ref[1] = y[:, DH:]


_linear_relu = pl.pallas_call(
    _mm_body,
    grid=(NPAD // _BN,),
    in_specs=[
        pl.BlockSpec((_BN, D), lambda i: (i, 0)),
        pl.BlockSpec((D, D), lambda i: (0, 0)),
        pl.BlockSpec((1, D), lambda i: (0, 0)),
    ],
    out_specs=pl.BlockSpec((2, _BN, DH), lambda i: (0, i, 0)),
    out_shape=jax.ShapeDtypeStruct((2, NPAD, DH), jnp.float32),
)


_BS = 400


def _ls_body(h_ref, o_ref):
  y = jnp.concatenate([h_ref[0], h_ref[1]], axis=1)
  m = jnp.max(y, axis=1, keepdims=True)
  z = y - m
  o_ref[...] = z - jnp.log(jnp.sum(jnp.exp(z), axis=1, keepdims=True))


_log_softmax = pl.pallas_call(
    _ls_body,
    grid=(N // _BS,),
    in_specs=[pl.BlockSpec((2, _BS, DH), lambda i: (0, i, 0))],
    out_specs=pl.BlockSpec((_BS, D), lambda i: (i, 0)),
    out_shape=jax.ShapeDtypeStruct((N, D), jnp.float32),
)


def _sc_body(h2, rows, cols, zer, out, gtab,
             agg, row_v, col_v, gbuf, gbufB, h0buf, b1_v, a2_v, semA, semB):
  c = lax.axis_index("c")
  s = lax.axis_index("s")
  nbase = s * NT
  goff = c * NPAD

  pltpu.sync_copy(rows.at[s], row_v)
  pltpu.sync_copy(cols.at[s], col_v)
  pltpu.sync_copy(zer, agg.at[pl.ds(nbase, NT)])

  goff_v = lax.broadcast(goff, (L,))

  def ones_body(i, _):
    for f in range(DH // L):
      gbuf[i, pl.ds(f * L, L)] = _c(1.0)
      gbufB[i, pl.ds(f * L, L)] = _c(1.0)
    return 0

  lax.fori_loop(0, ECH, ones_body, 0)

  def roff_body(j, _):
    for f in range(ECH // L):
      sl = pl.ds(f * L, L)
      row_v[j, sl] = row_v[j, sl] + goff_v
    return 0

  lax.fori_loop(0, NCHUNK, roff_body, 0)
  plsc.subcore_barrier()

  def deg_pair(pq, _):
    j0 = pq * 2
    d0 = pltpu.async_copy(
        gbuf, agg.at[plsc.Indices(col_v.at[j0], ignored_value=-1)],
        semA, add=True)
    d1 = pltpu.async_copy(
        gbufB, agg.at[plsc.Indices(col_v.at[j0 + 1], ignored_value=-1)],
        semB, add=True)
    d0.wait()
    d1.wait()
    return 0

  lax.fori_loop(0, NCHUNK // 2, deg_pair, 0)
  plsc.subcore_barrier()

  for u in range(UCH):
    pltpu.sync_copy(agg.at[pl.ds(nbase + u * ECH, ECH)], gbuf)

    def newton_body(i, _, u=u):
      d = gbuf[i, pl.ds(0, L)] + _c(1.0)
      xi = lax.bitcast_convert_type(d, jnp.int32)
      yi = _c(0x5F3759DF, jnp.int32) - lax.shift_right_logical(
          xi, _c(1, jnp.int32))
      y = lax.bitcast_convert_type(yi, jnp.float32)
      hd = d * _c(0.5)
      for _unused in range(3):
        y = y * (_c(1.5) - hd * y * y)
      b1_v[u * ECH + i, :] = y * _c(ALPHA)
      a2_v[u * ECH + i, :] = y * y * _c(1.0 - ALPHA)
      return 0

    lax.fori_loop(0, ECH, newton_body, 0)

  for u in range(UCH):
    nb = nbase + u * ECH
    pltpu.sync_copy(h2.at[pl.ds(goff + nb, ECH)], h0buf)

    def g0_body(i, _, u=u):
      b1r = b1_v[u * ECH + i, :] * _c(1.0 / ALPHA)
      for f in range(DH // L):
        sl = pl.ds(f * L, L)
        gbuf[i, sl] = h0buf[i, sl] * b1r
      return 0

    lax.fori_loop(0, ECH, g0_body, 0)
    pltpu.sync_copy(gbuf, gtab.at[pl.ds(goff + nb, ECH)])
    pltpu.sync_copy(gbuf, agg.at[pl.ds(nb, ECH)])
  plsc.subcore_barrier()

  def k_body(_k, carry):
    def edge_pair(pq, _):
      j0 = pq * 2
      dg0 = pltpu.async_copy(
          gtab.at[plsc.Indices(row_v.at[j0])], gbuf, semA)
      dg1 = pltpu.async_copy(
          gtab.at[plsc.Indices(row_v.at[j0 + 1])], gbufB, semB)
      dg0.wait()
      ds0 = pltpu.async_copy(
          gbuf, agg.at[plsc.Indices(col_v.at[j0], ignored_value=-1)],
          semA, add=True)
      dg1.wait()
      ds1 = pltpu.async_copy(
          gbufB, agg.at[plsc.Indices(col_v.at[j0 + 1], ignored_value=-1)],
          semB, add=True)
      ds0.wait()
      ds1.wait()
      return 0

    lax.fori_loop(0, NCHUNK // 2, edge_pair, 0)
    plsc.subcore_barrier()

    for u in range(UCH):
      nb = nbase + u * ECH
      pltpu.sync_copy(agg.at[pl.ds(nb, ECH)], gbuf)
      pltpu.sync_copy(h2.at[pl.ds(goff + nb, ECH)], h0buf)

      def upd_body(i, _, u=u):
        a2r = a2_v[u * ECH + i, :]
        b1r = b1_v[u * ECH + i, :]
        for f in range(DH // L):
          sl = pl.ds(f * L, L)
          gbuf[i, sl] = a2r * gbuf[i, sl] + b1r * h0buf[i, sl]
        return 0

      lax.fori_loop(0, ECH, upd_body, 0)
      pltpu.sync_copy(gbuf, gtab.at[pl.ds(goff + nb, ECH)])
      pltpu.sync_copy(gbuf, agg.at[pl.ds(nb, ECH)])
    plsc.subcore_barrier()
    return carry

  lax.fori_loop(0, K, k_body, 0)

  for u in range(UCH):
    nb = nbase + u * ECH
    pltpu.sync_copy(agg.at[pl.ds(nb, ECH)], gbuf)

    def fin_body(i, _, u=u):
      b1r = b1_v[u * ECH + i, :]
      for f in range(DH // L):
        sl = pl.ds(f * L, L)
        gbuf[i, sl] = gbuf[i, sl] * _c(ALPHA) / b1r
      return 0

    lax.fori_loop(0, ECH, fin_body, 0)
    pltpu.sync_copy(gbuf, out.at[pl.ds(goff + nb, ECH)])


@functools.cache
def _make_sc_propagate():
  return functools.partial(
      pl.kernel,
      out_type=(
          jax.ShapeDtypeStruct((NC * NPAD, DH), jnp.float32),
          jax.ShapeDtypeStruct((NC * NPAD, DH), jnp.float32),
      ),
      mesh=plsc.VectorSubcoreMesh(
          core_axis_name="c", subcore_axis_name="s",
          num_cores=NC, num_subcores=NS),
      compiler_params=pltpu.CompilerParams(use_tc_tiling_on_sc=False),
      scratch_types=[
          pltpu.VMEM_SHARED((NPAD, DH), jnp.float32),
          pltpu.VMEM((NCHUNK, ECH), jnp.int32),
          pltpu.VMEM((NCHUNK, ECH), jnp.int32),
          pltpu.VMEM((ECH, DH), jnp.float32),
          pltpu.VMEM((ECH, DH), jnp.float32),
          pltpu.VMEM((ECH, DH), jnp.float32),
          pltpu.VMEM((NT, L), jnp.float32),
          pltpu.VMEM((NT, L), jnp.float32),
          pltpu.SemaphoreType.DMA,
          pltpu.SemaphoreType.DMA,
      ],
  )(_sc_body)


def kernel(x, edge_index, edge_attr, W, b):
  del edge_attr
  x_pad = jnp.pad(x, ((0, NPAD - N), (0, 0)))
  row = edge_index[0].astype(jnp.int32)
  col = edge_index[1].astype(jnp.int32)
  row_p = jnp.concatenate([row, jnp.arange(EPAD, dtype=jnp.int32) % N])
  col_p = jnp.concatenate([col, jnp.full((EPAD,), -1, jnp.int32)])
  rows3 = row_p.reshape(NS, NCHUNK, ECH)
  cols3 = col_p.reshape(NS, NCHUNK, ECH)
  zer = jnp.zeros((NT, DH), jnp.float32)

  h2 = _linear_relu(x_pad, W, b.reshape(1, D))
  hk_flat, _ = _make_sc_propagate()(
      h2.reshape(NC * NPAD, DH), rows3, cols3, zer)
  return _log_softmax(hk_flat.reshape(NC, NPAD, DH))

# --- scband reference (transcript-rebuilt; emitter-appended) ---
"""Pipeline reference for scband-appnp-8589935067 (READ-ONLY COPY).

The authoritative reference and input builder live on the scoring server;
editing this copy changes nothing except your own understanding.
"""

import jax, jax.numpy as jnp
import numpy as np

N = 10000
E = 320000
D_IN = 128
D_OUT = 128
D_EDGE = 4
K = 10
ALPHA = 0.1


def setup_inputs(seed: int = 0) -> dict:
    key = jax.random.key(seed)
    k1, k2, k3, k4 = jax.random.split(key, 4)
    x = jax.random.normal(k1, (N, D_IN), dtype=jnp.float32)
    edge_index = jax.random.randint(k2, (2, E), 0, N, dtype=jnp.int32)
    edge_attr = jax.random.normal(k3, (E, D_EDGE), dtype=jnp.float32)
    W = jax.random.normal(k4, (D_IN, D_OUT), dtype=jnp.float32) * (1.0 / np.sqrt(D_IN))
    b = jnp.zeros((D_OUT,), dtype=jnp.float32)
    return {"x": x, "edge_index": edge_index, "edge_attr": edge_attr, "W": W, "b": b}


def _gcn_norm(edge_index, num_nodes):
    # add self loops, symmetric GCN normalization (PyG APPNP default)
    row = edge_index[0]
    col = edge_index[1]
    loop = jnp.arange(num_nodes, dtype=row.dtype)
    row = jnp.concatenate([row, loop])
    col = jnp.concatenate([col, loop])
    deg = jnp.zeros((num_nodes,), dtype=jnp.float32).at[col].add(1.0)
    dinv = jnp.where(deg > 0, deg ** -0.5, 0.0)
    norm = dinv[row] * dinv[col]
    return row, col, norm


def reference(x, edge_index, edge_attr, W, b):
    # dropout is identity in eval mode; edge_attr is accepted but unused (as in the torch module)
    h = jnp.maximum(x @ W + b, 0.0)
    row, col, norm = _gcn_norm(edge_index, N)
    h0 = h
    for _ in range(K):
        msg = norm[:, None] * h[row]
        agg = jnp.zeros_like(h).at[col].add(msg)
        h = (1.0 - ALPHA) * agg + ALPHA * h0
    return jax.nn.log_softmax(h, axis=1)

if __name__ == "__main__":
    import jax
    _d = setup_inputs()
    print(jax.jit(kernel)(*tuple(_d.values())))

</pallas_src>

<mosaic_0001>
#map = affine_map<(d0, d1) -> (0, 0)>
#map1 = affine_map<(d0, d1) -> (0, 0, 0)>
module attributes {stable_mosaic.version = 14 : i64} {
  func.func @_sc_body(%arg0: i32, %arg1: i32, %arg2: memref<20480x64xf32, #tpu.memory_space<hbm>>, %arg3: memref<16x160x128xi32, #tpu.memory_space<hbm>>, %arg4: memref<16x160x128xi32, #tpu.memory_space<hbm>>, %arg5: memref<640x64xf32, #tpu.memory_space<hbm>>, %arg6: memref<20480x64xf32, #tpu.memory_space<hbm>>, %arg7: memref<20480x64xf32, #tpu.memory_space<hbm>>, %arg8: memref<10240x64xf32, #tpu.memory_space<vmem_shared>>, %arg9: memref<160x128xi32, #tpu.memory_space<vmem>>, %arg10: memref<160x128xi32, #tpu.memory_space<vmem>>, %arg11: memref<128x64xf32, #tpu.memory_space<vmem>>, %arg12: memref<128x64xf32, #tpu.memory_space<vmem>>, %arg13: memref<128x64xf32, #tpu.memory_space<vmem>>, %arg14: memref<640x16xf32, #tpu.memory_space<vmem>>, %arg15: memref<640x16xf32, #tpu.memory_space<vmem>>, %arg16: memref<!tpu.dma_semaphore, #tpu.memory_space<semaphore_mem>>, %arg17: memref<!tpu.dma_semaphore, #tpu.memory_space<semaphore_mem>>) attributes {dimension_semantics = [#tpu.dimension_semantics<core_parallel>, #tpu.dimension_semantics<subcore_parallel>], iteration_bounds = array<i64: 2, 16>, scalar_prefetch = 0 : i64, scratch_operands = 10 : i64, tpu.core_type = #tpu.core_type<sc_vector_subcore>, window_params = [{transform_indices = #map}, {transform_indices = #map1}, {transform_indices = #map1}, {transform_indices = #map}, {transform_indices = #map}, {transform_indices = #map}]} {
    %mul3A = arith.constant 640 : i32
    %mul3A_0 = arith.muli %arg1, %mul3A : i32
    %mul3A_1 = arith.constant 10240 : i32
    %mul3A_2 = arith.muli %arg0, %mul3A_1 : i32
    "tpu.region"() ({
      %run_scoped3A = tpu.sem_alloc : memref<!tpu.dma_semaphore, #tpu.memory_space<semaphore_mem>>
      %dma_start3A = arith.constant 0 : i32
      %dma_start3A_180 = arith.constant 0 : i32
      %dma_start3A_181 = tpu.memref_slice %arg3[%arg1, %dma_start3A, %dma_start3A_180] : memref<16x160x128xi32, #tpu.memory_space<hbm>> -> memref<1x160x128xi32, #tpu.memory_space<hbm>>
      %dma_start3A_182 = tpu.memref_squeeze %dma_start3A_181 : memref<1x160x128xi32, #tpu.memory_space<hbm>> -> memref<160x128xi32, #tpu.memory_space<hbm>>
      %dma_start3A_183 = arith.constant 0 : i32
      %dma_start3A_184 = arith.constant 0 : i32
      %dma_start3A_185 = tpu.memref_slice %arg3[%arg1, %dma_start3A_183, %dma_start3A_184] : memref<16x160x128xi32, #tpu.memory_space<hbm>> -> memref<1x160x128xi32, #tpu.memory_space<hbm>>
      %dma_start3A_186 = tpu.memref_squeeze %dma_start3A_185 : memref<1x160x128xi32, #tpu.memory_space<hbm>> -> memref<160x128xi32, #tpu.memory_space<hbm>>
      tpu.enqueue_dma source(%dma_start3A_186 : memref<160x128xi32, #tpu.memory_space<hbm>>) target(%arg9 : memref<160x128xi32, #tpu.memory_space<vmem>>) target_semaphore(%run_scoped3A : memref<!tpu.dma_semaphore, #tpu.memory_space<semaphore_mem>>)
      %dma_wait3A = arith.constant 0 : i32
      %dma_wait3A_187 = arith.constant 0 : i32
      %dma_wait3A_188 = tpu.memref_slice %arg3[%arg1, %dma_wait3A, %dma_wait3A_187] : memref<16x160x128xi32, #tpu.memory_space<hbm>> -> memref<1x160x128xi32, #tpu.memory_space<hbm>>
      %dma_wait3A_189 = tpu.memref_squeeze %dma_wait3A_188 : memref<1x160x128xi32, #tpu.memory_space<hbm>> -> memref<160x128xi32, #tpu.memory_space<hbm>>
      %dma_wait3A_190 = arith.constant 0 : i32
      %dma_wait3A_191 = arith.constant 0 : i32
      %dma_wait3A_192 = tpu.memref_slice %arg3[%arg1, %dma_wait3A_190, %dma_wait3A_191] : memref<16x160x128xi32, #tpu.memory_space<hbm>> -> memref<1x160x128xi32, #tpu.memory_space<hbm>>
      %dma_wait3A_193 = tpu.memref_squeeze %dma_wait3A_192 : memref<1x160x128xi32, #tpu.memory_space<hbm>> -> memref<160x128xi32, #tpu.memory_space<hbm>>
      tpu.wait_dma2 semaphore(%run_scoped3A : memref<!tpu.dma_semaphore, #tpu.memory_space<semaphore_mem>>) src(%dma_wait3A_193 : memref<160x128xi32, #tpu.memory_space<hbm>>) dst(%arg9 : memref<160x128xi32, #tpu.memory_space<vmem>>)
      tpu.yield
    }) : () -> ()
    "tpu.region"() ({
      %run_scoped3A = tpu.sem_alloc : memref<!tpu.dma_semaphore, #tpu.memory_space<semaphore_mem>>
      %dma_start3A = arith.constant 0 : i32
      %dma_start3A_180 = arith.constant 0 : i32
      %dma_start3A_181 = tpu.memref_slice %arg4[%arg1, %dma_start3A, %dma_start3A_180] : memref<16x160x128xi32, #tpu.memory_space<hbm>> -> memref<1x160x128xi32, #tpu.memory_space<hbm>>
      %dma_start3A_182 = tpu.memref_squeeze %dma_start3A_181 : memref<1x160x128xi32, #tpu.memory_space<hbm>> -> memref<160x128xi32, #tpu.memory_space<hbm>>
      %dma_start3A_183 = arith.constant 0 : i32
      %dma_start3A_184 = arith.constant 0 : i32
      %dma_start3A_185 = tpu.memref_slice %arg4[%arg1, %dma_start3A_183, %dma_start3A_184] : memref<16x160x128xi32, #tpu.memory_space<hbm>> -> memref<1x160x128xi32, #tpu.memory_space<hbm>>
      %dma_start3A_186 = tpu.memref_squeeze %dma_start3A_185 : memref<1x160x128xi32, #tpu.memory_space<hbm>> -> memref<160x128xi32, #tpu.memory_space<hbm>>
      tpu.enqueue_dma source(%dma_start3A_186 : memref<160x128xi32, #tpu.memory_space<hbm>>) target(%arg10 : memref<160x128xi32, #tpu.memory_space<vmem>>) target_semaphore(%run_scoped3A : memref<!tpu.dma_semaphore, #tpu.memory_space<semaphore_mem>>)
      %dma_wait3A = arith.constant 0 : i32
      %dma_wait3A_187 = arith.constant 0 : i32
      %dma_wait3A_188 = tpu.memref_slice %arg4[%arg1, %dma_wait3A, %dma_wait3A_187] : memref<16x160x128xi32, #tpu.memory_space<hbm>> -> memref<1x160x128xi32, #tpu.memory_space<hbm>>
      %dma_wait3A_189 = tpu.memref_squeeze %dma_wait3A_188 : memref<1x160x128xi32, #tpu.memory_space<hbm>> -> memref<160x128xi32, #tpu.memory_space<hbm>>
      %dma_wait3A_190 = arith.constant 0 : i32
      %dma_wait3A_191 = arith.constant 0 : i32
      %dma_wait3A_192 = tpu.memref_slice %arg4[%arg1, %dma_wait3A_190, %dma_wait3A_191] : memref<16x160x128xi32, #tpu.memory_space<hbm>> -> memref<1x160x128xi32, #tpu.memory_space<hbm>>
      %dma_wait3A_193 = tpu.memref_squeeze %dma_wait3A_192 : memref<1x160x128xi32, #tpu.memory_space<hbm>> -> memref<160x128xi32, #tpu.memory_space<hbm>>
      tpu.wait_dma2 semaphore(%run_scoped3A : memref<!tpu.dma_semaphore, #tpu.memory_space<semaphore_mem>>) src(%dma_wait3A_193 : memref<160x128xi32, #tpu.memory_space<hbm>>) dst(%arg10 : memref<160x128xi32, #tpu.memory_space<vmem>>)
      tpu.yield
    }) : () -> ()
    "tpu.region"() ({
      %run_scoped3A = tpu.sem_alloc : memref<!tpu.dma_semaphore, #tpu.memory_space<semaphore_mem>>
      %dma_start3A = arith.constant 0 : i32
      %dma_start3A_180 = tpu.memref_slice %arg8[%mul3A_0, %dma_start3A] : memref<10240x64xf32, #tpu.memory_space<vmem_shared>> -> memref<640x64xf32, #tpu.memory_space<vmem_shared>>
      tpu.enqueue_dma source(%arg5 : memref<640x64xf32, #tpu.memory_space<hbm>>) target(%dma_start3A_180 : memref<640x64xf32, #tpu.memory_space<vmem_shared>>) target_semaphore(%run_scoped3A : memref<!tpu.dma_semaphore, #tpu.memory_space<semaphore_mem>>)
      %dma_wait3A = arith.constant 0 : i32
      %dma_wait3A_181 = tpu.memref_slice %arg8[%mul3A_0, %dma_wait3A] : memref<10240x64xf32, #tpu.memory_space<vmem_shared>> -> memref<640x64xf32, #tpu.memory_space<vmem_shared>>
      tpu.wait_dma2 semaphore(%run_scoped3A : memref<!tpu.dma_semaphore, #tpu.memory_space<semaphore_mem>>) src(%arg5 : memref<640x64xf32, #tpu.memory_space<hbm>>) dst(%dma_wait3A_181 : memref<640x64xf32, #tpu.memory_space<vmem_shared>>)
      tpu.yield
    }) : () -> ()
    %broadcast_in_dim3A = vector.broadcast %mul3A_2 : i32 to vector<16xi32>
    %scan3A = arith.constant 0 : i32
    %scan3A_3 = arith.constant 0 : i32
    %scan3A_4 = arith.constant 128 : i32
    %scan3A_5 = arith.addi %scan3A_3, %scan3A_4 : i32
    %scan3A_6 = arith.constant 1 : i32
    %scan3A_7 = scf.for %scan3A_180 = %scan3A_3 to %scan3A_5 step %scan3A_6 iter_args(%scan3A_181 = %scan3A) -> (i32)  : i32 {
      %broadcast_in_dim3A_182 = arith.constant 1.000000e+00 : f32
      %broadcast_in_dim3A_183 = vector.broadcast %broadcast_in_dim3A_182 : f32 to vector<16xf32>
      %swap3A = arith.index_cast %scan3A_180 : i32 to index
      %swap3A_184 = arith.constant 0 : index
      %swap3A_185 = tpu.vector_load %arg11[%swap3A, %swap3A_184] {strides = array<i32>} : memref<128x64xf32, #tpu.memory_space<vmem>>, vector<1x16xf32>,
      %swap3A_186 = vector.shape_cast %swap3A_185 : vector<1x16xf32> to vector<16xf32>
      %swap3A_187 = vector.shape_cast %broadcast_in_dim3A_183 : vector<16xf32> to vector<1x16xf32>
      tpu.vector_store %arg11[%swap3A, %swap3A_184], %swap3A_187 {strides = array<i32>} : memref<128x64xf32, #tpu.memory_space<vmem>>, vector<1x16xf32>,
      %broadcast_in_dim3A_188 = arith.constant 1.000000e+00 : f32
      %broadcast_in_dim3A_189 = vector.broadcast %broadcast_in_dim3A_188 : f32 to vector<16xf32>
      %swap3A_190 = arith.index_cast %scan3A_180 : i32 to index
      %swap3A_191 = arith.constant 0 : index
      %swap3A_192 = tpu.vector_load %arg12[%swap3A_190, %swap3A_191] {strides = array<i32>} : memref<128x64xf32, #tpu.memory_space<vmem>>, vector<1x16xf32>,
      %swap3A_193 = vector.shape_cast %swap3A_192 : vector<1x16xf32> to vector<16xf32>
      %swap3A_194 = vector.shape_cast %broadcast_in_dim3A_189 : vector<16xf32> to vector<1x16xf32>
      tpu.vector_store %arg12[%swap3A_190, %swap3A_191], %swap3A_194 {strides = array<i32>} : memref<128x64xf32, #tpu.memory_space<vmem>>, vector<1x16xf32>,
      %broadcast_in_dim3A_195 = arith.constant 1.000000e+00 : f32
      %broadcast_in_dim3A_196 = vector.broadcast %broadcast_in_dim3A_195 : f32 to vector<16xf32>
      %swap3A_197 = arith.index_cast %scan3A_180 : i32 to index
      %swap3A_198 = arith.constant 16 : index
      %swap3A_199 = tpu.vector_load %arg11[%swap3A_197, %swap3A_198] {strides = array<i32>} : memref<128x64xf32, #tpu.memory_space<vmem>>, vector<1x16xf32>,
      %swap3A_200 = vector.shape_cast %swap3A_199 : vector<1x16xf32> to vector<16xf32>
      %swap3A_201 = vector.shape_cast %broadcast_in_dim3A_196 : vector<16xf32> to vector<1x16xf32>
      tpu.vector_store %arg11[%swap3A_197, %swap3A_198], %swap3A_201 {strides = array<i32>} : memref<128x64xf32, #tpu.memory_space<vmem>>, vector<1x16xf32>,
      %broadcast_in_dim3A_202 = arith.constant 1.000000e+00 : f32
      %broadcast_in_dim3A_203 = vector.broadcast %broadcast_in_dim3A_202 : f32 to vector<16xf32>
      %swap3A_204 = arith.index_cast %scan3A_180 : i32 to index
      %swap3A_205 = arith.constant 16 : index
      %swap3A_206 = tpu.vector_load %arg12[%swap3A_204, %swap3A_205] {strides = array<i32>} : memref<128x64xf32, #tpu.memory_space<vmem>>, vector<1x16xf32>,
      %swap3A_207 = vector.shape_cast %swap3A_206 : vector<1x16xf32> to vector<16xf32>
      %swap3A_208 = vector.shape_cast %broadcast_in_dim3A_203 : vector<16xf32> to vector<1x16xf32>
      tpu.vector_store %arg12[%swap3A_204, %swap3A_205], %swap3A_208 {strides = array<i32>} : memref<128x64xf32, #tpu.memory_space<vmem>>, vector<1x16xf32>,
      %broadcast_in_dim3A_209 = arith.constant 1.000000e+00 : f32
      %broadcast_in_dim3A_210 = vector.broadcast %broadcast_in_dim3A_209 : f32 to vector<16xf32>
      %swap3A_211 = arith.index_cast %scan3A_180 : i32 to index
      %swap3A_212 = arith.constant 32 : index
      %swap3A_213 = tpu.vector_load %arg11[%swap3A_211, %swap3A_212] {strides = array<i32>} : memref<128x64xf32, #tpu.memory_space<vmem>>, vector<1x16xf32>,
      %swap3A_214 = vector.shape_cast %swap3A_213 : vector<1x16xf32> to vector<16xf32>
      %swap3A_215 = vector.shape_cast %broadcast_in_dim3A_210 : vector<16xf32> to vector<1x16xf32>
      tpu.vector_store %arg11[%swap3A_211, %swap3A_212], %swap3A_215 {strides = array<i32>} : memref<128x64xf32, #tpu.memory_space<vmem>>, vector<1x16xf32>,
      %broadcast_in_dim3A_216 = arith.constant 1.000000e+00 : f32
      %broadcast_in_dim3A_217 = vector.broadcast %broadcast_in_dim3A_216 : f32 to vector<16xf32>
      %swap3A_218 = arith.index_cast %scan3A_180 : i32 to index
      %swap3A_219 = arith.constant 32 : index
      %swap3A_220 = tpu.vector_load %arg12[%swap3A_218, %swap3A_219] {strides = array<i32>} : memref<128x64xf32, #tpu.memory_space<vmem>>, vector<1x16xf32>,
      %swap3A_221 = vector.shape_cast %swap3A_220 : vector<1x16xf32> to vector<16xf32>
      %swap3A_222 = vector.shape_cast %broadcast_in_dim3A_217 : vector<16xf32> to vector<1x16xf32>
      tpu.vector_store %arg12[%swap3A_218, %swap3A_219], %swap3A_222 {strides = array<i32>} : memref<128x64xf32, #tpu.memory_space<vmem>>, vector<1x16xf32>,
      %broadcast_in_dim3A_223 = arith.constant 1.000000e+00 : f32
      %broadcast_in_dim3A_224 = vector.broadcast %broadcast_in_dim3A_223 : f32 to vector<16xf32>
      %swap3A_225 = arith.index_cast %scan3A_180 : i32 to index
      %swap3A_226 = arith.constant 48 : index
      %swap3A_227 = tpu.vector_load %arg11[%swap3A_225, %swap3A_226] {strides = array<i32>} : memref<128x64xf32, #tpu.memory_space<vmem>>, vector<1x16xf32>,
      %swap3A_228 = vector.shape_cast %swap3A_227 : vector<1x16xf32> to vector<16xf32>
      %swap3A_229 = vector.shape_cast %broadcast_in_dim3A_224 : vector<16xf32> to vector<1x16xf32>
      tpu.vector_store %arg11[%swap3A_225, %swap3A_226], %swap3A_229 {strides = array<i32>} : memref<128x64xf32, #tpu.memory_space<vmem>>, vector<1x16xf32>,
      %broadcast_in_dim3A_230 = arith.constant 1.000000e+00 : f32
      %broadcast_in_dim3A_231 = vector.broadcast %broadcast_in_dim3A_230 : f32 to vector<16xf32>
      %swap3A_232 = arith.index_cast %scan3A_180 : i32 to index
      %swap3A_233 = arith.constant 48 : index
      %swap3A_234 = tpu.vector_load %arg12[%swap3A_232, %swap3A_233] {strides = array<i32>} : memref<128x64xf32, #tpu.memory_space<vmem>>, vector<1x16xf32>,
      %swap3A_235 = vector.shape_cast %swap3A_234 : vector<1x16xf32> to vector<16xf32>
      %swap3A_236 = vector.shape_cast %broadcast_in_dim3A_231 : vector<16xf32> to vector<1x16xf32>
      tpu.vector_store %arg12[%swap3A_232, %swap3A_233], %swap3A_236 {strides = array<i32>} : memref<128x64xf32, #tpu.memory_space<vmem>>, vector<1x16xf32>,
      %scan3A_237 = arith.constant 0 : i32
      scf.yield %scan3A_237 : i32
    }
    %scan3A_8 = arith.constant 128 : i32
    %scan3A_9 = arith.constant 0 : i32
    %scan3A_10 = arith.constant 0 : i32
    %scan3A_11 = arith.constant 160 : i32
    %scan3A_12 = arith.addi %scan3A_10, %scan3A_11 : i32
    %scan3A_13 = arith.constant 1 : i32
    %scan3A_14 = scf.for %scan3A_180 = %scan3A_10 to %scan3A_12 step %scan3A_13 iter_args(%scan3A_181 = %scan3A_9) -> (i32)  : i32 {
      %get3A = arith.index_cast %scan3A_180 : i32 to index
      %get3A_182 = arith.constant 0 : index
      %get3A_183 = tpu.vector_load %arg9[%get3A, %get3A_182] {strides = array<i32>} : memref<160x128xi32, #tpu.memory_space<vmem>>, vector<1x16xi32>,
      %get3A_184 = vector.shape_cast %get3A_183 : vector<1x16xi32> to vector<16xi32>
      %add3A_185 = arith.addi %get3A_184, %broadcast_in_dim3A : vector<16xi32>
      %swap3A = arith.index_cast %scan3A_180 : i32 to index
      %swap3A_186 = arith.constant 0 : index
      %swap3A_187 = tpu.vector_load %arg9[%swap3A, %swap3A_186] {strides = array<i32>} : memref<160x128xi32, #tpu.memory_space<vmem>>, vector<1x16xi32>,
      %swap3A_188 = vector.shape_cast %swap3A_187 : vector<1x16xi32> to vector<16xi32>
      %swap3A_189 = vector.shape_cast %add3A_185 : vector<16xi32> to vector<1x16xi32>
      tpu.vector_store %arg9[%swap3A, %swap3A_186], %swap3A_189 {strides = array<i32>} : memref<160x128xi32, #tpu.memory_space<vmem>>, vector<1x16xi32>,
      %get3A_190 = arith.index_cast %scan3A_180 : i32 to index
      %get3A_191 = arith.constant 16 : index
      %get3A_192 = tpu.vector_load %arg9[%get3A_190, %get3A_191] {strides = array<i32>} : memref<160x128xi32, #tpu.memory_space<vmem>>, vector<1x16xi32>,
      %get3A_193 = vector.shape_cast %get3A_192 : vector<1x16xi32> to vector<16xi32>
      %add3A_194 = arith.addi %get3A_193, %broadcast_in_dim3A : vector<16xi32>
      %swap3A_195 = arith.index_cast %scan3A_180 : i32 to index
      %swap3A_196 = arith.constant 16 : index
      %swap3A_197 = tpu.vector_load %arg9[%swap3A_195, %swap3A_196] {strides = array<i32>} : memref<160x128xi32, #tpu.memory_space<vmem>>, vector<1x16xi32>,
      %swap3A_198 = vector.shape_cast %swap3A_197 : vector<1x16xi32> to vector<16xi32>
      %swap3A_199 = vector.shape_cast %add3A_194 : vector<16xi32> to vector<1x16xi32>
      tpu.vector_store %arg9[%swap3A_195, %swap3A_196], %swap3A_199 {strides = array<i32>} : memref<160x128xi32, #tpu.memory_space<vmem>>, vector<1x16xi32>,
      %get3A_200 = arith.index_cast %scan3A_180 : i32 to index
      %get3A_201 = arith.constant 32 : index
      %get3A_202 = tpu.vector_load %arg9[%get3A_200, %get3A_201] {strides = array<i32>} : memref<160x128xi32, #tpu.memory_space<vmem>>, vector<1x16xi32>,
      %get3A_203 = vector.shape_cast %get3A_202 : vector<1x16xi32> to vector<16xi32>
      %add3A_204 = arith.addi %get3A_203, %broadcast_in_dim3A : vector<16xi32>
      %swap3A_205 = arith.index_cast %scan3A_180 : i32 to index
      %swap3A_206 = arith.constant 32 : index
      %swap3A_207 = tpu.vector_load %arg9[%swap3A_205, %swap3A_206] {strides = array<i32>} : memref<160x128xi32, #tpu.memory_space<vmem>>, vector<1x16xi32>,
      %swap3A_208 = vector.shape_cast %swap3A_207 : vector<1x16xi32> to vector<16xi32>
      %swap3A_209 = vector.shape_cast %add3A_204 : vector<16xi32> to vector<1x16xi32>
      tpu.vector_store %arg9[%swap3A_205, %swap3A_206], %swap3A_209 {strides = array<i32>} : memref<160x128xi32, #tpu.memory_space<vmem>>, vector<1x16xi32>,
      %get3A_210 = arith.index_cast %scan3A_180 : i32 to index
      %get3A_211 = arith.constant 48 : index
      %get3A_212 = tpu.vector_load %arg9[%get3A_210, %get3A_211] {strides = array<i32>} : memref<160x128xi32, #tpu.memory_space<vmem>>, vector<1x16xi32>,
      %get3A_213 = vector.shape_cast %get3A_212 : vector<1x16xi32> to vector<16xi32>
      %add3A_214 = arith.addi %get3A_213, %broadcast_in_dim3A : vector<16xi32>
      %swap3A_215 = arith.index_cast %scan3A_180 : i32 to index
      %swap3A_216 = arith.constant 48 : index
      %swap3A_217 = tpu.vector_load %arg9[%swap3A_215, %swap3A_216] {strides = array<i32>} : memref<160x128xi32, #tpu.memory_space<vmem>>, vector<1x16xi32>,
      %swap3A_218 = vector.shape_cast %swap3A_217 : vector<1x16xi32> to vector<16xi32>
      %swap3A_219 = vector.shape_cast %add3A_214 : vector<16xi32> to vector<1x16xi32>
      tpu.vector_store %arg9[%swap3A_215, %swap3A_216], %swap3A_219 {strides = array<i32>} : memref<160x128xi32, #tpu.memory_space<vmem>>, vector<1x16xi32>,
      %get3A_220 = arith.index_cast %scan3A_180 : i32 to index
      %get3A_221 = arith.constant 64 : index
      %get3A_222 = tpu.vector_load %arg9[%get3A_220, %get3A_221] {strides = array<i32>} : memref<160x128xi32, #tpu.memory_space<vmem>>, vector<1x16xi32>,
      %get3A_223 = vector.shape_cast %get3A_222 : vector<1x16xi32> to vector<16xi32>
      %add3A_224 = arith.addi %get3A_223, %broadcast_in_dim3A : vector<16xi32>
      %swap3A_225 = arith.index_cast %scan3A_180 : i32 to index
      %swap3A_226 = arith.constant 64 : index
      %swap3A_227 = tpu.vector_load %arg9[%swap3A_225, %swap3A_226] {strides = array<i32>} : memref<160x128xi32, #tpu.memory_space<vmem>>, vector<1x16xi32>,
      %swap3A_228 = vector.shape_cast %swap3A_227 : vector<1x16xi32> to vector<16xi32>
      %swap3A_229 = vector.shape_cast %add3A_224 : vector<16xi32> to vector<1x16xi32>
      tpu.vector_store %arg9[%swap3A_225, %swap3A_226], %swap3A_229 {strides = array<i32>} : memref<160x128xi32, #tpu.memory_space<vmem>>, vector<1x16xi32>,
      %get3A_230 = arith.index_cast %scan3A_180 : i32 to index
      %get3A_231 = arith.constant 80 : index
      %get3A_232 = tpu.vector_load %arg9[%get3A_230, %get3A_231] {strides = array<i32>} : memref<160x128xi32, #tpu.memory_space<vmem>>, vector<1x16xi32>,
      %get3A_233 = vector.shape_cast %get3A_232 : vector<1x16xi32> to vector<16xi32>
      %add3A_234 = arith.addi %get3A_233, %broadcast_in_dim3A : vector<16xi32>
      %swap3A_235 = arith.index_cast %scan3A_180 : i32 to index
      %swap3A_236 = arith.constant 80 : index
      %swap3A_237 = tpu.vector_load %arg9[%swap3A_235, %swap3A_236] {strides = array<i32>} : memref<160x128xi32, #tpu.memory_space<vmem>>, vector<1x16xi32>,
      %swap3A_238 = vector.shape_cast %swap3A_237 : vector<1x16xi32> to vector<16xi32>
      %swap3A_239 = vector.shape_cast %add3A_234 : vector<16xi32> to vector<1x16xi32>
      tpu.vector_store %arg9[%swap3A_235, %swap3A_236], %swap3A_239 {strides = array<i32>} : memref<160x128xi32, #tpu.memory_space<vmem>>, vector<1x16xi32>,
      %get3A_240 = arith.index_cast %scan3A_180 : i32 to index
      %get3A_241 = arith.constant 96 : index
      %get3A_242 = tpu.vector_load %arg9[%get3A_240, %get3A_241] {strides = array<i32>} : memref<160x128xi32, #tpu.memory_space<vmem>>, vector<1x16xi32>,
      %get3A_243 = vector.shape_cast %get3A_242 : vector<1x16xi32> to vector<16xi32>
      %add3A_244 = arith.addi %get3A_243, %broadcast_in_dim3A : vector<16xi32>
      %swap3A_245 = arith.index_cast %scan3A_180 : i32 to index
      %swap3A_246 = arith.constant 96 : index
      %swap3A_247 = tpu.vector_load %arg9[%swap3A_245, %swap3A_246] {strides = array<i32>} : memref<160x128xi32, #tpu.memory_space<vmem>>, vector<1x16xi32>,
      %swap3A_248 = vector.shape_cast %swap3A_247 : vector<1x16xi32> to vector<16xi32>
      %swap3A_249 = vector.shape_cast %add3A_244 : vector<16xi32> to vector<1x16xi32>
      tpu.vector_store %arg9[%swap3A_245, %swap3A_246], %swap3A_249 {strides = array<i32>} : memref<160x128xi32, #tpu.memory_space<vmem>>, vector<1x16xi32>,
      %get3A_250 = arith.index_cast %scan3A_180 : i32 to index
      %get3A_251 = arith.constant 112 : index
      %get3A_252 = tpu.vector_load %arg9[%get3A_250, %get3A_251] {strides = array<i32>} : memref<160x128xi32, #tpu.memory_space<vmem>>, vector<1x16xi32>,
      %get3A_253 = vector.shape_cast %get3A_252 : vector<1x16xi32> to vector<16xi32>
      %add3A_254 = arith.addi %get3A_253, %broadcast_in_dim3A : vector<16xi32>
      %swap3A_255 = arith.index_cast %scan3A_180 : i32 to index
      %swap3A_256 = arith.constant 112 : index
      %swap3A_257 = tpu.vector_load %arg9[%swap3A_255, %swap3A_256] {strides = array<i32>} : memref<160x128xi32, #tpu.memory_space<vmem>>, vector<1x16xi32>,
      %swap3A_258 = vector.shape_cast %swap3A_257 : vector<1x16xi32> to vector<16xi32>
      %swap3A_259 = vector.shape_cast %add3A_254 : vector<16xi32> to vector<1x16xi32>
      tpu.vector_store %arg9[%swap3A_255, %swap3A_256], %swap3A_259 {strides = array<i32>} : memref<160x128xi32, #tpu.memory_space<vmem>>, vector<1x16xi32>,
      %scan3A_260 = arith.constant 0 : i32
      scf.yield %scan3A_260 : i32
    }
    %scan3A_15 = arith.constant 160 : i32
    %barrier3A = arith.constant 0 : index
    tpu.barrier barrier_id(%barrier3A)
    %scan3A_16 = arith.constant 0 : i32
    %scan3A_17 = arith.constant 0 : i32
    %scan3A_18 = arith.constant 80 : i32
    %scan3A_19 = arith.addi %scan3A_17, %scan3A_18 : i32
    %scan3A_20 = arith.constant 1 : i32
    %scan3A_21 = scf.for %scan3A_180 = %scan3A_17 to %scan3A_19 step %scan3A_20 iter_args(%scan3A_181 = %scan3A_16) -> (i32)  : i32 {
      %mul3A_182 = arith.constant 2 : i32
      %mul3A_183 = arith.muli %scan3A_180, %mul3A_182 : i32
      %dma_start3A = arith.constant 0 : i32
      %dma_start3A_184 = tpu.memref_slice %arg10[%mul3A_183, %dma_start3A] : memref<160x128xi32, #tpu.memory_space<vmem>> -> memref<1x128xi32, #tpu.memory_space<vmem>>
      %dma_start3A_185 = tpu.memref_squeeze %dma_start3A_184 : memref<1x128xi32, #tpu.memory_space<vmem>> -> memref<128xi32, #tpu.memory_space<vmem>>
      %dma_start3A_186 = arith.constant 0 : i32
      %dma_start3A_187 = arith.constant 0 : i32
      %dma_start3A_188 = tpu.memref_slice %arg8[%dma_start3A_186, %dma_start3A_187] : memref<10240x64xf32, #tpu.memory_space<vmem_shared>> -> memref<10240x64xf32, #tpu.memory_space<vmem_shared>>
      %dma_start3A_189 = arith.constant -1 : i32
      tpu.enqueue_indirect_dma source(%arg11 : memref<128x64xf32, #tpu.memory_space<vmem>>) target(%dma_start3A_188 : memref<10240x64xf32, #tpu.memory_space<vmem_shared>>) offsets(%dma_start3A_185 : memref<128xi32, #tpu.memory_space<vmem>>) offset_filter(%dma_start3A_189) semaphore(%arg16 : memref<!tpu.dma_semaphore, #tpu.memory_space<semaphore_mem>>) {add = true}
      %add3A_190 = arith.constant 1 : i32
      %add3A_191 = arith.addi %mul3A_183, %add3A_190 : i32
      %dma_start3A_192 = arith.constant 0 : i32
      %dma_start3A_193 = tpu.memref_slice %arg10[%add3A_191, %dma_start3A_192] : memref<160x128xi32, #tpu.memory_space<vmem>> -> memref<1x128xi32, #tpu.memory_space<vmem>>
      %dma_start3A_194 = tpu.memref_squeeze %dma_start3A_193 : memref<1x128xi32, #tpu.memory_space<vmem>> -> memref<128xi32, #tpu.memory_space<vmem>>
      %dma_start3A_195 = arith.constant 0 : i32
      %dma_start3A_196 = arith.constant 0 : i32
      %dma_start3A_197 = tpu.memref_slice %arg8[%dma_start3A_195, %dma_start3A_196] : memref<10240x64xf32, #tpu.memory_space<vmem_shared>> -> memref<10240x64xf32, #tpu.memory_space<vmem_shared>>
      %dma_start3A_198 = arith.constant -1 : i32
      tpu.enqueue_indirect_dma source(%arg12 : memref<128x64xf32, #tpu.memory_space<vmem>>) target(%dma_start3A_197 : memref<10240x64xf32, #tpu.memory_space<vmem_shared>>) offsets(%dma_start3A_194 : memref<128xi32, #tpu.memory_space<vmem>>) offset_filter(%dma_start3A_198) semaphore(%arg17 : memref<!tpu.dma_semaphore, #tpu.memory_space<semaphore_mem>>) {add = true}
      %dma_wait3A = arith.constant 0 : i32
      %dma_wait3A_199 = tpu.memref_slice %arg10[%mul3A_183, %dma_wait3A] : memref<160x128xi32, #tpu.memory_space<vmem>> -> memref<1x128xi32, #tpu.memory_space<vmem>>
      %dma_wait3A_200 = tpu.memref_squeeze %dma_wait3A_199 : memref<1x128xi32, #tpu.memory_space<vmem>> -> memref<128xi32, #tpu.memory_space<vmem>>
      %dma_wait3A_201 = arith.constant 0 : i32
      %dma_wait3A_202 = arith.constant 0 : i32
      %dma_wait3A_203 = tpu.memref_slice %arg8[%dma_wait3A_201, %dma_wait3A_202] : memref<10240x64xf32, #tpu.memory_space<vmem_shared>> -> memref<10240x64xf32, #tpu.memory_space<vmem_shared>>
      tpu.wait_indirect_dma semaphore(%arg16 : memref<!tpu.dma_semaphore, #tpu.memory_space<semaphore_mem>>) src(%arg11 : memref<128x64xf32, #tpu.memory_space<vmem>>) dst(%dma_wait3A_203 : memref<10240x64xf32, #tpu.memory_space<vmem_shared>>)
      %dma_wait3A_204 = arith.constant 0 : i32
      %dma_wait3A_205 = tpu.memref_slice %arg10[%add3A_191, %dma_wait3A_204] : memref<160x128xi32, #tpu.memory_space<vmem>> -> memref<1x128xi32, #tpu.memory_space<vmem>>
      %dma_wait3A_206 = tpu.memref_squeeze %dma_wait3A_205 : memref<1x128xi32, #tpu.memory_space<vmem>> -> memref<128xi32, #tpu.memory_space<vmem>>
      %dma_wait3A_207 = arith.constant 0 : i32
      %dma_wait3A_208 = arith.constant 0 : i32
      %dma_wait3A_209 = tpu.memref_slice %arg8[%dma_wait3A_207, %dma_wait3A_208] : memref<10240x64xf32, #tpu.memory_space<vmem_shared>> -> memref<10240x64xf32, #tpu.memory_space<vmem_shared>>
      tpu.wait_indirect_dma semaphore(%arg17 : memref<!tpu.dma_semaphore, #tpu.memory_space<semaphore_mem>>) src(%arg12 : memref<128x64xf32, #tpu.memory_space<vmem>>) dst(%dma_wait3A_209 : memref<10240x64xf32, #tpu.memory_space<vmem_shared>>)
      %scan3A_210 = arith.constant 0 : i32
      scf.yield %scan3A_210 : i32
    }
    %scan3A_22 = arith.constant 80 : i32
    %barrier3A_23 = arith.constant 0 : index
    tpu.barrier barrier_id(%barrier3A_23)
    %add3A = arith.constant 0 : i32
    %add3A_24 = arith.addi %mul3A_0, %add3A : i32
    "tpu.region"() ({
      %run_scoped3A = tpu.sem_alloc : memref<!tpu.dma_semaphore, #tpu.memory_space<semaphore_mem>>
      %dma_start3A = arith.constant 0 : i32
      %dma_start3A_180 = tpu.memref_slice %arg8[%add3A_24, %dma_start3A] : memref<10240x64xf32, #tpu.memory_space<vmem_shared>> -> memref<128x64xf32, #tpu.memory_space<vmem_shared>>
      %dma_start3A_181 = arith.constant 0 : i32
      %dma_start3A_182 = tpu.memref_slice %arg8[%add3A_24, %dma_start3A_181] : memref<10240x64xf32, #tpu.memory_space<vmem_shared>> -> memref<128x64xf32, #tpu.memory_space<vmem_shared>>
      tpu.enqueue_dma source(%dma_start3A_182 : memref<128x64xf32, #tpu.memory_space<vmem_shared>>) target(%arg11 : memref<128x64xf32, #tpu.memory_space<vmem>>) target_semaphore(%run_scoped3A : memref<!tpu.dma_semaphore, #tpu.memory_space<semaphore_mem>>)
      %dma_wait3A = arith.constant 0 : i32
      %dma_wait3A_183 = tpu.memref_slice %arg8[%add3A_24, %dma_wait3A] : memref<10240x64xf32, #tpu.memory_space<vmem_shared>> -> memref<128x64xf32, #tpu.memory_space<vmem_shared>>
      %dma_wait3A_184 = arith.constant 0 : i32
      %dma_wait3A_185 = tpu.memref_slice %arg8[%add3A_24, %dma_wait3A_184] : memref<10240x64xf32, #tpu.memory_space<vmem_shared>> -> memref<128x64xf32, #tpu.memory_space<vmem_shared>>
      tpu.wait_dma2 semaphore(%run_scoped3A : memref<!tpu.dma_semaphore, #tpu.memory_space<semaphore_mem>>) src(%dma_wait3A_185 : memref<128x64xf32, #tpu.memory_space<vmem_shared>>) dst(%arg11 : memref<128x64xf32, #tpu.memory_space<vmem>>)
      tpu.yield
    }) : () -> ()
    %scan3A_25 = arith.constant 0 : i32
    %scan3A_26 = arith.constant 0 : i32
    %scan3A_27 = arith.constant 128 : i32
    %scan3A_28 = arith.addi %scan3A_26, %scan3A_27 : i32
    %scan3A_29 = arith.constant 1 : i32
    %scan3A_30 = scf.for %scan3A_180 = %scan3A_26 to %scan3A_28 step %scan3A_29 iter_args(%scan3A_181 = %scan3A_25) -> (i32)  : i32 {
      %get3A = arith.index_cast %scan3A_180 : i32 to index
      %get3A_182 = arith.constant 0 : index
      %get3A_183 = tpu.vector_load %arg11[%get3A, %get3A_182] {strides = array<i32>} : memref<128x64xf32, #tpu.memory_space<vmem>>, vector<1x16xf32>,
      %get3A_184 = vector.shape_cast %get3A_183 : vector<1x16xf32> to vector<16xf32>
      %broadcast_in_dim3A_185 = arith.constant 1.000000e+00 : f32
      %broadcast_in_dim3A_186 = vector.broadcast %broadcast_in_dim3A_185 : f32 to vector<16xf32>
      %add3A_187 = arith.addf %get3A_184, %broadcast_in_dim3A_186 : vector<16xf32>
      %bitcast_convert_type3A = tpu.bitcast %add3A_187 : vector<16xf32> -> vector<16xi32>
      %broadcast_in_dim3A_188 = arith.constant 1597463007 : i32
      %broadcast_in_dim3A_189 = vector.broadcast %broadcast_in_dim3A_188 : i32 to vector<16xi32>
      %broadcast_in_dim3A_190 = arith.constant 1 : i32
      %broadcast_in_dim3A_191 = vector.broadcast %broadcast_in_dim3A_190 : i32 to vector<16xi32>
      %shift_right_logical3A = arith.shrui %bitcast_convert_type3A, %broadcast_in_dim3A_191 : vector<16xi32>
      %sub3A = arith.subi %broadcast_in_dim3A_189, %shift_right_logical3A : vector<16xi32>
      %bitcast_convert_type3A_192 = tpu.bitcast %sub3A : vector<16xi32> -> vector<16xf32>
      %broadcast_in_dim3A_193 = arith.constant 5.000000e-01 : f32
      %broadcast_in_dim3A_194 = vector.broadcast %broadcast_in_dim3A_193 : f32 to vector<16xf32>
      %mul3A_195 = arith.mulf %add3A_187, %broadcast_in_dim3A_194 : vector<16xf32>
      %broadcast_in_dim3A_196 = arith.constant 1.500000e+00 : f32
      %broadcast_in_dim3A_197 = vector.broadcast %broadcast_in_dim3A_196 : f32 to vector<16xf32>
      %mul3A_198 = arith.mulf %mul3A_195, %bitcast_convert_type3A_192 : vector<16xf32>
      %mul3A_199 = arith.mulf %mul3A_198, %bitcast_convert_type3A_192 : vector<16xf32>
      %sub3A_200 = arith.subf %broadcast_in_dim3A_197, %mul3A_199 : vector<16xf32>
      %mul3A_201 = arith.mulf %bitcast_convert_type3A_192, %sub3A_200 : vector<16xf32>
      %broadcast_in_dim3A_202 = arith.constant 1.500000e+00 : f32
      %broadcast_in_dim3A_203 = vector.broadcast %broadcast_in_dim3A_202 : f32 to vector<16xf32>
      %mul3A_204 = arith.mulf %mul3A_195, %mul3A_201 : vector<16xf32>
      %mul3A_205 = arith.mulf %mul3A_204, %mul3A_201 : vector<16xf32>
      %sub3A_206 = arith.subf %broadcast_in_dim3A_203, %mul3A_205 : vector<16xf32>
      %mul3A_207 = arith.mulf %mul3A_201, %sub3A_206 : vector<16xf32>
      %broadcast_in_dim3A_208 = arith.constant 1.500000e+00 : f32
      %broadcast_in_dim3A_209 = vector.broadcast %broadcast_in_dim3A_208 : f32 to vector<16xf32>
      %mul3A_210 = arith.mulf %mul3A_195, %mul3A_207 : vector<16xf32>
      %mul3A_211 = arith.mulf %mul3A_210, %mul3A_207 : vector<16xf32>
      %sub3A_212 = arith.subf %broadcast_in_dim3A_209, %mul3A_211 : vector<16xf32>
      %mul3A_213 = arith.mulf %mul3A_207, %sub3A_212 : vector<16xf32>
      %broadcast_in_dim3A_214 = arith.constant 1.000000e-01 : f32
      %broadcast_in_dim3A_215 = vector.broadcast %broadcast_in_dim3A_214 : f32 to vector<16xf32>
      %mul3A_216 = arith.mulf %mul3A_213, %broadcast_in_dim3A_215 : vector<16xf32>
      %add3A_217 = arith.constant 0 : i32
      %add3A_218 = arith.addi %add3A_217, %scan3A_180 : i32
      %swap3A = arith.index_cast %add3A_218 : i32 to index
      %swap3A_219 = arith.constant 0 : index
      %swap3A_220 = tpu.vector_load %arg14[%swap3A, %swap3A_219] {strides = array<i32>} : memref<640x16xf32, #tpu.memory_space<vmem>>, vector<1x16xf32>,
      %swap3A_221 = vector.shape_cast %swap3A_220 : vector<1x16xf32> to vector<16xf32>
      %swap3A_222 = vector.shape_cast %mul3A_216 : vector<16xf32> to vector<1x16xf32>
      tpu.vector_store %arg14[%swap3A, %swap3A_219], %swap3A_222 {strides = array<i32>} : memref<640x16xf32, #tpu.memory_space<vmem>>, vector<1x16xf32>,
      %mul3A_223 = arith.mulf %mul3A_213, %mul3A_213 : vector<16xf32>
      %broadcast_in_dim3A_224 = arith.constant 0.899999976 : f32
      %broadcast_in_dim3A_225 = vector.broadcast %broadcast_in_dim3A_224 : f32 to vector<16xf32>
      %mul3A_226 = arith.mulf %mul3A_223, %broadcast_in_dim3A_225 : vector<16xf32>
      %add3A_227 = arith.constant 0 : i32
      %add3A_228 = arith.addi %add3A_227, %scan3A_180 : i32
      %swap3A_229 = arith.index_cast %add3A_228 : i32 to index
      %swap3A_230 = arith.constant 0 : index
      %swap3A_231 = tpu.vector_load %arg15[%swap3A_229, %swap3A_230] {strides = array<i32>} : memref<640x16xf32, #tpu.memory_space<vmem>>, vector<1x16xf32>,
      %swap3A_232 = vector.shape_cast %swap3A_231 : vector<1x16xf32> to vector<16xf32>
      %swap3A_233 = vector.shape_cast %mul3A_226 : vector<16xf32> to vector<1x16xf32>
      tpu.vector_store %arg15[%swap3A_229, %swap3A_230], %swap3A_233 {strides = array<i32>} : memref<640x16xf32, #tpu.memory_space<vmem>>, vector<1x16xf32>,
      %scan3A_234 = arith.constant 0 : i32
      scf.yield %scan3A_234 : i32
    }
    %scan3A_31 = arith.constant 128 : i32
    %add3A_32 = arith.constant 128 : i32
    %add3A_33 = arith.addi %mul3A_0, %add3A_32 : i32
    "tpu.region"() ({
      %run_scoped3A = tpu.sem_alloc : memref<!tpu.dma_semaphore, #tpu.memory_space<semaphore_mem>>
      %dma_start3A = arith.constant 0 : i32
      %dma_start3A_180 = tpu.memref_slice %arg8[%add3A_33, %dma_start3A] : memref<10240x64xf32, #tpu.memory_space<vmem_shared>> -> memref<128x64xf32, #tpu.memory_space<vmem_shared>>
      %dma_start3A_181 = arith.constant 0 : i32
      %dma_start3A_182 = tpu.memref_slice %arg8[%add3A_33, %dma_start3A_181] : memref<10240x64xf32, #tpu.memory_space<vmem_shared>> -> memref<128x64xf32, #tpu.memory_space<vmem_shared>>
      tpu.enqueue_dma source(%dma_start3A_182 : memref<128x64xf32, #tpu.memory_space<vmem_shared>>) target(%arg11 : memref<128x64xf32, #tpu.memory_space<vmem>>) target_semaphore(%run_scoped3A : memref<!tpu.dma_semaphore, #tpu.memory_space<semaphore_mem>>)
      %dma_wait3A = arith.constant 0 : i32
      %dma_wait3A_183 = tpu.memref_slice %arg8[%add3A_33, %dma_wait3A] : memref<10240x64xf32, #tpu.memory_space<vmem_shared>> -> memref<128x64xf32, #tpu.memory_space<vmem_shared>>
      %dma_wait3A_184 = arith.constant 0 : i32
      %dma_wait3A_185 = tpu.memref_slice %arg8[%add3A_33, %dma_wait3A_184] : memref<10240x64xf32, #tpu.memory_space<vmem_shared>> -> memref<128x64xf32, #tpu.memory_space<vmem_shared>>
      tpu.wait_dma2 semaphore(%run_scoped3A : memref<!tpu.dma_semaphore, #tpu.memory_space<semaphore_mem>>) src(%dma_wait3A_185 : memref<128x64xf32, #tpu.memory_space<vmem_shared>>) dst(%arg11 : memref<128x64xf32, #tpu.memory_space<vmem>>)
      tpu.yield
    }) : () -> ()
    %scan3A_34 = arith.constant 0 : i32
    %scan3A_35 = arith.constant 0 : i32
    %scan3A_36 = arith.constant 128 : i32
    %scan3A_37 = arith.addi %scan3A_35, %scan3A_36 : i32
    %scan3A_38 = arith.constant 1 : i32
    %scan3A_39 = scf.for %scan3A_180 = %scan3A_35 to %scan3A_37 step %scan3A_38 iter_args(%scan3A_181 = %scan3A_34) -> (i32)  : i32 {
      %get3A = arith.index_cast %scan3A_180 : i32 to index
      %get3A_182 = arith.constant 0 : index
      %get3A_183 = tpu.vector_load %arg11[%get3A, %get3A_182] {strides = array<i32>} : memref<128x64xf32, #tpu.memory_space<vmem>>, vector<1x16xf32>,
      %get3A_184 = vector.shape_cast %get3A_183 : vector<1x16xf32> to vector<16xf32>
      %broadcast_in_dim3A_185 = arith.constant 1.000000e+00 : f32
      %broadcast_in_dim3A_186 = vector.broadcast %broadcast_in_dim3A_185 : f32 to vector<16xf32>
      %add3A_187 = arith.addf %get3A_184, %broadcast_in_dim3A_186 : vector<16xf32>
      %bitcast_convert_type3A = tpu.bitcast %add3A_187 : vector<16xf32> -> vector<16xi32>
      %broadcast_in_dim3A_188 = arith.constant 1597463007 : i32
      %broadcast_in_dim3A_189 = vector.broadcast %broadcast_in_dim3A_188 : i32 to vector<16xi32>
      %broadcast_in_dim3A_190 = arith.constant 1 : i32
      %broadcast_in_dim3A_191 = vector.broadcast %broadcast_in_dim3A_190 : i32 to vector<16xi32>
      %shift_right_logical3A = arith.shrui %bitcast_convert_type3A, %broadcast_in_dim3A_191 : vector<16xi32>
      %sub3A = arith.subi %broadcast_in_dim3A_189, %shift_right_logical3A : vector<16xi32>
      %bitcast_convert_type3A_192 = tpu.bitcast %sub3A : vector<16xi32> -> vector<16xf32>
      %broadcast_in_dim3A_193 = arith.constant 5.000000e-01 : f32
      %broadcast_in_dim3A_194 = vector.broadcast %broadcast_in_dim3A_193 : f32 to vector<16xf32>
      %mul3A_195 = arith.mulf %add3A_187, %broadcast_in_dim3A_194 : vector<16xf32>
      %broadcast_in_dim3A_196 = arith.constant 1.500000e+00 : f32
      %broadcast_in_dim3A_197 = vector.broadcast %broadcast_in_dim3A_196 : f32 to vector<16xf32>
      %mul3A_198 = arith.mulf %mul3A_195, %bitcast_convert_type3A_192 : vector<16xf32>
      %mul3A_199 = arith.mulf %mul3A_198, %bitcast_convert_type3A_192 : vector<16xf32>
      %sub3A_200 = arith.subf %broadcast_in_dim3A_197, %mul3A_199 : vector<16xf32>
      %mul3A_201 = arith.mulf %bitcast_convert_type3A_192, %sub3A_200 : vector<16xf32>
      %broadcast_in_dim3A_202 = arith.constant 1.500000e+00 : f32
      %broadcast_in_dim3A_203 = vector.broadcast %broadcast_in_dim3A_202 : f32 to vector<16xf32>
      %mul3A_204 = arith.mulf %mul3A_195, %mul3A_201 : vector<16xf32>
      %mul3A_205 = arith.mulf %mul3A_204, %mul3A_201 : vector<16xf32>
      %sub3A_206 = arith.subf %broadcast_in_dim3A_203, %mul3A_205 : vector<16xf32>
      %mul3A_207 = arith.mulf %mul3A_201, %sub3A_206 : vector<16xf32>
      %broadcast_in_dim3A_208 = arith.constant 1.500000e+00 : f32
      %broadcast_in_dim3A_209 = vector.broadcast %broadcast_in_dim3A_208 : f32 to vector<16xf32>
      %mul3A_210 = arith.mulf %mul3A_195, %mul3A_207 : vector<16xf32>
      %mul3A_211 = arith.mulf %mul3A_210, %mul3A_207 : vector<16xf32>
      %sub3A_212 = arith.subf %broadcast_in_dim3A_209, %mul3A_211 : vector<16xf32>
      %mul3A_213 = arith.mulf %mul3A_207, %sub3A_212 : vector<16xf32>
      %broadcast_in_dim3A_214 = arith.constant 1.000000e-01 : f32
      %broadcast_in_dim3A_215 = vector.broadcast %broadcast_in_dim3A_214 : f32 to vector<16xf32>
      %mul3A_216 = arith.mulf %mul3A_213, %broadcast_in_dim3A_215 : vector<16xf32>
      %add3A_217 = arith.constant 128 : i32
      %add3A_218 = arith.addi %add3A_217, %scan3A_180 : i32
      %swap3A = arith.index_cast %add3A_218 : i32 to index
      %swap3A_219 = arith.constant 0 : index
      %swap3A_220 = tpu.vector_load %arg14[%swap3A, %swap3A_219] {strides = array<i32>} : memref<640x16xf32, #tpu.memory_space<vmem>>, vector<1x16xf32>,
      %swap3A_221 = vector.shape_cast %swap3A_220 : vector<1x16xf32> to vector<16xf32>
      %swap3A_222 = vector.shape_cast %mul3A_216 : vector<16xf32> to vector<1x16xf32>
      tpu.vector_store %arg14[%swap3A, %swap3A_219], %swap3A_222 {strides = array<i32>} : memref<640x16xf32, #tpu.memory_space<vmem>>, vector<1x16xf32>,
      %mul3A_223 = arith.mulf %mul3A_213, %mul3A_213 : vector<16xf32>
      %broadcast_in_dim3A_224 = arith.constant 0.899999976 : f32
      %broadcast_in_dim3A_225 = vector.broadcast %broadcast_in_dim3A_224 : f32 to vector<16xf32>
      %mul3A_226 = arith.mulf %mul3A_223, %broadcast_in_dim3A_225 : vector<16xf32>
      %add3A_227 = arith.constant 128 : i32
      %add3A_228 = arith.addi %add3A_227, %scan3A_180 : i32
      %swap3A_229 = arith.index_cast %add3A_228 : i32 to index
      %swap3A_230 = arith.constant 0 : index
      %swap3A_231 = tpu.vector_load %arg15[%swap3A_229, %swap3A_230] {strides = array<i32>} : memref<640x16xf32, #tpu.memory_space<vmem>>, vector<1x16xf32>,
      %swap3A_232 = vector.shape_cast %swap3A_231 : vector<1x16xf32> to vector<16xf32>
      %swap3A_233 = vector.shape_cast %mul3A_226 : vector<16xf32> to vector<1x16xf32>
      tpu.vector_store %arg15[%swap3A_229, %swap3A_230], %swap3A_233 {strides = array<i32>} : memref<640x16xf32, #tpu.memory_space<vmem>>, vector<1x16xf32>,
      %scan3A_234 = arith.constant 0 : i32
      scf.yield %scan3A_234 : i32
    }
    %scan3A_40 = arith.constant 128 : i32
    %add3A_41 = arith.constant 256 : i32
    %add3A_42 = arith.addi %mul3A_0, %add3A_41 : i32
    "tpu.region"() ({
      %run_scoped3A = tpu.sem_alloc : memref<!tpu.dma_semaphore, #tpu.memory_space<semaphore_mem>>
      %dma_start3A = arith.constant 0 : i32
      %dma_start3A_180 = tpu.memref_slice %arg8[%add3A_42, %dma_start3A] : memref<10240x64xf32, #tpu.memory_space<vmem_shared>> -> memref<128x64xf32, #tpu.memory_space<vmem_shared>>
      %dma_start3A_181 = arith.constant 0 : i32
      %dma_start3A_182 = tpu.memref_slice %arg8[%add3A_42, %dma_start3A_181] : memref<10240x64xf32, #tpu.memory_space<vmem_shared>> -> memref<128x64xf32, #tpu.memory_space<vmem_shared>>
      tpu.enqueue_dma source(%dma_start3A_182 : memref<128x64xf32, #tpu.memory_space<vmem_shared>>) target(%arg11 : memref<128x64xf32, #tpu.memory_space<vmem>>) target_semaphore(%run_scoped3A : memref<!tpu.dma_semaphore, #tpu.memory_space<semaphore_mem>>)
      %dma_wait3A = arith.constant 0 : i32
      %dma_wait3A_183 = tpu.memref_slice %arg8[%add3A_42, %dma_wait3A] : memref<10240x64xf32, #tpu.memory_space<vmem_shared>> -> memref<128x64xf32, #tpu.memory_space<vmem_shared>>
      %dma_wait3A_184 = arith.constant 0 : i32
      %dma_wait3A_185 = tpu.memref_slice %arg8[%add3A_42, %dma_wait3A_184] : memref<10240x64xf32, #tpu.memory_space<vmem_shared>> -> memref<128x64xf32, #tpu.memory_space<vmem_shared>>
      tpu.wait_dma2 semaphore(%run_scoped3A : memref<!tpu.dma_semaphore, #tpu.memory_space<semaphore_mem>>) src(%dma_wait3A_185 : memref<128x64xf32, #tpu.memory_space<vmem_shared>>) dst(%arg11 : memref<128x64xf32, #tpu.memory_space<vmem>>)
      tpu.yield
    }) : () -> ()
    %scan3A_43 = arith.constant 0 : i32
    %scan3A_44 = arith.constant 0 : i32
    %scan3A_45 = arith.constant 128 : i32
    %scan3A_46 = arith.addi %scan3A_44, %scan3A_45 : i32
    %scan3A_47 = arith.constant 1 : i32
    %scan3A_48 = scf.for %scan3A_180 = %scan3A_44 to %scan3A_46 step %scan3A_47 iter_args(%scan3A_181 = %scan3A_43) -> (i32)  : i32 {
      %get3A = arith.index_cast %scan3A_180 : i32 to index
      %get3A_182 = arith.constant 0 : index
      %get3A_183 = tpu.vector_load %arg11[%get3A, %get3A_182] {strides = array<i32>} : memref<128x64xf32, #tpu.memory_space<vmem>>, vector<1x16xf32>,
      %get3A_184 = vector.shape_cast %get3A_183 : vector<1x16xf32> to vector<16xf32>
      %broadcast_in_dim3A_185 = arith.constant 1.000000e+00 : f32
      %broadcast_in_dim3A_186 = vector.broadcast %broadcast_in_dim3A_185 : f32 to vector<16xf32>
      %add3A_187 = arith.addf %get3A_184, %broadcast_in_dim3A_186 : vector<16xf32>
      %bitcast_convert_type3A = tpu.bitcast %add3A_187 : vector<16xf32> -> vector<16xi32>
      %broadcast_in_dim3A_188 = arith.constant 1597463007 : i32
      %broadcast_in_dim3A_189 = vector.broadcast %broadcast_in_dim3A_188 : i32 to vector<16xi32>
      %broadcast_in_dim3A_190 = arith.constant 1 : i32
      %broadcast_in_dim3A_191 = vector.broadcast %broadcast_in_dim3A_190 : i32 to vector<16xi32>
      %shift_right_logical3A = arith.shrui %bitcast_convert_type3A, %broadcast_in_dim3A_191 : vector<16xi32>
      %sub3A = arith.subi %broadcast_in_dim3A_189, %shift_right_logical3A : vector<16xi32>
      %bitcast_convert_type3A_192 = tpu.bitcast %sub3A : vector<16xi32> -> vector<16xf32>
      %broadcast_in_dim3A_193 = arith.constant 5.000000e-01 : f32
      %broadcast_in_dim3A_194 = vector.broadcast %broadcast_in_dim3A_193 : f32 to vector<16xf32>
      %mul3A_195 = arith.mulf %add3A_187, %broadcast_in_dim3A_194 : vector<16xf32>
      %broadcast_in_dim3A_196 = arith.constant 1.500000e+00 : f32
      %broadcast_in_dim3A_197 = vector.broadcast %broadcast_in_dim3A_196 : f32 to vector<16xf32>
      %mul3A_198 = arith.mulf %mul3A_195, %bitcast_convert_type3A_192 : vector<16xf32>
      %mul3A_199 = arith.mulf %mul3A_198, %bitcast_convert_type3A_192 : vector<16xf32>
      %sub3A_200 = arith.subf %broadcast_in_dim3A_197, %mul3A_199 : vector<16xf32>
      %mul3A_201 = arith.mulf %bitcast_convert_type3A_192, %sub3A_200 : vector<16xf32>
      %broadcast_in_dim3A_202 = arith.constant 1.500000e+00 : f32
      %broadcast_in_dim3A_203 = vector.broadcast %broadcast_in_dim3A_202 : f32 to vector<16xf32>
      %mul3A_204 = arith.mulf %mul3A_195, %mul3A_201 : vector<16xf32>
      %mul3A_205 = arith.mulf %mul3A_204, %mul3A_201 : vector<16xf32>
      %sub3A_206 = arith.subf %broadcast_in_dim3A_203, %mul3A_205 : vector<16xf32>
      %mul3A_207 = arith.mulf %mul3A_201, %sub3A_206 : vector<16xf32>
      %broadcast_in_dim3A_208 = arith.constant 1.500000e+00 : f32
      %broadcast_in_dim3A_209 = vector.broadcast %broadcast_in_dim3A_208 : f32 to vector<16xf32>
      %mul3A_210 = arith.mulf %mul3A_195, %mul3A_207 : vector<16xf32>
      %mul3A_211 = arith.mulf %mul3A_210, %mul3A_207 : vector<16xf32>
      %sub3A_212 = arith.subf %broadcast_in_dim3A_209, %mul3A_211 : vector<16xf32>
      %mul3A_213 = arith.mulf %mul3A_207, %sub3A_212 : vector<16xf32>
      %broadcast_in_dim3A_214 = arith.constant 1.000000e-01 : f32
      %broadcast_in_dim3A_215 = vector.broadcast %broadcast_in_dim3A_214 : f32 to vector<16xf32>
      %mul3A_216 = arith.mulf %mul3A_213, %broadcast_in_dim3A_215 : vector<16xf32>
      %add3A_217 = arith.constant 256 : i32
      %add3A_218 = arith.addi %add3A_217, %scan3A_180 : i32
      %swap3A = arith.index_cast %add3A_218 : i32 to index
      %swap3A_219 = arith.constant 0 : index
      %swap3A_220 = tpu.vector_load %arg14[%swap3A, %swap3A_219] {strides = array<i32>} : memref<640x16xf32, #tpu.memory_space<vmem>>, vector<1x16xf32>,
      %swap3A_221 = vector.shape_cast %swap3A_220 : vector<1x16xf32> to vector<16xf32>
      %swap3A_222 = vector.shape_cast %mul3A_216 : vector<16xf32> to vector<1x16xf32>
      tpu.vector_store %arg14[%swap3A, %swap3A_219], %swap3A_222 {strides = array<i32>} : memref<640x16xf32, #tpu.memory_space<vmem>>, vector<1x16xf32>,
      %mul3A_223 = arith.mulf %mul3A_213, %mul3A_213 : vector<16xf32>
      %broadcast_in_dim3A_224 = arith.constant 0.899999976 : f32
      %broadcast_in_dim3A_225 = vector.broadcast %broadcast_in_dim3A_224 : f32 to vector<16xf32>
      %mul3A_226 = arith.mulf %mul3A_223, %broadcast_in_dim3A_225 : vector<16xf32>
      %add3A_227 = arith.constant 256 : i32
      %add3A_228 = arith.addi %add3A_227, %scan3A_180 : i32
      %swap3A_229 = arith.index_cast %add3A_228 : i32 to index
      %swap3A_230 = arith.constant 0 : index
      %swap3A_231 = tpu.vector_load %arg15[%swap3A_229, %swap3A_230] {strides = array<i32>} : memref<640x16xf32, #tpu.memory_space<vmem>>, vector<1x16xf32>,
      %swap3A_232 = vector.shape_cast %swap3A_231 : vector<1x16xf32> to vector<16xf32>
      %swap3A_233 = vector.shape_cast %mul3A_226 : vector<16xf32> to vector<1x16xf32>
      tpu.vector_store %arg15[%swap3A_229, %swap3A_230], %swap3A_233 {strides = array<i32>} : memref<640x16xf32, #tpu.memory_space<vmem>>, vector<1x16xf32>,
      %scan3A_234 = arith.constant 0 : i32
      scf.yield %scan3A_234 : i32
    }
    %scan3A_49 = arith.constant 128 : i32
    %add3A_50 = arith.constant 384 : i32
    %add3A_51 = arith.addi %mul3A_0, %add3A_50 : i32
    "tpu.region"() ({
      %run_scoped3A = tpu.sem_alloc : memref<!tpu.dma_semaphore, #tpu.memory_space<semaphore_mem>>
      %dma_start3A = arith.constant 0 : i32
      %dma_start3A_180 = tpu.memref_slice %arg8[%add3A_51, %dma_start3A] : memref<10240x64xf32, #tpu.memory_space<vmem_shared>> -> memref<128x64xf32, #tpu.memory_space<vmem_shared>>
      %dma_start3A_181 = arith.constant 0 : i32
      %dma_start3A_182 = tpu.memref_slice %arg8[%add3A_51, %dma_start3A_181] : memref<10240x64xf32, #tpu.memory_space<vmem_shared>> -> memref<128x64xf32, #tpu.memory_space<vmem_shared>>
      tpu.enqueue_dma source(%dma_start3A_182 : memref<128x64xf32, #tpu.memory_space<vmem_shared>>) target(%arg11 : memref<128x64xf32, #tpu.memory_space<vmem>>) target_semaphore(%run_scoped3A : memref<!tpu.dma_semaphore, #tpu.memory_space<semaphore_mem>>)
      %dma_wait3A = arith.constant 0 : i32
      %dma_wait3A_183 = tpu.memref_slice %arg8[%add3A_51, %dma_wait3A] : memref<10240x64xf32, #tpu.memory_space<vmem_shared>> -> memref<128x64xf32, #tpu.memory_space<vmem_shared>>
      %dma_wait3A_184 = arith.constant 0 : i32
      %dma_wait3A_185 = tpu.memref_slice %arg8[%add3A_51, %dma_wait3A_184] : memref<10240x64xf32, #tpu.memory_space<vmem_shared>> -> memref<128x64xf32, #tpu.memory_space<vmem_shared>>
      tpu.wait_dma2 semaphore(%run_scoped3A : memref<!tpu.dma_semaphore, #tpu.memory_space<semaphore_mem>>) src(%dma_wait3A_185 : memref<128x64xf32, #tpu.memory_space<vmem_shared>>) dst(%arg11 : memref<128x64xf32, #tpu.memory_space<vmem>>)
      tpu.yield
    }) : () -> ()
    %scan3A_52 = arith.constant 0 : i32
    %scan3A_53 = arith.constant 0 : i32
    %scan3A_54 = arith.constant 128 : i32
    %scan3A_55 = arith.addi %scan3A_53, %scan3A_54 : i32
    %scan3A_56 = arith.constant 1 : i32
    %scan3A_57 = scf.for %scan3A_180 = %scan3A_53 to %scan3A_55 step %scan3A_56 iter_args(%scan3A_181 = %scan3A_52) -> (i32)  : i32 {
      %get3A = arith.index_cast %scan3A_180 : i32 to index
      %get3A_182 = arith.constant 0 : index
      %get3A_183 = tpu.vector_load %arg11[%get3A, %get3A_182] {strides = array<i32>} : memref<128x64xf32, #tpu.memory_space<vmem>>, vector<1x16xf32>,
      %get3A_184 = vector.shape_cast %get3A_183 : vector<1x16xf32> to vector<16xf32>
      %broadcast_in_dim3A_185 = arith.constant 1.000000e+00 : f32
      %broadcast_in_dim3A_186 = vector.broadcast %broadcast_in_dim3A_185 : f32 to vector<16xf32>
      %add3A_187 = arith.addf %get3A_184, %broadcast_in_dim3A_186 : vector<16xf32>
      %bitcast_convert_type3A = tpu.bitcast %add3A_187 : vector<16xf32> -> vector<16xi32>
      %broadcast_in_dim3A_188 = arith.constant 1597463007 : i32
      %broadcast_in_dim3A_189 = vector.broadcast %broadcast_in_dim3A_188 : i32 to vector<16xi32>
      %broadcast_in_dim3A_190 = arith.constant 1 : i32
      %broadcast_in_dim3A_191 = vector.broadcast %broadcast_in_dim3A_190 : i32 to vector<16xi32>
      %shift_right_logical3A = arith.shrui %bitcast_convert_type3A, %broadcast_in_dim3A_191 : vector<16xi32>
      %sub3A = arith.subi %broadcast_in_dim3A_189, %shift_right_logical3A : vector<16xi32>
      %bitcast_convert_type3A_192 = tpu.bitcast %sub3A : vector<16xi32> -> vector<16xf32>
      %broadcast_in_dim3A_193 = arith.constant 5.000000e-01 : f32
      %broadcast_in_dim3A_194 = vector.broadcast %broadcast_in_dim3A_193 : f32 to vector<16xf32>
      %mul3A_195 = arith.mulf %add3A_187, %broadcast_in_dim3A_194 : vector<16xf32>
      %broadcast_in_dim3A_196 = arith.constant 1.500000e+00 : f32
      %broadcast_in_dim3A_197 = vector.broadcast %broadcast_in_dim3A_196 : f32 to vector<16xf32>
      %mul3A_198 = arith.mulf %mul3A_195, %bitcast_convert_type3A_192 : vector<16xf32>
      %mul3A_199 = arith.mulf %mul3A_198, %bitcast_convert_type3A_192 : vector<16xf32>
      %sub3A_200 = arith.subf %broadcast_in_dim3A_197, %mul3A_199 : vector<16xf32>
      %mul3A_201 = arith.mulf %bitcast_convert_type3A_192, %sub3A_200 : vector<16xf32>
      %broadcast_in_dim3A_202 = arith.constant 1.500000e+00 : f32
      %broadcast_in_dim3A_203 = vector.broadcast %broadcast_in_dim3A_202 : f32 to vector<16xf32>
      %mul3A_204 = arith.mulf %mul3A_195, %mul3A_201 : vector<16xf32>
      %mul3A_205 = arith.mulf %mul3A_204, %mul3A_201 : vector<16xf32>
      %sub3A_206 = arith.subf %broadcast_in_dim3A_203, %mul3A_205 : vector<16xf32>
      %mul3A_207 = arith.mulf %mul3A_201, %sub3A_206 : vector<16xf32>
      %broadcast_in_dim3A_208 = arith.constant 1.500000e+00 : f32
      %broadcast_in_dim3A_209 = vector.broadcast %broadcast_in_dim3A_208 : f32 to vector<16xf32>
      %mul3A_210 = arith.mulf %mul3A_195, %mul3A_207 : vector<16xf32>
      %mul3A_211 = arith.mulf %mul3A_210, %mul3A_207 : vector<16xf32>
      %sub3A_212 = arith.subf %broadcast_in_dim3A_209, %mul3A_211 : vector<16xf32>
      %mul3A_213 = arith.mulf %mul3A_207, %sub3A_212 : vector<16xf32>
      %broadcast_in_dim3A_214 = arith.constant 1.000000e-01 : f32
      %broadcast_in_dim3A_215 = vector.broadcast %broadcast_in_dim3A_214 : f32 to vector<16xf32>
      %mul3A_216 = arith.mulf %mul3A_213, %broadcast_in_dim3A_215 : vector<16xf32>
      %add3A_217 = arith.constant 384 : i32
      %add3A_218 = arith.addi %add3A_217, %scan3A_180 : i32
      %swap3A = arith.index_cast %add3A_218 : i32 to index
      %swap3A_219 = arith.constant 0 : index
      %swap3A_220 = tpu.vector_load %arg14[%swap3A, %swap3A_219] {strides = array<i32>} : memref<640x16xf32, #tpu.memory_space<vmem>>, vector<1x16xf32>,
      %swap3A_221 = vector.shape_cast %swap3A_220 : vector<1x16xf32> to vector<16xf32>
      %swap3A_222 = vector.shape_cast %mul3A_216 : vector<16xf32> to vector<1x16xf32>
      tpu.vector_store %arg14[%swap3A, %swap3A_219], %swap3A_222 {strides = array<i32>} : memref<640x16xf32, #tpu.memory_space<vmem>>, vector<1x16xf32>,
      %mul3A_223 = arith.mulf %mul3A_213, %mul3A_213 : vector<16xf32>
      %broadcast_in_dim3A_224 = arith.constant 0.899999976 : f32
      %broadcast_in_dim3A_225 = vector.broadcast %broadcast_in_dim3A_224 : f32 to vector<16xf32>
      %mul3A_226 = arith.mulf %mul3A_223, %broadcast_in_dim3A_225 : vector<16xf32>
      %add3A_227 = arith.constant 384 : i32
      %add3A_228 = arith.addi %add3A_227, %scan3A_180 : i32
      %swap3A_229 = arith.index_cast %add3A_228 : i32 to index
      %swap3A_230 = arith.constant 0 : index
      %swap3A_231 = tpu.vector_load %arg15[%swap3A_229, %swap3A_230] {strides = array<i32>} : memref<640x16xf32, #tpu.memory_space<vmem>>, vector<1x16xf32>,
      %swap3A_232 = vector.shape_cast %swap3A_231 : vector<1x16xf32> to vector<16xf32>
      %swap3A_233 = vector.shape_cast %mul3A_226 : vector<16xf32> to vector<1x16xf32>
      tpu.vector_store %arg15[%swap3A_229, %swap3A_230], %swap3A_233 {strides = array<i32>} : memref<640x16xf32, #tpu.memory_space<vmem>>, vector<1x16xf32>,
      %scan3A_234 = arith.constant 0 : i32
      scf.yield %scan3A_234 : i32
    }
    %scan3A_58 = arith.constant 128 : i32
    %add3A_59 = arith.constant 512 : i32
    %add3A_60 = arith.addi %mul3A_0, %add3A_59 : i32
    "tpu.region"() ({
      %run_scoped3A = tpu.sem_alloc : memref<!tpu.dma_semaphore, #tpu.memory_space<semaphore_mem>>
      %dma_start3A = arith.constant 0 : i32
      %dma_start3A_180 = tpu.memref_slice %arg8[%add3A_60, %dma_start3A] : memref<10240x64xf32, #tpu.memory_space<vmem_shared>> -> memref<128x64xf32, #tpu.memory_space<vmem_shared>>
      %dma_start3A_181 = arith.constant 0 : i32
      %dma_start3A_182 = tpu.memref_slice %arg8[%add3A_60, %dma_start3A_181] : memref<10240x64xf32, #tpu.memory_space<vmem_shared>> -> memref<128x64xf32, #tpu.memory_space<vmem_shared>>
      tpu.enqueue_dma source(%dma_start3A_182 : memref<128x64xf32, #tpu.memory_space<vmem_shared>>) target(%arg11 : memref<128x64xf32, #tpu.memory_space<vmem>>) target_semaphore(%run_scoped3A : memref<!tpu.dma_semaphore, #tpu.memory_space<semaphore_mem>>)
      %dma_wait3A = arith.constant 0 : i32
      %dma_wait3A_183 = tpu.memref_slice %arg8[%add3A_60, %dma_wait3A] : memref<10240x64xf32, #tpu.memory_space<vmem_shared>> -> memref<128x64xf32, #tpu.memory_space<vmem_shared>>
      %dma_wait3A_184 = arith.constant 0 : i32
      %dma_wait3A_185 = tpu.memref_slice %arg8[%add3A_60, %dma_wait3A_184] : memref<10240x64xf32, #tpu.memory_space<vmem_shared>> -> memref<128x64xf32, #tpu.memory_space<vmem_shared>>
      tpu.wait_dma2 semaphore(%run_scoped3A : memref<!tpu.dma_semaphore, #tpu.memory_space<semaphore_mem>>) src(%dma_wait3A_185 : memref<128x64xf32, #tpu.memory_space<vmem_shared>>) dst(%arg11 : memref<128x64xf32, #tpu.memory_space<vmem>>)
      tpu.yield
    }) : () -> ()
    %scan3A_61 = arith.constant 0 : i32
    %scan3A_62 = arith.constant 0 : i32
    %scan3A_63 = arith.constant 128 : i32
    %scan3A_64 = arith.addi %scan3A_62, %scan3A_63 : i32
    %scan3A_65 = arith.constant 1 : i32
    %scan3A_66 = scf.for %scan3A_180 = %scan3A_62 to %scan3A_64 step %scan3A_65 iter_args(%scan3A_181 = %scan3A_61) -> (i32)  : i32 {
      %get3A = arith.index_cast %scan3A_180 : i32 to index
      %get3A_182 = arith.constant 0 : index
      %get3A_183 = tpu.vector_load %arg11[%get3A, %get3A_182] {strides = array<i32>} : memref<128x64xf32, #tpu.memory_space<vmem>>, vector<1x16xf32>,
      %get3A_184 = vector.shape_cast %get3A_183 : vector<1x16xf32> to vector<16xf32>
      %broadcast_in_dim3A_185 = arith.constant 1.000000e+00 : f32
      %broadcast_in_dim3A_186 = vector.broadcast %broadcast_in_dim3A_185 : f32 to vector<16xf32>
      %add3A_187 = arith.addf %get3A_184, %broadcast_in_dim3A_186 : vector<16xf32>
      %bitcast_convert_type3A = tpu.bitcast %add3A_187 : vector<16xf32> -> vector<16xi32>
      %broadcast_in_dim3A_188 = arith.constant 1597463007 : i32
      %broadcast_in_dim3A_189 = vector.broadcast %broadcast_in_dim3A_188 : i32 to vector<16xi32>
      %broadcast_in_dim3A_190 = arith.constant 1 : i32
      %broadcast_in_dim3A_191 = vector.broadcast %broadcast_in_dim3A_190 : i32 to vector<16xi32>
      %shift_right_logical3A = arith.shrui %bitcast_convert_type3A, %broadcast_in_dim3A_191 : vector<16xi32>
      %sub3A = arith.subi %broadcast_in_dim3A_189, %shift_right_logical3A : vector<16xi32>
      %bitcast_convert_type3A_192 = tpu.bitcast %sub3A : vector<16xi32> -> vector<16xf32>
      %broadcast_in_dim3A_193 = arith.constant 5.000000e-01 : f32
      %broadcast_in_dim3A_194 = vector.broadcast %broadcast_in_dim3A_193 : f32 to vector<16xf32>
      %mul3A_195 = arith.mulf %add3A_187, %broadcast_in_dim3A_194 : vector<16xf32>
      %broadcast_in_dim3A_196 = arith.constant 1.500000e+00 : f32
      %broadcast_in_dim3A_197 = vector.broadcast %broadcast_in_dim3A_196 : f32 to vector<16xf32>
      %mul3A_198 = arith.mulf %mul3A_195, %bitcast_convert_type3A_192 : vector<16xf32>
      %mul3A_199 = arith.mulf %mul3A_198, %bitcast_convert_type3A_192 : vector<16xf32>
      %sub3A_200 = arith.subf %broadcast_in_dim3A_197, %mul3A_199 : vector<16xf32>
      %mul3A_201 = arith.mulf %bitcast_convert_type3A_192, %sub3A_200 : vector<16xf32>
      %broadcast_in_dim3A_202 = arith.constant 1.500000e+00 : f32
      %broadcast_in_dim3A_203 = vector.broadcast %broadcast_in_dim3A_202 : f32 to vector<16xf32>
      %mul3A_204 = arith.mulf %mul3A_195, %mul3A_201 : vector<16xf32>
      %mul3A_205 = arith.mulf %mul3A_204, %mul3A_201 : vector<16xf32>
      %sub3A_206 = arith.subf %broadcast_in_dim3A_203, %mul3A_205 : vector<16xf32>
      %mul3A_207 = arith.mulf %mul3A_201, %sub3A_206 : vector<16xf32>
      %broadcast_in_dim3A_208 = arith.constant 1.500000e+00 : f32
      %broadcast_in_dim3A_209 = vector.broadcast %broadcast_in_dim3A_208 : f32 to vector<16xf32>
      %mul3A_210 = arith.mulf %mul3A_195, %mul3A_207 : vector<16xf32>
      %mul3A_211 = arith.mulf %mul3A_210, %mul3A_207 : vector<16xf32>
      %sub3A_212 = arith.subf %broadcast_in_dim3A_209, %mul3A_211 : vector<16xf32>
      %mul3A_213 = arith.mulf %mul3A_207, %sub3A_212 : vector<16xf32>
      %broadcast_in_dim3A_214 = arith.constant 1.000000e-01 : f32
      %broadcast_in_dim3A_215 = vector.broadcast %broadcast_in_dim3A_214 : f32 to vector<16xf32>
      %mul3A_216 = arith.mulf %mul3A_213, %broadcast_in_dim3A_215 : vector<16xf32>
      %add3A_217 = arith.constant 512 : i32
      %add3A_218 = arith.addi %add3A_217, %scan3A_180 : i32
      %swap3A = arith.index_cast %add3A_218 : i32 to index
      %swap3A_219 = arith.constant 0 : index
      %swap3A_220 = tpu.vector_load %arg14[%swap3A, %swap3A_219] {strides = array<i32>} : memref<640x16xf32, #tpu.memory_space<vmem>>, vector<1x16xf32>,
      %swap3A_221 = vector.shape_cast %swap3A_220 : vector<1x16xf32> to vector<16xf32>
      %swap3A_222 = vector.shape_cast %mul3A_216 : vector<16xf32> to vector<1x16xf32>
      tpu.vector_store %arg14[%swap3A, %swap3A_219], %swap3A_222 {strides = array<i32>} : memref<640x16xf32, #tpu.memory_space<vmem>>, vector<1x16xf32>,
      %mul3A_223 = arith.mulf %mul3A_213, %mul3A_213 : vector<16xf32>
      %broadcast_in_dim3A_224 = arith.constant 0.899999976 : f32
      %broadcast_in_dim3A_225 = vector.broadcast %broadcast_in_dim3A_224 : f32 to vector<16xf32>
      %mul3A_226 = arith.mulf %mul3A_223, %broadcast_in_dim3A_225 : vector<16xf32>
      %add3A_227 = arith.constant 512 : i32
      %add3A_228 = arith.addi %add3A_227, %scan3A_180 : i32
      %swap3A_229 = arith.index_cast %add3A_228 : i32 to index
      %swap3A_230 = arith.constant 0 : index
      %swap3A_231 = tpu.vector_load %arg15[%swap3A_229, %swap3A_230] {strides = array<i32>} : memref<640x16xf32, #tpu.memory_space<vmem>>, vector<1x16xf32>,
      %swap3A_232 = vector.shape_cast %swap3A_231 : vector<1x16xf32> to vector<16xf32>
      %swap3A_233 = vector.shape_cast %mul3A_226 : vector<16xf32> to vector<1x16xf32>
      tpu.vector_store %arg15[%swap3A_229, %swap3A_230], %swap3A_233 {strides = array<i32>} : memref<640x16xf32, #tpu.memory_space<vmem>>, vector<1x16xf32>,
      %scan3A_234 = arith.constant 0 : i32
      scf.yield %scan3A_234 : i32
    }
    %scan3A_67 = arith.constant 128 : i32
    %add3A_68 = arith.constant 0 : i32
    %add3A_69 = arith.addi %mul3A_0, %add3A_68 : i32
    %add3A_70 = arith.addi %mul3A_2, %add3A_69 : i32
    "tpu.region"() ({
      %run_scoped3A = tpu.sem_alloc : memref<!tpu.dma_semaphore, #tpu.memory_space<semaphore_mem>>
      %dma_start3A = arith.constant 0 : i32
      %dma_start3A_180 = tpu.memref_slice %arg2[%add3A_70, %dma_start3A] : memref<20480x64xf32, #tpu.memory_space<hbm>> -> memref<128x64xf32, #tpu.memory_space<hbm>>
      %dma_start3A_181 = arith.constant 0 : i32
      %dma_start3A_182 = tpu.memref_slice %arg2[%add3A_70, %dma_start3A_181] : memref<20480x64xf32, #tpu.memory_space<hbm>> -> memref<128x64xf32, #tpu.memory_space<hbm>>
      tpu.enqueue_dma source(%dma_start3A_182 : memref<128x64xf32, #tpu.memory_space<hbm>>) target(%arg13 : memref<128x64xf32, #tpu.memory_space<vmem>>) target_semaphore(%run_scoped3A : memref<!tpu.dma_semaphore, #tpu.memory_space<semaphore_mem>>)
      %dma_wait3A = arith.constant 0 : i32
      %dma_wait3A_183 = tpu.memref_slice %arg2[%add3A_70, %dma_wait3A] : memref<20480x64xf32, #tpu.memory_space<hbm>> -> memref<128x64xf32, #tpu.memory_space<hbm>>
      %dma_wait3A_184 = arith.constant 0 : i32
      %dma_wait3A_185 = tpu.memref_slice %arg2[%add3A_70, %dma_wait3A_184] : memref<20480x64xf32, #tpu.memory_space<hbm>> -> memref<128x64xf32, #tpu.memory_space<hbm>>
      tpu.wait_dma2 semaphore(%run_scoped3A : memref<!tpu.dma_semaphore, #tpu.memory_space<semaphore_mem>>) src(%dma_wait3A_185 : memref<128x64xf32, #tpu.memory_space<hbm>>) dst(%arg13 : memref<128x64xf32, #tpu.memory_space<vmem>>)
      tpu.yield
    }) : () -> ()
    %scan3A_71 = arith.constant 0 : i32
    %scan3A_72 = arith.constant 0 : i32
    %scan3A_73 = arith.constant 128 : i32
    %scan3A_74 = arith.addi %scan3A_72, %scan3A_73 : i32
    %scan3A_75 = arith.constant 1 : i32
    %scan3A_76 = scf.for %scan3A_180 = %scan3A_72 to %scan3A_74 step %scan3A_75 iter_args(%scan3A_181 = %scan3A_71) -> (i32)  : i32 {
      %add3A_182 = arith.constant 0 : i32
      %add3A_183 = arith.addi %add3A_182, %scan3A_180 : i32
      %get3A = arith.index_cast %add3A_183 : i32 to index
      %get3A_184 = arith.constant 0 : index
      %get3A_185 = tpu.vector_load %arg14[%get3A, %get3A_184] {strides = array<i32>} : memref<640x16xf32, #tpu.memory_space<vmem>>, vector<1x16xf32>,
      %get3A_186 = vector.shape_cast %get3A_185 : vector<1x16xf32> to vector<16xf32>
      %broadcast_in_dim3A_187 = arith.constant 1.000000e+01 : f32
      %broadcast_in_dim3A_188 = vector.broadcast %broadcast_in_dim3A_187 : f32 to vector<16xf32>
      %mul3A_189 = arith.mulf %get3A_186, %broadcast_in_dim3A_188 : vector<16xf32>
      %get3A_190 = arith.index_cast %scan3A_180 : i32 to index
      %get3A_191 = arith.constant 0 : index
      %get3A_192 = tpu.vector_load %arg13[%get3A_190, %get3A_191] {strides = array<i32>} : memref<128x64xf32, #tpu.memory_space<vmem>>, vector<1x16xf32>,
      %get3A_193 = vector.shape_cast %get3A_192 : vector<1x16xf32> to vector<16xf32>
      %mul3A_194 = arith.mulf %get3A_193, %mul3A_189 : vector<16xf32>
      %swap3A = arith.index_cast %scan3A_180 : i32 to index
      %swap3A_195 = arith.constant 0 : index
      %swap3A_196 = tpu.vector_load %arg11[%swap3A, %swap3A_195] {strides = array<i32>} : memref<128x64xf32, #tpu.memory_space<vmem>>, vector<1x16xf32>,
      %swap3A_197 = vector.shape_cast %swap3A_196 : vector<1x16xf32> to vector<16xf32>
      %swap3A_198 = vector.shape_cast %mul3A_194 : vector<16xf32> to vector<1x16xf32>
      tpu.vector_store %arg11[%swap3A, %swap3A_195], %swap3A_198 {strides = array<i32>} : memref<128x64xf32, #tpu.memory_space<vmem>>, vector<1x16xf32>,
      %get3A_199 = arith.index_cast %scan3A_180 : i32 to index
      %get3A_200 = arith.constant 16 : index
      %get3A_201 = tpu.vector_load %arg13[%get3A_199, %get3A_200] {strides = array<i32>} : memref<128x64xf32, #tpu.memory_space<vmem>>, vector<1x16xf32>,
      %get3A_202 = vector.shape_cast %get3A_201 : vector<1x16xf32> to vector<16xf32>
      %mul3A_203 = arith.mulf %get3A_202, %mul3A_189 : vector<16xf32>
      %swap3A_204 = arith.index_cast %scan3A_180 : i32 to index
      %swap3A_205 = arith.constant 16 : index
      %swap3A_206 = tpu.vector_load %arg11[%swap3A_204, %swap3A_205] {strides = array<i32>} : memref<128x64xf32, #tpu.memory_space<vmem>>, vector<1x16xf32>,
      %swap3A_207 = vector.shape_cast %swap3A_206 : vector<1x16xf32> to vector<16xf32>
      %swap3A_208 = vector.shape_cast %mul3A_203 : vector<16xf32> to vector<1x16xf32>
      tpu.vector_store %arg11[%swap3A_204, %swap3A_205], %swap3A_208 {strides = array<i32>} : memref<128x64xf32, #tpu.memory_space<vmem>>, vector<1x16xf32>,
      %get3A_209 = arith.index_cast %scan3A_180 : i32 to index
      %get3A_210 = arith.constant 32 : index
      %get3A_211 = tpu.vector_load %arg13[%get3A_209, %get3A_210] {strides = array<i32>} : memref<128x64xf32, #tpu.memory_space<vmem>>, vector<1x16xf32>,
      %get3A_212 = vector.shape_cast %get3A_211 : vector<1x16xf32> to vector<16xf32>
      %mul3A_213 = arith.mulf %get3A_212, %mul3A_189 : vector<16xf32>
      %swap3A_214 = arith.index_cast %scan3A_180 : i32 to index
      %swap3A_215 = arith.constant 32 : index
      %swap3A_216 = tpu.vector_load %arg11[%swap3A_214, %swap3A_215] {strides = array<i32>} : memref<128x64xf32, #tpu.memory_space<vmem>>, vector<1x16xf32>,
      %swap3A_217 = vector.shape_cast %swap3A_216 : vector<1x16xf32> to vector<16xf32>
      %swap3A_218 = vector.shape_cast %mul3A_213 : vector<16xf32> to vector<1x16xf32>
      tpu.vector_store %arg11[%swap3A_214, %swap3A_215], %swap3A_218 {strides = array<i32>} : memref<128x64xf32, #tpu.memory_space<vmem>>, vector<1x16xf32>,
      %get3A_219 = arith.index_cast %scan3A_180 : i32 to index
      %get3A_220 = arith.constant 48 : index
      %get3A_221 = tpu.vector_load %arg13[%get3A_219, %get3A_220] {strides = array<i32>} : memref<128x64xf32, #tpu.memory_space<vmem>>, vector<1x16xf32>,
      %get3A_222 = vector.shape_cast %get3A_221 : vector<1x16xf32> to vector<16xf32>
      %mul3A_223 = arith.mulf %get3A_222, %mul3A_189 : vector<16xf32>
      %swap3A_224 = arith.index_cast %scan3A_180 : i32 to index
      %swap3A_225 = arith.constant 48 : index
      %swap3A_226 = tpu.vector_load %arg11[%swap3A_224, %swap3A_225] {strides = array<i32>} : memref<128x64xf32, #tpu.memory_space<vmem>>, vector<1x16xf32>,
      %swap3A_227 = vector.shape_cast %swap3A_226 : vector<1x16xf32> to vector<16xf32>
      %swap3A_228 = vector.shape_cast %mul3A_223 : vector<16xf32> to vector<1x16xf32>
      tpu.vector_store %arg11[%swap3A_224, %swap3A_225], %swap3A_228 {strides = array<i32>} : memref<128x64xf32, #tpu.memory_space<vmem>>, vector<1x16xf32>,
      %scan3A_229 = arith.constant 0 : i32
      scf.yield %scan3A_229 : i32
    }
    %scan3A_77 = arith.constant 128 : i32
    %add3A_78 = arith.addi %mul3A_2, %add3A_69 : i32
    "tpu.region"() ({
      %run_scoped3A = tpu.sem_alloc : memref<!tpu.dma_semaphore, #tpu.memory_space<semaphore_mem>>
      %dma_start3A = arith.constant 0 : i32
      %dma_start3A_180 = tpu.memref_slice %arg7[%add3A_78, %dma_start3A] : memref<20480x64xf32, #tpu.memory_space<hbm>> -> memref<128x64xf32, #tpu.memory_space<hbm>>
      %dma_start3A_181 = arith.constant 0 : i32
      %dma_start3A_182 = tpu.memref_slice %arg7[%add3A_78, %dma_start3A_181] : memref<20480x64xf32, #tpu.memory_space<hbm>> -> memref<128x64xf32, #tpu.memory_space<hbm>>
      tpu.enqueue_dma source(%arg11 : memref<128x64xf32, #tpu.memory_space<vmem>>) target(%dma_start3A_182 : memref<128x64xf32, #tpu.memory_space<hbm>>) target_semaphore(%run_scoped3A : memref<!tpu.dma_semaphore, #tpu.memory_space<semaphore_mem>>)
      %dma_wait3A = arith.constant 0 : i32
      %dma_wait3A_183 = tpu.memref_slice %arg7[%add3A_78, %dma_wait3A] : memref<20480x64xf32, #tpu.memory_space<hbm>> -> memref<128x64xf32, #tpu.memory_space<hbm>>
      %dma_wait3A_184 = arith.constant 0 : i32
      %dma_wait3A_185 = tpu.memref_slice %arg7[%add3A_78, %dma_wait3A_184] : memref<20480x64xf32, #tpu.memory_space<hbm>> -> memref<128x64xf32, #tpu.memory_space<hbm>>
      tpu.wait_dma2 semaphore(%run_scoped3A : memref<!tpu.dma_semaphore, #tpu.memory_space<semaphore_mem>>) src(%arg11 : memref<128x64xf32, #tpu.memory_space<vmem>>) dst(%dma_wait3A_185 : memref<128x64xf32, #tpu.memory_space<hbm>>)
      tpu.yield
    }) : () -> ()
    "tpu.region"() ({
      %run_scoped3A = tpu.sem_alloc : memref<!tpu.dma_semaphore, #tpu.memory_space<semaphore_mem>>
      %dma_start3A = arith.constant 0 : i32
      %dma_start3A_180 = tpu.memref_slice %arg8[%add3A_69, %dma_start3A] : memref<10240x64xf32, #tpu.memory_space<vmem_shared>> -> memref<128x64xf32, #tpu.memory_space<vmem_shared>>
      %dma_start3A_181 = arith.constant 0 : i32
      %dma_start3A_182 = tpu.memref_slice %arg8[%add3A_69, %dma_start3A_181] : memref<10240x64xf32, #tpu.memory_space<vmem_shared>> -> memref<128x64xf32, #tpu.memory_space<vmem_shared>>
      tpu.enqueue_dma source(%arg11 : memref<128x64xf32, #tpu.memory_space<vmem>>) target(%dma_start3A_182 : memref<128x64xf32, #tpu.memory_space<vmem_shared>>) target_semaphore(%run_scoped3A : memref<!tpu.dma_semaphore, #tpu.memory_space<semaphore_mem>>)
      %dma_wait3A = arith.constant 0 : i32
      %dma_wait3A_183 = tpu.memref_slice %arg8[%add3A_69, %dma_wait3A] : memref<10240x64xf32, #tpu.memory_space<vmem_shared>> -> memref<128x64xf32, #tpu.memory_space<vmem_shared>>
      %dma_wait3A_184 = arith.constant 0 : i32
      %dma_wait3A_185 = tpu.memref_slice %arg8[%add3A_69, %dma_wait3A_184] : memref<10240x64xf32, #tpu.memory_space<vmem_shared>> -> memref<128x64xf32, #tpu.memory_space<vmem_shared>>
      tpu.wait_dma2 semaphore(%run_scoped3A : memref<!tpu.dma_semaphore, #tpu.memory_space<semaphore_mem>>) src(%arg11 : memref<128x64xf32, #tpu.memory_space<vmem>>) dst(%dma_wait3A_185 : memref<128x64xf32, #tpu.memory_space<vmem_shared>>)
      tpu.yield
    }) : () -> ()
    %add3A_79 = arith.constant 128 : i32
    %add3A_80 = arith.addi %mul3A_0, %add3A_79 : i32
    %add3A_81 = arith.addi %mul3A_2, %add3A_80 : i32
    "tpu.region"() ({
      %run_scoped3A = tpu.sem_alloc : memref<!tpu.dma_semaphore, #tpu.memory_space<semaphore_mem>>
      %dma_start3A = arith.constant 0 : i32
      %dma_start3A_180 = tpu.memref_slice %arg2[%add3A_81, %dma_start3A] : memref<20480x64xf32, #tpu.memory_space<hbm>> -> memref<128x64xf32, #tpu.memory_space<hbm>>
      %dma_start3A_181 = arith.constant 0 : i32
      %dma_start3A_182 = tpu.memref_slice %arg2[%add3A_81, %dma_start3A_181] : memref<20480x64xf32, #tpu.memory_space<hbm>> -> memref<128x64xf32, #tpu.memory_space<hbm>>
      tpu.enqueue_dma source(%dma_start3A_182 : memref<128x64xf32, #tpu.memory_space<hbm>>) target(%arg13 : memref<128x64xf32, #tpu.memory_space<vmem>>) target_semaphore(%run_scoped3A : memref<!tpu.dma_semaphore, #tpu.memory_space<semaphore_mem>>)
      %dma_wait3A = arith.constant 0 : i32
      %dma_wait3A_183 = tpu.memref_slice %arg2[%add3A_81, %dma_wait3A] : memref<20480x64xf32, #tpu.memory_space<hbm>> -> memref<128x64xf32, #tpu.memory_space<hbm>>
      %dma_wait3A_184 = arith.constant 0 : i32
      %dma_wait3A_185 = tpu.memref_slice %arg2[%add3A_81, %dma_wait3A_184] : memref<20480x64xf32, #tpu.memory_space<hbm>> -> memref<128x64xf32, #tpu.memory_space<hbm>>
      tpu.wait_dma2 semaphore(%run_scoped3A : memref<!tpu.dma_semaphore, #tpu.memory_space<semaphore_mem>>) src(%dma_wait3A_185 : memref<128x64xf32, #tpu.memory_space<hbm>>) dst(%arg13 : memref<128x64xf32, #tpu.memory_space<vmem>>)
      tpu.yield
    }) : () -> ()
    %scan3A_82 = arith.constant 0 : i32
    %scan3A_83 = arith.constant 0 : i32
    %scan3A_84 = arith.constant 128 : i32
    %scan3A_85 = arith.addi %scan3A_83, %scan3A_84 : i32
    %scan3A_86 = arith.constant 1 : i32
    %scan3A_87 = scf.for %scan3A_180 = %scan3A_83 to %scan3A_85 step %scan3A_86 iter_args(%scan3A_181 = %scan3A_82) -> (i32)  : i32 {
      %add3A_182 = arith.constant 128 : i32
      %add3A_183 = arith.addi %add3A_182, %scan3A_180 : i32
      %get3A = arith.index_cast %add3A_183 : i32 to index
      %get3A_184 = arith.constant 0 : index
      %get3A_185 = tpu.vector_load %arg14[%get3A, %get3A_184] {strides = array<i32>} : memref<640x16xf32, #tpu.memory_space<vmem>>, vector<1x16xf32>,
      %get3A_186 = vector.shape_cast %get3A_185 : vector<1x16xf32> to vector<16xf32>
      %broadcast_in_dim3A_187 = arith.constant 1.000000e+01 : f32
      %broadcast_in_dim3A_188 = vector.broadcast %broadcast_in_dim3A_187 : f32 to vector<16xf32>
      %mul3A_189 = arith.mulf %get3A_186, %broadcast_in_dim3A_188 : vector<16xf32>
      %get3A_190 = arith.index_cast %scan3A_180 : i32 to index
      %get3A_191 = arith.constant 0 : index
      %get3A_192 = tpu.vector_load %arg13[%get3A_190, %get3A_191] {strides = array<i32>} : memref<128x64xf32, #tpu.memory_space<vmem>>, vector<1x16xf32>,
      %get3A_193 = vector.shape_cast %get3A_192 : vector<1x16xf32> to vector<16xf32>
      %mul3A_194 = arith.mulf %get3A_193, %mul3A_189 : vector<16xf32>
      %swap3A = arith.index_cast %scan3A_180 : i32 to index
      %swap3A_195 = arith.constant 0 : index
      %swap3A_196 = tpu.vector_load %arg11[%swap3A, %swap3A_195] {strides = array<i32>} : memref<128x64xf32, #tpu.memory_space<vmem>>, vector<1x16xf32>,
      %swap3A_197 = vector.shape_cast %swap3A_196 : vector<1x16xf32> to vector<16xf32>
      %swap3A_198 = vector.shape_cast %mul3A_194 : vector<16xf32> to vector<1x16xf32>
      tpu.vector_store %arg11[%swap3A, %swap3A_195], %swap3A_198 {strides = array<i32>} : memref<128x64xf32, #tpu.memory_space<vmem>>, vector<1x16xf32>,
      %get3A_199 = arith.index_cast %scan3A_180 : i32 to index
      %get3A_200 = arith.constant 16 : index
      %get3A_201 = tpu.vector_load %arg13[%get3A_199, %get3A_200] {strides = array<i32>} : memref<128x64xf32, #tpu.memory_space<vmem>>, vector<1x16xf32>,
      %get3A_202 = vector.shape_cast %get3A_201 : vector<1x16xf32> to vector<16xf32>
      %mul3A_203 = arith.mulf %get3A_202, %mul3A_189 : vector<16xf32>
      %swap3A_204 = arith.index_cast %scan3A_180 : i32 to index
      %swap3A_205 = arith.constant 16 : index
      %swap3A_206 = tpu.vector_load %arg11[%swap3A_204, %swap3A_205] {strides = array<i32>} : memref<128x64xf32, #tpu.memory_space<vmem>>, vector<1x16xf32>,
      %swap3A_207 = vector.shape_cast %swap3A_206 : vector<1x16xf32> to vector<16xf32>
      %swap3A_208 = vector.shape_cast %mul3A_203 : vector<16xf32> to vector<1x16xf32>
      tpu.vector_store %arg11[%swap3A_204, %swap3A_205], %swap3A_208 {strides = array<i32>} : memref<128x64xf32, #tpu.memory_space<vmem>>, vector<1x16xf32>,
      %get3A_209 = arith.index_cast %scan3A_180 : i32 to index
      %get3A_210 = arith.constant 32 : index
      %get3A_211 = tpu.vector_load %arg13[%get3A_209, %get3A_210] {strides = array<i32>} : memref<128x64xf32, #tpu.memory_space<vmem>>, vector<1x16xf32>,
      %get3A_212 = vector.shape_cast %get3A_211 : vector<1x16xf32> to vector<16xf32>
      %mul3A_213 = arith.mulf %get3A_212, %mul3A_189 : vector<16xf32>
      %swap3A_214 = arith.index_cast %scan3A_180 : i32 to index
      %swap3A_215 = arith.constant 32 : index
      %swap3A_216 = tpu.vector_load %arg11[%swap3A_214, %swap3A_215] {strides = array<i32>} : memref<128x64xf32, #tpu.memory_space<vmem>>, vector<1x16xf32>,
      %swap3A_217 = vector.shape_cast %swap3A_216 : vector<1x16xf32> to vector<16xf32>
      %swap3A_218 = vector.shape_cast %mul3A_213 : vector<16xf32> to vector<1x16xf32>
      tpu.vector_store %arg11[%swap3A_214, %swap3A_215], %swap3A_218 {strides = array<i32>} : memref<128x64xf32, #tpu.memory_space<vmem>>, vector<1x16xf32>,
      %get3A_219 = arith.index_cast %scan3A_180 : i32 to index
      %get3A_220 = arith.constant 48 : index
      %get3A_221 = tpu.vector_load %arg13[%get3A_219, %get3A_220] {strides = array<i32>} : memref<128x64xf32, #tpu.memory_space<vmem>>, vector<1x16xf32>,
      %get3A_222 = vector.shape_cast %get3A_221 : vector<1x16xf32> to vector<16xf32>
      %mul3A_223 = arith.mulf %get3A_222, %mul3A_189 : vector<16xf32>
      %swap3A_224 = arith.index_cast %scan3A_180 : i32 to index
      %swap3A_225 = arith.constant 48 : index
      %swap3A_226 = tpu.vector_load %arg11[%swap3A_224, %swap3A_225] {strides = array<i32>} : memref<128x64xf32, #tpu.memory_space<vmem>>, vector<1x16xf32>,
      %swap3A_227 = vector.shape_cast %swap3A_226 : vector<1x16xf32> to vector<16xf32>
      %swap3A_228 = vector.shape_cast %mul3A_223 : vector<16xf32> to vector<1x16xf32>
      tpu.vector_store %arg11[%swap3A_224, %swap3A_225], %swap3A_228 {strides = array<i32>} : memref<128x64xf32, #tpu.memory_space<vmem>>, vector<1x16xf32>,
      %scan3A_229 = arith.constant 0 : i32
      scf.yield %scan3A_229 : i32
    }
    %scan3A_88 = arith.constant 128 : i32
    %add3A_89 = arith.addi %mul3A_2, %add3A_80 : i32
    "tpu.region"() ({
      %run_scoped3A = tpu.sem_alloc : memref<!tpu.dma_semaphore, #tpu.memory_space<semaphore_mem>>
      %dma_start3A = arith.constant 0 : i32
      %dma_start3A_180 = tpu.memref_slice %arg7[%add3A_89, %dma_start3A] : memref<20480x64xf32, #tpu.memory_space<hbm>> -> memref<128x64xf32, #tpu.memory_space<hbm>>
      %dma_start3A_181 = arith.constant 0 : i32
      %dma_start3A_182 = tpu.memref_slice %arg7[%add3A_89, %dma_start3A_181] : memref<20480x64xf32, #tpu.memory_space<hbm>> -> memref<128x64xf32, #tpu.memory_space<hbm>>
      tpu.enqueue_dma source(%arg11 : memref<128x64xf32, #tpu.memory_space<vmem>>) target(%dma_start3A_182 : memref<128x64xf32, #tpu.memory_space<hbm>>) target_semaphore(%run_scoped3A : memref<!tpu.dma_semaphore, #tpu.memory_space<semaphore_mem>>)
      %dma_wait3A = arith.constant 0 : i32
      %dma_wait3A_183 = tpu.memref_slice %arg7[%add3A_89, %dma_wait3A] : memref<20480x64xf32, #tpu.memory_space<hbm>> -> memref<128x64xf32, #tpu.memory_space<hbm>>
      %dma_wait3A_184 = arith.constant 0 : i32
      %dma_wait3A_185 = tpu.memref_slice %arg7[%add3A_89, %dma_wait3A_184] : memref<20480x64xf32, #tpu.memory_space<hbm>> -> memref<128x64xf32, #tpu.memory_space<hbm>>
      tpu.wait_dma2 semaphore(%run_scoped3A : memref<!tpu.dma_semaphore, #tpu.memory_space<semaphore_mem>>) src(%arg11 : memref<128x64xf32, #tpu.memory_space<vmem>>) dst(%dma_wait3A_185 : memref<128x64xf32, #tpu.memory_space<hbm>>)
      tpu.yield
    }) : () -> ()
    "tpu.region"() ({
      %run_scoped3A = tpu.sem_alloc : memref<!tpu.dma_semaphore, #tpu.memory_space<semaphore_mem>>
      %dma_start3A = arith.constant 0 : i32
      %dma_start3A_180 = tpu.memref_slice %arg8[%add3A_80, %dma_start3A] : memref<10240x64xf32, #tpu.memory_space<vmem_shared>> -> memref<128x64xf32, #tpu.memory_space<vmem_shared>>
      %dma_start3A_181 = arith.constant 0 : i32
      %dma_start3A_182 = tpu.memref_slice %arg8[%add3A_80, %dma_start3A_181] : memref<10240x64xf32, #tpu.memory_space<vmem_shared>> -> memref<128x64xf32, #tpu.memory_space<vmem_shared>>
      tpu.enqueue_dma source(%arg11 : memref<128x64xf32, #tpu.memory_space<vmem>>) target(%dma_start3A_182 : memref<128x64xf32, #tpu.memory_space<vmem_shared>>) target_semaphore(%run_scoped3A : memref<!tpu.dma_semaphore, #tpu.memory_space<semaphore_mem>>)
      %dma_wait3A = arith.constant 0 : i32
      %dma_wait3A_183 = tpu.memref_slice %arg8[%add3A_80, %dma_wait3A] : memref<10240x64xf32, #tpu.memory_space<vmem_shared>> -> memref<128x64xf32, #tpu.memory_space<vmem_shared>>
      %dma_wait3A_184 = arith.constant 0 : i32
      %dma_wait3A_185 = tpu.memref_slice %arg8[%add3A_80, %dma_wait3A_184] : memref<10240x64xf32, #tpu.memory_space<vmem_shared>> -> memref<128x64xf32, #tpu.memory_space<vmem_shared>>
      tpu.wait_dma2 semaphore(%run_scoped3A : memref<!tpu.dma_semaphore, #tpu.memory_space<semaphore_mem>>) src(%arg11 : memref<128x64xf32, #tpu.memory_space<vmem>>) dst(%dma_wait3A_185 : memref<128x64xf32, #tpu.memory_space<vmem_shared>>)
      tpu.yield
    }) : () -> ()
    %add3A_90 = arith.constant 256 : i32
    %add3A_91 = arith.addi %mul3A_0, %add3A_90 : i32
    %add3A_92 = arith.addi %mul3A_2, %add3A_91 : i32
    "tpu.region"() ({
      %run_scoped3A = tpu.sem_alloc : memref<!tpu.dma_semaphore, #tpu.memory_space<semaphore_mem>>
      %dma_start3A = arith.constant 0 : i32
      %dma_start3A_180 = tpu.memref_slice %arg2[%add3A_92, %dma_start3A] : memref<20480x64xf32, #tpu.memory_space<hbm>> -> memref<128x64xf32, #tpu.memory_space<hbm>>
      %dma_start3A_181 = arith.constant 0 : i32
      %dma_start3A_182 = tpu.memref_slice %arg2[%add3A_92, %dma_start3A_181] : memref<20480x64xf32, #tpu.memory_space<hbm>> -> memref<128x64xf32, #tpu.memory_space<hbm>>
      tpu.enqueue_dma source(%dma_start3A_182 : memref<128x64xf32, #tpu.memory_space<hbm>>) target(%arg13 : memref<128x64xf32, #tpu.memory_space<vmem>>) target_semaphore(%run_scoped3A : memref<!tpu.dma_semaphore, #tpu.memory_space<semaphore_mem>>)
      %dma_wait3A = arith.constant 0 : i32
      %dma_wait3A_183 = tpu.memref_slice %arg2[%add3A_92, %dma_wait3A] : memref<20480x64xf32, #tpu.memory_space<hbm>> -> memref<128x64xf32, #tpu.memory_space<hbm>>
      %dma_wait3A_184 = arith.constant 0 : i32
      %dma_wait3A_185 = tpu.memref_slice %arg2[%add3A_92, %dma_wait3A_184] : memref<20480x64xf32, #tpu.memory_space<hbm>> -> memref<128x64xf32, #tpu.memory_space<hbm>>
      tpu.wait_dma2 semaphore(%run_scoped3A : memref<!tpu.dma_semaphore, #tpu.memory_space<semaphore_mem>>) src(%dma_wait3A_185 : memref<128x64xf32, #tpu.memory_space<hbm>>) dst(%arg13 : memref<128x64xf32, #tpu.memory_space<vmem>>)
      tpu.yield
    }) : () -> ()
    %scan3A_93 = arith.constant 0 : i32
    %scan3A_94 = arith.constant 0 : i32
    %scan3A_95 = arith.constant 128 : i32
    %scan3A_96 = arith.addi %scan3A_94, %scan3A_95 : i32
    %scan3A_97 = arith.constant 1 : i32
    %scan3A_98 = scf.for %scan3A_180 = %scan3A_94 to %scan3A_96 step %scan3A_97 iter_args(%scan3A_181 = %scan3A_93) -> (i32)  : i32 {
      %add3A_182 = arith.constant 256 : i32
      %add3A_183 = arith.addi %add3A_182, %scan3A_180 : i32
      %get3A = arith.index_cast %add3A_183 : i32 to index
      %get3A_184 = arith.constant 0 : index
      %get3A_185 = tpu.vector_load %arg14[%get3A, %get3A_184] {strides = array<i32>} : memref<640x16xf32, #tpu.memory_space<vmem>>, vector<1x16xf32>,
      %get3A_186 = vector.shape_cast %get3A_185 : vector<1x16xf32> to vector<16xf32>
      %broadcast_in_dim3A_187 = arith.constant 1.000000e+01 : f32
      %broadcast_in_dim3A_188 = vector.broadcast %broadcast_in_dim3A_187 : f32 to vector<16xf32>
      %mul3A_189 = arith.mulf %get3A_186, %broadcast_in_dim3A_188 : vector<16xf32>
      %get3A_190 = arith.index_cast %scan3A_180 : i32 to index
      %get3A_191 = arith.constant 0 : index
      %get3A_192 = tpu.vector_load %arg13[%get3A_190, %get3A_191] {strides = array<i32>} : memref<128x64xf32, #tpu.memory_space<vmem>>, vector<1x16xf32>,
      %get3A_193 = vector.shape_cast %get3A_192 : vector<1x16xf32> to vector<16xf32>
      %mul3A_194 = arith.mulf %get3A_193, %mul3A_189 : vector<16xf32>
      %swap3A = arith.index_cast %scan3A_180 : i32 to index
      %swap3A_195 = arith.constant 0 : index
      %swap3A_196 = tpu.vector_load %arg11[%swap3A, %swap3A_195] {strides = array<i32>} : memref<128x64xf32, #tpu.memory_space<vmem>>, vector<1x16xf32>,
      %swap3A_197 = vector.shape_cast %swap3A_196 : vector<1x16xf32> to vector<16xf32>
      %swap3A_198 = vector.shape_cast %mul3A_194 : vector<16xf32> to vector<1x16xf32>
      tpu.vector_store %arg11[%swap3A, %swap3A_195], %swap3A_198 {strides = array<i32>} : memref<128x64xf32, #tpu.memory_space<vmem>>, vector<1x16xf32>,
      %get3A_199 = arith.index_cast %scan3A_180 : i32 to index
      %get3A_200 = arith.constant 16 : index
      %get3A_201 = tpu.vector_load %arg13[%get3A_199, %get3A_200] {strides = array<i32>} : memref<128x64xf32, #tpu.memory_space<vmem>>, vector<1x16xf32>,
      %get3A_202 = vector.shape_cast %get3A_201 : vector<1x16xf32> to vector<16xf32>
      %mul3A_203 = arith.mulf %get3A_202, %mul3A_189 : vector<16xf32>
      %swap3A_204 = arith.index_cast %scan3A_180 : i32 to index
      %swap3A_205 = arith.constant 16 : index
      %swap3A_206 = tpu.vector_load %arg11[%swap3A_204, %swap3A_205] {strides = array<i32>} : memref<128x64xf32, #tpu.memory_space<vmem>>, vector<1x16xf32>,
      %swap3A_207 = vector.shape_cast %swap3A_206 : vector<1x16xf32> to vector<16xf32>
      %swap3A_208 = vector.shape_cast %mul3A_203 : vector<16xf32> to vector<1x16xf32>
      tpu.vector_store %arg11[%swap3A_204, %swap3A_205], %swap3A_208 {strides = array<i32>} : memref<128x64xf32, #tpu.memory_space<vmem>>, vector<1x16xf32>,
      %get3A_209 = arith.index_cast %scan3A_180 : i32 to index
      %get3A_210 = arith.constant 32 : index
      %get3A_211 = tpu.vector_load %arg13[%get3A_209, %get3A_210] {strides = array<i32>} : memref<128x64xf32, #tpu.memory_space<vmem>>, vector<1x16xf32>,
      %get3A_212 = vector.shape_cast %get3A_211 : vector<1x16xf32> to vector<16xf32>
      %mul3A_213 = arith.mulf %get3A_212, %mul3A_189 : vector<16xf32>
      %swap3A_214 = arith.index_cast %scan3A_180 : i32 to index
      %swap3A_215 = arith.constant 32 : index
      %swap3A_216 = tpu.vector_load %arg11[%swap3A_214, %swap3A_215] {strides = array<i32>} : memref<128x64xf32, #tpu.memory_space<vmem>>, vector<1x16xf32>,
      %swap3A_217 = vector.shape_cast %swap3A_216 : vector<1x16xf32> to vector<16xf32>
      %swap3A_218 = vector.shape_cast %mul3A_213 : vector<16xf32> to vector<1x16xf32>
      tpu.vector_store %arg11[%swap3A_214, %swap3A_215], %swap3A_218 {strides = array<i32>} : memref<128x64xf32, #tpu.memory_space<vmem>>, vector<1x16xf32>,
      %get3A_219 = arith.index_cast %scan3A_180 : i32 to index
      %get3A_220 = arith.constant 48 : index
      %get3A_221 = tpu.vector_load %arg13[%get3A_219, %get3A_220] {strides = array<i32>} : memref<128x64xf32, #tpu.memory_space<vmem>>, vector<1x16xf32>,
      %get3A_222 = vector.shape_cast %get3A_221 : vector<1x16xf32> to vector<16xf32>
      %mul3A_223 = arith.mulf %get3A_222, %mul3A_189 : vector<16xf32>
      %swap3A_224 = arith.index_cast %scan3A_180 : i32 to index
      %swap3A_225 = arith.constant 48 : index
      %swap3A_226 = tpu.vector_load %arg11[%swap3A_224, %swap3A_225] {strides = array<i32>} : memref<128x64xf32, #tpu.memory_space<vmem>>, vector<1x16xf32>,
      %swap3A_227 = vector.shape_cast %swap3A_226 : vector<1x16xf32> to vector<16xf32>
      %swap3A_228 = vector.shape_cast %mul3A_223 : vector<16xf32> to vector<1x16xf32>
      tpu.vector_store %arg11[%swap3A_224, %swap3A_225], %swap3A_228 {strides = array<i32>} : memref<128x64xf32, #tpu.memory_space<vmem>>, vector<1x16xf32>,
      %scan3A_229 = arith.constant 0 : i32
      scf.yield %scan3A_229 : i32
    }
    %scan3A_99 = arith.constant 128 : i32
    %add3A_100 = arith.addi %mul3A_2, %add3A_91 : i32
    "tpu.region"() ({
      %run_scoped3A = tpu.sem_alloc : memref<!tpu.dma_semaphore, #tpu.memory_space<semaphore_mem>>
      %dma_start3A = arith.constant 0 : i32
      %dma_start3A_180 = tpu.memref_slice %arg7[%add3A_100, %dma_start3A] : memref<20480x64xf32, #tpu.memory_space<hbm>> -> memref<128x64xf32, #tpu.memory_space<hbm>>
      %dma_start3A_181 = arith.constant 0 : i32
      %dma_start3A_182 = tpu.memref_slice %arg7[%add3A_100, %dma_start3A_181] : memref<20480x64xf32, #tpu.memory_space<hbm>> -> memref<128x64xf32, #tpu.memory_space<hbm>>
      tpu.enqueue_dma source(%arg11 : memref<128x64xf32, #tpu.memory_space<vmem>>) target(%dma_start3A_182 : memref<128x64xf32, #tpu.memory_space<hbm>>) target_semaphore(%run_scoped3A : memref<!tpu.dma_semaphore, #tpu.memory_space<semaphore_mem>>)
      %dma_wait3A = arith.constant 0 : i32
      %dma_wait3A_183 = tpu.memref_slice %arg7[%add3A_100, %dma_wait3A] : memref<20480x64xf32, #tpu.memory_space<hbm>> -> memref<128x64xf32, #tpu.memory_space<hbm>>
      %dma_wait3A_184 = arith.constant 0 : i32
      %dma_wait3A_185 = tpu.memref_slice %arg7[%add3A_100, %dma_wait3A_184] : memref<20480x64xf32, #tpu.memory_space<hbm>> -> memref<128x64xf32, #tpu.memory_space<hbm>>
      tpu.wait_dma2 semaphore(%run_scoped3A : memref<!tpu.dma_semaphore, #tpu.memory_space<semaphore_mem>>) src(%arg11 : memref<128x64xf32, #tpu.memory_space<vmem>>) dst(%dma_wait3A_185 : memref<128x64xf32, #tpu.memory_space<hbm>>)
      tpu.yield
    }) : () -> ()
    "tpu.region"() ({
      %run_scoped3A = tpu.sem_alloc : memref<!tpu.dma_semaphore, #tpu.memory_space<semaphore_mem>>
      %dma_start3A = arith.constant 0 : i32
      %dma_start3A_180 = tpu.memref_slice %arg8[%add3A_91, %dma_start3A] : memref<10240x64xf32, #tpu.memory_space<vmem_shared>> -> memref<128x64xf32, #tpu.memory_space<vmem_shared>>
      %dma_start3A_181 = arith.constant 0 : i32
      %dma_start3A_182 = tpu.memref_slice %arg8[%add3A_91, %dma_start3A_181] : memref<10240x64xf32, #tpu.memory_space<vmem_shared>> -> memref<128x64xf32, #tpu.memory_space<vmem_shared>>
      tpu.enqueue_dma source(%arg11 : memref<128x64xf32, #tpu.memory_space<vmem>>) target(%dma_start3A_182 : memref<128x64xf32, #tpu.memory_space<vmem_shared>>) target_semaphore(%run_scoped3A : memref<!tpu.dma_semaphore, #tpu.memory_space<semaphore_mem>>)
      %dma_wait3A = arith.constant 0 : i32
      %dma_wait3A_183 = tpu.memref_slice %arg8[%add3A_91, %dma_wait3A] : memref<10240x64xf32, #tpu.memory_space<vmem_shared>> -> memref<128x64xf32, #tpu.memory_space<vmem_shared>>
      %dma_wait3A_184 = arith.constant 0 : i32
      %dma_wait3A_185 = tpu.memref_slice %arg8[%add3A_91, %dma_wait3A_184] : memref<10240x64xf32, #tpu.memory_space<vmem_shared>> -> memref<128x64xf32, #tpu.memory_space<vmem_shared>>
      tpu.wait_dma2 semaphore(%run_scoped3A : memref<!tpu.dma_semaphore, #tpu.memory_space<semaphore_mem>>) src(%arg11 : memref<128x64xf32, #tpu.memory_space<vmem>>) dst(%dma_wait3A_185 : memref<128x64xf32, #tpu.memory_space<vmem_shared>>)
      tpu.yield
    }) : () -> ()
    %add3A_101 = arith.constant 384 : i32
    %add3A_102 = arith.addi %mul3A_0, %add3A_101 : i32
    %add3A_103 = arith.addi %mul3A_2, %add3A_102 : i32
    "tpu.region"() ({
      %run_scoped3A = tpu.sem_alloc : memref<!tpu.dma_semaphore, #tpu.memory_space<semaphore_mem>>
      %dma_start3A = arith.constant 0 : i32
      %dma_start3A_180 = tpu.memref_slice %arg2[%add3A_103, %dma_start3A] : memref<20480x64xf32, #tpu.memory_space<hbm>> -> memref<128x64xf32, #tpu.memory_space<hbm>>
      %dma_start3A_181 = arith.constant 0 : i32
      %dma_start3A_182 = tpu.memref_slice %arg2[%add3A_103, %dma_start3A_181] : memref<20480x64xf32, #tpu.memory_space<hbm>> -> memref<128x64xf32, #tpu.memory_space<hbm>>
      tpu.enqueue_dma source(%dma_start3A_182 : memref<128x64xf32, #tpu.memory_space<hbm>>) target(%arg13 : memref<128x64xf32, #tpu.memory_space<vmem>>) target_semaphore(%run_scoped3A : memref<!tpu.dma_semaphore, #tpu.memory_space<semaphore_mem>>)
      %dma_wait3A = arith.constant 0 : i32
      %dma_wait3A_183 = tpu.memref_slice %arg2[%add3A_103, %dma_wait3A] : memref<20480x64xf32, #tpu.memory_space<hbm>> -> memref<128x64xf32, #tpu.memory_space<hbm>>
      %dma_wait3A_184 = arith.constant 0 : i32
      %dma_wait3A_185 = tpu.memref_slice %arg2[%add3A_103, %dma_wait3A_184] : memref<20480x64xf32, #tpu.memory_space<hbm>> -> memref<128x64xf32, #tpu.memory_space<hbm>>
      tpu.wait_dma2 semaphore(%run_scoped3A : memref<!tpu.dma_semaphore, #tpu.memory_space<semaphore_mem>>) src(%dma_wait3A_185 : memref<128x64xf32, #tpu.memory_space<hbm>>) dst(%arg13 : memref<128x64xf32, #tpu.memory_space<vmem>>)
      tpu.yield
    }) : () -> ()
    %scan3A_104 = arith.constant 0 : i32
    %scan3A_105 = arith.constant 0 : i32
    %scan3A_106 = arith.constant 128 : i32
    %scan3A_107 = arith.addi %scan3A_105, %scan3A_106 : i32
    %scan3A_108 = arith.constant 1 : i32
    %scan3A_109 = scf.for %scan3A_180 = %scan3A_105 to %scan3A_107 step %scan3A_108 iter_args(%scan3A_181 = %scan3A_104) -> (i32)  : i32 {
      %add3A_182 = arith.constant 384 : i32
      %add3A_183 = arith.addi %add3A_182, %scan3A_180 : i32
      %get3A = arith.index_cast %add3A_183 : i32 to index
      %get3A_184 = arith.constant 0 : index
      %get3A_185 = tpu.vector_load %arg14[%get3A, %get3A_184] {strides = array<i32>} : memref<640x16xf32, #tpu.memory_space<vmem>>, vector<1x16xf32>,
      %get3A_186 = vector.shape_cast %get3A_185 : vector<1x16xf32> to vector<16xf32>
      %broadcast_in_dim3A_187 = arith.constant 1.000000e+01 : f32
      %broadcast_in_dim3A_188 = vector.broadcast %broadcast_in_dim3A_187 : f32 to vector<16xf32>
      %mul3A_189 = arith.mulf %get3A_186, %broadcast_in_dim3A_188 : vector<16xf32>
      %get3A_190 = arith.index_cast %scan3A_180 : i32 to index
      %get3A_191 = arith.constant 0 : index
      %get3A_192 = tpu.vector_load %arg13[%get3A_190, %get3A_191] {strides = array<i32>} : memref<128x64xf32, #tpu.memory_space<vmem>>, vector<1x16xf32>,
      %get3A_193 = vector.shape_cast %get3A_192 : vector<1x16xf32> to vector<16xf32>
      %mul3A_194 = arith.mulf %get3A_193, %mul3A_189 : vector<16xf32>
      %swap3A = arith.index_cast %scan3A_180 : i32 to index
      %swap3A_195 = arith.constant 0 : index
      %swap3A_196 = tpu.vector_load %arg11[%swap3A, %swap3A_195] {strides = array<i32>} : memref<128x64xf32, #tpu.memory_space<vmem>>, vector<1x16xf32>,
      %swap3A_197 = vector.shape_cast %swap3A_196 : vector<1x16xf32> to vector<16xf32>
      %swap3A_198 = vector.shape_cast %mul3A_194 : vector<16xf32> to vector<1x16xf32>
      tpu.vector_store %arg11[%swap3A, %swap3A_195], %swap3A_198 {strides = array<i32>} : memref<128x64xf32, #tpu.memory_space<vmem>>, vector<1x16xf32>,
      %get3A_199 = arith.index_cast %scan3A_180 : i32 to index
      %get3A_200 = arith.constant 16 : index
      %get3A_201 = tpu.vector_load %arg13[%get3A_199, %get3A_200] {strides = array<i32>} : memref<128x64xf32, #tpu.memory_space<vmem>>, vector<1x16xf32>,
      %get3A_202 = vector.shape_cast %get3A_201 : vector<1x16xf32> to vector<16xf32>
      %mul3A_203 = arith.mulf %get3A_202, %mul3A_189 : vector<16xf32>
      %swap3A_204 = arith.index_cast %scan3A_180 : i32 to index
      %swap3A_205 = arith.constant 16 : index
      %swap3A_206 = tpu.vector_load %arg11[%swap3A_204, %swap3A_205] {strides = array<i32>} : memref<128x64xf32, #tpu.memory_space<vmem>>, vector<1x16xf32>,
      %swap3A_207 = vector.shape_cast %swap3A_206 : vector<1x16xf32> to vector<16xf32>
      %swap3A_208 = vector.shape_cast %mul3A_203 : vector<16xf32> to vector<1x16xf32>
      tpu.vector_store %arg11[%swap3A_204, %swap3A_205], %swap3A_208 {strides = array<i32>} : memref<128x64xf32, #tpu.memory_space<vmem>>, vector<1x16xf32>,
      %get3A_209 = arith.index_cast %scan3A_180 : i32 to index
      %get3A_210 = arith.constant 32 : index
      %get3A_211 = tpu.vector_load %arg13[%get3A_209, %get3A_210] {strides = array<i32>} : memref<128x64xf32, #tpu.memory_space<vmem>>, vector<1x16xf32>,
      %get3A_212 = vector.shape_cast %get3A_211 : vector<1x16xf32> to vector<16xf32>
      %mul3A_213 = arith.mulf %get3A_212, %mul3A_189 : vector<16xf32>
      %swap3A_214 = arith.index_cast %scan3A_180 : i32 to index
      %swap3A_215 = arith.constant 32 : index
      %swap3A_216 = tpu.vector_load %arg11[%swap3A_214, %swap3A_215] {strides = array<i32>} : memref<128x64xf32, #tpu.memory_space<vmem>>, vector<1x16xf32>,
      %swap3A_217 = vector.shape_cast %swap3A_216 : vector<1x16xf32> to vector<16xf32>
      %swap3A_218 = vector.shape_cast %mul3A_213 : vector<16xf32> to vector<1x16xf32>
      tpu.vector_store %arg11[%swap3A_214, %swap3A_215], %swap3A_218 {strides = array<i32>} : memref<128x64xf32, #tpu.memory_space<vmem>>, vector<1x16xf32>,
      %get3A_219 = arith.index_cast %scan3A_180 : i32 to index
      %get3A_220 = arith.constant 48 : index
      %get3A_221 = tpu.vector_load %arg13[%get3A_219, %get3A_220] {strides = array<i32>} : memref<128x64xf32, #tpu.memory_space<vmem>>, vector<1x16xf32>,
      %get3A_222 = vector.shape_cast %get3A_221 : vector<1x16xf32> to vector<16xf32>
      %mul3A_223 = arith.mulf %get3A_222, %mul3A_189 : vector<16xf32>
      %swap3A_224 = arith.index_cast %scan3A_180 : i32 to index
      %swap3A_225 = arith.constant 48 : index
      %swap3A_226 = tpu.vector_load %arg11[%swap3A_224, %swap3A_225] {strides = array<i32>} : memref<128x64xf32, #tpu.memory_space<vmem>>, vector<1x16xf32>,
      %swap3A_227 = vector.shape_cast %swap3A_226 : vector<1x16xf32> to vector<16xf32>
      %swap3A_228 = vector.shape_cast %mul3A_223 : vector<16xf32> to vector<1x16xf32>
      tpu.vector_store %arg11[%swap3A_224, %swap3A_225], %swap3A_228 {strides = array<i32>} : memref<128x64xf32, #tpu.memory_space<vmem>>, vector<1x16xf32>,
      %scan3A_229 = arith.constant 0 : i32
      scf.yield %scan3A_229 : i32
    }
    %scan3A_110 = arith.constant 128 : i32
    %add3A_111 = arith.addi %mul3A_2, %add3A_102 : i32
    "tpu.region"() ({
      %run_scoped3A = tpu.sem_alloc : memref<!tpu.dma_semaphore, #tpu.memory_space<semaphore_mem>>
      %dma_start3A = arith.constant 0 : i32
      %dma_start3A_180 = tpu.memref_slice %arg7[%add3A_111, %dma_start3A] : memref<20480x64xf32, #tpu.memory_space<hbm>> -> memref<128x64xf32, #tpu.memory_space<hbm>>
      %dma_start3A_181 = arith.constant 0 : i32
      %dma_start3A_182 = tpu.memref_slice %arg7[%add3A_111, %dma_start3A_181] : memref<20480x64xf32, #tpu.memory_space<hbm>> -> memref<128x64xf32, #tpu.memory_space<hbm>>
      tpu.enqueue_dma source(%arg11 : memref<128x64xf32, #tpu.memory_space<vmem>>) target(%dma_start3A_182 : memref<128x64xf32, #tpu.memory_space<hbm>>) target_semaphore(%run_scoped3A : memref<!tpu.dma_semaphore, #tpu.memory_space<semaphore_mem>>)
      %dma_wait3A = arith.constant 0 : i32
      %dma_wait3A_183 = tpu.memref_slice %arg7[%add3A_111, %dma_wait3A] : memref<20480x64xf32, #tpu.memory_space<hbm>> -> memref<128x64xf32, #tpu.memory_space<hbm>>
      %dma_wait3A_184 = arith.constant 0 : i32
      %dma_wait3A_185 = tpu.memref_slice %arg7[%add3A_111, %dma_wait3A_184] : memref<20480x64xf32, #tpu.memory_space<hbm>> -> memref<128x64xf32, #tpu.memory_space<hbm>>
      tpu.wait_dma2 semaphore(%run_scoped3A : memref<!tpu.dma_semaphore, #tpu.memory_space<semaphore_mem>>) src(%arg11 : memref<128x64xf32, #tpu.memory_space<vmem>>) dst(%dma_wait3A_185 : memref<128x64xf32, #tpu.memory_space<hbm>>)
      tpu.yield
    }) : () -> ()
    "tpu.region"() ({
      %run_scoped3A = tpu.sem_alloc : memref<!tpu.dma_semaphore, #tpu.memory_space<semaphore_mem>>
      %dma_start3A = arith.constant 0 : i32
      %dma_start3A_180 = tpu.memref_slice %arg8[%add3A_102, %dma_start3A] : memref<10240x64xf32, #tpu.memory_space<vmem_shared>> -> memref<128x64xf32, #tpu.memory_space<vmem_shared>>
      %dma_start3A_181 = arith.constant 0 : i32
      %dma_start3A_182 = tpu.memref_slice %arg8[%add3A_102, %dma_start3A_181] : memref<10240x64xf32, #tpu.memory_space<vmem_shared>> -> memref<128x64xf32, #tpu.memory_space<vmem_shared>>
      tpu.enqueue_dma source(%arg11 : memref<128x64xf32, #tpu.memory_space<vmem>>) target(%dma_start3A_182 : memref<128x64xf32, #tpu.memory_space<vmem_shared>>) target_semaphore(%run_scoped3A : memref<!tpu.dma_semaphore, #tpu.memory_space<semaphore_mem>>)
      %dma_wait3A = arith.constant 0 : i32
      %dma_wait3A_183 = tpu.memref_slice %arg8[%add3A_102, %dma_wait3A] : memref<10240x64xf32, #tpu.memory_space<vmem_shared>> -> memref<128x64xf32, #tpu.memory_space<vmem_shared>>
      %dma_wait3A_184 = arith.constant 0 : i32
      %dma_wait3A_185 = tpu.memref_slice %arg8[%add3A_102, %dma_wait3A_184] : memref<10240x64xf32, #tpu.memory_space<vmem_shared>> -> memref<128x64xf32, #tpu.memory_space<vmem_shared>>
      tpu.wait_dma2 semaphore(%run_scoped3A : memref<!tpu.dma_semaphore, #tpu.memory_space<semaphore_mem>>) src(%arg11 : memref<128x64xf32, #tpu.memory_space<vmem>>) dst(%dma_wait3A_185 : memref<128x64xf32, #tpu.memory_space<vmem_shared>>)
      tpu.yield
    }) : () -> ()
    %add3A_112 = arith.constant 512 : i32
    %add3A_113 = arith.addi %mul3A_0, %add3A_112 : i32
    %add3A_114 = arith.addi %mul3A_2, %add3A_113 : i32
    "tpu.region"() ({
      %run_scoped3A = tpu.sem_alloc : memref<!tpu.dma_semaphore, #tpu.memory_space<semaphore_mem>>
      %dma_start3A = arith.constant 0 : i32
      %dma_start3A_180 = tpu.memref_slice %arg2[%add3A_114, %dma_start3A] : memref<20480x64xf32, #tpu.memory_space<hbm>> -> memref<128x64xf32, #tpu.memory_space<hbm>>
      %dma_start3A_181 = arith.constant 0 : i32
      %dma_start3A_182 = tpu.memref_slice %arg2[%add3A_114, %dma_start3A_181] : memref<20480x64xf32, #tpu.memory_space<hbm>> -> memref<128x64xf32, #tpu.memory_space<hbm>>
      tpu.enqueue_dma source(%dma_start3A_182 : memref<128x64xf32, #tpu.memory_space<hbm>>) target(%arg13 : memref<128x64xf32, #tpu.memory_space<vmem>>) target_semaphore(%run_scoped3A : memref<!tpu.dma_semaphore, #tpu.memory_space<semaphore_mem>>)
      %dma_wait3A = arith.constant 0 : i32
      %dma_wait3A_183 = tpu.memref_slice %arg2[%add3A_114, %dma_wait3A] : memref<20480x64xf32, #tpu.memory_space<hbm>> -> memref<128x64xf32, #tpu.memory_space<hbm>>
      %dma_wait3A_184 = arith.constant 0 : i32
      %dma_wait3A_185 = tpu.memref_slice %arg2[%add3A_114, %dma_wait3A_184] : memref<20480x64xf32, #tpu.memory_space<hbm>> -> memref<128x64xf32, #tpu.memory_space<hbm>>
      tpu.wait_dma2 semaphore(%run_scoped3A : memref<!tpu.dma_semaphore, #tpu.memory_space<semaphore_mem>>) src(%dma_wait3A_185 : memref<128x64xf32, #tpu.memory_space<hbm>>) dst(%arg13 : memref<128x64xf32, #tpu.memory_space<vmem>>)
      tpu.yield
    }) : () -> ()
    %scan3A_115 = arith.constant 0 : i32
    %scan3A_116 = arith.constant 0 : i32
    %scan3A_117 = arith.constant 128 : i32
    %scan3A_118 = arith.addi %scan3A_116, %scan3A_117 : i32
    %scan3A_119 = arith.constant 1 : i32
    %scan3A_120 = scf.for %scan3A_180 = %scan3A_116 to %scan3A_118 step %scan3A_119 iter_args(%scan3A_181 = %scan3A_115) -> (i32)  : i32 {
      %add3A_182 = arith.constant 512 : i32
      %add3A_183 = arith.addi %add3A_182, %scan3A_180 : i32
      %get3A = arith.index_cast %add3A_183 : i32 to index
      %get3A_184 = arith.constant 0 : index
      %get3A_185 = tpu.vector_load %arg14[%get3A, %get3A_184] {strides = array<i32>} : memref<640x16xf32, #tpu.memory_space<vmem>>, vector<1x16xf32>,
      %get3A_186 = vector.shape_cast %get3A_185 : vector<1x16xf32> to vector<16xf32>
      %broadcast_in_dim3A_187 = arith.constant 1.000000e+01 : f32
      %broadcast_in_dim3A_188 = vector.broadcast %broadcast_in_dim3A_187 : f32 to vector<16xf32>
      %mul3A_189 = arith.mulf %get3A_186, %broadcast_in_dim3A_188 : vector<16xf32>
      %get3A_190 = arith.index_cast %scan3A_180 : i32 to index
      %get3A_191 = arith.constant 0 : index
      %get3A_192 = tpu.vector_load %arg13[%get3A_190, %get3A_191] {strides = array<i32>} : memref<128x64xf32, #tpu.memory_space<vmem>>, vector<1x16xf32>,
      %get3A_193 = vector.shape_cast %get3A_192 : vector<1x16xf32> to vector<16xf32>
      %mul3A_194 = arith.mulf %get3A_193, %mul3A_189 : vector<16xf32>
      %swap3A = arith.index_cast %scan3A_180 : i32 to index
      %swap3A_195 = arith.constant 0 : index
      %swap3A_196 = tpu.vector_load %arg11[%swap3A, %swap3A_195] {strides = array<i32>} : memref<128x64xf32, #tpu.memory_space<vmem>>, vector<1x16xf32>,
      %swap3A_197 = vector.shape_cast %swap3A_196 : vector<1x16xf32> to vector<16xf32>
      %swap3A_198 = vector.shape_cast %mul3A_194 : vector<16xf32> to vector<1x16xf32>
      tpu.vector_store %arg11[%swap3A, %swap3A_195], %swap3A_198 {strides = array<i32>} : memref<128x64xf32, #tpu.memory_space<vmem>>, vector<1x16xf32>,
      %get3A_199 = arith.index_cast %scan3A_180 : i32 to index
      %get3A_200 = arith.constant 16 : index
      %get3A_201 = tpu.vector_load %arg13[%get3A_199, %get3A_200] {strides = array<i32>} : memref<128x64xf32, #tpu.memory_space<vmem>>, vector<1x16xf32>,
      %get3A_202 = vector.shape_cast %get3A_201 : vector<1x16xf32> to vector<16xf32>
      %mul3A_203 = arith.mulf %get3A_202, %mul3A_189 : vector<16xf32>
      %swap3A_204 = arith.index_cast %scan3A_180 : i32 to index
      %swap3A_205 = arith.constant 16 : index
      %swap3A_206 = tpu.vector_load %arg11[%swap3A_204, %swap3A_205] {strides = array<i32>} : memref<128x64xf32, #tpu.memory_space<vmem>>, vector<1x16xf32>,
      %swap3A_207 = vector.shape_cast %swap3A_206 : vector<1x16xf32> to vector<16xf32>
      %swap3A_208 = vector.shape_cast %mul3A_203 : vector<16xf32> to vector<1x16xf32>
      tpu.vector_store %arg11[%swap3A_204, %swap3A_205], %swap3A_208 {strides = array<i32>} : memref<128x64xf32, #tpu.memory_space<vmem>>, vector<1x16xf32>,
      %get3A_209 = arith.index_cast %scan3A_180 : i32 to index
      %get3A_210 = arith.constant 32 : index
      %get3A_211 = tpu.vector_load %arg13[%get3A_209, %get3A_210] {strides = array<i32>} : memref<128x64xf32, #tpu.memory_space<vmem>>, vector<1x16xf32>,
      %get3A_212 = vector.shape_cast %get3A_211 : vector<1x16xf32> to vector<16xf32>
      %mul3A_213 = arith.mulf %get3A_212, %mul3A_189 : vector<16xf32>
      %swap3A_214 = arith.index_cast %scan3A_180 : i32 to index
      %swap3A_215 = arith.constant 32 : index
      %swap3A_216 = tpu.vector_load %arg11[%swap3A_214, %swap3A_215] {strides = array<i32>} : memref<128x64xf32, #tpu.memory_space<vmem>>, vector<1x16xf32>,
      %swap3A_217 = vector.shape_cast %swap3A_216 : vector<1x16xf32> to vector<16xf32>
      %swap3A_218 = vector.shape_cast %mul3A_213 : vector<16xf32> to vector<1x16xf32>
      tpu.vector_store %arg11[%swap3A_214, %swap3A_215], %swap3A_218 {strides = array<i32>} : memref<128x64xf32, #tpu.memory_space<vmem>>, vector<1x16xf32>,
      %get3A_219 = arith.index_cast %scan3A_180 : i32 to index
      %get3A_220 = arith.constant 48 : index
      %get3A_221 = tpu.vector_load %arg13[%get3A_219, %get3A_220] {strides = array<i32>} : memref<128x64xf32, #tpu.memory_space<vmem>>, vector<1x16xf32>,
      %get3A_222 = vector.shape_cast %get3A_221 : vector<1x16xf32> to vector<16xf32>
      %mul3A_223 = arith.mulf %get3A_222, %mul3A_189 : vector<16xf32>
      %swap3A_224 = arith.index_cast %scan3A_180 : i32 to index
      %swap3A_225 = arith.constant 48 : index
      %swap3A_226 = tpu.vector_load %arg11[%swap3A_224, %swap3A_225] {strides = array<i32>} : memref<128x64xf32, #tpu.memory_space<vmem>>, vector<1x16xf32>,
      %swap3A_227 = vector.shape_cast %swap3A_226 : vector<1x16xf32> to vector<16xf32>
      %swap3A_228 = vector.shape_cast %mul3A_223 : vector<16xf32> to vector<1x16xf32>
      tpu.vector_store %arg11[%swap3A_224, %swap3A_225], %swap3A_228 {strides = array<i32>} : memref<128x64xf32, #tpu.memory_space<vmem>>, vector<1x16xf32>,
      %scan3A_229 = arith.constant 0 : i32
      scf.yield %scan3A_229 : i32
    }
    %scan3A_121 = arith.constant 128 : i32
    %add3A_122 = arith.addi %mul3A_2, %add3A_113 : i32
    "tpu.region"() ({
      %run_scoped3A = tpu.sem_alloc : memref<!tpu.dma_semaphore, #tpu.memory_space<semaphore_mem>>
      %dma_start3A = arith.constant 0 : i32
      %dma_start3A_180 = tpu.memref_slice %arg7[%add3A_122, %dma_start3A] : memref<20480x64xf32, #tpu.memory_space<hbm>> -> memref<128x64xf32, #tpu.memory_space<hbm>>
      %dma_start3A_181 = arith.constant 0 : i32
      %dma_start3A_182 = tpu.memref_slice %arg7[%add3A_122, %dma_start3A_181] : memref<20480x64xf32, #tpu.memory_space<hbm>> -> memref<128x64xf32, #tpu.memory_space<hbm>>
      tpu.enqueue_dma source(%arg11 : memref<128x64xf32, #tpu.memory_space<vmem>>) target(%dma_start3A_182 : memref<128x64xf32, #tpu.memory_space<hbm>>) target_semaphore(%run_scoped3A : memref<!tpu.dma_semaphore, #tpu.memory_space<semaphore_mem>>)
      %dma_wait3A = arith.constant 0 : i32
      %dma_wait3A_183 = tpu.memref_slice %arg7[%add3A_122, %dma_wait3A] : memref<20480x64xf32, #tpu.memory_space<hbm>> -> memref<128x64xf32, #tpu.memory_space<hbm>>
      %dma_wait3A_184 = arith.constant 0 : i32
      %dma_wait3A_185 = tpu.memref_slice %arg7[%add3A_122, %dma_wait3A_184] : memref<20480x64xf32, #tpu.memory_space<hbm>> -> memref<128x64xf32, #tpu.memory_space<hbm>>
      tpu.wait_dma2 semaphore(%run_scoped3A : memref<!tpu.dma_semaphore, #tpu.memory_space<semaphore_mem>>) src(%arg11 : memref<128x64xf32, #tpu.memory_space<vmem>>) dst(%dma_wait3A_185 : memref<128x64xf32, #tpu.memory_space<hbm>>)
      tpu.yield
    }) : () -> ()
    "tpu.region"() ({
      %run_scoped3A = tpu.sem_alloc : memref<!tpu.dma_semaphore, #tpu.memory_space<semaphore_mem>>
      %dma_start3A = arith.constant 0 : i32
      %dma_start3A_180 = tpu.memref_slice %arg8[%add3A_113, %dma_start3A] : memref<10240x64xf32, #tpu.memory_space<vmem_shared>> -> memref<128x64xf32, #tpu.memory_space<vmem_shared>>
      %dma_start3A_181 = arith.constant 0 : i32
      %dma_start3A_182 = tpu.memref_slice %arg8[%add3A_113, %dma_start3A_181] : memref<10240x64xf32, #tpu.memory_space<vmem_shared>> -> memref<128x64xf32, #tpu.memory_space<vmem_shared>>
      tpu.enqueue_dma source(%arg11 : memref<128x64xf32, #tpu.memory_space<vmem>>) target(%dma_start3A_182 : memref<128x64xf32, #tpu.memory_space<vmem_shared>>) target_semaphore(%run_scoped3A : memref<!tpu.dma_semaphore, #tpu.memory_space<semaphore_mem>>)
      %dma_wait3A = arith.constant 0 : i32
      %dma_wait3A_183 = tpu.memref_slice %arg8[%add3A_113, %dma_wait3A] : memref<10240x64xf32, #tpu.memory_space<vmem_shared>> -> memref<128x64xf32, #tpu.memory_space<vmem_shared>>
      %dma_wait3A_184 = arith.constant 0 : i32
      %dma_wait3A_185 = tpu.memref_slice %arg8[%add3A_113, %dma_wait3A_184] : memref<10240x64xf32, #tpu.memory_space<vmem_shared>> -> memref<128x64xf32, #tpu.memory_space<vmem_shared>>
      tpu.wait_dma2 semaphore(%run_scoped3A : memref<!tpu.dma_semaphore, #tpu.memory_space<semaphore_mem>>) src(%arg11 : memref<128x64xf32, #tpu.memory_space<vmem>>) dst(%dma_wait3A_185 : memref<128x64xf32, #tpu.memory_space<vmem_shared>>)
      tpu.yield
    }) : () -> ()
    %barrier3A_123 = arith.constant 0 : index
    tpu.barrier barrier_id(%barrier3A_123)
    %scan3A_124 = arith.constant 0 : i32
    %scan3A_125 = arith.constant 0 : i32
    %scan3A_126 = arith.constant 10 : i32
    %scan3A_127 = arith.addi %scan3A_125, %scan3A_126 : i32
    %scan3A_128 = arith.constant 1 : i32
    scf.for %scan3A_180 = %scan3A_125 to %scan3A_127 step %scan3A_128  : i32 {
      %scan3A_181 = arith.constant 0 : i32
      %scan3A_182 = arith.constant 0 : i32
      %scan3A_183 = arith.constant 80 : i32
      %scan3A_184 = arith.addi %scan3A_182, %scan3A_183 : i32
      %scan3A_185 = arith.constant 1 : i32
      %scan3A_186 = scf.for %scan3A_245 = %scan3A_182 to %scan3A_184 step %scan3A_185 iter_args(%scan3A_246 = %scan3A_181) -> (i32)  : i32 {
        %mul3A_247 = arith.constant 2 : i32
        %mul3A_248 = arith.muli %scan3A_245, %mul3A_247 : i32
        %dma_start3A = arith.constant 0 : i32
        %dma_start3A_249 = tpu.memref_slice %arg9[%mul3A_248, %dma_start3A] : memref<160x128xi32, #tpu.memory_space<vmem>> -> memref<1x128xi32, #tpu.memory_space<vmem>>
        %dma_start3A_250 = tpu.memref_squeeze %dma_start3A_249 : memref<1x128xi32, #tpu.memory_space<vmem>> -> memref<128xi32, #tpu.memory_space<vmem>>
        %dma_start3A_251 = arith.constant 0 : i32
        %dma_start3A_252 = arith.constant 0 : i32
        %dma_start3A_253 = tpu.memref_slice %arg7[%dma_start3A_251, %dma_start3A_252] : memref<20480x64xf32, #tpu.memory_space<hbm>> -> memref<20480x64xf32, #tpu.memory_space<hbm>>
        tpu.enqueue_indirect_dma source(%dma_start3A_253 : memref<20480x64xf32, #tpu.memory_space<hbm>>) target(%arg11 : memref<128x64xf32, #tpu.memory_space<vmem>>) offsets(%dma_start3A_250 : memref<128xi32, #tpu.memory_space<vmem>>) semaphore(%arg16 : memref<!tpu.dma_semaphore, #tpu.memory_space<semaphore_mem>>)
        %add3A_254 = arith.constant 1 : i32
        %add3A_255 = arith.addi %mul3A_248, %add3A_254 : i32
        %dma_start3A_256 = arith.constant 0 : i32
        %dma_start3A_257 = tpu.memref_slice %arg9[%add3A_255, %dma_start3A_256] : memref<160x128xi32, #tpu.memory_space<vmem>> -> memref<1x128xi32, #tpu.memory_space<vmem>>
        %dma_start3A_258 = tpu.memref_squeeze %dma_start3A_257 : memref<1x128xi32, #tpu.memory_space<vmem>> -> memref<128xi32, #tpu.memory_space<vmem>>
        %dma_start3A_259 = arith.constant 0 : i32
        %dma_start3A_260 = arith.constant 0 : i32
        %dma_start3A_261 = tpu.memref_slice %arg7[%dma_start3A_259, %dma_start3A_260] : memref<20480x64xf32, #tpu.memory_space<hbm>> -> memref<20480x64xf32, #tpu.memory_space<hbm>>
        tpu.enqueue_indirect_dma source(%dma_start3A_261 : memref<20480x64xf32, #tpu.memory_space<hbm>>) target(%arg12 : memref<128x64xf32, #tpu.memory_space<vmem>>) offsets(%dma_start3A_258 : memref<128xi32, #tpu.memory_space<vmem>>) semaphore(%arg17 : memref<!tpu.dma_semaphore, #tpu.memory_space<semaphore_mem>>)
        %dma_wait3A = arith.constant 0 : i32
        %dma_wait3A_262 = tpu.memref_slice %arg9[%mul3A_248, %dma_wait3A] : memref<160x128xi32, #tpu.memory_space<vmem>> -> memref<1x128xi32, #tpu.memory_space<vmem>>
        %dma_wait3A_263 = tpu.memref_squeeze %dma_wait3A_262 : memref<1x128xi32, #tpu.memory_space<vmem>> -> memref<128xi32, #tpu.memory_space<vmem>>
        %dma_wait3A_264 = arith.constant 0 : i32
        %dma_wait3A_265 = arith.constant 0 : i32
        %dma_wait3A_266 = tpu.memref_slice %arg7[%dma_wait3A_264, %dma_wait3A_265] : memref<20480x64xf32, #tpu.memory_space<hbm>> -> memref<20480x64xf32, #tpu.memory_space<hbm>>
        tpu.wait_indirect_dma semaphore(%arg16 : memref<!tpu.dma_semaphore, #tpu.memory_space<semaphore_mem>>) src(%dma_wait3A_266 : memref<20480x64xf32, #tpu.memory_space<hbm>>) dst(%arg11 : memref<128x64xf32, #tpu.memory_space<vmem>>)
        %dma_start3A_267 = arith.constant 0 : i32
        %dma_start3A_268 = tpu.memref_slice %arg10[%mul3A_248, %dma_start3A_267] : memref<160x128xi32, #tpu.memory_space<vmem>> -> memref<1x128xi32, #tpu.memory_space<vmem>>
        %dma_start3A_269 = tpu.memref_squeeze %dma_start3A_268 : memref<1x128xi32, #tpu.memory_space<vmem>> -> memref<128xi32, #tpu.memory_space<vmem>>
        %dma_start3A_270 = arith.constant 0 : i32
        %dma_start3A_271 = arith.constant 0 : i32
        %dma_start3A_272 = tpu.memref_slice %arg8[%dma_start3A_270, %dma_start3A_271] : memref<10240x64xf32, #tpu.memory_space<vmem_shared>> -> memref<10240x64xf32, #tpu.memory_space<vmem_shared>>
        %dma_start3A_273 = arith.constant -1 : i32
        tpu.enqueue_indirect_dma source(%arg11 : memref<128x64xf32, #tpu.memory_space<vmem>>) target(%dma_start3A_272 : memref<10240x64xf32, #tpu.memory_space<vmem_shared>>) offsets(%dma_start3A_269 : memref<128xi32, #tpu.memory_space<vmem>>) offset_filter(%dma_start3A_273) semaphore(%arg16 : memref<!tpu.dma_semaphore, #tpu.memory_space<semaphore_mem>>) {add = true}
        %dma_wait3A_274 = arith.constant 0 : i32
        %dma_wait3A_275 = tpu.memref_slice %arg9[%add3A_255, %dma_wait3A_274] : memref<160x128xi32, #tpu.memory_space<vmem>> -> memref<1x128xi32, #tpu.memory_space<vmem>>
        %dma_wait3A_276 = tpu.memref_squeeze %dma_wait3A_275 : memref<1x128xi32, #tpu.memory_space<vmem>> -> memref<128xi32, #tpu.memory_space<vmem>>
        %dma_wait3A_277 = arith.constant 0 : i32
        %dma_wait3A_278 = arith.constant 0 : i32
        %dma_wait3A_279 = tpu.memref_slice %arg7[%dma_wait3A_277, %dma_wait3A_278] : memref<20480x64xf32, #tpu.memory_space<hbm>> -> memref<20480x64xf32, #tpu.memory_space<hbm>>
        tpu.wait_indirect_dma semaphore(%arg17 : memref<!tpu.dma_semaphore, #tpu.memory_space<semaphore_mem>>) src(%dma_wait3A_279 : memref<20480x64xf32, #tpu.memory_space<hbm>>) dst(%arg12 : memref<128x64xf32, #tpu.memory_space<vmem>>)
        %add3A_280 = arith.constant 1 : i32
        %add3A_281 = arith.addi %mul3A_248, %add3A_280 : i32
        %dma_start3A_282 = arith.constant 0 : i32
        %dma_start3A_283 = tpu.memref_slice %arg10[%add3A_281, %dma_start3A_282] : memref<160x128xi32, #tpu.memory_space<vmem>> -> memref<1x128xi32, #tpu.memory_space<vmem>>
        %dma_start3A_284 = tpu.memref_squeeze %dma_start3A_283 : memref<1x128xi32, #tpu.memory_space<vmem>> -> memref<128xi32, #tpu.memory_space<vmem>>
        %dma_start3A_285 = arith.constant 0 : i32
        %dma_start3A_286 = arith.constant 0 : i32
        %dma_start3A_287 = tpu.memref_slice %arg8[%dma_start3A_285, %dma_start3A_286] : memref<10240x64xf32, #tpu.memory_space<vmem_shared>> -> memref<10240x64xf32, #tpu.memory_space<vmem_shared>>
        %dma_start3A_288 = arith.constant -1 : i32
        tpu.enqueue_indirect_dma source(%arg12 : memref<128x64xf32, #tpu.memory_space<vmem>>) target(%dma_start3A_287 : memref<10240x64xf32, #tpu.memory_space<vmem_shared>>) offsets(%dma_start3A_284 : memref<128xi32, #tpu.memory_space<vmem>>) offset_filter(%dma_start3A_288) semaphore(%arg17 : memref<!tpu.dma_semaphore, #tpu.memory_space<semaphore_mem>>) {add = true}
        %dma_wait3A_289 = arith.constant 0 : i32
        %dma_wait3A_290 = tpu.memref_slice %arg10[%mul3A_248, %dma_wait3A_289] : memref<160x128xi32, #tpu.memory_space<vmem>> -> memref<1x128xi32, #tpu.memory_space<vmem>>
        %dma_wait3A_291 = tpu.memref_squeeze %dma_wait3A_290 : memref<1x128xi32, #tpu.memory_space<vmem>> -> memref<128xi32, #tpu.memory_space<vmem>>
        %dma_wait3A_292 = arith.constant 0 : i32
        %dma_wait3A_293 = arith.constant 0 : i32
        %dma_wait3A_294 = tpu.memref_slice %arg8[%dma_wait3A_292, %dma_wait3A_293] : memref<10240x64xf32, #tpu.memory_space<vmem_shared>> -> memref<10240x64xf32, #tpu.memory_space<vmem_shared>>
        tpu.wait_indirect_dma semaphore(%arg16 : memref<!tpu.dma_semaphore, #tpu.memory_space<semaphore_mem>>) src(%arg11 : memref<128x64xf32, #tpu.memory_space<vmem>>) dst(%dma_wait3A_294 : memref<10240x64xf32, #tpu.memory_space<vmem_shared>>)
        %dma_wait3A_295 = arith.constant 0 : i32
        %dma_wait3A_296 = tpu.memref_slice %arg10[%add3A_281, %dma_wait3A_295] : memref<160x128xi32, #tpu.memory_space<vmem>> -> memref<1x128xi32, #tpu.memory_space<vmem>>
        %dma_wait3A_297 = tpu.memref_squeeze %dma_wait3A_296 : memref<1x128xi32, #tpu.memory_space<vmem>> -> memref<128xi32, #tpu.memory_space<vmem>>
        %dma_wait3A_298 = arith.constant 0 : i32
        %dma_wait3A_299 = arith.constant 0 : i32
        %dma_wait3A_300 = tpu.memref_slice %arg8[%dma_wait3A_298, %dma_wait3A_299] : memref<10240x64xf32, #tpu.memory_space<vmem_shared>> -> memref<10240x64xf32, #tpu.memory_space<vmem_shared>>
        tpu.wait_indirect_dma semaphore(%arg17 : memref<!tpu.dma_semaphore, #tpu.memory_space<semaphore_mem>>) src(%arg12 : memref<128x64xf32, #tpu.memory_space<vmem>>) dst(%dma_wait3A_300 : memref<10240x64xf32, #tpu.memory_space<vmem_shared>>)
        %scan3A_301 = arith.constant 0 : i32
        scf.yield %scan3A_301 : i32
      }
      %scan3A_187 = arith.constant 80 : i32
      %barrier3A_188 = arith.constant 0 : index
      tpu.barrier barrier_id(%barrier3A_188)
      %add3A_189 = arith.constant 0 : i32
      %add3A_190 = arith.addi %mul3A_0, %add3A_189 : i32
      "tpu.region"() ({
        %run_scoped3A = tpu.sem_alloc : memref<!tpu.dma_semaphore, #tpu.memory_space<semaphore_mem>>
        %dma_start3A = arith.constant 0 : i32
        %dma_start3A_245 = tpu.memref_slice %arg8[%add3A_190, %dma_start3A] : memref<10240x64xf32, #tpu.memory_space<vmem_shared>> -> memref<128x64xf32, #tpu.memory_space<vmem_shared>>
        %dma_start3A_246 = arith.constant 0 : i32
        %dma_start3A_247 = tpu.memref_slice %arg8[%add3A_190, %dma_start3A_246] : memref<10240x64xf32, #tpu.memory_space<vmem_shared>> -> memref<128x64xf32, #tpu.memory_space<vmem_shared>>
        tpu.enqueue_dma source(%dma_start3A_247 : memref<128x64xf32, #tpu.memory_space<vmem_shared>>) target(%arg11 : memref<128x64xf32, #tpu.memory_space<vmem>>) target_semaphore(%run_scoped3A : memref<!tpu.dma_semaphore, #tpu.memory_space<semaphore_mem>>)
        %dma_wait3A = arith.constant 0 : i32
        %dma_wait3A_248 = tpu.memref_slice %arg8[%add3A_190, %dma_wait3A] : memref<10240x64xf32, #tpu.memory_space<vmem_shared>> -> memref<128x64xf32, #tpu.memory_space<vmem_shared>>
        %dma_wait3A_249 = arith.constant 0 : i32
        %dma_wait3A_250 = tpu.memref_slice %arg8[%add3A_190, %dma_wait3A_249] : memref<10240x64xf32, #tpu.memory_space<vmem_shared>> -> memref<128x64xf32, #tpu.memory_space<vmem_shared>>
        tpu.wait_dma2 semaphore(%run_scoped3A : memref<!tpu.dma_semaphore, #tpu.memory_space<semaphore_mem>>) src(%dma_wait3A_250 : memref<128x64xf32, #tpu.memory_space<vmem_shared>>) dst(%arg11 : memref<128x64xf32, #tpu.memory_space<vmem>>)
        tpu.yield
      }) : () -> ()
      %add3A_191 = arith.addi %mul3A_2, %add3A_190 : i32
      "tpu.region"() ({
        %run_scoped3A = tpu.sem_alloc : memref<!tpu.dma_semaphore, #tpu.memory_space<semaphore_mem>>
        %dma_start3A = arith.constant 0 : i32
        %dma_start3A_245 = tpu.memref_slice %arg2[%add3A_191, %dma_start3A] : memref<20480x64xf32, #tpu.memory_space<hbm>> -> memref<128x64xf32, #tpu.memory_space<hbm>>
        %dma_start3A_246 = arith.constant 0 : i32
        %dma_start3A_247 = tpu.memref_slice %arg2[%add3A_191, %dma_start3A_246] : memref<20480x64xf32, #tpu.memory_space<hbm>> -> memref<128x64xf32, #tpu.memory_space<hbm>>
        tpu.enqueue_dma source(%dma_start3A_247 : memref<128x64xf32, #tpu.memory_space<hbm>>) target(%arg13 : memref<128x64xf32, #tpu.memory_space<vmem>>) target_semaphore(%run_scoped3A : memref<!tpu.dma_semaphore, #tpu.memory_space<semaphore_mem>>)
        %dma_wait3A = arith.constant 0 : i32
        %dma_wait3A_248 = tpu.memref_slice %arg2[%add3A_191, %dma_wait3A] : memref<20480x64xf32, #tpu.memory_space<hbm>> -> memref<128x64xf32, #tpu.memory_space<hbm>>
        %dma_wait3A_249 = arith.constant 0 : i32
        %dma_wait3A_250 = tpu.memref_slice %arg2[%add3A_191, %dma_wait3A_249] : memref<20480x64xf32, #tpu.memory_space<hbm>> -> memref<128x64xf32, #tpu.memory_space<hbm>>
        tpu.wait_dma2 semaphore(%run_scoped3A : memref<!tpu.dma_semaphore, #tpu.memory_space<semaphore_mem>>) src(%dma_wait3A_250 : memref<128x64xf32, #tpu.memory_space<hbm>>) dst(%arg13 : memref<128x64xf32, #tpu.memory_space<vmem>>)
        tpu.yield
      }) : () -> ()
      %scan3A_192 = arith.constant 0 : i32
      %scan3A_193 = arith.constant 0 : i32
      %scan3A_194 = arith.constant 128 : i32
      %scan3A_195 = arith.addi %scan3A_193, %scan3A_194 : i32
      %scan3A_196 = arith.constant 1 : i32
      %scan3A_197 = scf.for %scan3A_245 = %scan3A_193 to %scan3A_195 step %scan3A_196 iter_args(%scan3A_246 = %scan3A_192) -> (i32)  : i32 {
        %add3A_247 = arith.constant 0 : i32
        %add3A_248 = arith.addi %add3A_247, %scan3A_245 : i32
        %get3A = arith.index_cast %add3A_248 : i32 to index
        %get3A_249 = arith.constant 0 : index
        %get3A_250 = tpu.vector_load %arg15[%get3A, %get3A_249] {strides = array<i32>} : memref<640x16xf32, #tpu.memory_space<vmem>>, vector<1x16xf32>,
        %get3A_251 = vector.shape_cast %get3A_250 : vector<1x16xf32> to vector<16xf32>
        %add3A_252 = arith.constant 0 : i32
        %add3A_253 = arith.addi %add3A_252, %scan3A_245 : i32
        %get3A_254 = arith.index_cast %add3A_253 : i32 to index
        %get3A_255 = arith.constant 0 : index
        %get3A_256 = tpu.vector_load %arg14[%get3A_254, %get3A_255] {strides = array<i32>} : memref<640x16xf32, #tpu.memory_space<vmem>>, vector<1x16xf32>,
        %get3A_257 = vector.shape_cast %get3A_256 : vector<1x16xf32> to vector<16xf32>
        %get3A_258 = arith.index_cast %scan3A_245 : i32 to index
        %get3A_259 = arith.constant 0 : index
        %get3A_260 = tpu.vector_load %arg11[%get3A_258, %get3A_259] {strides = array<i32>} : memref<128x64xf32, #tpu.memory_space<vmem>>, vector<1x16xf32>,
        %get3A_261 = vector.shape_cast %get3A_260 : vector<1x16xf32> to vector<16xf32>
        %mul3A_262 = arith.mulf %get3A_251, %get3A_261 : vector<16xf32>
        %get3A_263 = arith.index_cast %scan3A_245 : i32 to index
        %get3A_264 = arith.constant 0 : index
        %get3A_265 = tpu.vector_load %arg13[%get3A_263, %get3A_264] {strides = array<i32>} : memref<128x64xf32, #tpu.memory_space<vmem>>, vector<1x16xf32>,
        %get3A_266 = vector.shape_cast %get3A_265 : vector<1x16xf32> to vector<16xf32>
        %mul3A_267 = arith.mulf %get3A_257, %get3A_266 : vector<16xf32>
        %add3A_268 = arith.addf %mul3A_262, %mul3A_267 : vector<16xf32>
        %swap3A = arith.index_cast %scan3A_245 : i32 to index
        %swap3A_269 = arith.constant 0 : index
        %swap3A_270 = tpu.vector_load %arg11[%swap3A, %swap3A_269] {strides = array<i32>} : memref<128x64xf32, #tpu.memory_space<vmem>>, vector<1x16xf32>,
        %swap3A_271 = vector.shape_cast %swap3A_270 : vector<1x16xf32> to vector<16xf32>
        %swap3A_272 = vector.shape_cast %add3A_268 : vector<16xf32> to vector<1x16xf32>
        tpu.vector_store %arg11[%swap3A, %swap3A_269], %swap3A_272 {strides = array<i32>} : memref<128x64xf32, #tpu.memory_space<vmem>>, vector<1x16xf32>,
        %get3A_273 = arith.index_cast %scan3A_245 : i32 to index
        %get3A_274 = arith.constant 16 : index
        %get3A_275 = tpu.vector_load %arg11[%get3A_273, %get3A_274] {strides = array<i32>} : memref<128x64xf32, #tpu.memory_space<vmem>>, vector<1x16xf32>,
        %get3A_276 = vector.shape_cast %get3A_275 : vector<1x16xf32> to vector<16xf32>
        %mul3A_277 = arith.mulf %get3A_251, %get3A_276 : vector<16xf32>
        %get3A_278 = arith.index_cast %scan3A_245 : i32 to index
        %get3A_279 = arith.constant 16 : index
        %get3A_280 = tpu.vector_load %arg13[%get3A_278, %get3A_279] {strides = array<i32>} : memref<128x64xf32, #tpu.memory_space<vmem>>, vector<1x16xf32>,
        %get3A_281 = vector.shape_cast %get3A_280 : vector<1x16xf32> to vector<16xf32>
        %mul3A_282 = arith.mulf %get3A_257, %get3A_281 : vector<16xf32>
        %add3A_283 = arith.addf %mul3A_277, %mul3A_282 : vector<16xf32>
        %swap3A_284 = arith.index_cast %scan3A_245 : i32 to index
        %swap3A_285 = arith.constant 16 : index
        %swap3A_286 = tpu.vector_load %arg11[%swap3A_284, %swap3A_285] {strides = array<i32>} : memref<128x64xf32, #tpu.memory_space<vmem>>, vector<1x16xf32>,
        %swap3A_287 = vector.shape_cast %swap3A_286 : vector<1x16xf32> to vector<16xf32>
        %swap3A_288 = vector.shape_cast %add3A_283 : vector<16xf32> to vector<1x16xf32>
        tpu.vector_store %arg11[%swap3A_284, %swap3A_285], %swap3A_288 {strides = array<i32>} : memref<128x64xf32, #tpu.memory_space<vmem>>, vector<1x16xf32>,
        %get3A_289 = arith.index_cast %scan3A_245 : i32 to index
        %get3A_290 = arith.constant 32 : index
        %get3A_291 = tpu.vector_load %arg11[%get3A_289, %get3A_290] {strides = array<i32>} : memref<128x64xf32, #tpu.memory_space<vmem>>, vector<1x16xf32>,
        %get3A_292 = vector.shape_cast %get3A_291 : vector<1x16xf32> to vector<16xf32>
        %mul3A_293 = arith.mulf %get3A_251, %get3A_292 : vector<16xf32>
        %get3A_294 = arith.index_cast %scan3A_245 : i32 to index
        %get3A_295 = arith.constant 32 : index
        %get3A_296 = tpu.vector_load %arg13[%get3A_294, %get3A_295] {strides = array<i32>} : memref<128x64xf32, #tpu.memory_space<vmem>>, vector<1x16xf32>,
        %get3A_297 = vector.shape_cast %get3A_296 : vector<1x16xf32> to vector<16xf32>
        %mul3A_298 = arith.mulf %get3A_257, %get3A_297 : vector<16xf32>
        %add3A_299 = arith.addf %mul3A_293, %mul3A_298 : vector<16xf32>
        %swap3A_300 = arith.index_cast %scan3A_245 : i32 to index
        %swap3A_301 = arith.constant 32 : index
        %swap3A_302 = tpu.vector_load %arg11[%swap3A_300, %swap3A_301] {strides = array<i32>} : memref<128x64xf32, #tpu.memory_space<vmem>>, vector<1x16xf32>,
        %swap3A_303 = vector.shape_cast %swap3A_302 : vector<1x16xf32> to vector<16xf32>
        %swap3A_304 = vector.shape_cast %add3A_299 : vector<16xf32> to vector<1x16xf32>
        tpu.vector_store %arg11[%swap3A_300, %swap3A_301], %swap3A_304 {strides = array<i32>} : memref<128x64xf32, #tpu.memory_space<vmem>>, vector<1x16xf32>,
        %get3A_305 = arith.index_cast %scan3A_245 : i32 to index
        %get3A_306 = arith.constant 48 : index
        %get3A_307 = tpu.vector_load %arg11[%get3A_305, %get3A_306] {strides = array<i32>} : memref<128x64xf32, #tpu.memory_space<vmem>>, vector<1x16xf32>,
        %get3A_308 = vector.shape_cast %get3A_307 : vector<1x16xf32> to vector<16xf32>
        %mul3A_309 = arith.mulf %get3A_251, %get3A_308 : vector<16xf32>
        %get3A_310 = arith.index_cast %scan3A_245 : i32 to index
        %get3A_311 = arith.constant 48 : index
        %get3A_312 = tpu.vector_load %arg13[%get3A_310, %get3A_311] {strides = array<i32>} : memref<128x64xf32, #tpu.memory_space<vmem>>, vector<1x16xf32>,
        %get3A_313 = vector.shape_cast %get3A_312 : vector<1x16xf32> to vector<16xf32>
        %mul3A_314 = arith.mulf %get3A_257, %get3A_313 : vector<16xf32>
        %add3A_315 = arith.addf %mul3A_309, %mul3A_314 : vector<16xf32>
        %swap3A_316 = arith.index_cast %scan3A_245 : i32 to index
        %swap3A_317 = arith.constant 48 : index
        %swap3A_318 = tpu.vector_load %arg11[%swap3A_316, %swap3A_317] {strides = array<i32>} : memref<128x64xf32, #tpu.memory_space<vmem>>, vector<1x16xf32>,
        %swap3A_319 = vector.shape_cast %swap3A_318 : vector<1x16xf32> to vector<16xf32>
        %swap3A_320 = vector.shape_cast %add3A_315 : vector<16xf32> to vector<1x16xf32>
        tpu.vector_store %arg11[%swap3A_316, %swap3A_317], %swap3A_320 {strides = array<i32>} : memref<128x64xf32, #tpu.memory_space<vmem>>, vector<1x16xf32>,
        %scan3A_321 = arith.constant 0 : i32
        scf.yield %scan3A_321 : i32
      }
      %scan3A_198 = arith.constant 128 : i32
      %add3A_199 = arith.addi %mul3A_2, %add3A_190 : i32
      "tpu.region"() ({
        %run_scoped3A = tpu.sem_alloc : memref<!tpu.dma_semaphore, #tpu.memory_space<semaphore_mem>>
        %dma_start3A = arith.constant 0 : i32
        %dma_start3A_245 = tpu.memref_slice %arg7[%add3A_199, %dma_start3A] : memref<20480x64xf32, #tpu.memory_space<hbm>> -> memref<128x64xf32, #tpu.memory_space<hbm>>
        %dma_start3A_246 = arith.constant 0 : i32
        %dma_start3A_247 = tpu.memref_slice %arg7[%add3A_199, %dma_start3A_246] : memref<20480x64xf32, #tpu.memory_space<hbm>> -> memref<128x64xf32, #tpu.memory_space<hbm>>
        tpu.enqueue_dma source(%arg11 : memref<128x64xf32, #tpu.memory_space<vmem>>) target(%dma_start3A_247 : memref<128x64xf32, #tpu.memory_space<hbm>>) target_semaphore(%run_scoped3A : memref<!tpu.dma_semaphore, #tpu.memory_space<semaphore_mem>>)
        %dma_wait3A = arith.constant 0 : i32
        %dma_wait3A_248 = tpu.memref_slice %arg7[%add3A_199, %dma_wait3A] : memref<20480x64xf32, #tpu.memory_space<hbm>> -> memref<128x64xf32, #tpu.memory_space<hbm>>
        %dma_wait3A_249 = arith.constant 0 : i32
        %dma_wait3A_250 = tpu.memref_slice %arg7[%add3A_199, %dma_wait3A_249] : memref<20480x64xf32, #tpu.memory_space<hbm>> -> memref<128x64xf32, #tpu.memory_space<hbm>>
        tpu.wait_dma2 semaphore(%run_scoped3A : memref<!tpu.dma_semaphore, #tpu.memory_space<semaphore_mem>>) src(%arg11 : memref<128x64xf32, #tpu.memory_space<vmem>>) dst(%dma_wait3A_250 : memref<128x64xf32, #tpu.memory_space<hbm>>)
        tpu.yield
      }) : () -> ()
      "tpu.region"() ({
        %run_scoped3A = tpu.sem_alloc : memref<!tpu.dma_semaphore, #tpu.memory_space<semaphore_mem>>
        %dma_start3A = arith.constant 0 : i32
        %dma_start3A_245 = tpu.memref_slice %arg8[%add3A_190, %dma_start3A] : memref<10240x64xf32, #tpu.memory_space<vmem_shared>> -> memref<128x64xf32, #tpu.memory_space<vmem_shared>>
        %dma_start3A_246 = arith.constant 0 : i32
        %dma_start3A_247 = tpu.memref_slice %arg8[%add3A_190, %dma_start3A_246] : memref<10240x64xf32, #tpu.memory_space<vmem_shared>> -> memref<128x64xf32, #tpu.memory_space<vmem_shared>>
        tpu.enqueue_dma source(%arg11 : memref<128x64xf32, #tpu.memory_space<vmem>>) target(%dma_start3A_247 : memref<128x64xf32, #tpu.memory_space<vmem_shared>>) target_semaphore(%run_scoped3A : memref<!tpu.dma_semaphore, #tpu.memory_space<semaphore_mem>>)
        %dma_wait3A = arith.constant 0 : i32
        %dma_wait3A_248 = tpu.memref_slice %arg8[%add3A_190, %dma_wait3A] : memref<10240x64xf32, #tpu.memory_space<vmem_shared>> -> memref<128x64xf32, #tpu.memory_space<vmem_shared>>
        %dma_wait3A_249 = arith.constant 0 : i32
        %dma_wait3A_250 = tpu.memref_slice %arg8[%add3A_190, %dma_wait3A_249] : memref<10240x64xf32, #tpu.memory_space<vmem_shared>> -> memref<128x64xf32, #tpu.memory_space<vmem_shared>>
        tpu.wait_dma2 semaphore(%run_scoped3A : memref<!tpu.dma_semaphore, #tpu.memory_space<semaphore_mem>>) src(%arg11 : memref<128x64xf32, #tpu.memory_space<vmem>>) dst(%dma_wait3A_250 : memref<128x64xf32, #tpu.memory_space<vmem_shared>>)
        tpu.yield
      }) : () -> ()
      %add3A_200 = arith.constant 128 : i32
      %add3A_201 = arith.addi %mul3A_0, %add3A_200 : i32
      "tpu.region"() ({
        %run_scoped3A = tpu.sem_alloc : memref<!tpu.dma_semaphore, #tpu.memory_space<semaphore_mem>>
        %dma_start3A = arith.constant 0 : i32
        %dma_start3A_245 = tpu.memref_slice %arg8[%add3A_201, %dma_start3A] : memref<10240x64xf32, #tpu.memory_space<vmem_shared>> -> memref<128x64xf32, #tpu.memory_space<vmem_shared>>
        %dma_start3A_246 = arith.constant 0 : i32
        %dma_start3A_247 = tpu.memref_slice %arg8[%add3A_201, %dma_start3A_246] : memref<10240x64xf32, #tpu.memory_space<vmem_shared>> -> memref<128x64xf32, #tpu.memory_space<vmem_shared>>
        tpu.enqueue_dma source(%dma_start3A_247 : memref<128x64xf32, #tpu.memory_space<vmem_shared>>) target(%arg11 : memref<128x64xf32, #tpu.memory_space<vmem>>) target_semaphore(%run_scoped3A : memref<!tpu.dma_semaphore, #tpu.memory_space<semaphore_mem>>)
        %dma_wait3A = arith.constant 0 : i32
        %dma_wait3A_248 = tpu.memref_slice %arg8[%add3A_201, %dma_wait3A] : memref<10240x64xf32, #tpu.memory_space<vmem_shared>> -> memref<128x64xf32, #tpu.memory_space<vmem_shared>>
        %dma_wait3A_249 = arith.constant 0 : i32
        %dma_wait3A_250 = tpu.memref_slice %arg8[%add3A_201, %dma_wait3A_249] : memref<10240x64xf32, #tpu.memory_space<vmem_shared>> -> memref<128x64xf32, #tpu.memory_space<vmem_shared>>
        tpu.wait_dma2 semaphore(%run_scoped3A : memref<!tpu.dma_semaphore, #tpu.memory_space<semaphore_mem>>) src(%dma_wait3A_250 : memref<128x64xf32, #tpu.memory_space<vmem_shared>>) dst(%arg11 : memref<128x64xf32, #tpu.memory_space<vmem>>)
        tpu.yield
      }) : () -> ()
      %add3A_202 = arith.addi %mul3A_2, %add3A_201 : i32
      "tpu.region"() ({
        %run_scoped3A = tpu.sem_alloc : memref<!tpu.dma_semaphore, #tpu.memory_space<semaphore_mem>>
        %dma_start3A = arith.constant 0 : i32
        %dma_start3A_245 = tpu.memref_slice %arg2[%add3A_202, %dma_start3A] : memref<20480x64xf32, #tpu.memory_space<hbm>> -> memref<128x64xf32, #tpu.memory_space<hbm>>
        %dma_start3A_246 = arith.constant 0 : i32
        %dma_start3A_247 = tpu.memref_slice %arg2[%add3A_202, %dma_start3A_246] : memref<20480x64xf32, #tpu.memory_space<hbm>> -> memref<128x64xf32, #tpu.memory_space<hbm>>
        tpu.enqueue_dma source(%dma_start3A_247 : memref<128x64xf32, #tpu.memory_space<hbm>>) target(%arg13 : memref<128x64xf32, #tpu.memory_space<vmem>>) target_semaphore(%run_scoped3A : memref<!tpu.dma_semaphore, #tpu.memory_space<semaphore_mem>>)
        %dma_wait3A = arith.constant 0 : i32
        %dma_wait3A_248 = tpu.memref_slice %arg2[%add3A_202, %dma_wait3A] : memref<20480x64xf32, #tpu.memory_space<hbm>> -> memref<128x64xf32, #tpu.memory_space<hbm>>
        %dma_wait3A_249 = arith.constant 0 : i32
        %dma_wait3A_250 = tpu.memref_slice %arg2[%add3A_202, %dma_wait3A_249] : memref<20480x64xf32, #tpu.memory_space<hbm>> -> memref<128x64xf32, #tpu.memory_space<hbm>>
        tpu.wait_dma2 semaphore(%run_scoped3A : memref<!tpu.dma_semaphore, #tpu.memory_space<semaphore_mem>>) src(%dma_wait3A_250 : memref<128x64xf32, #tpu.memory_space<hbm>>) dst(%arg13 : memref<128x64xf32, #tpu.memory_space<vmem>>)
        tpu.yield
      }) : () -> ()
      %scan3A_203 = arith.constant 0 : i32
      %scan3A_204 = arith.constant 0 : i32
      %scan3A_205 = arith.constant 128 : i32
      %scan3A_206 = arith.addi %scan3A_204, %scan3A_205 : i32
      %scan3A_207 = arith.constant 1 : i32
      %scan3A_208 = scf.for %scan3A_245 = %scan3A_204 to %scan3A_206 step %scan3A_207 iter_args(%scan3A_246 = %scan3A_203) -> (i32)  : i32 {
        %add3A_247 = arith.constant 128 : i32
        %add3A_248 = arith.addi %add3A_247, %scan3A_245 : i32
        %get3A = arith.index_cast %add3A_248 : i32 to index
        %get3A_249 = arith.constant 0 : index
        %get3A_250 = tpu.vector_load %arg15[%get3A, %get3A_249] {strides = array<i32>} : memref<640x16xf32, #tpu.memory_space<vmem>>, vector<1x16xf32>,
        %get3A_251 = vector.shape_cast %get3A_250 : vector<1x16xf32> to vector<16xf32>
        %add3A_252 = arith.constant 128 : i32
        %add3A_253 = arith.addi %add3A_252, %scan3A_245 : i32
        %get3A_254 = arith.index_cast %add3A_253 : i32 to index
        %get3A_255 = arith.constant 0 : index
        %get3A_256 = tpu.vector_load %arg14[%get3A_254, %get3A_255] {strides = array<i32>} : memref<640x16xf32, #tpu.memory_space<vmem>>, vector<1x16xf32>,
        %get3A_257 = vector.shape_cast %get3A_256 : vector<1x16xf32> to vector<16xf32>
        %get3A_258 = arith.index_cast %scan3A_245 : i32 to index
        %get3A_259 = arith.constant 0 : index
        %get3A_260 = tpu.vector_load %arg11[%get3A_258, %get3A_259] {strides = array<i32>} : memref<128x64xf32, #tpu.memory_space<vmem>>, vector<1x16xf32>,
        %get3A_261 = vector.shape_cast %get3A_260 : vector<1x16xf32> to vector<16xf32>
        %mul3A_262 = arith.mulf %get3A_251, %get3A_261 : vector<16xf32>
        %get3A_263 = arith.index_cast %scan3A_245 : i32 to index
        %get3A_264 = arith.constant 0 : index
        %get3A_265 = tpu.vector_load %arg13[%get3A_263, %get3A_264] {strides = array<i32>} : memref<128x64xf32, #tpu.memory_space<vmem>>, vector<1x16xf32>,
        %get3A_266 = vector.shape_cast %get3A_265 : vector<1x16xf32> to vector<16xf32>
        %mul3A_267 = arith.mulf %get3A_257, %get3A_266 : vector<16xf32>
        %add3A_268 = arith.addf %mul3A_262, %mul3A_267 : vector<16xf32>
        %swap3A = arith.index_cast %scan3A_245 : i32 to index
        %swap3A_269 = arith.constant 0 : index
        %swap3A_270 = tpu.vector_load %arg11[%swap3A, %swap3A_269] {strides = array<i32>} : memref<128x64xf32, #tpu.memory_space<vmem>>, vector<1x16xf32>,
        %swap3A_271 = vector.shape_cast %swap3A_270 : vector<1x16xf32> to vector<16xf32>
        %swap3A_272 = vector.shape_cast %add3A_268 : vector<16xf32> to vector<1x16xf32>
        tpu.vector_store %arg11[%swap3A, %swap3A_269], %swap3A_272 {strides = array<i32>} : memref<128x64xf32, #tpu.memory_space<vmem>>, vector<1x16xf32>,
        %get3A_273 = arith.index_cast %scan3A_245 : i32 to index
        %get3A_274 = arith.constant 16 : index
        %get3A_275 = tpu.vector_load %arg11[%get3A_273, %get3A_274] {strides = array<i32>} : memref<128x64xf32, #tpu.memory_space<vmem>>, vector<1x16xf32>,
        %get3A_276 = vector.shape_cast %get3A_275 : vector<1x16xf32> to vector<16xf32>
        %mul3A_277 = arith.mulf %get3A_251, %get3A_276 : vector<16xf32>
        %get3A_278 = arith.index_cast %scan3A_245 : i32 to index
        %get3A_279 = arith.constant 16 : index
        %get3A_280 = tpu.vector_load %arg13[%get3A_278, %get3A_279] {strides = array<i32>} : memref<128x64xf32, #tpu.memory_space<vmem>>, vector<1x16xf32>,
        %get3A_281 = vector.shape_cast %get3A_280 : vector<1x16xf32> to vector<16xf32>
        %mul3A_282 = arith.mulf %get3A_257, %get3A_281 : vector<16xf32>
        %add3A_283 = arith.addf %mul3A_277, %mul3A_282 : vector<16xf32>
        %swap3A_284 = arith.index_cast %scan3A_245 : i32 to index
        %swap3A_285 = arith.constant 16 : index
        %swap3A_286 = tpu.vector_load %arg11[%swap3A_284, %swap3A_285] {strides = array<i32>} : memref<128x64xf32, #tpu.memory_space<vmem>>, vector<1x16xf32>,
        %swap3A_287 = vector.shape_cast %swap3A_286 : vector<1x16xf32> to vector<16xf32>
        %swap3A_288 = vector.shape_cast %add3A_283 : vector<16xf32> to vector<1x16xf32>
        tpu.vector_store %arg11[%swap3A_284, %swap3A_285], %swap3A_288 {strides = array<i32>} : memref<128x64xf32, #tpu.memory_space<vmem>>, vector<1x16xf32>,
        %get3A_289 = arith.index_cast %scan3A_245 : i32 to index
        %get3A_290 = arith.constant 32 : index
        %get3A_291 = tpu.vector_load %arg11[%get3A_289, %get3A_290] {strides = array<i32>} : memref<128x64xf32, #tpu.memory_space<vmem>>, vector<1x16xf32>,
        %get3A_292 = vector.shape_cast %get3A_291 : vector<1x16xf32> to vector<16xf32>
        %mul3A_293 = arith.mulf %get3A_251, %get3A_292 : vector<16xf32>
        %get3A_294 = arith.index_cast %scan3A_245 : i32 to index
        %get3A_295 = arith.constant 32 : index
        %get3A_296 = tpu.vector_load %arg13[%get3A_294, %get3A_295] {strides = array<i32>} : memref<128x64xf32, #tpu.memory_space<vmem>>, vector<1x16xf32>,
        %get3A_297 = vector.shape_cast %get3A_296 : vector<1x16xf32> to vector<16xf32>
        %mul3A_298 = arith.mulf %get3A_257, %get3A_297 : vector<16xf32>
        %add3A_299 = arith.addf %mul3A_293, %mul3A_298 : vector<16xf32>
        %swap3A_300 = arith.index_cast %scan3A_245 : i32 to index
        %swap3A_301 = arith.constant 32 : index
        %swap3A_302 = tpu.vector_load %arg11[%swap3A_300, %swap3A_301] {strides = array<i32>} : memref<128x64xf32, #tpu.memory_space<vmem>>, vector<1x16xf32>,
        %swap3A_303 = vector.shape_cast %swap3A_302 : vector<1x16xf32> to vector<16xf32>
        %swap3A_304 = vector.shape_cast %add3A_299 : vector<16xf32> to vector<1x16xf32>
        tpu.vector_store %arg11[%swap3A_300, %swap3A_301], %swap3A_304 {strides = array<i32>} : memref<128x64xf32, #tpu.memory_space<vmem>>, vector<1x16xf32>,
        %get3A_305 = arith.index_cast %scan3A_245 : i32 to index
        %get3A_306 = arith.constant 48 : index
        %get3A_307 = tpu.vector_load %arg11[%get3A_305, %get3A_306] {strides = array<i32>} : memref<128x64xf32, #tpu.memory_space<vmem>>, vector<1x16xf32>,
        %get3A_308 = vector.shape_cast %get3A_307 : vector<1x16xf32> to vector<16xf32>
        %mul3A_309 = arith.mulf %get3A_251, %get3A_308 : vector<16xf32>
        %get3A_310 = arith.index_cast %scan3A_245 : i32 to index
        %get3A_311 = arith.constant 48 : index
        %get3A_312 = tpu.vector_load %arg13[%get3A_310, %get3A_311] {strides = array<i32>} : memref<128x64xf32, #tpu.memory_space<vmem>>, vector<1x16xf32>,
        %get3A_313 = vector.shape_cast %get3A_312 : vector<1x16xf32> to vector<16xf32>
        %mul3A_314 = arith.mulf %get3A_257, %get3A_313 : vector<16xf32>
        %add3A_315 = arith.addf %mul3A_309, %mul3A_314 : vector<16xf32>
        %swap3A_316 = arith.index_cast %scan3A_245 : i32 to index
        %swap3A_317 = arith.constant 48 : index
        %swap3A_318 = tpu.vector_load %arg11[%swap3A_316, %swap3A_317] {strides = array<i32>} : memref<128x64xf32, #tpu.memory_space<vmem>>, vector<1x16xf32>,
        %swap3A_319 = vector.shape_cast %swap3A_318 : vector<1x16xf32> to vector<16xf32>
        %swap3A_320 = vector.shape_cast %add3A_315 : vector<16xf32> to vector<1x16xf32>
        tpu.vector_store %arg11[%swap3A_316, %swap3A_317], %swap3A_320 {strides = array<i32>} : memref<128x64xf32, #tpu.memory_space<vmem>>, vector<1x16xf32>,
        %scan3A_321 = arith.constant 0 : i32
        scf.yield %scan3A_321 : i32
      }
      %scan3A_209 = arith.constant 128 : i32
      %add3A_210 = arith.addi %mul3A_2, %add3A_201 : i32
      "tpu.region"() ({
        %run_scoped3A = tpu.sem_alloc : memref<!tpu.dma_semaphore, #tpu.memory_space<semaphore_mem>>
        %dma_start3A = arith.constant 0 : i32
        %dma_start3A_245 = tpu.memref_slice %arg7[%add3A_210, %dma_start3A] : memref<20480x64xf32, #tpu.memory_space<hbm>> -> memref<128x64xf32, #tpu.memory_space<hbm>>
        %dma_start3A_246 = arith.constant 0 : i32
        %dma_start3A_247 = tpu.memref_slice %arg7[%add3A_210, %dma_start3A_246] : memref<20480x64xf32, #tpu.memory_space<hbm>> -> memref<128x64xf32, #tpu.memory_space<hbm>>
        tpu.enqueue_dma source(%arg11 : memref<128x64xf32, #tpu.memory_space<vmem>>) target(%dma_start3A_247 : memref<128x64xf32, #tpu.memory_space<hbm>>) target_semaphore(%run_scoped3A : memref<!tpu.dma_semaphore, #tpu.memory_space<semaphore_mem>>)
        %dma_wait3A = arith.constant 0 : i32
        %dma_wait3A_248 = tpu.memref_slice %arg7[%add3A_210, %dma_wait3A] : memref<20480x64xf32, #tpu.memory_space<hbm>> -> memref<128x64xf32, #tpu.memory_space<hbm>>
        %dma_wait3A_249 = arith.constant 0 : i32
        %dma_wait3A_250 = tpu.memref_slice %arg7[%add3A_210, %dma_wait3A_249] : memref<20480x64xf32, #tpu.memory_space<hbm>> -> memref<128x64xf32, #tpu.memory_space<hbm>>
        tpu.wait_dma2 semaphore(%run_scoped3A : memref<!tpu.dma_semaphore, #tpu.memory_space<semaphore_mem>>) src(%arg11 : memref<128x64xf32, #tpu.memory_space<vmem>>) dst(%dma_wait3A_250 : memref<128x64xf32, #tpu.memory_space<hbm>>)
        tpu.yield
      }) : () -> ()
      "tpu.region"() ({
        %run_scoped3A = tpu.sem_alloc : memref<!tpu.dma_semaphore, #tpu.memory_space<semaphore_mem>>
        %dma_start3A = arith.constant 0 : i32
        %dma_start3A_245 = tpu.memref_slice %arg8[%add3A_201, %dma_start3A] : memref<10240x64xf32, #tpu.memory_space<vmem_shared>> -> memref<128x64xf32, #tpu.memory_space<vmem_shared>>
        %dma_start3A_246 = arith.constant 0 : i32
        %dma_start3A_247 = tpu.memref_slice %arg8[%add3A_201, %dma_start3A_246] : memref<10240x64xf32, #tpu.memory_space<vmem_shared>> -> memref<128x64xf32, #tpu.memory_space<vmem_shared>>
        tpu.enqueue_dma source(%arg11 : memref<128x64xf32, #tpu.memory_space<vmem>>) target(%dma_start3A_247 : memref<128x64xf32, #tpu.memory_space<vmem_shared>>) target_semaphore(%run_scoped3A : memref<!tpu.dma_semaphore, #tpu.memory_space<semaphore_mem>>)
        %dma_wait3A = arith.constant 0 : i32
        %dma_wait3A_248 = tpu.memref_slice %arg8[%add3A_201, %dma_wait3A] : memref<10240x64xf32, #tpu.memory_space<vmem_shared>> -> memref<128x64xf32, #tpu.memory_space<vmem_shared>>
        %dma_wait3A_249 = arith.constant 0 : i32
        %dma_wait3A_250 = tpu.memref_slice %arg8[%add3A_201, %dma_wait3A_249] : memref<10240x64xf32, #tpu.memory_space<vmem_shared>> -> memref<128x64xf32, #tpu.memory_space<vmem_shared>>
        tpu.wait_dma2 semaphore(%run_scoped3A : memref<!tpu.dma_semaphore, #tpu.memory_space<semaphore_mem>>) src(%arg11 : memref<128x64xf32, #tpu.memory_space<vmem>>) dst(%dma_wait3A_250 : memref<128x64xf32, #tpu.memory_space<vmem_shared>>)
        tpu.yield
      }) : () -> ()
      %add3A_211 = arith.constant 256 : i32
      %add3A_212 = arith.addi %mul3A_0, %add3A_211 : i32
      "tpu.region"() ({
        %run_scoped3A = tpu.sem_alloc : memref<!tpu.dma_semaphore, #tpu.memory_space<semaphore_mem>>
        %dma_start3A = arith.constant 0 : i32
        %dma_start3A_245 = tpu.memref_slice %arg8[%add3A_212, %dma_start3A] : memref<10240x64xf32, #tpu.memory_space<vmem_shared>> -> memref<128x64xf32, #tpu.memory_space<vmem_shared>>
        %dma_start3A_246 = arith.constant 0 : i32
        %dma_start3A_247 = tpu.memref_slice %arg8[%add3A_212, %dma_start3A_246] : memref<10240x64xf32, #tpu.memory_space<vmem_shared>> -> memref<128x64xf32, #tpu.memory_space<vmem_shared>>
        tpu.enqueue_dma source(%dma_start3A_247 : memref<128x64xf32, #tpu.memory_space<vmem_shared>>) target(%arg11 : memref<128x64xf32, #tpu.memory_space<vmem>>) target_semaphore(%run_scoped3A : memref<!tpu.dma_semaphore, #tpu.memory_space<semaphore_mem>>)
        %dma_wait3A = arith.constant 0 : i32
        %dma_wait3A_248 = tpu.memref_slice %arg8[%add3A_212, %dma_wait3A] : memref<10240x64xf32, #tpu.memory_space<vmem_shared>> -> memref<128x64xf32, #tpu.memory_space<vmem_shared>>
        %dma_wait3A_249 = arith.constant 0 : i32
        %dma_wait3A_250 = tpu.memref_slice %arg8[%add3A_212, %dma_wait3A_249] : memref<10240x64xf32, #tpu.memory_space<vmem_shared>> -> memref<128x64xf32, #tpu.memory_space<vmem_shared>>
        tpu.wait_dma2 semaphore(%run_scoped3A : memref<!tpu.dma_semaphore, #tpu.memory_space<semaphore_mem>>) src(%dma_wait3A_250 : memref<128x64xf32, #tpu.memory_space<vmem_shared>>) dst(%arg11 : memref<128x64xf32, #tpu.memory_space<vmem>>)
        tpu.yield
      }) : () -> ()
      %add3A_213 = arith.addi %mul3A_2, %add3A_212 : i32
      "tpu.region"() ({
        %run_scoped3A = tpu.sem_alloc : memref<!tpu.dma_semaphore, #tpu.memory_space<semaphore_mem>>
        %dma_start3A = arith.constant 0 : i32
        %dma_start3A_245 = tpu.memref_slice %arg2[%add3A_213, %dma_start3A] : memref<20480x64xf32, #tpu.memory_space<hbm>> -> memref<128x64xf32, #tpu.memory_space<hbm>>
        %dma_start3A_246 = arith.constant 0 : i32
        %dma_start3A_247 = tpu.memref_slice %arg2[%add3A_213, %dma_start3A_246] : memref<20480x64xf32, #tpu.memory_space<hbm>> -> memref<128x64xf32, #tpu.memory_space<hbm>>
        tpu.enqueue_dma source(%dma_start3A_247 : memref<128x64xf32, #tpu.memory_space<hbm>>) target(%arg13 : memref<128x64xf32, #tpu.memory_space<vmem>>) target_semaphore(%run_scoped3A : memref<!tpu.dma_semaphore, #tpu.memory_space<semaphore_mem>>)
        %dma_wait3A = arith.constant 0 : i32
        %dma_wait3A_248 = tpu.memref_slice %arg2[%add3A_213, %dma_wait3A] : memref<20480x64xf32, #tpu.memory_space<hbm>> -> memref<128x64xf32, #tpu.memory_space<hbm>>
        %dma_wait3A_249 = arith.constant 0 : i32
        %dma_wait3A_250 = tpu.memref_slice %arg2[%add3A_213, %dma_wait3A_249] : memref<20480x64xf32, #tpu.memory_space<hbm>> -> memref<128x64xf32, #tpu.memory_space<hbm>>
        tpu.wait_dma2 semaphore(%run_scoped3A : memref<!tpu.dma_semaphore, #tpu.memory_space<semaphore_mem>>) src(%dma_wait3A_250 : memref<128x64xf32, #tpu.memory_space<hbm>>) dst(%arg13 : memref<128x64xf32, #tpu.memory_space<vmem>>)
        tpu.yield
      }) : () -> ()
      %scan3A_214 = arith.constant 0 : i32
      %scan3A_215 = arith.constant 0 : i32
      %scan3A_216 = arith.constant 128 : i32
      %scan3A_217 = arith.addi %scan3A_215, %scan3A_216 : i32
      %scan3A_218 = arith.constant 1 : i32
      %scan3A_219 = scf.for %scan3A_245 = %scan3A_215 to %scan3A_217 step %scan3A_218 iter_args(%scan3A_246 = %scan3A_214) -> (i32)  : i32 {
        %add3A_247 = arith.constant 256 : i32
        %add3A_248 = arith.addi %add3A_247, %scan3A_245 : i32
        %get3A = arith.index_cast %add3A_248 : i32 to index
        %get3A_249 = arith.constant 0 : index
        %get3A_250 = tpu.vector_load %arg15[%get3A, %get3A_249] {strides = array<i32>} : memref<640x16xf32, #tpu.memory_space<vmem>>, vector<1x16xf32>,
        %get3A_251 = vector.shape_cast %get3A_250 : vector<1x16xf32> to vector<16xf32>
        %add3A_252 = arith.constant 256 : i32
        %add3A_253 = arith.addi %add3A_252, %scan3A_245 : i32
        %get3A_254 = arith.index_cast %add3A_253 : i32 to index
        %get3A_255 = arith.constant 0 : index
        %get3A_256 = tpu.vector_load %arg14[%get3A_254, %get3A_255] {strides = array<i32>} : memref<640x16xf32, #tpu.memory_space<vmem>>, vector<1x16xf32>,
        %get3A_257 = vector.shape_cast %get3A_256 : vector<1x16xf32> to vector<16xf32>
        %get3A_258 = arith.index_cast %scan3A_245 : i32 to index
        %get3A_259 = arith.constant 0 : index
        %get3A_260 = tpu.vector_load %arg11[%get3A_258, %get3A_259] {strides = array<i32>} : memref<128x64xf32, #tpu.memory_space<vmem>>, vector<1x16xf32>,
        %get3A_261 = vector.shape_cast %get3A_260 : vector<1x16xf32> to vector<16xf32>
        %mul3A_262 = arith.mulf %get3A_251, %get3A_261 : vector<16xf32>
        %get3A_263 = arith.index_cast %scan3A_245 : i32 to index
        %get3A_264 = arith.constant 0 : index
        %get3A_265 = tpu.vector_load %arg13[%get3A_263, %get3A_264] {strides = array<i32>} : memref<128x64xf32, #tpu.memory_space<vmem>>, vector<1x16xf32>,
        %get3A_266 = vector.shape_cast %get3A_265 : vector<1x16xf32> to vector<16xf32>
        %mul3A_267 = arith.mulf %get3A_257, %get3A_266 : vector<16xf32>
        %add3A_268 = arith.addf %mul3A_262, %mul3A_267 : vector<16xf32>
        %swap3A = arith.index_cast %scan3A_245 : i32 to index
        %swap3A_269 = arith.constant 0 : index
        %swap3A_270 = tpu.vector_load %arg11[%swap3A, %swap3A_269] {strides = array<i32>} : memref<128x64xf32, #tpu.memory_space<vmem>>, vector<1x16xf32>,
        %swap3A_271 = vector.shape_cast %swap3A_270 : vector<1x16xf32> to vector<16xf32>
        %swap3A_272 = vector.shape_cast %add3A_268 : vector<16xf32> to vector<1x16xf32>
        tpu.vector_store %arg11[%swap3A, %swap3A_269], %swap3A_272 {strides = array<i32>} : memref<128x64xf32, #tpu.memory_space<vmem>>, vector<1x16xf32>,
        %get3A_273 = arith.index_cast %scan3A_245 : i32 to index
        %get3A_274 = arith.constant 16 : index
        %get3A_275 = tpu.vector_load %arg11[%get3A_273, %get3A_274] {strides = array<i32>} : memref<128x64xf32, #tpu.memory_space<vmem>>, vector<1x16xf32>,
        %get3A_276 = vector.shape_cast %get3A_275 : vector<1x16xf32> to vector<16xf32>
        %mul3A_277 = arith.mulf %get3A_251, %get3A_276 : vector<16xf32>
        %get3A_278 = arith.index_cast %scan3A_245 : i32 to index
        %get3A_279 = arith.constant 16 : index
        %get3A_280 = tpu.vector_load %arg13[%get3A_278, %get3A_279] {strides = array<i32>} : memref<128x64xf32, #tpu.memory_space<vmem>>, vector<1x16xf32>,
        %get3A_281 = vector.shape_cast %get3A_280 : vector<1x16xf32> to vector<16xf32>
        %mul3A_282 = arith.mulf %get3A_257, %get3A_281 : vector<16xf32>
        %add3A_283 = arith.addf %mul3A_277, %mul3A_282 : vector<16xf32>
        %swap3A_284 = arith.index_cast %scan3A_245 : i32 to index
        %swap3A_285 = arith.constant 16 : index
        %swap3A_286 = tpu.vector_load %arg11[%swap3A_284, %swap3A_285] {strides = array<i32>} : memref<128x64xf32, #tpu.memory_space<vmem>>, vector<1x16xf32>,
        %swap3A_287 = vector.shape_cast %swap3A_286 : vector<1x16xf32> to vector<16xf32>
        %swap3A_288 = vector.shape_cast %add3A_283 : vector<16xf32> to vector<1x16xf32>
        tpu.vector_store %arg11[%swap3A_284, %swap3A_285], %swap3A_288 {strides = array<i32>} : memref<128x64xf32, #tpu.memory_space<vmem>>, vector<1x16xf32>,
        %get3A_289 = arith.index_cast %scan3A_245 : i32 to index
        %get3A_290 = arith.constant 32 : index
        %get3A_291 = tpu.vector_load %arg11[%get3A_289, %get3A_290] {strides = array<i32>} : memref<128x64xf32, #tpu.memory_space<vmem>>, vector<1x16xf32>,
        %get3A_292 = vector.shape_cast %get3A_291 : vector<1x16xf32> to vector<16xf32>
        %mul3A_293 = arith.mulf %get3A_251, %get3A_292 : vector<16xf32>
        %get3A_294 = arith.index_cast %scan3A_245 : i32 to index
        %get3A_295 = arith.constant 32 : index
        %get3A_296 = tpu.vector_load %arg13[%get3A_294, %get3A_295] {strides = array<i32>} : memref<128x64xf32, #tpu.memory_space<vmem>>, vector<1x16xf32>,
        %get3A_297 = vector.shape_cast %get3A_296 : vector<1x16xf32> to vector<16xf32>
        %mul3A_298 = arith.mulf %get3A_257, %get3A_297 : vector<16xf32>
        %add3A_299 = arith.addf %mul3A_293, %mul3A_298 : vector<16xf32>
        %swap3A_300 = arith.index_cast %scan3A_245 : i32 to index
        %swap3A_301 = arith.constant 32 : index
        %swap3A_302 = tpu.vector_load %arg11[%swap3A_300, %swap3A_301] {strides = array<i32>} : memref<128x64xf32, #tpu.memory_space<vmem>>, vector<1x16xf32>,
        %swap3A_303 = vector.shape_cast %swap3A_302 : vector<1x16xf32> to vector<16xf32>
        %swap3A_304 = vector.shape_cast %add3A_299 : vector<16xf32> to vector<1x16xf32>
        tpu.vector_store %arg11[%swap3A_300, %swap3A_301], %swap3A_304 {strides = array<i32>} : memref<128x64xf32, #tpu.memory_space<vmem>>, vector<1x16xf32>,
        %get3A_305 = arith.index_cast %scan3A_245 : i32 to index
        %get3A_306 = arith.constant 48 : index
        %get3A_307 = tpu.vector_load %arg11[%get3A_305, %get3A_306] {strides = array<i32>} : memref<128x64xf32, #tpu.memory_space<vmem>>, vector<1x16xf32>,
        %get3A_308 = vector.shape_cast %get3A_307 : vector<1x16xf32> to vector<16xf32>
        %mul3A_309 = arith.mulf %get3A_251, %get3A_308 : vector<16xf32>
        %get3A_310 = arith.index_cast %scan3A_245 : i32 to index
        %get3A_311 = arith.constant 48 : index
        %get3A_312 = tpu.vector_load %arg13[%get3A_310, %get3A_311] {strides = array<i32>} : memref<128x64xf32, #tpu.memory_space<vmem>>, vector<1x16xf32>,
        %get3A_313 = vector.shape_cast %get3A_312 : vector<1x16xf32> to vector<16xf32>
        %mul3A_314 = arith.mulf %get3A_257, %get3A_313 : vector<16xf32>
        %add3A_315 = arith.addf %mul3A_309, %mul3A_314 : vector<16xf32>
        %swap3A_316 = arith.index_cast %scan3A_245 : i32 to index
        %swap3A_317 = arith.constant 48 : index
        %swap3A_318 = tpu.vector_load %arg11[%swap3A_316, %swap3A_317] {strides = array<i32>} : memref<128x64xf32, #tpu.memory_space<vmem>>, vector<1x16xf32>,
        %swap3A_319 = vector.shape_cast %swap3A_318 : vector<1x16xf32> to vector<16xf32>
        %swap3A_320 = vector.shape_cast %add3A_315 : vector<16xf32> to vector<1x16xf32>
        tpu.vector_store %arg11[%swap3A_316, %swap3A_317], %swap3A_320 {strides = array<i32>} : memref<128x64xf32, #tpu.memory_space<vmem>>, vector<1x16xf32>,
        %scan3A_321 = arith.constant 0 : i32
        scf.yield %scan3A_321 : i32
      }
      %scan3A_220 = arith.constant 128 : i32
      %add3A_221 = arith.addi %mul3A_2, %add3A_212 : i32
      "tpu.region"() ({
        %run_scoped3A = tpu.sem_alloc : memref<!tpu.dma_semaphore, #tpu.memory_space<semaphore_mem>>
        %dma_start3A = arith.constant 0 : i32
        %dma_start3A_245 = tpu.memref_slice %arg7[%add3A_221, %dma_start3A] : memref<20480x64xf32, #tpu.memory_space<hbm>> -> memref<128x64xf32, #tpu.memory_space<hbm>>
        %dma_start3A_246 = arith.constant 0 : i32
        %dma_start3A_247 = tpu.memref_slice %arg7[%add3A_221, %dma_start3A_246] : memref<20480x64xf32, #tpu.memory_space<hbm>> -> memref<128x64xf32, #tpu.memory_space<hbm>>
        tpu.enqueue_dma source(%arg11 : memref<128x64xf32, #tpu.memory_space<vmem>>) target(%dma_start3A_247 : memref<128x64xf32, #tpu.memory_space<hbm>>) target_semaphore(%run_scoped3A : memref<!tpu.dma_semaphore, #tpu.memory_space<semaphore_mem>>)
        %dma_wait3A = arith.constant 0 : i32
        %dma_wait3A_248 = tpu.memref_slice %arg7[%add3A_221, %dma_wait3A] : memref<20480x64xf32, #tpu.memory_space<hbm>> -> memref<128x64xf32, #tpu.memory_space<hbm>>
        %dma_wait3A_249 = arith.constant 0 : i32
        %dma_wait3A_250 = tpu.memref_slice %arg7[%add3A_221, %dma_wait3A_249] : memref<20480x64xf32, #tpu.memory_space<hbm>> -> memref<128x64xf32, #tpu.memory_space<hbm>>
        tpu.wait_dma2 semaphore(%run_scoped3A : memref<!tpu.dma_semaphore, #tpu.memory_space<semaphore_mem>>) src(%arg11 : memref<128x64xf32, #tpu.memory_space<vmem>>) dst(%dma_wait3A_250 : memref<128x64xf32, #tpu.memory_space<hbm>>)
        tpu.yield
      }) : () -> ()
      "tpu.region"() ({
        %run_scoped3A = tpu.sem_alloc : memref<!tpu.dma_semaphore, #tpu.memory_space<semaphore_mem>>
        %dma_start3A = arith.constant 0 : i32
        %dma_start3A_245 = tpu.memref_slice %arg8[%add3A_212, %dma_start3A] : memref<10240x64xf32, #tpu.memory_space<vmem_shared>> -> memref<128x64xf32, #tpu.memory_space<vmem_shared>>
        %dma_start3A_246 = arith.constant 0 : i32
        %dma_start3A_247 = tpu.memref_slice %arg8[%add3A_212, %dma_start3A_246] : memref<10240x64xf32, #tpu.memory_space<vmem_shared>> -> memref<128x64xf32, #tpu.memory_space<vmem_shared>>
        tpu.enqueue_dma source(%arg11 : memref<128x64xf32, #tpu.memory_space<vmem>>) target(%dma_start3A_247 : memref<128x64xf32, #tpu.memory_space<vmem_shared>>) target_semaphore(%run_scoped3A : memref<!tpu.dma_semaphore, #tpu.memory_space<semaphore_mem>>)
        %dma_wait3A = arith.constant 0 : i32
        %dma_wait3A_248 = tpu.memref_slice %arg8[%add3A_212, %dma_wait3A] : memref<10240x64xf32, #tpu.memory_space<vmem_shared>> -> memref<128x64xf32, #tpu.memory_space<vmem_shared>>
        %dma_wait3A_249 = arith.constant 0 : i32
        %dma_wait3A_250 = tpu.memref_slice %arg8[%add3A_212, %dma_wait3A_249] : memref<10240x64xf32, #tpu.memory_space<vmem_shared>> -> memref<128x64xf32, #tpu.memory_space<vmem_shared>>
        tpu.wait_dma2 semaphore(%run_scoped3A : memref<!tpu.dma_semaphore, #tpu.memory_space<semaphore_mem>>) src(%arg11 : memref<128x64xf32, #tpu.memory_space<vmem>>) dst(%dma_wait3A_250 : memref<128x64xf32, #tpu.memory_space<vmem_shared>>)
        tpu.yield
      }) : () -> ()
      %add3A_222 = arith.constant 384 : i32
      %add3A_223 = arith.addi %mul3A_0, %add3A_222 : i32
      "tpu.region"() ({
        %run_scoped3A = tpu.sem_alloc : memref<!tpu.dma_semaphore, #tpu.memory_space<semaphore_mem>>
        %dma_start3A = arith.constant 0 : i32
        %dma_start3A_245 = tpu.memref_slice %arg8[%add3A_223, %dma_start3A] : memref<10240x64xf32, #tpu.memory_space<vmem_shared>> -> memref<128x64xf32, #tpu.memory_space<vmem_shared>>
        %dma_start3A_246 = arith.constant 0 : i32
        %dma_start3A_247 = tpu.memref_slice %arg8[%add3A_223, %dma_start3A_246] : memref<10240x64xf32, #tpu.memory_space<vmem_shared>> -> memref<128x64xf32, #tpu.memory_space<vmem_shared>>
        tpu.enqueue_dma source(%dma_start3A_247 : memref<128x64xf32, #tpu.memory_space<vmem_shared>>) target(%arg11 : memref<128x64xf32, #tpu.memory_space<vmem>>) target_semaphore(%run_scoped3A : memref<!tpu.dma_semaphore, #tpu.memory_space<semaphore_mem>>)
        %dma_wait3A = arith.constant 0 : i32
        %dma_wait3A_248 = tpu.memref_slice %arg8[%add3A_223, %dma_wait3A] : memref<10240x64xf32, #tpu.memory_space<vmem_shared>> -> memref<128x64xf32, #tpu.memory_space<vmem_shared>>
        %dma_wait3A_249 = arith.constant 0 : i32
        %dma_wait3A_250 = tpu.memref_slice %arg8[%add3A_223, %dma_wait3A_249] : memref<10240x64xf32, #tpu.memory_space<vmem_shared>> -> memref<128x64xf32, #tpu.memory_space<vmem_shared>>
        tpu.wait_dma2 semaphore(%run_scoped3A : memref<!tpu.dma_semaphore, #tpu.memory_space<semaphore_mem>>) src(%dma_wait3A_250 : memref<128x64xf32, #tpu.memory_space<vmem_shared>>) dst(%arg11 : memref<128x64xf32, #tpu.memory_space<vmem>>)
        tpu.yield
      }) : () -> ()
      %add3A_224 = arith.addi %mul3A_2, %add3A_223 : i32
      "tpu.region"() ({
        %run_scoped3A = tpu.sem_alloc : memref<!tpu.dma_semaphore, #tpu.memory_space<semaphore_mem>>
        %dma_start3A = arith.constant 0 : i32
        %dma_start3A_245 = tpu.memref_slice %arg2[%add3A_224, %dma_start3A] : memref<20480x64xf32, #tpu.memory_space<hbm>> -> memref<128x64xf32, #tpu.memory_space<hbm>>
        %dma_start3A_246 = arith.constant 0 : i32
        %dma_start3A_247 = tpu.memref_slice %arg2[%add3A_224, %dma_start3A_246] : memref<20480x64xf32, #tpu.memory_space<hbm>> -> memref<128x64xf32, #tpu.memory_space<hbm>>
        tpu.enqueue_dma source(%dma_start3A_247 : memref<128x64xf32, #tpu.memory_space<hbm>>) target(%arg13 : memref<128x64xf32, #tpu.memory_space<vmem>>) target_semaphore(%run_scoped3A : memref<!tpu.dma_semaphore, #tpu.memory_space<semaphore_mem>>)
        %dma_wait3A = arith.constant 0 : i32
        %dma_wait3A_248 = tpu.memref_slice %arg2[%add3A_224, %dma_wait3A] : memref<20480x64xf32, #tpu.memory_space<hbm>> -> memref<128x64xf32, #tpu.memory_space<hbm>>
        %dma_wait3A_249 = arith.constant 0 : i32
        %dma_wait3A_250 = tpu.memref_slice %arg2[%add3A_224, %dma_wait3A_249] : memref<20480x64xf32, #tpu.memory_space<hbm>> -> memref<128x64xf32, #tpu.memory_space<hbm>>
        tpu.wait_dma2 semaphore(%run_scoped3A : memref<!tpu.dma_semaphore, #tpu.memory_space<semaphore_mem>>) src(%dma_wait3A_250 : memref<128x64xf32, #tpu.memory_space<hbm>>) dst(%arg13 : memref<128x64xf32, #tpu.memory_space<vmem>>)
        tpu.yield
      }) : () -> ()
      %scan3A_225 = arith.constant 0 : i32
      %scan3A_226 = arith.constant 0 : i32
      %scan3A_227 = arith.constant 128 : i32
      %scan3A_228 = arith.addi %scan3A_226, %scan3A_227 : i32
      %scan3A_229 = arith.constant 1 : i32
      %scan3A_230 = scf.for %scan3A_245 = %scan3A_226 to %scan3A_228 step %scan3A_229 iter_args(%scan3A_246 = %scan3A_225) -> (i32)  : i32 {
        %add3A_247 = arith.constant 384 : i32
        %add3A_248 = arith.addi %add3A_247, %scan3A_245 : i32
        %get3A = arith.index_cast %add3A_248 : i32 to index
        %get3A_249 = arith.constant 0 : index
        %get3A_250 = tpu.vector_load %arg15[%get3A, %get3A_249] {strides = array<i32>} : memref<640x16xf32, #tpu.memory_space<vmem>>, vector<1x16xf32>,
        %get3A_251 = vector.shape_cast %get3A_250 : vector<1x16xf32> to vector<16xf32>
        %add3A_252 = arith.constant 384 : i32
        %add3A_253 = arith.addi %add3A_252, %scan3A_245 : i32
        %get3A_254 = arith.index_cast %add3A_253 : i32 to index
        %get3A_255 = arith.constant 0 : index
        %get3A_256 = tpu.vector_load %arg14[%get3A_254, %get3A_255] {strides = array<i32>} : memref<640x16xf32, #tpu.memory_space<vmem>>, vector<1x16xf32>,
        %get3A_257 = vector.shape_cast %get3A_256 : vector<1x16xf32> to vector<16xf32>
        %get3A_258 = arith.index_cast %scan3A_245 : i32 to index
        %get3A_259 = arith.constant 0 : index
        %get3A_260 = tpu.vector_load %arg11[%get3A_258, %get3A_259] {strides = array<i32>} : memref<128x64xf32, #tpu.memory_space<vmem>>, vector<1x16xf32>,
        %get3A_261 = vector.shape_cast %get3A_260 : vector<1x16xf32> to vector<16xf32>
        %mul3A_262 = arith.mulf %get3A_251, %get3A_261 : vector<16xf32>
        %get3A_263 = arith.index_cast %scan3A_245 : i32 to index
        %get3A_264 = arith.constant 0 : index
        %get3A_265 = tpu.vector_load %arg13[%get3A_263, %get3A_264] {strides = array<i32>} : memref<128x64xf32, #tpu.memory_space<vmem>>, vector<1x16xf32>,
        %get3A_266 = vector.shape_cast %get3A_265 : vector<1x16xf32> to vector<16xf32>
        %mul3A_267 = arith.mulf %get3A_257, %get3A_266 : vector<16xf32>
        %add3A_268 = arith.addf %mul3A_262, %mul3A_267 : vector<16xf32>
        %swap3A = arith.index_cast %scan3A_245 : i32 to index
        %swap3A_269 = arith.constant 0 : index
        %swap3A_270 = tpu.vector_load %arg11[%swap3A, %swap3A_269] {strides = array<i32>} : memref<128x64xf32, #tpu.memory_space<vmem>>, vector<1x16xf32>,
        %swap3A_271 = vector.shape_cast %swap3A_270 : vector<1x16xf32> to vector<16xf32>
        %swap3A_272 = vector.shape_cast %add3A_268 : vector<16xf32> to vector<1x16xf32>
        tpu.vector_store %arg11[%swap3A, %swap3A_269], %swap3A_272 {strides = array<i32>} : memref<128x64xf32, #tpu.memory_space<vmem>>, vector<1x16xf32>,
        %get3A_273 = arith.index_cast %scan3A_245 : i32 to index
        %get3A_274 = arith.constant 16 : index
        %get3A_275 = tpu.vector_load %arg11[%get3A_273, %get3A_274] {strides = array<i32>} : memref<128x64xf32, #tpu.memory_space<vmem>>, vector<1x16xf32>,
        %get3A_276 = vector.shape_cast %get3A_275 : vector<1x16xf32> to vector<16xf32>
        %mul3A_277 = arith.mulf %get3A_251, %get3A_276 : vector<16xf32>
        %get3A_278 = arith.index_cast %scan3A_245 : i32 to index
        %get3A_279 = arith.constant 16 : index
        %get3A_280 = tpu.vector_load %arg13[%get3A_278, %get3A_279] {strides = array<i32>} : memref<128x64xf32, #tpu.memory_space<vmem>>, vector<1x16xf32>,
        %get3A_281 = vector.shape_cast %get3A_280 : vector<1x16xf32> to vector<16xf32>
        %mul3A_282 = arith.mulf %get3A_257, %get3A_281 : vector<16xf32>
        %add3A_283 = arith.addf %mul3A_277, %mul3A_282 : vector<16xf32>
        %swap3A_284 = arith.index_cast %scan3A_245 : i32 to index
        %swap3A_285 = arith.constant 16 : index
        %swap3A_286 = tpu.vector_load %arg11[%swap3A_284, %swap3A_285] {strides = array<i32>} : memref<128x64xf32, #tpu.memory_space<vmem>>, vector<1x16xf32>,
        %swap3A_287 = vector.shape_cast %swap3A_286 : vector<1x16xf32> to vector<16xf32>
        %swap3A_288 = vector.shape_cast %add3A_283 : vector<16xf32> to vector<1x16xf32>
        tpu.vector_store %arg11[%swap3A_284, %swap3A_285], %swap3A_288 {strides = array<i32>} : memref<128x64xf32, #tpu.memory_space<vmem>>, vector<1x16xf32>,
        %get3A_289 = arith.index_cast %scan3A_245 : i32 to index
        %get3A_290 = arith.constant 32 : index
        %get3A_291 = tpu.vector_load %arg11[%get3A_289, %get3A_290] {strides = array<i32>} : memref<128x64xf32, #tpu.memory_space<vmem>>, vector<1x16xf32>,
        %get3A_292 = vector.shape_cast %get3A_291 : vector<1x16xf32> to vector<16xf32>
        %mul3A_293 = arith.mulf %get3A_251, %get3A_292 : vector<16xf32>
        %get3A_294 = arith.index_cast %scan3A_245 : i32 to index
        %get3A_295 = arith.constant 32 : index
        %get3A_296 = tpu.vector_load %arg13[%get3A_294, %get3A_295] {strides = array<i32>} : memref<128x64xf32, #tpu.memory_space<vmem>>, vector<1x16xf32>,
        %get3A_297 = vector.shape_cast %get3A_296 : vector<1x16xf32> to vector<16xf32>
        %mul3A_298 = arith.mulf %get3A_257, %get3A_297 : vector<16xf32>
        %add3A_299 = arith.addf %mul3A_293, %mul3A_298 : vector<16xf32>
        %swap3A_300 = arith.index_cast %scan3A_245 : i32 to index
        %swap3A_301 = arith.constant 32 : index
        %swap3A_302 = tpu.vector_load %arg11[%swap3A_300, %swap3A_301] {strides = array<i32>} : memref<128x64xf32, #tpu.memory_space<vmem>>, vector<1x16xf32>,
        %swap3A_303 = vector.shape_cast %swap3A_302 : vector<1x16xf32> to vector<16xf32>
        %swap3A_304 = vector.shape_cast %add3A_299 : vector<16xf32> to vector<1x16xf32>
        tpu.vector_store %arg11[%swap3A_300, %swap3A_301], %swap3A_304 {strides = array<i32>} : memref<128x64xf32, #tpu.memory_space<vmem>>, vector<1x16xf32>,
        %get3A_305 = arith.index_cast %scan3A_245 : i32 to index
        %get3A_306 = arith.constant 48 : index
        %get3A_307 = tpu.vector_load %arg11[%get3A_305, %get3A_306] {strides = array<i32>} : memref<128x64xf32, #tpu.memory_space<vmem>>, vector<1x16xf32>,
        %get3A_308 = vector.shape_cast %get3A_307 : vector<1x16xf32> to vector<16xf32>
        %mul3A_309 = arith.mulf %get3A_251, %get3A_308 : vector<16xf32>
        %get3A_310 = arith.index_cast %scan3A_245 : i32 to index
        %get3A_311 = arith.constant 48 : index
        %get3A_312 = tpu.vector_load %arg13[%get3A_310, %get3A_311] {strides = array<i32>} : memref<128x64xf32, #tpu.memory_space<vmem>>, vector<1x16xf32>,
        %get3A_313 = vector.shape_cast %get3A_312 : vector<1x16xf32> to vector<16xf32>
        %mul3A_314 = arith.mulf %get3A_257, %get3A_313 : vector<16xf32>
        %add3A_315 = arith.addf %mul3A_309, %mul3A_314 : vector<16xf32>
        %swap3A_316 = arith.index_cast %scan3A_245 : i32 to index
        %swap3A_317 = arith.constant 48 : index
        %swap3A_318 = tpu.vector_load %arg11[%swap3A_316, %swap3A_317] {strides = array<i32>} : memref<128x64xf32, #tpu.memory_space<vmem>>, vector<1x16xf32>,
        %swap3A_319 = vector.shape_cast %swap3A_318 : vector<1x16xf32> to vector<16xf32>
        %swap3A_320 = vector.shape_cast %add3A_315 : vector<16xf32> to vector<1x16xf32>
        tpu.vector_store %arg11[%swap3A_316, %swap3A_317], %swap3A_320 {strides = array<i32>} : memref<128x64xf32, #tpu.memory_space<vmem>>, vector<1x16xf32>,
        %scan3A_321 = arith.constant 0 : i32
        scf.yield %scan3A_321 : i32
      }
      %scan3A_231 = arith.constant 128 : i32
      %add3A_232 = arith.addi %mul3A_2, %add3A_223 : i32
      "tpu.region"() ({
        %run_scoped3A = tpu.sem_alloc : memref<!tpu.dma_semaphore, #tpu.memory_space<semaphore_mem>>
        %dma_start3A = arith.constant 0 : i32
        %dma_start3A_245 = tpu.memref_slice %arg7[%add3A_232, %dma_start3A] : memref<20480x64xf32, #tpu.memory_space<hbm>> -> memref<128x64xf32, #tpu.memory_space<hbm>>
        %dma_start3A_246 = arith.constant 0 : i32
        %dma_start3A_247 = tpu.memref_slice %arg7[%add3A_232, %dma_start3A_246] : memref<20480x64xf32, #tpu.memory_space<hbm>> -> memref<128x64xf32, #tpu.memory_space<hbm>>
        tpu.enqueue_dma source(%arg11 : memref<128x64xf32, #tpu.memory_space<vmem>>) target(%dma_start3A_247 : memref<128x64xf32, #tpu.memory_space<hbm>>) target_semaphore(%run_scoped3A : memref<!tpu.dma_semaphore, #tpu.memory_space<semaphore_mem>>)
        %dma_wait3A = arith.constant 0 : i32
        %dma_wait3A_248 = tpu.memref_slice %arg7[%add3A_232, %dma_wait3A] : memref<20480x64xf32, #tpu.memory_space<hbm>> -> memref<128x64xf32, #tpu.memory_space<hbm>>
        %dma_wait3A_249 = arith.constant 0 : i32
        %dma_wait3A_250 = tpu.memref_slice %arg7[%add3A_232, %dma_wait3A_249] : memref<20480x64xf32, #tpu.memory_space<hbm>> -> memref<128x64xf32, #tpu.memory_space<hbm>>
        tpu.wait_dma2 semaphore(%run_scoped3A : memref<!tpu.dma_semaphore, #tpu.memory_space<semaphore_mem>>) src(%arg11 : memref<128x64xf32, #tpu.memory_space<vmem>>) dst(%dma_wait3A_250 : memref<128x64xf32, #tpu.memory_space<hbm>>)
        tpu.yield
      }) : () -> ()
      "tpu.region"() ({
        %run_scoped3A = tpu.sem_alloc : memref<!tpu.dma_semaphore, #tpu.memory_space<semaphore_mem>>
        %dma_start3A = arith.constant 0 : i32
        %dma_start3A_245 = tpu.memref_slice %arg8[%add3A_223, %dma_start3A] : memref<10240x64xf32, #tpu.memory_space<vmem_shared>> -> memref<128x64xf32, #tpu.memory_space<vmem_shared>>
        %dma_start3A_246 = arith.constant 0 : i32
        %dma_start3A_247 = tpu.memref_slice %arg8[%add3A_223, %dma_start3A_246] : memref<10240x64xf32, #tpu.memory_space<vmem_shared>> -> memref<128x64xf32, #tpu.memory_space<vmem_shared>>
        tpu.enqueue_dma source(%arg11 : memref<128x64xf32, #tpu.memory_space<vmem>>) target(%dma_start3A_247 : memref<128x64xf32, #tpu.memory_space<vmem_shared>>) target_semaphore(%run_scoped3A : memref<!tpu.dma_semaphore, #tpu.memory_space<semaphore_mem>>)
        %dma_wait3A = arith.constant 0 : i32
        %dma_wait3A_248 = tpu.memref_slice %arg8[%add3A_223, %dma_wait3A] : memref<10240x64xf32, #tpu.memory_space<vmem_shared>> -> memref<128x64xf32, #tpu.memory_space<vmem_shared>>
        %dma_wait3A_249 = arith.constant 0 : i32
        %dma_wait3A_250 = tpu.memref_slice %arg8[%add3A_223, %dma_wait3A_249] : memref<10240x64xf32, #tpu.memory_space<vmem_shared>> -> memref<128x64xf32, #tpu.memory_space<vmem_shared>>
        tpu.wait_dma2 semaphore(%run_scoped3A : memref<!tpu.dma_semaphore, #tpu.memory_space<semaphore_mem>>) src(%arg11 : memref<128x64xf32, #tpu.memory_space<vmem>>) dst(%dma_wait3A_250 : memref<128x64xf32, #tpu.memory_space<vmem_shared>>)
        tpu.yield
      }) : () -> ()
      %add3A_233 = arith.constant 512 : i32
      %add3A_234 = arith.addi %mul3A_0, %add3A_233 : i32
      "tpu.region"() ({
        %run_scoped3A = tpu.sem_alloc : memref<!tpu.dma_semaphore, #tpu.memory_space<semaphore_mem>>
        %dma_start3A = arith.constant 0 : i32
        %dma_start3A_245 = tpu.memref_slice %arg8[%add3A_234, %dma_start3A] : memref<10240x64xf32, #tpu.memory_space<vmem_shared>> -> memref<128x64xf32, #tpu.memory_space<vmem_shared>>
        %dma_start3A_246 = arith.constant 0 : i32
        %dma_start3A_247 = tpu.memref_slice %arg8[%add3A_234, %dma_start3A_246] : memref<10240x64xf32, #tpu.memory_space<vmem_shared>> -> memref<128x64xf32, #tpu.memory_space<vmem_shared>>
        tpu.enqueue_dma source(%dma_start3A_247 : memref<128x64xf32, #tpu.memory_space<vmem_shared>>) target(%arg11 : memref<128x64xf32, #tpu.memory_space<vmem>>) target_semaphore(%run_scoped3A : memref<!tpu.dma_semaphore, #tpu.memory_space<semaphore_mem>>)
        %dma_wait3A = arith.constant 0 : i32
        %dma_wait3A_248 = tpu.memref_slice %arg8[%add3A_234, %dma_wait3A] : memref<10240x64xf32, #tpu.memory_space<vmem_shared>> -> memref<128x64xf32, #tpu.memory_space<vmem_shared>>
        %dma_wait3A_249 = arith.constant 0 : i32
        %dma_wait3A_250 = tpu.memref_slice %arg8[%add3A_234, %dma_wait3A_249] : memref<10240x64xf32, #tpu.memory_space<vmem_shared>> -> memref<128x64xf32, #tpu.memory_space<vmem_shared>>
        tpu.wait_dma2 semaphore(%run_scoped3A : memref<!tpu.dma_semaphore, #tpu.memory_space<semaphore_mem>>) src(%dma_wait3A_250 : memref<128x64xf32, #tpu.memory_space<vmem_shared>>) dst(%arg11 : memref<128x64xf32, #tpu.memory_space<vmem>>)
        tpu.yield
      }) : () -> ()
      %add3A_235 = arith.addi %mul3A_2, %add3A_234 : i32
      "tpu.region"() ({
        %run_scoped3A = tpu.sem_alloc : memref<!tpu.dma_semaphore, #tpu.memory_space<semaphore_mem>>
        %dma_start3A = arith.constant 0 : i32
        %dma_start3A_245 = tpu.memref_slice %arg2[%add3A_235, %dma_start3A] : memref<20480x64xf32, #tpu.memory_space<hbm>> -> memref<128x64xf32, #tpu.memory_space<hbm>>
        %dma_start3A_246 = arith.constant 0 : i32
        %dma_start3A_247 = tpu.memref_slice %arg2[%add3A_235, %dma_start3A_246] : memref<20480x64xf32, #tpu.memory_space<hbm>> -> memref<128x64xf32, #tpu.memory_space<hbm>>
        tpu.enqueue_dma source(%dma_start3A_247 : memref<128x64xf32, #tpu.memory_space<hbm>>) target(%arg13 : memref<128x64xf32, #tpu.memory_space<vmem>>) target_semaphore(%run_scoped3A : memref<!tpu.dma_semaphore, #tpu.memory_space<semaphore_mem>>)
        %dma_wait3A = arith.constant 0 : i32
        %dma_wait3A_248 = tpu.memref_slice %arg2[%add3A_235, %dma_wait3A] : memref<20480x64xf32, #tpu.memory_space<hbm>> -> memref<128x64xf32, #tpu.memory_space<hbm>>
        %dma_wait3A_249 = arith.constant 0 : i32
        %dma_wait3A_250 = tpu.memref_slice %arg2[%add3A_235, %dma_wait3A_249] : memref<20480x64xf32, #tpu.memory_space<hbm>> -> memref<128x64xf32, #tpu.memory_space<hbm>>
        tpu.wait_dma2 semaphore(%run_scoped3A : memref<!tpu.dma_semaphore, #tpu.memory_space<semaphore_mem>>) src(%dma_wait3A_250 : memref<128x64xf32, #tpu.memory_space<hbm>>) dst(%arg13 : memref<128x64xf32, #tpu.memory_space<vmem>>)
        tpu.yield
      }) : () -> ()
      %scan3A_236 = arith.constant 0 : i32
      %scan3A_237 = arith.constant 0 : i32
      %scan3A_238 = arith.constant 128 : i32
      %scan3A_239 = arith.addi %scan3A_237, %scan3A_238 : i32
      %scan3A_240 = arith.constant 1 : i32
      %scan3A_241 = scf.for %scan3A_245 = %scan3A_237 to %scan3A_239 step %scan3A_240 iter_args(%scan3A_246 = %scan3A_236) -> (i32)  : i32 {
        %add3A_247 = arith.constant 512 : i32
        %add3A_248 = arith.addi %add3A_247, %scan3A_245 : i32
        %get3A = arith.index_cast %add3A_248 : i32 to index
        %get3A_249 = arith.constant 0 : index
        %get3A_250 = tpu.vector_load %arg15[%get3A, %get3A_249] {strides = array<i32>} : memref<640x16xf32, #tpu.memory_space<vmem>>, vector<1x16xf32>,
        %get3A_251 = vector.shape_cast %get3A_250 : vector<1x16xf32> to vector<16xf32>
        %add3A_252 = arith.constant 512 : i32
        %add3A_253 = arith.addi %add3A_252, %scan3A_245 : i32
        %get3A_254 = arith.index_cast %add3A_253 : i32 to index
        %get3A_255 = arith.constant 0 : index
        %get3A_256 = tpu.vector_load %arg14[%get3A_254, %get3A_255] {strides = array<i32>} : memref<640x16xf32, #tpu.memory_space<vmem>>, vector<1x16xf32>,
        %get3A_257 = vector.shape_cast %get3A_256 : vector<1x16xf32> to vector<16xf32>
        %get3A_258 = arith.index_cast %scan3A_245 : i32 to index
        %get3A_259 = arith.constant 0 : index
        %get3A_260 = tpu.vector_load %arg11[%get3A_258, %get3A_259] {strides = array<i32>} : memref<128x64xf32, #tpu.memory_space<vmem>>, vector<1x16xf32>,
        %get3A_261 = vector.shape_cast %get3A_260 : vector<1x16xf32> to vector<16xf32>
        %mul3A_262 = arith.mulf %get3A_251, %get3A_261 : vector<16xf32>
        %get3A_263 = arith.index_cast %scan3A_245 : i32 to index
        %get3A_264 = arith.constant 0 : index
        %get3A_265 = tpu.vector_load %arg13[%get3A_263, %get3A_264] {strides = array<i32>} : memref<128x64xf32, #tpu.memory_space<vmem>>, vector<1x16xf32>,
        %get3A_266 = vector.shape_cast %get3A_265 : vector<1x16xf32> to vector<16xf32>
        %mul3A_267 = arith.mulf %get3A_257, %get3A_266 : vector<16xf32>
        %add3A_268 = arith.addf %mul3A_262, %mul3A_267 : vector<16xf32>
        %swap3A = arith.index_cast %scan3A_245 : i32 to index
        %swap3A_269 = arith.constant 0 : index
        %swap3A_270 = tpu.vector_load %arg11[%swap3A, %swap3A_269] {strides = array<i32>} : memref<128x64xf32, #tpu.memory_space<vmem>>, vector<1x16xf32>,
        %swap3A_271 = vector.shape_cast %swap3A_270 : vector<1x16xf32> to vector<16xf32>
        %swap3A_272 = vector.shape_cast %add3A_268 : vector<16xf32> to vector<1x16xf32>
        tpu.vector_store %arg11[%swap3A, %swap3A_269], %swap3A_272 {strides = array<i32>} : memref<128x64xf32, #tpu.memory_space<vmem>>, vector<1x16xf32>,
        %get3A_273 = arith.index_cast %scan3A_245 : i32 to index
        %get3A_274 = arith.constant 16 : index
        %get3A_275 = tpu.vector_load %arg11[%get3A_273, %get3A_274] {strides = array<i32>} : memref<128x64xf32, #tpu.memory_space<vmem>>, vector<1x16xf32>,
        %get3A_276 = vector.shape_cast %get3A_275 : vector<1x16xf32> to vector<16xf32>
        %mul3A_277 = arith.mulf %get3A_251, %get3A_276 : vector<16xf32>
        %get3A_278 = arith.index_cast %scan3A_245 : i32 to index
        %get3A_279 = arith.constant 16 : index
        %get3A_280 = tpu.vector_load %arg13[%get3A_278, %get3A_279] {strides = array<i32>} : memref<128x64xf32, #tpu.memory_space<vmem>>, vector<1x16xf32>,
        %get3A_281 = vector.shape_cast %get3A_280 : vector<1x16xf32> to vector<16xf32>
        %mul3A_282 = arith.mulf %get3A_257, %get3A_281 : vector<16xf32>
        %add3A_283 = arith.addf %mul3A_277, %mul3A_282 : vector<16xf32>
        %swap3A_284 = arith.index_cast %scan3A_245 : i32 to index
        %swap3A_285 = arith.constant 16 : index
        %swap3A_286 = tpu.vector_load %arg11[%swap3A_284, %swap3A_285] {strides = array<i32>} : memref<128x64xf32, #tpu.memory_space<vmem>>, vector<1x16xf32>,
        %swap3A_287 = vector.shape_cast %swap3A_286 : vector<1x16xf32> to vector<16xf32>
        %swap3A_288 = vector.shape_cast %add3A_283 : vector<16xf32> to vector<1x16xf32>
        tpu.vector_store %arg11[%swap3A_284, %swap3A_285], %swap3A_288 {strides = array<i32>} : memref<128x64xf32, #tpu.memory_space<vmem>>, vector<1x16xf32>,
        %get3A_289 = arith.index_cast %scan3A_245 : i32 to index
        %get3A_290 = arith.constant 32 : index
        %get3A_291 = tpu.vector_load %arg11[%get3A_289, %get3A_290] {strides = array<i32>} : memref<128x64xf32, #tpu.memory_space<vmem>>, vector<1x16xf32>,
        %get3A_292 = vector.shape_cast %get3A_291 : vector<1x16xf32> to vector<16xf32>
        %mul3A_293 = arith.mulf %get3A_251, %get3A_292 : vector<16xf32>
        %get3A_294 = arith.index_cast %scan3A_245 : i32 to index
        %get3A_295 = arith.constant 32 : index
        %get3A_296 = tpu.vector_load %arg13[%get3A_294, %get3A_295] {strides = array<i32>} : memref<128x64xf32, #tpu.memory_space<vmem>>, vector<1x16xf32>,
        %get3A_297 = vector.shape_cast %get3A_296 : vector<1x16xf32> to vector<16xf32>
        %mul3A_298 = arith.mulf %get3A_257, %get3A_297 : vector<16xf32>
        %add3A_299 = arith.addf %mul3A_293, %mul3A_298 : vector<16xf32>
        %swap3A_300 = arith.index_cast %scan3A_245 : i32 to index
        %swap3A_301 = arith.constant 32 : index
        %swap3A_302 = tpu.vector_load %arg11[%swap3A_300, %swap3A_301] {strides = array<i32>} : memref<128x64xf32, #tpu.memory_space<vmem>>, vector<1x16xf32>,
        %swap3A_303 = vector.shape_cast %swap3A_302 : vector<1x16xf32> to vector<16xf32>
        %swap3A_304 = vector.shape_cast %add3A_299 : vector<16xf32> to vector<1x16xf32>
        tpu.vector_store %arg11[%swap3A_300, %swap3A_301], %swap3A_304 {strides = array<i32>} : memref<128x64xf32, #tpu.memory_space<vmem>>, vector<1x16xf32>,
        %get3A_305 = arith.index_cast %scan3A_245 : i32 to index
        %get3A_306 = arith.constant 48 : index
        %get3A_307 = tpu.vector_load %arg11[%get3A_305, %get3A_306] {strides = array<i32>} : memref<128x64xf32, #tpu.memory_space<vmem>>, vector<1x16xf32>,
        %get3A_308 = vector.shape_cast %get3A_307 : vector<1x16xf32> to vector<16xf32>
        %mul3A_309 = arith.mulf %get3A_251, %get3A_308 : vector<16xf32>
        %get3A_310 = arith.index_cast %scan3A_245 : i32 to index
        %get3A_311 = arith.constant 48 : index
        %get3A_312 = tpu.vector_load %arg13[%get3A_310, %get3A_311] {strides = array<i32>} : memref<128x64xf32, #tpu.memory_space<vmem>>, vector<1x16xf32>,
        %get3A_313 = vector.shape_cast %get3A_312 : vector<1x16xf32> to vector<16xf32>
        %mul3A_314 = arith.mulf %get3A_257, %get3A_313 : vector<16xf32>
        %add3A_315 = arith.addf %mul3A_309, %mul3A_314 : vector<16xf32>
        %swap3A_316 = arith.index_cast %scan3A_245 : i32 to index
        %swap3A_317 = arith.constant 48 : index
        %swap3A_318 = tpu.vector_load %arg11[%swap3A_316, %swap3A_317] {strides = array<i32>} : memref<128x64xf32, #tpu.memory_space<vmem>>, vector<1x16xf32>,
        %swap3A_319 = vector.shape_cast %swap3A_318 : vector<1x16xf32> to vector<16xf32>
        %swap3A_320 = vector.shape_cast %add3A_315 : vector<16xf32> to vector<1x16xf32>
        tpu.vector_store %arg11[%swap3A_316, %swap3A_317], %swap3A_320 {strides = array<i32>} : memref<128x64xf32, #tpu.memory_space<vmem>>, vector<1x16xf32>,
        %scan3A_321 = arith.constant 0 : i32
        scf.yield %scan3A_321 : i32
      }
      %scan3A_242 = arith.constant 128 : i32
      %add3A_243 = arith.addi %mul3A_2, %add3A_234 : i32
      "tpu.region"() ({
        %run_scoped3A = tpu.sem_alloc : memref<!tpu.dma_semaphore, #tpu.memory_space<semaphore_mem>>
        %dma_start3A = arith.constant 0 : i32
        %dma_start3A_245 = tpu.memref_slice %arg7[%add3A_243, %dma_start3A] : memref<20480x64xf32, #tpu.memory_space<hbm>> -> memref<128x64xf32, #tpu.memory_space<hbm>>
        %dma_start3A_246 = arith.constant 0 : i32
        %dma_start3A_247 = tpu.memref_slice %arg7[%add3A_243, %dma_start3A_246] : memref<20480x64xf32, #tpu.memory_space<hbm>> -> memref<128x64xf32, #tpu.memory_space<hbm>>
        tpu.enqueue_dma source(%arg11 : memref<128x64xf32, #tpu.memory_space<vmem>>) target(%dma_start3A_247 : memref<128x64xf32, #tpu.memory_space<hbm>>) target_semaphore(%run_scoped3A : memref<!tpu.dma_semaphore, #tpu.memory_space<semaphore_mem>>)
        %dma_wait3A = arith.constant 0 : i32
        %dma_wait3A_248 = tpu.memref_slice %arg7[%add3A_243, %dma_wait3A] : memref<20480x64xf32, #tpu.memory_space<hbm>> -> memref<128x64xf32, #tpu.memory_space<hbm>>
        %dma_wait3A_249 = arith.constant 0 : i32
        %dma_wait3A_250 = tpu.memref_slice %arg7[%add3A_243, %dma_wait3A_249] : memref<20480x64xf32, #tpu.memory_space<hbm>> -> memref<128x64xf32, #tpu.memory_space<hbm>>
        tpu.wait_dma2 semaphore(%run_scoped3A : memref<!tpu.dma_semaphore, #tpu.memory_space<semaphore_mem>>) src(%arg11 : memref<128x64xf32, #tpu.memory_space<vmem>>) dst(%dma_wait3A_250 : memref<128x64xf32, #tpu.memory_space<hbm>>)
        tpu.yield
      }) : () -> ()
      "tpu.region"() ({
        %run_scoped3A = tpu.sem_alloc : memref<!tpu.dma_semaphore, #tpu.memory_space<semaphore_mem>>
        %dma_start3A = arith.constant 0 : i32
        %dma_start3A_245 = tpu.memref_slice %arg8[%add3A_234, %dma_start3A] : memref<10240x64xf32, #tpu.memory_space<vmem_shared>> -> memref<128x64xf32, #tpu.memory_space<vmem_shared>>
        %dma_start3A_246 = arith.constant 0 : i32
        %dma_start3A_247 = tpu.memref_slice %arg8[%add3A_234, %dma_start3A_246] : memref<10240x64xf32, #tpu.memory_space<vmem_shared>> -> memref<128x64xf32, #tpu.memory_space<vmem_shared>>
        tpu.enqueue_dma source(%arg11 : memref<128x64xf32, #tpu.memory_space<vmem>>) target(%dma_start3A_247 : memref<128x64xf32, #tpu.memory_space<vmem_shared>>) target_semaphore(%run_scoped3A : memref<!tpu.dma_semaphore, #tpu.memory_space<semaphore_mem>>)
        %dma_wait3A = arith.constant 0 : i32
        %dma_wait3A_248 = tpu.memref_slice %arg8[%add3A_234, %dma_wait3A] : memref<10240x64xf32, #tpu.memory_space<vmem_shared>> -> memref<128x64xf32, #tpu.memory_space<vmem_shared>>
        %dma_wait3A_249 = arith.constant 0 : i32
        %dma_wait3A_250 = tpu.memref_slice %arg8[%add3A_234, %dma_wait3A_249] : memref<10240x64xf32, #tpu.memory_space<vmem_shared>> -> memref<128x64xf32, #tpu.memory_space<vmem_shared>>
        tpu.wait_dma2 semaphore(%run_scoped3A : memref<!tpu.dma_semaphore, #tpu.memory_space<semaphore_mem>>) src(%arg11 : memref<128x64xf32, #tpu.memory_space<vmem>>) dst(%dma_wait3A_250 : memref<128x64xf32, #tpu.memory_space<vmem_shared>>)
        tpu.yield
      }) : () -> ()
      %barrier3A_244 = arith.constant 0 : index
      tpu.barrier barrier_id(%barrier3A_244)
    }
    %scan3A_129 = arith.constant 10 : i32
    %add3A_130 = arith.constant 0 : i32
    %add3A_131 = arith.addi %mul3A_0, %add3A_130 : i32
    "tpu.region"() ({
      %run_scoped3A = tpu.sem_alloc : memref<!tpu.dma_semaphore, #tpu.memory_space<semaphore_mem>>
      %dma_start3A = arith.constant 0 : i32
      %dma_start3A_180 = tpu.memref_slice %arg8[%add3A_131, %dma_start3A] : memref<10240x64xf32, #tpu.memory_space<vmem_shared>> -> memref<128x64xf32, #tpu.memory_space<vmem_shared>>
      %dma_start3A_181 = arith.constant 0 : i32
      %dma_start3A_182 = tpu.memref_slice %arg8[%add3A_131, %dma_start3A_181] : memref<10240x64xf32, #tpu.memory_space<vmem_shared>> -> memref<128x64xf32, #tpu.memory_space<vmem_shared>>
      tpu.enqueue_dma source(%dma_start3A_182 : memref<128x64xf32, #tpu.memory_space<vmem_shared>>) target(%arg11 : memref<128x64xf32, #tpu.memory_space<vmem>>) target_semaphore(%run_scoped3A : memref<!tpu.dma_semaphore, #tpu.memory_space<semaphore_mem>>)
      %dma_wait3A = arith.constant 0 : i32
      %dma_wait3A_183 = tpu.memref_slice %arg8[%add3A_131, %dma_wait3A] : memref<10240x64xf32, #tpu.memory_space<vmem_shared>> -> memref<128x64xf32, #tpu.memory_space<vmem_shared>>
      %dma_wait3A_184 = arith.constant 0 : i32
      %dma_wait3A_185 = tpu.memref_slice %arg8[%add3A_131, %dma_wait3A_184] : memref<10240x64xf32, #tpu.memory_space<vmem_shared>> -> memref<128x64xf32, #tpu.memory_space<vmem_shared>>
      tpu.wait_dma2 semaphore(%run_scoped3A : memref<!tpu.dma_semaphore, #tpu.memory_space<semaphore_mem>>) src(%dma_wait3A_185 : memref<128x64xf32, #tpu.memory_space<vmem_shared>>) dst(%arg11 : memref<128x64xf32, #tpu.memory_space<vmem>>)
      tpu.yield
    }) : () -> ()
    %scan3A_132 = arith.constant 0 : i32
    %scan3A_133 = arith.constant 0 : i32
    %scan3A_134 = arith.constant 128 : i32
    %scan3A_135 = arith.addi %scan3A_133, %scan3A_134 : i32
    %scan3A_136 = arith.constant 1 : i32
    %scan3A_137 = scf.for %scan3A_180 = %scan3A_133 to %scan3A_135 step %scan3A_136 iter_args(%scan3A_181 = %scan3A_132) -> (i32)  : i32 {
      %add3A_182 = arith.constant 0 : i32
      %add3A_183 = arith.addi %add3A_182, %scan3A_180 : i32
      %get3A = arith.index_cast %add3A_183 : i32 to index
      %get3A_184 = arith.constant 0 : index
      %get3A_185 = tpu.vector_load %arg14[%get3A, %get3A_184] {strides = array<i32>} : memref<640x16xf32, #tpu.memory_space<vmem>>, vector<1x16xf32>,
      %get3A_186 = vector.shape_cast %get3A_185 : vector<1x16xf32> to vector<16xf32>
      %get3A_187 = arith.index_cast %scan3A_180 : i32 to index
      %get3A_188 = arith.constant 0 : index
      %get3A_189 = tpu.vector_load %arg11[%get3A_187, %get3A_188] {strides = array<i32>} : memref<128x64xf32, #tpu.memory_space<vmem>>, vector<1x16xf32>,
      %get3A_190 = vector.shape_cast %get3A_189 : vector<1x16xf32> to vector<16xf32>
      %broadcast_in_dim3A_191 = arith.constant 1.000000e-01 : f32
      %broadcast_in_dim3A_192 = vector.broadcast %broadcast_in_dim3A_191 : f32 to vector<16xf32>
      %mul3A_193 = arith.mulf %get3A_190, %broadcast_in_dim3A_192 : vector<16xf32>
      %div3A = arith.divf %mul3A_193, %get3A_186 : vector<16xf32>
      %swap3A = arith.index_cast %scan3A_180 : i32 to index
      %swap3A_194 = arith.constant 0 : index
      %swap3A_195 = tpu.vector_load %arg11[%swap3A, %swap3A_194] {strides = array<i32>} : memref<128x64xf32, #tpu.memory_space<vmem>>, vector<1x16xf32>,
      %swap3A_196 = vector.shape_cast %swap3A_195 : vector<1x16xf32> to vector<16xf32>
      %swap3A_197 = vector.shape_cast %div3A : vector<16xf32> to vector<1x16xf32>
      tpu.vector_store %arg11[%swap3A, %swap3A_194], %swap3A_197 {strides = array<i32>} : memref<128x64xf32, #tpu.memory_space<vmem>>, vector<1x16xf32>,
      %get3A_198 = arith.index_cast %scan3A_180 : i32 to index
      %get3A_199 = arith.constant 16 : index
      %get3A_200 = tpu.vector_load %arg11[%get3A_198, %get3A_199] {strides = array<i32>} : memref<128x64xf32, #tpu.memory_space<vmem>>, vector<1x16xf32>,
      %get3A_201 = vector.shape_cast %get3A_200 : vector<1x16xf32> to vector<16xf32>
      %broadcast_in_dim3A_202 = arith.constant 1.000000e-01 : f32
      %broadcast_in_dim3A_203 = vector.broadcast %broadcast_in_dim3A_202 : f32 to vector<16xf32>
      %mul3A_204 = arith.mulf %get3A_201, %broadcast_in_dim3A_203 : vector<16xf32>
      %div3A_205 = arith.divf %mul3A_204, %get3A_186 : vector<16xf32>
      %swap3A_206 = arith.index_cast %scan3A_180 : i32 to index
      %swap3A_207 = arith.constant 16 : index
      %swap3A_208 = tpu.vector_load %arg11[%swap3A_206, %swap3A_207] {strides = array<i32>} : memref<128x64xf32, #tpu.memory_space<vmem>>, vector<1x16xf32>,
      %swap3A_209 = vector.shape_cast %swap3A_208 : vector<1x16xf32> to vector<16xf32>
      %swap3A_210 = vector.shape_cast %div3A_205 : vector<16xf32> to vector<1x16xf32>
      tpu.vector_store %arg11[%swap3A_206, %swap3A_207], %swap3A_210 {strides = array<i32>} : memref<128x64xf32, #tpu.memory_space<vmem>>, vector<1x16xf32>,
      %get3A_211 = arith.index_cast %scan3A_180 : i32 to index
      %get3A_212 = arith.constant 32 : index
      %get3A_213 = tpu.vector_load %arg11[%get3A_211, %get3A_212] {strides = array<i32>} : memref<128x64xf32, #tpu.memory_space<vmem>>, vector<1x16xf32>,
      %get3A_214 = vector.shape_cast %get3A_213 : vector<1x16xf32> to vector<16xf32>
      %broadcast_in_dim3A_215 = arith.constant 1.000000e-01 : f32
      %broadcast_in_dim3A_216 = vector.broadcast %broadcast_in_dim3A_215 : f32 to vector<16xf32>
      %mul3A_217 = arith.mulf %get3A_214, %broadcast_in_dim3A_216 : vector<16xf32>
      %div3A_218 = arith.divf %mul3A_217, %get3A_186 : vector<16xf32>
      %swap3A_219 = arith.index_cast %scan3A_180 : i32 to index
      %swap3A_220 = arith.constant 32 : index
      %swap3A_221 = tpu.vector_load %arg11[%swap3A_219, %swap3A_220] {strides = array<i32>} : memref<128x64xf32, #tpu.memory_space<vmem>>, vector<1x16xf32>,
      %swap3A_222 = vector.shape_cast %swap3A_221 : vector<1x16xf32> to vector<16xf32>
      %swap3A_223 = vector.shape_cast %div3A_218 : vector<16xf32> to vector<1x16xf32>
      tpu.vector_store %arg11[%swap3A_219, %swap3A_220], %swap3A_223 {strides = array<i32>} : memref<128x64xf32, #tpu.memory_space<vmem>>, vector<1x16xf32>,
      %get3A_224 = arith.index_cast %scan3A_180 : i32 to index
      %get3A_225 = arith.constant 48 : index
      %get3A_226 = tpu.vector_load %arg11[%get3A_224, %get3A_225] {strides = array<i32>} : memref<128x64xf32, #tpu.memory_space<vmem>>, vector<1x16xf32>,
      %get3A_227 = vector.shape_cast %get3A_226 : vector<1x16xf32> to vector<16xf32>
      %broadcast_in_dim3A_228 = arith.constant 1.000000e-01 : f32
      %broadcast_in_dim3A_229 = vector.broadcast %broadcast_in_dim3A_228 : f32 to vector<16xf32>
      %mul3A_230 = arith.mulf %get3A_227, %broadcast_in_dim3A_229 : vector<16xf32>
      %div3A_231 = arith.divf %mul3A_230, %get3A_186 : vector<16xf32>
      %swap3A_232 = arith.index_cast %scan3A_180 : i32 to index
      %swap3A_233 = arith.constant 48 : index
      %swap3A_234 = tpu.vector_load %arg11[%swap3A_232, %swap3A_233] {strides = array<i32>} : memref<128x64xf32, #tpu.memory_space<vmem>>, vector<1x16xf32>,
      %swap3A_235 = vector.shape_cast %swap3A_234 : vector<1x16xf32> to vector<16xf32>
      %swap3A_236 = vector.shape_cast %div3A_231 : vector<16xf32> to vector<1x16xf32>
      tpu.vector_store %arg11[%swap3A_232, %swap3A_233], %swap3A_236 {strides = array<i32>} : memref<128x64xf32, #tpu.memory_space<vmem>>, vector<1x16xf32>,
      %scan3A_237 = arith.constant 0 : i32
      scf.yield %scan3A_237 : i32
    }
    %scan3A_138 = arith.constant 128 : i32
    %add3A_139 = arith.addi %mul3A_2, %add3A_131 : i32
    "tpu.region"() ({
      %run_scoped3A = tpu.sem_alloc : memref<!tpu.dma_semaphore, #tpu.memory_space<semaphore_mem>>
      %dma_start3A = arith.constant 0 : i32
      %dma_start3A_180 = tpu.memref_slice %arg6[%add3A_139, %dma_start3A] : memref<20480x64xf32, #tpu.memory_space<hbm>> -> memref<128x64xf32, #tpu.memory_space<hbm>>
      %dma_start3A_181 = arith.constant 0 : i32
      %dma_start3A_182 = tpu.memref_slice %arg6[%add3A_139, %dma_start3A_181] : memref<20480x64xf32, #tpu.memory_space<hbm>> -> memref<128x64xf32, #tpu.memory_space<hbm>>
      tpu.enqueue_dma source(%arg11 : memref<128x64xf32, #tpu.memory_space<vmem>>) target(%dma_start3A_182 : memref<128x64xf32, #tpu.memory_space<hbm>>) target_semaphore(%run_scoped3A : memref<!tpu.dma_semaphore, #tpu.memory_space<semaphore_mem>>)
      %dma_wait3A = arith.constant 0 : i32
      %dma_wait3A_183 = tpu.memref_slice %arg6[%add3A_139, %dma_wait3A] : memref<20480x64xf32, #tpu.memory_space<hbm>> -> memref<128x64xf32, #tpu.memory_space<hbm>>
      %dma_wait3A_184 = arith.constant 0 : i32
      %dma_wait3A_185 = tpu.memref_slice %arg6[%add3A_139, %dma_wait3A_184] : memref<20480x64xf32, #tpu.memory_space<hbm>> -> memref<128x64xf32, #tpu.memory_space<hbm>>
      tpu.wait_dma2 semaphore(%run_scoped3A : memref<!tpu.dma_semaphore, #tpu.memory_space<semaphore_mem>>) src(%arg11 : memref<128x64xf32, #tpu.memory_space<vmem>>) dst(%dma_wait3A_185 : memref<128x64xf32, #tpu.memory_space<hbm>>)
      tpu.yield
    }) : () -> ()
    %add3A_140 = arith.constant 128 : i32
    %add3A_141 = arith.addi %mul3A_0, %add3A_140 : i32
    "tpu.region"() ({
      %run_scoped3A = tpu.sem_alloc : memref<!tpu.dma_semaphore, #tpu.memory_space<semaphore_mem>>
      %dma_start3A = arith.constant 0 : i32
      %dma_start3A_180 = tpu.memref_slice %arg8[%add3A_141, %dma_start3A] : memref<10240x64xf32, #tpu.memory_space<vmem_shared>> -> memref<128x64xf32, #tpu.memory_space<vmem_shared>>
      %dma_start3A_181 = arith.constant 0 : i32
      %dma_start3A_182 = tpu.memref_slice %arg8[%add3A_141, %dma_start3A_181] : memref<10240x64xf32, #tpu.memory_space<vmem_shared>> -> memref<128x64xf32, #tpu.memory_space<vmem_shared>>
      tpu.enqueue_dma source(%dma_start3A_182 : memref<128x64xf32, #tpu.memory_space<vmem_shared>>) target(%arg11 : memref<128x64xf32, #tpu.memory_space<vmem>>) target_semaphore(%run_scoped3A : memref<!tpu.dma_semaphore, #tpu.memory_space<semaphore_mem>>)
      %dma_wait3A = arith.constant 0 : i32
      %dma_wait3A_183 = tpu.memref_slice %arg8[%add3A_141, %dma_wait3A] : memref<10240x64xf32, #tpu.memory_space<vmem_shared>> -> memref<128x64xf32, #tpu.memory_space<vmem_shared>>
      %dma_wait3A_184 = arith.constant 0 : i32
      %dma_wait3A_185 = tpu.memref_slice %arg8[%add3A_141, %dma_wait3A_184] : memref<10240x64xf32, #tpu.memory_space<vmem_shared>> -> memref<128x64xf32, #tpu.memory_space<vmem_shared>>
      tpu.wait_dma2 semaphore(%run_scoped3A : memref<!tpu.dma_semaphore, #tpu.memory_space<semaphore_mem>>) src(%dma_wait3A_185 : memref<128x64xf32, #tpu.memory_space<vmem_shared>>) dst(%arg11 : memref<128x64xf32, #tpu.memory_space<vmem>>)
      tpu.yield
    }) : () -> ()
    %scan3A_142 = arith.constant 0 : i32
    %scan3A_143 = arith.constant 0 : i32
    %scan3A_144 = arith.constant 128 : i32
    %scan3A_145 = arith.addi %scan3A_143, %scan3A_144 : i32
    %scan3A_146 = arith.constant 1 : i32
    %scan3A_147 = scf.for %scan3A_180 = %scan3A_143 to %scan3A_145 step %scan3A_146 iter_args(%scan3A_181 = %scan3A_142) -> (i32)  : i32 {
      %add3A_182 = arith.constant 128 : i32
      %add3A_183 = arith.addi %add3A_182, %scan3A_180 : i32
      %get3A = arith.index_cast %add3A_183 : i32 to index
      %get3A_184 = arith.constant 0 : index
      %get3A_185 = tpu.vector_load %arg14[%get3A, %get3A_184] {strides = array<i32>} : memref<640x16xf32, #tpu.memory_space<vmem>>, vector<1x16xf32>,
      %get3A_186 = vector.shape_cast %get3A_185 : vector<1x16xf32> to vector<16xf32>
      %get3A_187 = arith.index_cast %scan3A_180 : i32 to index
      %get3A_188 = arith.constant 0 : index
      %get3A_189 = tpu.vector_load %arg11[%get3A_187, %get3A_188] {strides = array<i32>} : memref<128x64xf32, #tpu.memory_space<vmem>>, vector<1x16xf32>,
      %get3A_190 = vector.shape_cast %get3A_189 : vector<1x16xf32> to vector<16xf32>
      %broadcast_in_dim3A_191 = arith.constant 1.000000e-01 : f32
      %broadcast_in_dim3A_192 = vector.broadcast %broadcast_in_dim3A_191 : f32 to vector<16xf32>
      %mul3A_193 = arith.mulf %get3A_190, %broadcast_in_dim3A_192 : vector<16xf32>
      %div3A = arith.divf %mul3A_193, %get3A_186 : vector<16xf32>
      %swap3A = arith.index_cast %scan3A_180 : i32 to index
      %swap3A_194 = arith.constant 0 : index
      %swap3A_195 = tpu.vector_load %arg11[%swap3A, %swap3A_194] {strides = array<i32>} : memref<128x64xf32, #tpu.memory_space<vmem>>, vector<1x16xf32>,
      %swap3A_196 = vector.shape_cast %swap3A_195 : vector<1x16xf32> to vector<16xf32>
      %swap3A_197 = vector.shape_cast %div3A : vector<16xf32> to vector<1x16xf32>
      tpu.vector_store %arg11[%swap3A, %swap3A_194], %swap3A_197 {strides = array<i32>} : memref<128x64xf32, #tpu.memory_space<vmem>>, vector<1x16xf32>,
      %get3A_198 = arith.index_cast %scan3A_180 : i32 to index
      %get3A_199 = arith.constant 16 : index
      %get3A_200 = tpu.vector_load %arg11[%get3A_198, %get3A_199] {strides = array<i32>} : memref<128x64xf32, #tpu.memory_space<vmem>>, vector<1x16xf32>,
      %get3A_201 = vector.shape_cast %get3A_200 : vector<1x16xf32> to vector<16xf32>
      %broadcast_in_dim3A_202 = arith.constant 1.000000e-01 : f32
      %broadcast_in_dim3A_203 = vector.broadcast %broadcast_in_dim3A_202 : f32 to vector<16xf32>
      %mul3A_204 = arith.mulf %get3A_201, %broadcast_in_dim3A_203 : vector<16xf32>
      %div3A_205 = arith.divf %mul3A_204, %get3A_186 : vector<16xf32>
      %swap3A_206 = arith.index_cast %scan3A_180 : i32 to index
      %swap3A_207 = arith.constant 16 : index
      %swap3A_208 = tpu.vector_load %arg11[%swap3A_206, %swap3A_207] {strides = array<i32>} : memref<128x64xf32, #tpu.memory_space<vmem>>, vector<1x16xf32>,
      %swap3A_209 = vector.shape_cast %swap3A_208 : vector<1x16xf32> to vector<16xf32>
      %swap3A_210 = vector.shape_cast %div3A_205 : vector<16xf32> to vector<1x16xf32>
      tpu.vector_store %arg11[%swap3A_206, %swap3A_207], %swap3A_210 {strides = array<i32>} : memref<128x64xf32, #tpu.memory_space<vmem>>, vector<1x16xf32>,
      %get3A_211 = arith.index_cast %scan3A_180 : i32 to index
      %get3A_212 = arith.constant 32 : index
      %get3A_213 = tpu.vector_load %arg11[%get3A_211, %get3A_212] {strides = array<i32>} : memref<128x64xf32, #tpu.memory_space<vmem>>, vector<1x16xf32>,
      %get3A_214 = vector.shape_cast %get3A_213 : vector<1x16xf32> to vector<16xf32>
      %broadcast_in_dim3A_215 = arith.constant 1.000000e-01 : f32
      %broadcast_in_dim3A_216 = vector.broadcast %broadcast_in_dim3A_215 : f32 to vector<16xf32>
      %mul3A_217 = arith.mulf %get3A_214, %broadcast_in_dim3A_216 : vector<16xf32>
      %div3A_218 = arith.divf %mul3A_217, %get3A_186 : vector<16xf32>
      %swap3A_219 = arith.index_cast %scan3A_180 : i32 to index
      %swap3A_220 = arith.constant 32 : index
      %swap3A_221 = tpu.vector_load %arg11[%swap3A_219, %swap3A_220] {strides = array<i32>} : memref<128x64xf32, #tpu.memory_space<vmem>>, vector<1x16xf32>,
      %swap3A_222 = vector.shape_cast %swap3A_221 : vector<1x16xf32> to vector<16xf32>
      %swap3A_223 = vector.shape_cast %div3A_218 : vector<16xf32> to vector<1x16xf32>
      tpu.vector_store %arg11[%swap3A_219, %swap3A_220], %swap3A_223 {strides = array<i32>} : memref<128x64xf32, #tpu.memory_space<vmem>>, vector<1x16xf32>,
      %get3A_224 = arith.index_cast %scan3A_180 : i32 to index
      %get3A_225 = arith.constant 48 : index
      %get3A_226 = tpu.vector_load %arg11[%get3A_224, %get3A_225] {strides = array<i32>} : memref<128x64xf32, #tpu.memory_space<vmem>>, vector<1x16xf32>,
      %get3A_227 = vector.shape_cast %get3A_226 : vector<1x16xf32> to vector<16xf32>
      %broadcast_in_dim3A_228 = arith.constant 1.000000e-01 : f32
      %broadcast_in_dim3A_229 = vector.broadcast %broadcast_in_dim3A_228 : f32 to vector<16xf32>
      %mul3A_230 = arith.mulf %get3A_227, %broadcast_in_dim3A_229 : vector<16xf32>
      %div3A_231 = arith.divf %mul3A_230, %get3A_186 : vector<16xf32>
      %swap3A_232 = arith.index_cast %scan3A_180 : i32 to index
      %swap3A_233 = arith.constant 48 : index
      %swap3A_234 = tpu.vector_load %arg11[%swap3A_232, %swap3A_233] {strides = array<i32>} : memref<128x64xf32, #tpu.memory_space<vmem>>, vector<1x16xf32>,
      %swap3A_235 = vector.shape_cast %swap3A_234 : vector<1x16xf32> to vector<16xf32>
      %swap3A_236 = vector.shape_cast %div3A_231 : vector<16xf32> to vector<1x16xf32>
      tpu.vector_store %arg11[%swap3A_232, %swap3A_233], %swap3A_236 {strides = array<i32>} : memref<128x64xf32, #tpu.memory_space<vmem>>, vector<1x16xf32>,
      %scan3A_237 = arith.constant 0 : i32
      scf.yield %scan3A_237 : i32
    }
    %scan3A_148 = arith.constant 128 : i32
    %add3A_149 = arith.addi %mul3A_2, %add3A_141 : i32
    "tpu.region"() ({
      %run_scoped3A = tpu.sem_alloc : memref<!tpu.dma_semaphore, #tpu.memory_space<semaphore_mem>>
      %dma_start3A = arith.constant 0 : i32
      %dma_start3A_180 = tpu.memref_slice %arg6[%add3A_149, %dma_start3A] : memref<20480x64xf32, #tpu.memory_space<hbm>> -> memref<128x64xf32, #tpu.memory_space<hbm>>
      %dma_start3A_181 = arith.constant 0 : i32
      %dma_start3A_182 = tpu.memref_slice %arg6[%add3A_149, %dma_start3A_181] : memref<20480x64xf32, #tpu.memory_space<hbm>> -> memref<128x64xf32, #tpu.memory_space<hbm>>
      tpu.enqueue_dma source(%arg11 : memref<128x64xf32, #tpu.memory_space<vmem>>) target(%dma_start3A_182 : memref<128x64xf32, #tpu.memory_space<hbm>>) target_semaphore(%run_scoped3A : memref<!tpu.dma_semaphore, #tpu.memory_space<semaphore_mem>>)
      %dma_wait3A = arith.constant 0 : i32
      %dma_wait3A_183 = tpu.memref_slice %arg6[%add3A_149, %dma_wait3A] : memref<20480x64xf32, #tpu.memory_space<hbm>> -> memref<128x64xf32, #tpu.memory_space<hbm>>
      %dma_wait3A_184 = arith.constant 0 : i32
      %dma_wait3A_185 = tpu.memref_slice %arg6[%add3A_149, %dma_wait3A_184] : memref<20480x64xf32, #tpu.memory_space<hbm>> -> memref<128x64xf32, #tpu.memory_space<hbm>>
      tpu.wait_dma2 semaphore(%run_scoped3A : memref<!tpu.dma_semaphore, #tpu.memory_space<semaphore_mem>>) src(%arg11 : memref<128x64xf32, #tpu.memory_space<vmem>>) dst(%dma_wait3A_185 : memref<128x64xf32, #tpu.memory_space<hbm>>)
      tpu.yield
    }) : () -> ()
    %add3A_150 = arith.constant 256 : i32
    %add3A_151 = arith.addi %mul3A_0, %add3A_150 : i32
    "tpu.region"() ({
      %run_scoped3A = tpu.sem_alloc : memref<!tpu.dma_semaphore, #tpu.memory_space<semaphore_mem>>
      %dma_start3A = arith.constant 0 : i32
      %dma_start3A_180 = tpu.memref_slice %arg8[%add3A_151, %dma_start3A] : memref<10240x64xf32, #tpu.memory_space<vmem_shared>> -> memref<128x64xf32, #tpu.memory_space<vmem_shared>>
      %dma_start3A_181 = arith.constant 0 : i32
      %dma_start3A_182 = tpu.memref_slice %arg8[%add3A_151, %dma_start3A_181] : memref<10240x64xf32, #tpu.memory_space<vmem_shared>> -> memref<128x64xf32, #tpu.memory_space<vmem_shared>>
      tpu.enqueue_dma source(%dma_start3A_182 : memref<128x64xf32, #tpu.memory_space<vmem_shared>>) target(%arg11 : memref<128x64xf32, #tpu.memory_space<vmem>>) target_semaphore(%run_scoped3A : memref<!tpu.dma_semaphore, #tpu.memory_space<semaphore_mem>>)
      %dma_wait3A = arith.constant 0 : i32
      %dma_wait3A_183 = tpu.memref_slice %arg8[%add3A_151, %dma_wait3A] : memref<10240x64xf32, #tpu.memory_space<vmem_shared>> -> memref<128x64xf32, #tpu.memory_space<vmem_shared>>
      %dma_wait3A_184 = arith.constant 0 : i32
      %dma_wait3A_185 = tpu.memref_slice %arg8[%add3A_151, %dma_wait3A_184] : memref<10240x64xf32, #tpu.memory_space<vmem_shared>> -> memref<128x64xf32, #tpu.memory_space<vmem_shared>>
      tpu.wait_dma2 semaphore(%run_scoped3A : memref<!tpu.dma_semaphore, #tpu.memory_space<semaphore_mem>>) src(%dma_wait3A_185 : memref<128x64xf32, #tpu.memory_space<vmem_shared>>) dst(%arg11 : memref<128x64xf32, #tpu.memory_space<vmem>>)
      tpu.yield
    }) : () -> ()
    %scan3A_152 = arith.constant 0 : i32
    %scan3A_153 = arith.constant 0 : i32
    %scan3A_154 = arith.constant 128 : i32
    %scan3A_155 = arith.addi %scan3A_153, %scan3A_154 : i32
    %scan3A_156 = arith.constant 1 : i32
    %scan3A_157 = scf.for %scan3A_180 = %scan3A_153 to %scan3A_155 step %scan3A_156 iter_args(%scan3A_181 = %scan3A_152) -> (i32)  : i32 {
      %add3A_182 = arith.constant 256 : i32
      %add3A_183 = arith.addi %add3A_182, %scan3A_180 : i32
      %get3A = arith.index_cast %add3A_183 : i32 to index
      %get3A_184 = arith.constant 0 : index
      %get3A_185 = tpu.vector_load %arg14[%get3A, %get3A_184] {strides = array<i32>} : memref<640x16xf32, #tpu.memory_space<vmem>>, vector<1x16xf32>,
      %get3A_186 = vector.shape_cast %get3A_185 : vector<1x16xf32> to vector<16xf32>
      %get3A_187 = arith.index_cast %scan3A_180 : i32 to index
      %get3A_188 = arith.constant 0 : index
      %get3A_189 = tpu.vector_load %arg11[%get3A_187, %get3A_188] {strides = array<i32>} : memref<128x64xf32, #tpu.memory_space<vmem>>, vector<1x16xf32>,
      %get3A_190 = vector.shape_cast %get3A_189 : vector<1x16xf32> to vector<16xf32>
      %broadcast_in_dim3A_191 = arith.constant 1.000000e-01 : f32
      %broadcast_in_dim3A_192 = vector.broadcast %broadcast_in_dim3A_191 : f32 to vector<16xf32>
      %mul3A_193 = arith.mulf %get3A_190, %broadcast_in_dim3A_192 : vector<16xf32>
      %div3A = arith.divf %mul3A_193, %get3A_186 : vector<16xf32>
      %swap3A = arith.index_cast %scan3A_180 : i32 to index
      %swap3A_194 = arith.constant 0 : index
      %swap3A_195 = tpu.vector_load %arg11[%swap3A, %swap3A_194] {strides = array<i32>} : memref<128x64xf32, #tpu.memory_space<vmem>>, vector<1x16xf32>,
      %swap3A_196 = vector.shape_cast %swap3A_195 : vector<1x16xf32> to vector<16xf32>
      %swap3A_197 = vector.shape_cast %div3A : vector<16xf32> to vector<1x16xf32>
      tpu.vector_store %arg11[%swap3A, %swap3A_194], %swap3A_197 {strides = array<i32>} : memref<128x64xf32, #tpu.memory_space<vmem>>, vector<1x16xf32>,
      %get3A_198 = arith.index_cast %scan3A_180 : i32 to index
      %get3A_199 = arith.constant 16 : index
      %get3A_200 = tpu.vector_load %arg11[%get3A_198, %get3A_199] {strides = array<i32>} : memref<128x64xf32, #tpu.memory_space<vmem>>, vector<1x16xf32>,
      %get3A_201 = vector.shape_cast %get3A_200 : vector<1x16xf32> to vector<16xf32>
      %broadcast_in_dim3A_202 = arith.constant 1.000000e-01 : f32
      %broadcast_in_dim3A_203 = vector.broadcast %broadcast_in_dim3A_202 : f32 to vector<16xf32>
      %mul3A_204 = arith.mulf %get3A_201, %broadcast_in_dim3A_203 : vector<16xf32>
      %div3A_205 = arith.divf %mul3A_204, %get3A_186 : vector<16xf32>
      %swap3A_206 = arith.index_cast %scan3A_180 : i32 to index
      %swap3A_207 = arith.constant 16 : index
      %swap3A_208 = tpu.vector_load %arg11[%swap3A_206, %swap3A_207] {strides = array<i32>} : memref<128x64xf32, #tpu.memory_space<vmem>>, vector<1x16xf32>,
      %swap3A_209 = vector.shape_cast %swap3A_208 : vector<1x16xf32> to vector<16xf32>
      %swap3A_210 = vector.shape_cast %div3A_205 : vector<16xf32> to vector<1x16xf32>
      tpu.vector_store %arg11[%swap3A_206, %swap3A_207], %swap3A_210 {strides = array<i32>} : memref<128x64xf32, #tpu.memory_space<vmem>>, vector<1x16xf32>,
      %get3A_211 = arith.index_cast %scan3A_180 : i32 to index
      %get3A_212 = arith.constant 32 : index
      %get3A_213 = tpu.vector_load %arg11[%get3A_211, %get3A_212] {strides = array<i32>} : memref<128x64xf32, #tpu.memory_space<vmem>>, vector<1x16xf32>,
      %get3A_214 = vector.shape_cast %get3A_213 : vector<1x16xf32> to vector<16xf32>
      %broadcast_in_dim3A_215 = arith.constant 1.000000e-01 : f32
      %broadcast_in_dim3A_216 = vector.broadcast %broadcast_in_dim3A_215 : f32 to vector<16xf32>
      %mul3A_217 = arith.mulf %get3A_214, %broadcast_in_dim3A_216 : vector<16xf32>
      %div3A_218 = arith.divf %mul3A_217, %get3A_186 : vector<16xf32>
      %swap3A_219 = arith.index_cast %scan3A_180 : i32 to index
      %swap3A_220 = arith.constant 32 : index
      %swap3A_221 = tpu.vector_load %arg11[%swap3A_219, %swap3A_220] {strides = array<i32>} : memref<128x64xf32, #tpu.memory_space<vmem>>, vector<1x16xf32>,
      %swap3A_222 = vector.shape_cast %swap3A_221 : vector<1x16xf32> to vector<16xf32>
      %swap3A_223 = vector.shape_cast %div3A_218 : vector<16xf32> to vector<1x16xf32>
      tpu.vector_store %arg11[%swap3A_219, %swap3A_220], %swap3A_223 {strides = array<i32>} : memref<128x64xf32, #tpu.memory_space<vmem>>, vector<1x16xf32>,
      %get3A_224 = arith.index_cast %scan3A_180 : i32 to index
      %get3A_225 = arith.constant 48 : index
      %get3A_226 = tpu.vector_load %arg11[%get3A_224, %get3A_225] {strides = array<i32>} : memref<128x64xf32, #tpu.memory_space<vmem>>, vector<1x16xf32>,
      %get3A_227 = vector.shape_cast %get3A_226 : vector<1x16xf32> to vector<16xf32>
      %broadcast_in_dim3A_228 = arith.constant 1.000000e-01 : f32
      %broadcast_in_dim3A_229 = vector.broadcast %broadcast_in_dim3A_228 : f32 to vector<16xf32>
      %mul3A_230 = arith.mulf %get3A_227, %broadcast_in_dim3A_229 : vector<16xf32>
      %div3A_231 = arith.divf %mul3A_230, %get3A_186 : vector<16xf32>
      %swap3A_232 = arith.index_cast %scan3A_180 : i32 to index
      %swap3A_233 = arith.constant 48 : index
      %swap3A_234 = tpu.vector_load %arg11[%swap3A_232, %swap3A_233] {strides = array<i32>} : memref<128x64xf32, #tpu.memory_space<vmem>>, vector<1x16xf32>,
      %swap3A_235 = vector.shape_cast %swap3A_234 : vector<1x16xf32> to vector<16xf32>
      %swap3A_236 = vector.shape_cast %div3A_231 : vector<16xf32> to vector<1x16xf32>
      tpu.vector_store %arg11[%swap3A_232, %swap3A_233], %swap3A_236 {strides = array<i32>} : memref<128x64xf32, #tpu.memory_space<vmem>>, vector<1x16xf32>,
      %scan3A_237 = arith.constant 0 : i32
      scf.yield %scan3A_237 : i32
    }
    %scan3A_158 = arith.constant 128 : i32
    %add3A_159 = arith.addi %mul3A_2, %add3A_151 : i32
    "tpu.region"() ({
      %run_scoped3A = tpu.sem_alloc : memref<!tpu.dma_semaphore, #tpu.memory_space<semaphore_mem>>
      %dma_start3A = arith.constant 0 : i32
      %dma_start3A_180 = tpu.memref_slice %arg6[%add3A_159, %dma_start3A] : memref<20480x64xf32, #tpu.memory_space<hbm>> -> memref<128x64xf32, #tpu.memory_space<hbm>>
      %dma_start3A_181 = arith.constant 0 : i32
      %dma_start3A_182 = tpu.memref_slice %arg6[%add3A_159, %dma_start3A_181] : memref<20480x64xf32, #tpu.memory_space<hbm>> -> memref<128x64xf32, #tpu.memory_space<hbm>>
      tpu.enqueue_dma source(%arg11 : memref<128x64xf32, #tpu.memory_space<vmem>>) target(%dma_start3A_182 : memref<128x64xf32, #tpu.memory_space<hbm>>) target_semaphore(%run_scoped3A : memref<!tpu.dma_semaphore, #tpu.memory_space<semaphore_mem>>)
      %dma_wait3A = arith.constant 0 : i32
      %dma_wait3A_183 = tpu.memref_slice %arg6[%add3A_159, %dma_wait3A] : memref<20480x64xf32, #tpu.memory_space<hbm>> -> memref<128x64xf32, #tpu.memory_space<hbm>>
      %dma_wait3A_184 = arith.constant 0 : i32
      %dma_wait3A_185 = tpu.memref_slice %arg6[%add3A_159, %dma_wait3A_184] : memref<20480x64xf32, #tpu.memory_space<hbm>> -> memref<128x64xf32, #tpu.memory_space<hbm>>
      tpu.wait_dma2 semaphore(%run_scoped3A : memref<!tpu.dma_semaphore, #tpu.memory_space<semaphore_mem>>) src(%arg11 : memref<128x64xf32, #tpu.memory_space<vmem>>) dst(%dma_wait3A_185 : memref<128x64xf32, #tpu.memory_space<hbm>>)
      tpu.yield
    }) : () -> ()
    %add3A_160 = arith.constant 384 : i32
    %add3A_161 = arith.addi %mul3A_0, %add3A_160 : i32
    "tpu.region"() ({
      %run_scoped3A = tpu.sem_alloc : memref<!tpu.dma_semaphore, #tpu.memory_space<semaphore_mem>>
      %dma_start3A = arith.constant 0 : i32
      %dma_start3A_180 = tpu.memref_slice %arg8[%add3A_161, %dma_start3A] : memref<10240x64xf32, #tpu.memory_space<vmem_shared>> -> memref<128x64xf32, #tpu.memory_space<vmem_shared>>
      %dma_start3A_181 = arith.constant 0 : i32
      %dma_start3A_182 = tpu.memref_slice %arg8[%add3A_161, %dma_start3A_181] : memref<10240x64xf32, #tpu.memory_space<vmem_shared>> -> memref<128x64xf32, #tpu.memory_space<vmem_shared>>
      tpu.enqueue_dma source(%dma_start3A_182 : memref<128x64xf32, #tpu.memory_space<vmem_shared>>) target(%arg11 : memref<128x64xf32, #tpu.memory_space<vmem>>) target_semaphore(%run_scoped3A : memref<!tpu.dma_semaphore, #tpu.memory_space<semaphore_mem>>)
      %dma_wait3A = arith.constant 0 : i32
      %dma_wait3A_183 = tpu.memref_slice %arg8[%add3A_161, %dma_wait3A] : memref<10240x64xf32, #tpu.memory_space<vmem_shared>> -> memref<128x64xf32, #tpu.memory_space<vmem_shared>>
      %dma_wait3A_184 = arith.constant 0 : i32
      %dma_wait3A_185 = tpu.memref_slice %arg8[%add3A_161, %dma_wait3A_184] : memref<10240x64xf32, #tpu.memory_space<vmem_shared>> -> memref<128x64xf32, #tpu.memory_space<vmem_shared>>
      tpu.wait_dma2 semaphore(%run_scoped3A : memref<!tpu.dma_semaphore, #tpu.memory_space<semaphore_mem>>) src(%dma_wait3A_185 : memref<128x64xf32, #tpu.memory_space<vmem_shared>>) dst(%arg11 : memref<128x64xf32, #tpu.memory_space<vmem>>)
      tpu.yield
    }) : () -> ()
    %scan3A_162 = arith.constant 0 : i32
    %scan3A_163 = arith.constant 0 : i32
    %scan3A_164 = arith.constant 128 : i32
    %scan3A_165 = arith.addi %scan3A_163, %scan3A_164 : i32
    %scan3A_166 = arith.constant 1 : i32
    %scan3A_167 = scf.for %scan3A_180 = %scan3A_163 to %scan3A_165 step %scan3A_166 iter_args(%scan3A_181 = %scan3A_162) -> (i32)  : i32 {
      %add3A_182 = arith.constant 384 : i32
      %add3A_183 = arith.addi %add3A_182, %scan3A_180 : i32
      %get3A = arith.index_cast %add3A_183 : i32 to index
      %get3A_184 = arith.constant 0 : index
      %get3A_185 = tpu.vector_load %arg14[%get3A, %get3A_184] {strides = array<i32>} : memref<640x16xf32, #tpu.memory_space<vmem>>, vector<1x16xf32>,
      %get3A_186 = vector.shape_cast %get3A_185 : vector<1x16xf32> to vector<16xf32>
      %get3A_187 = arith.index_cast %scan3A_180 : i32 to index
      %get3A_188 = arith.constant 0 : index
      %get3A_189 = tpu.vector_load %arg11[%get3A_187, %get3A_188] {strides = array<i32>} : memref<128x64xf32, #tpu.memory_space<vmem>>, vector<1x16xf32>,
      %get3A_190 = vector.shape_cast %get3A_189 : vector<1x16xf32> to vector<16xf32>
      %broadcast_in_dim3A_191 = arith.constant 1.000000e-01 : f32
      %broadcast_in_dim3A_192 = vector.broadcast %broadcast_in_dim3A_191 : f32 to vector<16xf32>
      %mul3A_193 = arith.mulf %get3A_190, %broadcast_in_dim3A_192 : vector<16xf32>
      %div3A = arith.divf %mul3A_193, %get3A_186 : vector<16xf32>
      %swap3A = arith.index_cast %scan3A_180 : i32 to index
      %swap3A_194 = arith.constant 0 : index
      %swap3A_195 = tpu.vector_load %arg11[%swap3A, %swap3A_194] {strides = array<i32>} : memref<128x64xf32, #tpu.memory_space<vmem>>, vector<1x16xf32>,
      %swap3A_196 = vector.shape_cast %swap3A_195 : vector<1x16xf32> to vector<16xf32>
      %swap3A_197 = vector.shape_cast %div3A : vector<16xf32> to vector<1x16xf32>
      tpu.vector_store %arg11[%swap3A, %swap3A_194], %swap3A_197 {strides = array<i32>} : memref<128x64xf32, #tpu.memory_space<vmem>>, vector<1x16xf32>,
      %get3A_198 = arith.index_cast %scan3A_180 : i32 to index
      %get3A_199 = arith.constant 16 : index
      %get3A_200 = tpu.vector_load %arg11[%get3A_198, %get3A_199] {strides = array<i32>} : memref<128x64xf32, #tpu.memory_space<vmem>>, vector<1x16xf32>,
      %get3A_201 = vector.shape_cast %get3A_200 : vector<1x16xf32> to vector<16xf32>
      %broadcast_in_dim3A_202 = arith.constant 1.000000e-01 : f32
      %broadcast_in_dim3A_203 = vector.broadcast %broadcast_in_dim3A_202 : f32 to vector<16xf32>
      %mul3A_204 = arith.mulf %get3A_201, %broadcast_in_dim3A_203 : vector<16xf32>
      %div3A_205 = arith.divf %mul3A_204, %get3A_186 : vector<16xf32>
      %swap3A_206 = arith.index_cast %scan3A_180 : i32 to index
      %swap3A_207 = arith.constant 16 : index
      %swap3A_208 = tpu.vector_load %arg11[%swap3A_206, %swap3A_207] {strides = array<i32>} : memref<128x64xf32, #tpu.memory_space<vmem>>, vector<1x16xf32>,
      %swap3A_209 = vector.shape_cast %swap3A_208 : vector<1x16xf32> to vector<16xf32>
      %swap3A_210 = vector.shape_cast %div3A_205 : vector<16xf32> to vector<1x16xf32>
      tpu.vector_store %arg11[%swap3A_206, %swap3A_207], %swap3A_210 {strides = array<i32>} : memref<128x64xf32, #tpu.memory_space<vmem>>, vector<1x16xf32>,
      %get3A_211 = arith.index_cast %scan3A_180 : i32 to index
      %get3A_212 = arith.constant 32 : index
      %get3A_213 = tpu.vector_load %arg11[%get3A_211, %get3A_212] {strides = array<i32>} : memref<128x64xf32, #tpu.memory_space<vmem>>, vector<1x16xf32>,
      %get3A_214 = vector.shape_cast %get3A_213 : vector<1x16xf32> to vector<16xf32>
      %broadcast_in_dim3A_215 = arith.constant 1.000000e-01 : f32
      %broadcast_in_dim3A_216 = vector.broadcast %broadcast_in_dim3A_215 : f32 to vector<16xf32>
      %mul3A_217 = arith.mulf %get3A_214, %broadcast_in_dim3A_216 : vector<16xf32>
      %div3A_218 = arith.divf %mul3A_217, %get3A_186 : vector<16xf32>
      %swap3A_219 = arith.index_cast %scan3A_180 : i32 to index
      %swap3A_220 = arith.constant 32 : index
      %swap3A_221 = tpu.vector_load %arg11[%swap3A_219, %swap3A_220] {strides = array<i32>} : memref<128x64xf32, #tpu.memory_space<vmem>>, vector<1x16xf32>,
      %swap3A_222 = vector.shape_cast %swap3A_221 : vector<1x16xf32> to vector<16xf32>
      %swap3A_223 = vector.shape_cast %div3A_218 : vector<16xf32> to vector<1x16xf32>
      tpu.vector_store %arg11[%swap3A_219, %swap3A_220], %swap3A_223 {strides = array<i32>} : memref<128x64xf32, #tpu.memory_space<vmem>>, vector<1x16xf32>,
      %get3A_224 = arith.index_cast %scan3A_180 : i32 to index
      %get3A_225 = arith.constant 48 : index
      %get3A_226 = tpu.vector_load %arg11[%get3A_224, %get3A_225] {strides = array<i32>} : memref<128x64xf32, #tpu.memory_space<vmem>>, vector<1x16xf32>,
      %get3A_227 = vector.shape_cast %get3A_226 : vector<1x16xf32> to vector<16xf32>
      %broadcast_in_dim3A_228 = arith.constant 1.000000e-01 : f32
      %broadcast_in_dim3A_229 = vector.broadcast %broadcast_in_dim3A_228 : f32 to vector<16xf32>
      %mul3A_230 = arith.mulf %get3A_227, %broadcast_in_dim3A_229 : vector<16xf32>
      %div3A_231 = arith.divf %mul3A_230, %get3A_186 : vector<16xf32>
      %swap3A_232 = arith.index_cast %scan3A_180 : i32 to index
      %swap3A_233 = arith.constant 48 : index
      %swap3A_234 = tpu.vector_load %arg11[%swap3A_232, %swap3A_233] {strides = array<i32>} : memref<128x64xf32, #tpu.memory_space<vmem>>, vector<1x16xf32>,
      %swap3A_235 = vector.shape_cast %swap3A_234 : vector<1x16xf32> to vector<16xf32>
      %swap3A_236 = vector.shape_cast %div3A_231 : vector<16xf32> to vector<1x16xf32>
      tpu.vector_store %arg11[%swap3A_232, %swap3A_233], %swap3A_236 {strides = array<i32>} : memref<128x64xf32, #tpu.memory_space<vmem>>, vector<1x16xf32>,
      %scan3A_237 = arith.constant 0 : i32
      scf.yield %scan3A_237 : i32
    }
    %scan3A_168 = arith.constant 128 : i32
    %add3A_169 = arith.addi %mul3A_2, %add3A_161 : i32
    "tpu.region"() ({
      %run_scoped3A = tpu.sem_alloc : memref<!tpu.dma_semaphore, #tpu.memory_space<semaphore_mem>>
      %dma_start3A = arith.constant 0 : i32
      %dma_start3A_180 = tpu.memref_slice %arg6[%add3A_169, %dma_start3A] : memref<20480x64xf32, #tpu.memory_space<hbm>> -> memref<128x64xf32, #tpu.memory_space<hbm>>
      %dma_start3A_181 = arith.constant 0 : i32
      %dma_start3A_182 = tpu.memref_slice %arg6[%add3A_169, %dma_start3A_181] : memref<20480x64xf32, #tpu.memory_space<hbm>> -> memref<128x64xf32, #tpu.memory_space<hbm>>
      tpu.enqueue_dma source(%arg11 : memref<128x64xf32, #tpu.memory_space<vmem>>) target(%dma_start3A_182 : memref<128x64xf32, #tpu.memory_space<hbm>>) target_semaphore(%run_scoped3A : memref<!tpu.dma_semaphore, #tpu.memory_space<semaphore_mem>>)
      %dma_wait3A = arith.constant 0 : i32
      %dma_wait3A_183 = tpu.memref_slice %arg6[%add3A_169, %dma_wait3A] : memref<20480x64xf32, #tpu.memory_space<hbm>> -> memref<128x64xf32, #tpu.memory_space<hbm>>
      %dma_wait3A_184 = arith.constant 0 : i32
      %dma_wait3A_185 = tpu.memref_slice %arg6[%add3A_169, %dma_wait3A_184] : memref<20480x64xf32, #tpu.memory_space<hbm>> -> memref<128x64xf32, #tpu.memory_space<hbm>>
      tpu.wait_dma2 semaphore(%run_scoped3A : memref<!tpu.dma_semaphore, #tpu.memory_space<semaphore_mem>>) src(%arg11 : memref<128x64xf32, #tpu.memory_space<vmem>>) dst(%dma_wait3A_185 : memref<128x64xf32, #tpu.memory_space<hbm>>)
      tpu.yield
    }) : () -> ()
    %add3A_170 = arith.constant 512 : i32
    %add3A_171 = arith.addi %mul3A_0, %add3A_170 : i32
    "tpu.region"() ({
      %run_scoped3A = tpu.sem_alloc : memref<!tpu.dma_semaphore, #tpu.memory_space<semaphore_mem>>
      %dma_start3A = arith.constant 0 : i32
      %dma_start3A_180 = tpu.memref_slice %arg8[%add3A_171, %dma_start3A] : memref<10240x64xf32, #tpu.memory_space<vmem_shared>> -> memref<128x64xf32, #tpu.memory_space<vmem_shared>>
      %dma_start3A_181 = arith.constant 0 : i32
      %dma_start3A_182 = tpu.memref_slice %arg8[%add3A_171, %dma_start3A_181] : memref<10240x64xf32, #tpu.memory_space<vmem_shared>> -> memref<128x64xf32, #tpu.memory_space<vmem_shared>>
      tpu.enqueue_dma source(%dma_start3A_182 : memref<128x64xf32, #tpu.memory_space<vmem_shared>>) target(%arg11 : memref<128x64xf32, #tpu.memory_space<vmem>>) target_semaphore(%run_scoped3A : memref<!tpu.dma_semaphore, #tpu.memory_space<semaphore_mem>>)
      %dma_wait3A = arith.constant 0 : i32
      %dma_wait3A_183 = tpu.memref_slice %arg8[%add3A_171, %dma_wait3A] : memref<10240x64xf32, #tpu.memory_space<vmem_shared>> -> memref<128x64xf32, #tpu.memory_space<vmem_shared>>
      %dma_wait3A_184 = arith.constant 0 : i32
      %dma_wait3A_185 = tpu.memref_slice %arg8[%add3A_171, %dma_wait3A_184] : memref<10240x64xf32, #tpu.memory_space<vmem_shared>> -> memref<128x64xf32, #tpu.memory_space<vmem_shared>>
      tpu.wait_dma2 semaphore(%run_scoped3A : memref<!tpu.dma_semaphore, #tpu.memory_space<semaphore_mem>>) src(%dma_wait3A_185 : memref<128x64xf32, #tpu.memory_space<vmem_shared>>) dst(%arg11 : memref<128x64xf32, #tpu.memory_space<vmem>>)
      tpu.yield
    }) : () -> ()
    %scan3A_172 = arith.constant 0 : i32
    %scan3A_173 = arith.constant 0 : i32
    %scan3A_174 = arith.constant 128 : i32
    %scan3A_175 = arith.addi %scan3A_173, %scan3A_174 : i32
    %scan3A_176 = arith.constant 1 : i32
    %scan3A_177 = scf.for %scan3A_180 = %scan3A_173 to %scan3A_175 step %scan3A_176 iter_args(%scan3A_181 = %scan3A_172) -> (i32)  : i32 {
      %add3A_182 = arith.constant 512 : i32
      %add3A_183 = arith.addi %add3A_182, %scan3A_180 : i32
      %get3A = arith.index_cast %add3A_183 : i32 to index
      %get3A_184 = arith.constant 0 : index
      %get3A_185 = tpu.vector_load %arg14[%get3A, %get3A_184] {strides = array<i32>} : memref<640x16xf32, #tpu.memory_space<vmem>>, vector<1x16xf32>,
      %get3A_186 = vector.shape_cast %get3A_185 : vector<1x16xf32> to vector<16xf32>
      %get3A_187 = arith.index_cast %scan3A_180 : i32 to index
      %get3A_188 = arith.constant 0 : index
      %get3A_189 = tpu.vector_load %arg11[%get3A_187, %get3A_188] {strides = array<i32>} : memref<128x64xf32, #tpu.memory_space<vmem>>, vector<1x16xf32>,
      %get3A_190 = vector.shape_cast %get3A_189 : vector<1x16xf32> to vector<16xf32>
      %broadcast_in_dim3A_191 = arith.constant 1.000000e-01 : f32
      %broadcast_in_dim3A_192 = vector.broadcast %broadcast_in_dim3A_191 : f32 to vector<16xf32>
      %mul3A_193 = arith.mulf %get3A_190, %broadcast_in_dim3A_192 : vector<16xf32>
      %div3A = arith.divf %mul3A_193, %get3A_186 : vector<16xf32>
      %swap3A = arith.index_cast %scan3A_180 : i32 to index
      %swap3A_194 = arith.constant 0 : index
      %swap3A_195 = tpu.vector_load %arg11[%swap3A, %swap3A_194] {strides = array<i32>} : memref<128x64xf32, #tpu.memory_space<vmem>>, vector<1x16xf32>,
      %swap3A_196 = vector.shape_cast %swap3A_195 : vector<1x16xf32> to vector<16xf32>
      %swap3A_197 = vector.shape_cast %div3A : vector<16xf32> to vector<1x16xf32>
      tpu.vector_store %arg11[%swap3A, %swap3A_194], %swap3A_197 {strides = array<i32>} : memref<128x64xf32, #tpu.memory_space<vmem>>, vector<1x16xf32>,
      %get3A_198 = arith.index_cast %scan3A_180 : i32 to index
      %get3A_199 = arith.constant 16 : index
      %get3A_200 = tpu.vector_load %arg11[%get3A_198, %get3A_199] {strides = array<i32>} : memref<128x64xf32, #tpu.memory_space<vmem>>, vector<1x16xf32>,
      %get3A_201 = vector.shape_cast %get3A_200 : vector<1x16xf32> to vector<16xf32>
      %broadcast_in_dim3A_202 = arith.constant 1.000000e-01 : f32
      %broadcast_in_dim3A_203 = vector.broadcast %broadcast_in_dim3A_202 : f32 to vector<16xf32>
      %mul3A_204 = arith.mulf %get3A_201, %broadcast_in_dim3A_203 : vector<16xf32>
      %div3A_205 = arith.divf %mul3A_204, %get3A_186 : vector<16xf32>
      %swap3A_206 = arith.index_cast %scan3A_180 : i32 to index
      %swap3A_207 = arith.constant 16 : index
      %swap3A_208 = tpu.vector_load %arg11[%swap3A_206, %swap3A_207] {strides = array<i32>} : memref<128x64xf32, #tpu.memory_space<vmem>>, vector<1x16xf32>,
      %swap3A_209 = vector.shape_cast %swap3A_208 : vector<1x16xf32> to vector<16xf32>
      %swap3A_210 = vector.shape_cast %div3A_205 : vector<16xf32> to vector<1x16xf32>
      tpu.vector_store %arg11[%swap3A_206, %swap3A_207], %swap3A_210 {strides = array<i32>} : memref<128x64xf32, #tpu.memory_space<vmem>>, vector<1x16xf32>,
      %get3A_211 = arith.index_cast %scan3A_180 : i32 to index
      %get3A_212 = arith.constant 32 : index
      %get3A_213 = tpu.vector_load %arg11[%get3A_211, %get3A_212] {strides = array<i32>} : memref<128x64xf32, #tpu.memory_space<vmem>>, vector<1x16xf32>,
      %get3A_214 = vector.shape_cast %get3A_213 : vector<1x16xf32> to vector<16xf32>
      %broadcast_in_dim3A_215 = arith.constant 1.000000e-01 : f32
      %broadcast_in_dim3A_216 = vector.broadcast %broadcast_in_dim3A_215 : f32 to vector<16xf32>
      %mul3A_217 = arith.mulf %get3A_214, %broadcast_in_dim3A_216 : vector<16xf32>
      %div3A_218 = arith.divf %mul3A_217, %get3A_186 : vector<16xf32>
      %swap3A_219 = arith.index_cast %scan3A_180 : i32 to index
      %swap3A_220 = arith.constant 32 : index
      %swap3A_221 = tpu.vector_load %arg11[%swap3A_219, %swap3A_220] {strides = array<i32>} : memref<128x64xf32, #tpu.memory_space<vmem>>, vector<1x16xf32>,
      %swap3A_222 = vector.shape_cast %swap3A_221 : vector<1x16xf32> to vector<16xf32>
      %swap3A_223 = vector.shape_cast %div3A_218 : vector<16xf32> to vector<1x16xf32>
      tpu.vector_store %arg11[%swap3A_219, %swap3A_220], %swap3A_223 {strides = array<i32>} : memref<128x64xf32, #tpu.memory_space<vmem>>, vector<1x16xf32>,
      %get3A_224 = arith.index_cast %scan3A_180 : i32 to index
      %get3A_225 = arith.constant 48 : index
      %get3A_226 = tpu.vector_load %arg11[%get3A_224, %get3A_225] {strides = array<i32>} : memref<128x64xf32, #tpu.memory_space<vmem>>, vector<1x16xf32>,
      %get3A_227 = vector.shape_cast %get3A_226 : vector<1x16xf32> to vector<16xf32>
      %broadcast_in_dim3A_228 = arith.constant 1.000000e-01 : f32
      %broadcast_in_dim3A_229 = vector.broadcast %broadcast_in_dim3A_228 : f32 to vector<16xf32>
      %mul3A_230 = arith.mulf %get3A_227, %broadcast_in_dim3A_229 : vector<16xf32>
      %div3A_231 = arith.divf %mul3A_230, %get3A_186 : vector<16xf32>
      %swap3A_232 = arith.index_cast %scan3A_180 : i32 to index
      %swap3A_233 = arith.constant 48 : index
      %swap3A_234 = tpu.vector_load %arg11[%swap3A_232, %swap3A_233] {strides = array<i32>} : memref<128x64xf32, #tpu.memory_space<vmem>>, vector<1x16xf32>,
      %swap3A_235 = vector.shape_cast %swap3A_234 : vector<1x16xf32> to vector<16xf32>
      %swap3A_236 = vector.shape_cast %div3A_231 : vector<16xf32> to vector<1x16xf32>
      tpu.vector_store %arg11[%swap3A_232, %swap3A_233], %swap3A_236 {strides = array<i32>} : memref<128x64xf32, #tpu.memory_space<vmem>>, vector<1x16xf32>,
      %scan3A_237 = arith.constant 0 : i32
      scf.yield %scan3A_237 : i32
    }
    %scan3A_178 = arith.constant 128 : i32
    %add3A_179 = arith.addi %mul3A_2, %add3A_171 : i32
    "tpu.region"() ({
      %run_scoped3A = tpu.sem_alloc : memref<!tpu.dma_semaphore, #tpu.memory_space<semaphore_mem>>
      %dma_start3A = arith.constant 0 : i32
      %dma_start3A_180 = tpu.memref_slice %arg6[%add3A_179, %dma_start3A] : memref<20480x64xf32, #tpu.memory_space<hbm>> -> memref<128x64xf32, #tpu.memory_space<hbm>>
      %dma_start3A_181 = arith.constant 0 : i32
      %dma_start3A_182 = tpu.memref_slice %arg6[%add3A_179, %dma_start3A_181] : memref<20480x64xf32, #tpu.memory_space<hbm>> -> memref<128x64xf32, #tpu.memory_space<hbm>>
      tpu.enqueue_dma source(%arg11 : memref<128x64xf32, #tpu.memory_space<vmem>>) target(%dma_start3A_182 : memref<128x64xf32, #tpu.memory_space<hbm>>) target_semaphore(%run_scoped3A : memref<!tpu.dma_semaphore, #tpu.memory_space<semaphore_mem>>)
      %dma_wait3A = arith.constant 0 : i32
      %dma_wait3A_183 = tpu.memref_slice %arg6[%add3A_179, %dma_wait3A] : memref<20480x64xf32, #tpu.memory_space<hbm>> -> memref<128x64xf32, #tpu.memory_space<hbm>>
      %dma_wait3A_184 = arith.constant 0 : i32
      %dma_wait3A_185 = tpu.memref_slice %arg6[%add3A_179, %dma_wait3A_184] : memref<20480x64xf32, #tpu.memory_space<hbm>> -> memref<128x64xf32, #tpu.memory_space<hbm>>
      tpu.wait_dma2 semaphore(%run_scoped3A : memref<!tpu.dma_semaphore, #tpu.memory_space<semaphore_mem>>) src(%arg11 : memref<128x64xf32, #tpu.memory_space<vmem>>) dst(%dma_wait3A_185 : memref<128x64xf32, #tpu.memory_space<hbm>>)
      tpu.yield
    }) : () -> ()
    return
  }
}

module attributes {stable_mosaic.version = 14 : i64} {
  func.func @_mm_body(%arg0: i32, %arg1: memref<512x128xf32, #tpu.memory_space<vmem>>, %arg2: memref<128x128xf32, #tpu.memory_space<vmem>>, %arg3: memref<1x128xf32, #tpu.memory_space<vmem>>, %arg4: memref<2x512x64xf32, #tpu.memory_space<vmem>>) attributes {dimension_semantics = [#tpu.dimension_semantics<arbitrary>], iteration_bounds = array<i64: 20>, scalar_prefetch = 0 : i64, scratch_operands = 0 : i64, tpu.core_type = #tpu.core_type<tc>, window_params = [{transform_indices = @transform_0, window_bounds = array<i64: 512, 128>}, {pipeline_mode = #tpu.pipeline_mode<synchronous>, transform_indices = @transform_1, window_bounds = array<i64: 128, 128>}, {pipeline_mode = #tpu.pipeline_mode<synchronous>, transform_indices = @transform_2, window_bounds = array<i64: 1, 128>}, {transform_indices = @transform_3, window_bounds = array<i64: 2, 512, 64>}]} {
    %get3A = arith.constant 0 : index
    %get3A_0 = arith.constant 0 : index
    %get3A_1 = vector.load %arg1[%get3A, %get3A_0] : memref<512x128xf32, #tpu.memory_space<vmem>>, vector<512x128xf32>
    %get3A_2 = arith.constant 0 : index
    %get3A_3 = arith.constant 0 : index
    %get3A_4 = vector.load %arg2[%get3A_2, %get3A_3] : memref<128x128xf32, #tpu.memory_space<vmem>>, vector<128x128xf32>
    %dot_general3A = arith.constant dense<0.000000e+00> : vector<512x128xf32>
    %dot_general3A_5 = tpu.matmul %get3A_1, %get3A_4, %dot_general3A {dimension_numbers = #tpu.dot_dimension_numbers<[1], [0], [0], [1], [0, 0, 1, 1], [], []>, transpose_lhs_hint = false} : vector<512x128xf32>, vector<128x128xf32>, vector<512x128xf32> -> vector<512x128xf32>
    %get3A_6 = arith.constant 0 : index
    %get3A_7 = arith.constant 0 : index
    %get3A_8 = vector.load %arg3[%get3A_6, %get3A_7] : memref<1x128xf32, #tpu.memory_space<vmem>>, vector<1x128xf32>
    %add3A = vector.broadcast %get3A_8 : vector<1x128xf32> to vector<512x128xf32>
    %add3A_9 = arith.addf %dot_general3A_5, %add3A : vector<512x128xf32>
    %max3A = arith.constant 0.000000e+00 : f32
    %max3A_10 = vector.broadcast %max3A : f32 to vector<512x128xf32>
    %max3A_11 = arith.maximumf %add3A_9, %max3A_10 : vector<512x128xf32>
    %slice3A = vector.extract_strided_slice %max3A_11 {offsets = [0, 0], sizes = [512, 64], strides = [1, 1]} : vector<512x128xf32> to vector<512x64xf32>
    %swap3A = arith.constant 0 : index
    %swap3A_12 = arith.constant 0 : index
    %swap3A_13 = arith.constant 0 : index
    %swap3A_14 = vector.load %arg4[%swap3A, %swap3A_12, %swap3A_13] : memref<2x512x64xf32, #tpu.memory_space<vmem>>, vector<1x512x64xf32>
    %swap3A_15 = vector.shape_cast %swap3A_14 : vector<1x512x64xf32> to vector<512x64xf32>
    %swap3A_16 = vector.shape_cast %slice3A : vector<512x64xf32> to vector<1x512x64xf32>
    tpu.vector_store %arg4[%swap3A, %swap3A_12, %swap3A_13], %swap3A_16 {strides = array<i32>} : memref<2x512x64xf32, #tpu.memory_space<vmem>>, vector<1x512x64xf32>,
    %slice3A_17 = vector.extract_strided_slice %max3A_11 {offsets = [0, 64], sizes = [512, 64], strides = [1, 1]} : vector<512x128xf32> to vector<512x64xf32>
    %swap3A_18 = arith.constant 1 : index
    %swap3A_19 = arith.constant 0 : index
    %swap3A_20 = arith.constant 0 : index
    %swap3A_21 = vector.load %arg4[%swap3A_18, %swap3A_19, %swap3A_20] : memref<2x512x64xf32, #tpu.memory_space<vmem>>, vector<1x512x64xf32>
    %swap3A_22 = vector.shape_cast %swap3A_21 : vector<1x512x64xf32> to vector<512x64xf32>
    %swap3A_23 = vector.shape_cast %slice3A_17 : vector<512x64xf32> to vector<1x512x64xf32>
    tpu.vector_store %arg4[%swap3A_18, %swap3A_19, %swap3A_20], %swap3A_23 {strides = array<i32>} : memref<2x512x64xf32, #tpu.memory_space<vmem>>, vector<1x512x64xf32>,
    return
  }
  func.func @transform_0(%arg0: i32) -> (i32, i32) {
    %c0_i32 = arith.constant 0 : i32
    %c0_i32_0 = arith.constant 0 : i32
    return %arg0, %c0_i32 : i32, i32
  }
  func.func @transform_1(%arg0: i32) -> (i32, i32) {
    %c0_i32 = arith.constant 0 : i32
    %c0_i32_0 = arith.constant 0 : i32
    %c0_i32_1 = arith.constant 0 : i32
    return %c0_i32, %c0_i32_0 : i32, i32
  }
  func.func @transform_2(%arg0: i32) -> (i32, i32) {
    %c0_i32 = arith.constant 0 : i32
    %c0_i32_0 = arith.constant 0 : i32
    %c0_i32_1 = arith.constant 0 : i32
    return %c0_i32, %c0_i32_0 : i32, i32
  }
  func.func @transform_3(%arg0: i32) -> (i32, i32, i32) {
    %c0_i32 = arith.constant 0 : i32
    %c0_i32_0 = arith.constant 0 : i32
    %c0_i32_1 = arith.constant 0 : i32
    return %c0_i32, %arg0, %c0_i32_0 : i32, i32, i32
  }
}

module attributes {stable_mosaic.version = 14 : i64} {
  func.func @_ls_body(%arg0: i32, %arg1: memref<2x400x64xf32, #tpu.memory_space<vmem>>, %arg2: memref<400x128xf32, #tpu.memory_space<vmem>>) attributes {dimension_semantics = [#tpu.dimension_semantics<arbitrary>], iteration_bounds = array<i64: 25>, scalar_prefetch = 0 : i64, scratch_operands = 0 : i64, tpu.core_type = #tpu.core_type<tc>, window_params = [{transform_indices = @transform_0, window_bounds = array<i64: 2, 400, 64>}, {transform_indices = @transform_1, window_bounds = array<i64: 400, 128>}]} {
    %get3A = arith.constant 0 : index
    %get3A_0 = arith.constant 0 : index
    %get3A_1 = arith.constant 0 : index
    %get3A_2 = vector.load %arg1[%get3A, %get3A_0, %get3A_1] : memref<2x400x64xf32, #tpu.memory_space<vmem>>, vector<1x400x64xf32>
    %get3A_3 = vector.shape_cast %get3A_2 : vector<1x400x64xf32> to vector<400x64xf32>
    %get3A_4 = arith.constant 1 : index
    %get3A_5 = arith.constant 0 : index
    %get3A_6 = arith.constant 0 : index
    %get3A_7 = vector.load %arg1[%get3A_4, %get3A_5, %get3A_6] : memref<2x400x64xf32, #tpu.memory_space<vmem>>, vector<1x400x64xf32>
    %get3A_8 = vector.shape_cast %get3A_7 : vector<1x400x64xf32> to vector<400x64xf32>
    %concatenate3A = tpu.concatenate %get3A_3, %get3A_8 in 1 : vector<400x64xf32>, vector<400x64xf32> -> vector<400x128xf32>
    %reduce_max3A = arith.constant dense<0xFF800000> : vector<400xf32>
    %reduce_max3A_9 = vector.multi_reduction <maximumf>, %concatenate3A, %reduce_max3A [1] : vector<400x128xf32> to vector<400xf32>
    %broadcast_in_dim3A = vector.shape_cast %reduce_max3A_9 : vector<400xf32> to vector<400x1xf32>
    %sub3A = vector.broadcast %broadcast_in_dim3A : vector<400x1xf32> to vector<400x128xf32>
    %sub3A_10 = arith.subf %concatenate3A, %sub3A : vector<400x128xf32>
    %exp3A = math.exp %sub3A_10 : vector<400x128xf32>
    %reduce_sum3A = arith.constant dense<0.000000e+00> : vector<400xf32>
    %reduce_sum3A_11 = vector.multi_reduction <add>, %exp3A, %reduce_sum3A [1] : vector<400x128xf32> to vector<400xf32>
    %broadcast_in_dim3A_12 = vector.shape_cast %reduce_sum3A_11 : vector<400xf32> to vector<400x1xf32>
    %log3A = math.log %broadcast_in_dim3A_12 : vector<400x1xf32>
    %sub3A_13 = vector.broadcast %log3A : vector<400x1xf32> to vector<400x128xf32>
    %sub3A_14 = arith.subf %sub3A_10, %sub3A_13 : vector<400x128xf32>
    %swap3A = arith.constant 0 : index
    %swap3A_15 = arith.constant 0 : index
    %swap3A_16 = vector.load %arg2[%swap3A, %swap3A_15] : memref<400x128xf32, #tpu.memory_space<vmem>>, vector<400x128xf32>
    tpu.vector_store %arg2[%swap3A, %swap3A_15], %sub3A_14 {strides = array<i32>} : memref<400x128xf32, #tpu.memory_space<vmem>>, vector<400x128xf32>,
    return
  }
  func.func @transform_0(%arg0: i32) -> (i32, i32, i32) {
    %c0_i32 = arith.constant 0 : i32
    %c0_i32_0 = arith.constant 0 : i32
    %c0_i32_1 = arith.constant 0 : i32
    return %c0_i32, %arg0, %c0_i32_0 : i32, i32, i32
  }
  func.func @transform_1(%arg0: i32) -> (i32, i32) {
    %c0_i32 = arith.constant 0 : i32
    %c0_i32_0 = arith.constant 0 : i32
    return %arg0, %c0_i32 : i32, i32
  }
}

</mosaic_0001>

<sc_bundles>
// kernel: kernel.5.cloned.1.call-start
scs
__scs_entry_jumppad:
0x0: {  	(pc) =	sbr.rel $0x88, $3  }
0x1: {  	(tag) =	ssettag $0x0;
	lr =	simm.s32 $0x1  }
0x2: {  	[smem:$0x3F9D] =	sst lr;
	_ =	strace $0xD0000000  }
0x3: {  	_ = 	snop  }
0x4: {  	_ = 	snop  }
0x5: {  	_ = 	snop  }
0x6: {  	_ = 	snop  }
0x7: {  	_ = 	snop  }
__scs_overlays_trampoline_lowered:
0x8: {  	[smem:$0x3FAC] =	sst s0  }
0x9: {  	[smem:$0x3FAD] =	sst s1  }
0xa: {  	[smem:$0x3FAE] =	sst s2  }
0xb: {  	[smem:$0x3FAF] =	sst s3  }
0xc: {  	[smem:$0x3FB0] =	sst s4  }
0xd: {  	[smem:$0x3FB1] =	sst s5  }
0xe: {  	[smem:$0x3FB2] =	sst s6  }
0xf: {  	[smem:$0x3FB3] =	sst s7  }
0x10: {  	[smem:$0x3FB4] =	sst s8  }
0x11: {  	[smem:$0x3FB5] =	sst s9;
	s0 =	simm.s32 @!p0 $0x0  }
0x12: {  	s1 =	sld [smem:$0x3F9B];
	s0 =	simm.s32 @p0 $0x1  }
0x13: {  	[smem:$0x3FB6] =	sst s0;
	s0 =	simm.s32 @!p1 $0x0  }
0x14: {  	s2 =	sld [smem:$0x3F9A];
	s0 =	simm.s32 @p1 $0x1  }
0x15: {  	[smem:$0x3FB7] =	sst s0;
	s0 =	simm.s32 @!p2 $0x0  }
0x16: {  	s3 =	sld [smem:$0x3FDB];
	s0 =	simm.s32 @p2 $0x1  }
0x17: {  	s4 =	simm.s32 $0x1BF5;
	[smem:$0x3FB9] =	sst s0  }
0x18: {  	s0 =	sld [smem:$0x3F9C];
	_ =	swait.ge [sflag:s4], $0x0  }
0x19: {  	s7 =	sld [smem:$0x3F9D]  }
0x1a: {  	s8 =	sadd.s32 $0xFFFFE003, lr  }
0x1b: {  	s9 =	sadd.s32 $0xFFFFFEF7, lr;
	s5 =	simm.s32 $0xFFFFFFFF;
	p2 =	slt.u32 s8, $0xFFFFF086  }
0x1c: {  	p1 =	slt.u32 s9, $0xF7A;
	s5 =	simm.s32 @!p2 $0x0  }
0x1d: {  	s5 =	simm.s32 @p1 $0x1;
	p0 =	seq.s32 s7, s2  }
0x1e: {  	s7 =	smul.u32 @!p0 $0xF7A, s2;
	p2 =	seq.s32 @!p0 s5, $0x0  }
0x1f: {  	s9 =	smul.u32 $0xF7A, s1;
	s8 =	simm.s32 @!p0 $0x1BF5;
	p2 =	por !p2, p0  }
0x20: {  	[sflag:s8] =	ssyncset.s32 @!p0 $0xFFFFF086;
	s6 =	sadd.s32 @!p0 s3, s7;
	s7 =	simm.s32 @!p0 $0x108  }
0x21: {  	s3 =	sadd.s32 s3, s9;
	s6 =	sadd.s32 @!p0 $0x88, s6;
	s7 =	simm.s32 @p2 $0x1082  }
0x22: {  	[simem:s7], [sflag:s8] =	dma.local @!p0 [hbm:s6], $0xF7A  }
0x23: {  	s9 =	sor.u32 $0xD0000000, s2;
	s6 =	simm.s32 $0x108;
	_ =	swait.ge @!p0 [sflag:s8], $0x0  }
0x24: {  	s3 =	sadd.s32 $0x88, s3;
	s6 =	simm.s32 @!p1 $0x1082;
	[sflag:s4] =	ssyncset.s32 $0xFFFFF086  }
0x25: {  	[simem:s6], [sflag:s4] =	dma.local [hbm:s3], $0xF7A  }
0x26: {  	[smem:$0x3F9D] =	sst s1;
	(tag) =	ssettag s2;
	_ =	strace s9  }
0x27: {  	s1 =	sld [smem:$0x3FAD]  }
0x28: {  	s2 =	sld [smem:$0x3FAE]  }
0x29: {  	s4 =	sld [smem:$0x3FB0]  }
0x2a: {  	p0 =	seq.s32 s5, $0x0;
	s5 =	sld [smem:$0x3FB1]  }
0x2b: {  	s6 =	sld [smem:$0x3FB2]  }
0x2c: {  	s7 =	sld [smem:$0x3FB3]  }
0x2d: {  	s3 =	simm.s32 $0x108;
	s8 =	sld [smem:$0x3FB4]  }
0x2e: {  	s3 =	simm.s32 @!p0 $0x1082;
	s9 =	sld [smem:$0x3FB5]  }
0x2f: {  	lr =	sadd.s32 s0, s3;
	s0 =	sld [smem:$0x3FAC]  }
0x30: {  	s3 =	sld [smem:$0x3FAF]  }
0x31: {  	[smem:$0x3FB8] =	sst s10  }
0x32: {  	s10 =	sld [smem:$0x3FB6];
	_ =	sdelay $0x3  }
0x33: {  	p0 =	seq.s32 s10, $0x1;
	s10 =	sld [smem:$0x3FB8];
	_ =	sdelay $0x3  }
0x34: {  	[smem:$0x3FB8] =	sst s10  }
0x35: {  	s10 =	sld [smem:$0x3FB7];
	_ =	sdelay $0x3  }
0x36: {  	p1 =	seq.s32 s10, $0x1;
	s10 =	sld [smem:$0x3FB8];
	_ =	sdelay $0x3  }
0x37: {  	[smem:$0x3FB8] =	sst s10  }
0x38: {  	s10 =	sld [smem:$0x3FB9]  }
0x39: {  	_ = 	snop;
	(pc) =	sbr.ind lr, $3  }
0x3a: {  	_ = 	snop  }
0x3b: {  	_ = 	snop  }
0x3c: {  	p2 =	seq.s32 s10, $0x1;
	s10 =	sld [smem:$0x3FB8]  }
0x3d: {  	_ =	shalt  }
0x3e: {  	_ =	shalt  }
0x3f: {  	_ =	shalt  }
0x40: {  	_ =	shalt  }
0x41: {  	_ =	shalt  }
0x42: {  	_ =	shalt  }
0x43: {  	_ =	shalt  }
0x44: {  	_ =	shalt  }
0x45: {  	_ =	shalt  }
0x46: {  	_ =	shalt  }
0x47: {  	_ =	shalt  }
0x48: {  	_ =	shalt  }
0x49: {  	_ =	shalt  }
0x4a: {  	_ =	shalt  }
0x4b: {  	_ =	shalt  }
0x4c: {  	_ =	shalt  }
0x4d: {  	_ =	shalt  }
0x4e: {  	_ =	shalt  }
0x4f: {  	_ =	shalt  }
0x50: {  	_ =	shalt  }
0x51: {  	_ =	shalt  }
0x52: {  	_ =	shalt  }
0x53: {  	_ =	shalt  }
0x54: {  	_ =	shalt  }
0x55: {  	_ =	shalt  }
0x56: {  	_ =	shalt  }
0x57: {  	_ =	shalt  }
0x58: {  	_ =	shalt  }
0x59: {  	_ =	shalt  }
0x5a: {  	_ =	shalt  }
0x5b: {  	_ =	shalt  }
0x5c: {  	_ =	shalt  }
0x5d: {  	_ =	shalt  }
0x5e: {  	_ =	shalt  }
0x5f: {  	_ =	shalt  }
0x60: {  	_ =	shalt  }
0x61: {  	_ =	shalt  }
0x62: {  	_ =	shalt  }
0x63: {  	_ =	shalt  }
0x64: {  	_ =	shalt  }
0x65: {  	_ =	shalt  }
0x66: {  	_ =	shalt  }
0x67: {  	_ =	shalt  }
0x68: {  	_ =	shalt  }
0x69: {  	_ =	shalt  }
0x6a: {  	_ =	shalt  }
0x6b: {  	_ =	shalt  }
0x6c: {  	_ =	shalt  }
0x6d: {  	_ =	shalt  }
0x6e: {  	_ =	shalt  }
0x6f: {  	_ =	shalt  }
0x70: {  	_ =	shalt  }
0x71: {  	_ =	shalt  }
0x72: {  	_ =	shalt  }
0x73: {  	_ =	shalt  }
0x74: {  	_ =	shalt  }
0x75: {  	_ =	shalt  }
0x76: {  	_ =	shalt  }
0x77: {  	_ =	shalt  }
0x78: {  	_ =	shalt  }
0x79: {  	_ =	shalt  }
0x7a: {  	_ =	shalt  }
0x7b: {  	_ =	shalt  }
0x7c: {  	_ =	shalt  }
0x7d: {  	_ =	shalt  }
0x7e: {  	_ =	shalt  }
0x7f: {  	_ =	shalt  }
0x80: {  	_ =	shalt  }
0x81: {  	_ =	shalt  }
0x82: {  	_ =	shalt  }
0x83: {  	_ =	shalt  }
0x84: {  	_ =	shalt  }
0x85: {  	_ =	shalt  }
0x86: {  	_ =	shalt  }
0x87: {  	_ =	shalt  }
.Lfunc_end0:
.L_simem_size_0:
called_computation_lowered:
.L_overlay_start_0:
0x88: {  	s2 =	sld [smem:$0x3FD9]  }
0x89: {  	s3 =	sld [smem:$0x3FFE];
	_ =	sdelay $0x1  }
0x8a: {  	s1 =	srdreg.scid  }
0x8b: {  	s0 =	sand.u32 $0x1, s1  }
0x8c: {  	s17 =	sshll.u32 s0, $0xA;
	s2 =	sadd.s32 s3, s2  }
0x8d: {  	s2 =	sadd.s32 s2, s17  }
0x8e: {  	[smem:$0x3FC4] =	sst s2  }
0x8f: {  	_ = 	snop  }
0x90: {  	s2 =	sld [smem:$0x3FD0];
	(tm) =	ssettm $0x1  }
0x91: {  	s18 =	sld [smem:$0x3FFB];
	_ =	sdelay $0x3  }
0x92: {  	_ =	strace s18  }
0x93: {  	s3 =	sld [smem:$0x3FFC];
	_ =	sdelay $0x3  }
0x94: {  	_ =	strace s3  }
0x95: {  	s3 =	sld [smem:$0x3FFD];
	_ =	sdelay $0x3  }
0x96: {  	_ =	strace s3  }
0x97: {  	_ =	strace $0x8FFFFFFF  }
0x98: {  	s19 =	sld [smem:$0x3FDB];
	_ =	sdelay $0x1  }
0x99: {  	s4 =	simm.s32 $_scs_section_size  }
0x9a: {  	s5 =	simm.s32 $_size__tile_overlayer_lowered;
	s6 =	simm.s32 $_tile_overlayer_lowered  }
0x9b: {  	s22 =	simm.s32 $0x1BFF;
	s21 =	sshll.u32 s6, $0x1;
	s3 =	sadd.s32 s4, s19  }
0x9c: {  	s7 =	simm.s32 $0x0;
	s20 =	sshll.u32 s5, $0x1;
	s5 =	sadd.s32 s21, s3  }
0x9d: {  	[timem:s7], [sflag:s22] =	dma.local [hbm:s5], s20  }
0x9e: {  	_ =	swait.ge [sflag:s22], s20  }
0x9f: {  	s4 =	ssub.s32 $0x0, s20;
	[sflag:s22] =	ssyncset.done $0x0  }
0xa0: {  	[sflag:s22] =	ssyncadd.s32 s4;
	_ =	sdelay $0x1  }
0xa1: {  	s23 =	simm.s32 $0x1B8B  }
0xa2: {  	_ =	swait.ge [sflag:s23], $0x1  }
0xa3: {  	[sflag:s23] =	ssyncset.done $0x0  }
0xa4: {  	s25 =	simm.s32 $0x1B8E;
	s24 =	sld [smem:$0x3FFE];
	[sflag:s23] =	ssyncadd.s32 $0xFFFFFFFF  }
0xa5: {  	s26 =	simm.s32 $execute0_lowered;
	[smem:$0x3FD2] =	sst s25  }
0xa6: {  	s5 =	sshll.u32 s26, $0x1;
	_ =	strace $0x80000046;
	[dreg:$0x1] =	wrdreg $0xFFFFFFFF  }
0xa7: {  	s28 =	simm.s32 $_size_execute0_lowered;
	s3 =	sadd.s32 s3, s5;
	[dreg:$0x0] =	wrdreg $0x0  }
0xa8: {  	s5 =	sshll.u32 s28, $0x1;
	[dreg:$0x2] =	wrdreg s3  }
0xa9: {  	[dreg:$0x3] =	wrdreg s5  }
0xaa: {  	[dreg:$0x4] =	wrdreg $0xC0  }
0xab: {  	_ =	task [dreg:s7], $0x5FFFF  }
0xac: {  	[dreg:$0x1] =	wrdreg $0xFFFFFFFF  }
0xad: {  	[dreg:$0x0] =	wrdreg $0x60  }
0xae: {  	[dreg:$0x2] =	wrdreg s24  }
0xaf: {  	[dreg:$0x3] =	wrdreg s2  }
0xb0: {  	[dreg:$0x4] =	wrdreg $0x0  }
0xb1: {  	[dreg:$0x5] =	wrdreg $0x9  }
0xb2: {  	_ =	task.clear_ibuf [dreg:s7], $0x6FFFF;
	_ =	strace $0x90000046  }
0xb3: {  	s29 =	simm.s32 $0x9;
	_ =	strace $0x80000048  }
0xb4: {  	_ =	swait.ge [sflag:s29], $0x1  }
0xb5: {  	[sflag:s29] =	ssyncadd.s32 $0xFFFFFFFF  }
0xb6: {  	_ =	strace $0x90000048  }
0xb7: {  	_ =	sfence  }
0xb8: {  	s30 =	sld [smem:$0x0];
	_ =	sdelay $0x2  }
0xb9: {  	s31 =	sshll.u32 s1, $0xD;
	s1 =	sshrl.u32 s1, $0x2  }
0xba: {  	s3 =	sand.u32 $0x4000, s31;
	s1 =	sadd.s32 s1, s30  }
0xbb: {  	s0 =	sor.u32 s3, s0;
	s1 =	sshll.u32 s1, $0x11  }
0xbc: {  	s0 =	sor.u32 s1, s0  }
0xbd: {  	s0 =	sadd.s32 $0x8F2B, s0  }
0xbe: {  	[sflag:s0] =	ssyncadd.remote.s32 $0x1  }
0xbf: {  	_ =	sfence.sel $0xFFFF  }
0xc0: {  	[dreg:$0x0] =	wrdreg $0xFFFFFFFF;
	(pc) =	sbr.abs _section_cstart, $3  }
0xc1: {  	[dreg:$0x1] =	wrdreg $0xFFFFFFFF  }
0xc2: {  	_ =	task.clear_ibuf [dreg:s7], $0x2FFFF;
	_ =	strace $0x9FFFFFFF  }
0xc3: {  	(tm) =	ssettm $0x7FFFFFFF  }
tec
execute0_lowered:
.L_overlay_start_1:
0x0: {  	(tag) =	ssettag $0x1  }
0x1: {  	s0 =	rddreg [dreg:$0x0]  }
0x2: {  	s1 =	rddreg [dreg:$0x1]  }
0x3: {  	s2 =	rddreg [dreg:$0x2];
	s3 =	simm.s32 $0x0;
	s11 =	stileid.u32  }
0x4: {  	s5 =	srdreg.scid;
	s31 =	simm.s32 $0x3;
	s30 =	simm.s32 $0x80  }
0x5: {  	[smem:$0x7FF] =	sst s3;
	s4 =	smul.u32 $0xA00, s11;
	s6 =	sadd.s32 $0x600, s0  }
0x6: {  	s8 =	sadd.s32 $0x32600, s0;
	s29 =	sand.u32 $0x1, s5;
	s10 =	smul.u32 $0x28000, s11  }
0x7: {  	s19 =	sadd.s32 $0x5BA00, s0;
	s5 =	sadd.s32 $0x33A00, s0;
	s12 =	smul.u32 $0x280, s11  }
0x8: {  	_ =	strace $0x80000047;
	[dreg:$0x4] =	wrdreg s8;
	s9 =	ssub.s32 $0x2, s29  }
0x9: {  	s21 =	smul.u32 $0x2800, s29;
	s7 =	sadd.s32 s4, s0;
	s13 =	sshrl.u32 s9, $0x1  }
0xa: {  	s14 =	sshrl.u32 s10, $0x2;
	s1 =	sadd.s32 s1, s4;
	s16 =	sadd.s32 $0x80, s12  }
0xb: {  	s17 =	sadd.s32 $0x100, s12;
	s18 =	sadd.s32 $0x180, s12;
	s0 =	ssub.s32 s9, s13  }
0xc: {  	[dreg:$0x5] =	wrdreg s1;
	s15 =	sadd.s32 $0x28600, s7;
	s8 =	sadd.s32 s14, s2  }
0xd: {  	s20 =	sshll.u32 s16, $0x6;
	s22 =	sshll.u32 s17, $0x6;
	s23 =	sshll.u32 s18, $0x6  }
0xe: {  	s1 =	sadd.s32 s21, s16;
	s4 =	sadd.s32 s21, s17;
	s7 =	sadd.s32 s21, s18  }
0xf: {  	[dreg:$0x6] =	wrdreg s15;
	s9 =	sadd.s32 s20, s2;
	s10 =	sadd.s32 s22, s2  }
0x10: {  	s11 =	sadd.s32 s23, s2;
	s15 =	sadd.s32 $0x200, s12;
	s12 =	sadd.s32 s12, s21  }
0x11: {  	s1 =	sshll.u32 s1, $0x3;
	s4 =	sshll.u32 s4, $0x3;
	s7 =	sshll.u32 s7, $0x3  }
0x12: {  	s0 =	smax.u32 s0, $0x1;
	s13 =	sshll.u32 s15, $0x6;
	s20 =	sshll.u32 s12, $0x3  }
0x13: {  	s14 =	sadd.s32 s6, s1;
	s15 =	sadd.s32 s21, s15;
	s16 =	sadd.s32 s6, s7  }
0x14: {  	s22 =	sadd.s32 s5, s4;
	s25 =	sadd.s32 s19, s4;
	s26 =	sadd.s32 s19, s7  }
0x15: {  	v0 =	vmov s21;
	[dreg:$0xc] =	wrdreg s0;
	s0 =	simm.s32 $0x14000;
	s21 =	simm.s32 $0x0  }
0x16: {  	s12 =	sadd.s32 s13, s2;
	s13 =	sadd.s32 s6, s20;
	s23 =	sshll.u32 s15, $0x3  }
0x17: {  	s15 =	sadd.s32 s6, s4;
	s18 =	sadd.s32 s5, s20;
	[dreg:$0x9] =	wrdreg s25  }
0x18: {  	s24 =	sadd.s32 s19, s20;
	s20 =	sadd.s32 s5, s1;
	[dreg:$0xa] =	wrdreg s26  }
0x19: {  	s1 =	sadd.s32 s19, s1;
	s4 =	simm.s32 $0x1;
	[dreg:$0x7] =	wrdreg s24  }
0x1a: {  	s17 =	sadd.s32 s6, s23;
	[dreg:$0x8] =	wrdreg s1;
	s24 =	sadd.s32 s5, s7  }
0x1b: {  	s29 =	sadd.s32 s19, s23;
	s28 =	sadd.s32 s5, s23;
	s1 =	simm.s32 $0x16000  }
0x1c: {  	v1 =	vimm.f32 $1.000000000e+00;
	s6 =	simm.s32 $0x2;
	s7 =	simm.s32 $0x18000;
	[dreg:$0xb] =	wrdreg s29  }
.LBB2_1:
0x1d: {  	[dreg:$0xd] =	wrdreg s21  }
0x1e: {  	s19 =	rddreg [dreg:$0x5];
	s29 =	simm.s32 $0xA000  }
0x1f: {  	[tilespmem:s29], [sflag:$0x3] =	stream.linear.gather [hbm4b:s19+s3], $0x5000, $0x38;
	[tilespmem:$0x1F000] =	vst v63  }
0x20: {  	_ =	swait.ge [sflag:s31], $0x5000  }
0x21: {  	s23 =	simm.s32 $0xF000;
	[sflag:s31] =	ssyncset.done $0x0  }
0x22: {  	s25 =	stileid.u32;
	s21 =	rddreg [dreg:$0x6];
	[sflag:s31] =	ssyncadd.s32 $0xFFFFB000  }
0x23: {  	[tilespmem:s23], [sflag:$0x3] =	stream.linear.gather [hbm4b:s21+s3], $0x5000, $0x38;
	[tilespmem:$0x1F000] =	vst v63  }
0x24: {  	s26 =	sshll.u32 s25, $0x6;
	_ =	swait.ge [sflag:s31], $0x5000  }
0x25: {  	s21 =	sor.u32 $0x1C03, s26;
	[sflag:s31] =	ssyncset.done $0x0  }
0x26: {  	s23 =	sshrl.u32 s8, $0x3;
	s29 =	rddreg [dreg:$0x4];
	[sflag:s31] =	ssyncadd.s32 $0xFFFFB000  }
0x27: {  	[spmem:s23], [sflag:s21] =	dma.local [hbm:s29], $0x1400  }
0x28: {  	_ =	swait.ge [sflag:s31], $0x1400  }
0x29: {  	[sflag:s31] =	ssyncset.done $0x0  }
0x2a: {  	s21 =	simm.s32 $0x0;
	s23 =	simm.s32 $0x100;
	[sflag:s31] =	ssyncadd.s32 $0xFFFFEC00  }
.LBB2_2:
0x2b: {  	p0 =	sne.s32 s23, $0x7F00;
	[tilespmem:s21+$0x16030] =	vst v1  }
0x2c: {  	[tilespmem:s21+$0x14000] =	vst v1  }
0x2d: {  	[tilespmem:s21+$0x16000] =	vst v1  }
.Ltmp0:
0x2e: {  	[tilespmem:s21+$0x14010] =	vst v1;
	(pc) =	sbr.rel @p0 .LBB2_2-.Ltmp0, $4  }
0x2f: {  	[tilespmem:s21+$0x16010] =	vst v1  }
0x30: {  	[tilespmem:s21+$0x14020] =	vst v1  }
0x31: {  	[tilespmem:s21+$0x16020] =	vst v1  }
0x32: {  	[tilespmem:s21+$0x14030] =	vst v1;
	s21 =	sshra.s32 s23, $0x2;
	s23 =	sadd.s32 $0x100, s23  }
0x33: {  	[tilespmem:s21+$0x16030] =	vst v1  }
0x34: {  	[tilespmem:s21+$0x14000] =	vst v1  }
0x35: {  	[tilespmem:s21+$0x16000] =	vst v1  }
0x36: {  	[tilespmem:s21+$0x14010] =	vst v1  }
0x37: {  	[tilespmem:s21+$0x16010] =	vst v1  }
0x38: {  	[tilespmem:s21+$0x14020] =	vst v1  }
0x39: {  	[tilespmem:s21+$0x16020] =	vst v1  }
0x3a: {  	[tilespmem:s21+$0x14030] =	vst v1;
	s21 =	simm.s32 $0x0  }
0x3b: {  	v4 =	vld [tilespmem:s21+$0xA000]  }
0x3c: {  	v6 =	vld [tilespmem:s21+$0xA010]  }
0x3d: {  	v5 =	vld [tilespmem:s21+$0xA020]  }
0x3e: {  	v3 =	vld [tilespmem:s21+$0xA030]  }
0x3f: {  	v2 =	vld [tilespmem:s21+$0xA040]  }
0x40: {  	v7 =	vadd.s32 v0, v4;
	v4 =	vld [tilespmem:s21+$0xA050]  }
0x41: {  	s23 =	simm.s32 $0x200;
	[tilespmem:s21+$0xA000] =	vst v7;
	v7 =	vadd.s32 v0, v6;
	v6 =	vld [tilespmem:s21+$0xA060]  }
.LBB2_4:
0x42: {  	s25 =	sshra.s32 s23, $0x2;
	p0 =	sne.s32 s23, $0x13E00;
	[tilespmem:s21+$0xA010] =	vst v7;
	v5 =	vadd.s32 v0, v5;
	v7 =	vld [tilespmem:s21+$0xA070]  }
0x43: {  	v8 =	vld [tilespmem:s25+$0xA000];
	[tilespmem:s21+$0xA020] =	vst v5;
	v3 =	vadd.s32 v0, v3  }
0x44: {  	v9 =	vld [tilespmem:s25+$0xA010];
	[tilespmem:s21+$0xA030] =	vst v3;
	v2 =	vadd.s32 v0, v2  }
.Ltmp1:
0x45: {  	v5 =	vld [tilespmem:s25+$0xA020];
	[tilespmem:s21+$0xA040] =	vst v2;
	v2 =	vadd.s32 v0, v4;
	(pc) =	sbr.rel @p0 .LBB2_4-.Ltmp1, $4  }
0x46: {  	v3 =	vld [tilespmem:s25+$0xA030];
	[tilespmem:s21+$0xA050] =	vst v2;
	v4 =	vadd.s32 v0, v6  }
0x47: {  	v2 =	vld [tilespmem:s25+$0xA040];
	[tilespmem:s21+$0xA060] =	vst v4;
	v6 =	vadd.s32 v0, v7  }
0x48: {  	v7 =	vadd.s32 v0, v8;
	v4 =	vld [tilespmem:s25+$0xA050];
	[tilespmem:s21+$0xA070] =	vst v6;
	s21 =	smov.u32 s25  }
0x49: {  	s23 =	sadd.s32 $0x200, s23;
	[tilespmem:s21+$0xA000] =	vst v7;
	v7 =	vadd.s32 v0, v9;
	v6 =	vld [tilespmem:s21+$0xA060]  }
0x4a: {  	[tilespmem:s21+$0xA010] =	vst v7;
	v5 =	vadd.s32 v0, v5;
	v63 =	vld [tilespmem:s21+$0xA070]  }
0x4b: {  	[tilespmem:s21+$0xA020] =	vst v5;
	v3 =	vadd.s32 v0, v3  }
0x4c: {  	[tilespmem:s21+$0xA030] =	vst v3;
	v2 =	vadd.s32 v0, v2  }
0x4d: {  	[tilespmem:s21+$0xA040] =	vst v2;
	v2 =	vadd.s32 v0, v4  }
0x4e: {  	[tilespmem:s21+$0xA050] =	vst v2;
	v2 =	vadd.s32 v0, v6  }
0x4f: {  	[tilespmem:s21+$0xA060] =	vst v2;
	v2 =	vadd.s32 v0, v63  }
0x50: {  	[tilespmem:s21+$0xA070] =	vst v2  }
0x51: {  	[bflag:$0x0] =	sbarrier.arrive $0xFFFF  }
0x52: {  	(ifvalue) =	ssetifvalue $0xFFFFFFFF  }
0x53: {  	s26 =	simm.s32 $0xF000;
	(ifvalue) =	ssetifvalue $0xFFFFFFFF  }
0x54: {  	[spmem:s2] =	stream.indirect.scatter.add.f32 [tilespmem:s0], [sflag:$0x1], $0x40, s26, s30, $0x40b8;
	[tilespmem:$0x1F000] =	vst v63  }
0x55: {  	s29 =	simm.s32 $0xF080;
	(ifvalue) =	ssetifvalue $0xFFFFFFFF  }
0x56: {  	[spmem:s2] =	stream.indirect.scatter.add.f32 [tilespmem:s1], [sflag:$0x2], $0x40, s29, s30, $0x40b8;
	[tilespmem:$0x1F000] =	vst v63  }
0x57: {  	_ =	swait.ge [sflag:s4], $0x2000  }
0x58: {  	[sflag:s4] =	ssyncset.done $0x0  }
0x59: {  	[sflag:s4] =	ssyncadd.s32 $0xFFFFE000  }
0x5a: {  	_ =	swait.ge [sflag:s6], $0x2000  }
0x5b: {  	s23 =	simm.s32 $0x800;
	s21 =	simm.s32 $0x100;
	[sflag:s6] =	ssyncset.done $0x0  }
.LBB2_6:
0x5c: {  	(ifvalue) =	ssetifvalue $0xFFFFFFFF;
	s25 =	sadd.s32 $0xF000, s21  }
0x5d: {  	[sflag:s6] =	ssyncadd.s32 $0xFFFFE000;
	s26 =	smov.u32 s23;
	s21 =	sadd.s32 $0xF080, s21  }
0x5e: {  	[spmem:s2] =	stream.indirect.scatter.add.f32 [tilespmem:s0], [sflag:$0x1], $0x40, s25, s30, $0x40b8;
	[tilespmem:$0x1F000] =	vst v63  }
0x5f: {  	p0 =	sne.s32 s23, $0x13C00;
	s25 =	sadd.s32 $0x400, s23;
	(ifvalue) =	ssetifvalue $0xFFFFFFFF  }
0x60: {  	[spmem:s2] =	stream.indirect.scatter.add.f32 [tilespmem:s1], [sflag:$0x2], $0x40, s21, s30, $0x40b8;
	[tilespmem:$0x1F000] =	vst v63  }
.Ltmp2:
0x61: {  	_ =	swait.ge [sflag:s4], $0x2000;
	(pc) =	sbr.rel @p0 .LBB2_6-.Ltmp2, $4  }
0x62: {  	[sflag:s4] =	ssyncset.done $0x0  }
0x63: {  	[sflag:s4] =	ssyncadd.s32 $0xFFFFE000  }
0x64: {  	_ =	swait.ge [sflag:s6], $0x2000  }
0x65: {  	s23 =	smov.u32 s25;
	s21 =	sshra.s32 s26, $0x2;
	[sflag:s6] =	ssyncset.done $0x0  }
0x66: {  	s23 =	sadd.s32 $0xF000, s21;
	[sflag:s6] =	ssyncadd.s32 $0xFFFFE000  }
0x67: {  	[spmem:s2] =	stream.indirect.scatter.add.f32 [tilespmem:s0], [sflag:$0x1], $0x40, s23, s30, $0x40b8;
	[tilespmem:$0x1F000] =	vst v63  }
0x68: {  	s29 =	sadd.s32 $0xF080, s21;
	(ifvalue) =	ssetifvalue $0xFFFFFFFF  }
0x69: {  	[spmem:s2] =	stream.indirect.scatter.add.f32 [tilespmem:s1], [sflag:$0x2], $0x40, s29, s30, $0x40b8;
	[tilespmem:$0x1F000] =	vst v63  }
0x6a: {  	_ =	swait.ge [sflag:s4], $0x2000  }
0x6b: {  	[sflag:s4] =	ssyncset.done $0x0  }
0x6c: {  	[sflag:s4] =	ssyncadd.s32 $0xFFFFE000  }
0x6d: {  	_ =	swait.ge [sflag:s6], $0x2000  }
0x6e: {  	[sflag:s6] =	ssyncset.done $0x0  }
0x6f: {  	[sflag:s6] =	ssyncadd.s32 $0xFFFFE000  }
0x70: {  	s23 =	simm.s32 $0x14000;
	[bflag:$0x0] =	sbarrier.arrive $0xFFFF  }
0x71: {  	[tilespmem:s23], [sflag:$0x3] =	stream.linear.gather [spmem:s8], $0x2000, $0x38;
	[tilespmem:$0x1F000] =	vst v63  }
0x72: {  	_ =	swait.ge [sflag:s31], $0x2000  }
0x73: {  	[sflag:s31] =	ssyncset.done $0x0  }
0x74: {  	[sflag:s31] =	ssyncadd.s32 $0xFFFFE000  }
0x75: {  	s21 =	simm.s32 $0x0;
	s25 =	simm.s32 $0x40;
	v2 =	vld [tilespmem:s23+$0x0]  }
.LBB2_8:
0x76: {  	p0 =	sne.s32 s25, $0x1FC0;
	_ =	sdelay $0x3  }
0x77: {  	v2 =	vadd.f32 $1.000000000e+00, v2;
	_ =	sdelay $0x1  }
0x78: {  	v3 =	vshrl.u32 v2, $0x1;
	v2 =	vmul.f32 $5.000000000e-01, v2  }
0x79: {  	v3 =	vsub.s32 $0x5F3759DF, v3  }
0x7a: {  	v4 =	vmul.f32 v3, v2;
	_ =	sdelay $0x1  }
0x7b: {  	v4 =	vmul.f32 v3, v4;
	_ =	sdelay $0x1  }
0x7c: {  	v4 =	vsub.f32 $1.500000000e+00, v4;
	_ =	sdelay $0x1  }
0x7d: {  	v3 =	vmul.f32 v3, v4;
	_ =	sdelay $0x1  }
0x7e: {  	v4 =	vmul.f32 v3, v2;
	_ =	sdelay $0x1  }
0x7f: {  	v4 =	vmul.f32 v4, v3;
	_ =	sdelay $0x1  }
0x80: {  	v4 =	vsub.f32 $1.500000000e+00, v4;
	_ =	sdelay $0x1  }
0x81: {  	v3 =	vmul.f32 v4, v3;
	_ =	sdelay $0x1  }
0x82: {  	v2 =	vmul.f32 v3, v2;
	_ =	sdelay $0x1  }
0x83: {  	v2 =	vmul.f32 v2, v3;
	_ =	sdelay $0x1  }
0x84: {  	v2 =	vsub.f32 $1.500000000e+00, v2;
	_ =	sdelay $0x1  }
0x85: {  	v2 =	vmul.f32 v2, v3;
	_ =	sdelay $0x1  }
0x86: {  	v3 =	vmul.f32 $1.000000010e-01, v2;
	v2 =	vmul.f32 v2, v2  }
.Ltmp3:
0x87: {  	s26 =	sshra.s32 s21, $0x2;
	s21 =	smov.u32 s25;
	(pc) =	sbr.rel @p0 .LBB2_8-.Ltmp3, $3  }
0x88: {  	[tilespmem:s26+$0x1A000] =	vst v3;
	v2 =	vmul.f32 $8.999999760e-01, v2;
	_ =	sdelay $0x1  }
0x89: {  	s23 =	sadd.s32 $0x40, s23;
	[tilespmem:s26+$0x1C800] =	vst v2  }
0x8a: {  	s25 =	sadd.s32 $0x40, s25;
	v2 =	vld [tilespmem:s23+$0x0]  }
0x8b: {  	_ =	sdelay $0x3  }
0x8c: {  	v2 =	vadd.f32 $1.000000000e+00, v2;
	_ =	sdelay $0x1  }
0x8d: {  	v3 =	vshrl.u32 v2, $0x1;
	v2 =	vmul.f32 $5.000000000e-01, v2  }
0x8e: {  	v3 =	vsub.s32 $0x5F3759DF, v3  }
0x8f: {  	v4 =	vmul.f32 v3, v2;
	_ =	sdelay $0x1  }
0x90: {  	v4 =	vmul.f32 v3, v4;
	_ =	sdelay $0x1  }
0x91: {  	v4 =	vsub.f32 $1.500000000e+00, v4;
	_ =	sdelay $0x1  }
0x92: {  	v3 =	vmul.f32 v3, v4;
	_ =	sdelay $0x1  }
0x93: {  	v4 =	vmul.f32 v3, v2;
	_ =	sdelay $0x1  }
0x94: {  	v4 =	vmul.f32 v4, v3;
	_ =	sdelay $0x1  }
0x95: {  	v4 =	vsub.f32 $1.500000000e+00, v4;
	_ =	sdelay $0x1  }
0x96: {  	v3 =	vmul.f32 v4, v3;
	_ =	sdelay $0x1  }
0x97: {  	v2 =	vmul.f32 v3, v2;
	_ =	sdelay $0x1  }
0x98: {  	v2 =	vmul.f32 v2, v3;
	_ =	sdelay $0x1  }
0x99: {  	v2 =	vsub.f32 $1.500000000e+00, v2;
	_ =	sdelay $0x1  }
0x9a: {  	v2 =	vmul.f32 v2, v3;
	_ =	sdelay $0x1  }
0x9b: {  	v3 =	vmul.f32 v2, v2  }
0x9c: {  	v2 =	vmul.f32 $1.000000010e-01, v2  }
0x9d: {  	s21 =	sshra.s32 s21, $0x2;
	v3 =	vmul.f32 $8.999999760e-01, v3  }
0x9e: {  	[tilespmem:s21+$0x1A000] =	vst v2  }
0x9f: {  	s23 =	simm.s32 $0x14000;
	[tilespmem:s21+$0x1C800] =	vst v3  }
0xa0: {  	[tilespmem:s23], [sflag:$0x3] =	stream.linear.gather [spmem:s9], $0x2000, $0x38;
	[tilespmem:$0x1F000] =	vst v63  }
0xa1: {  	_ =	swait.ge [sflag:s31], $0x2000  }
0xa2: {  	[sflag:s31] =	ssyncset.done $0x0  }
0xa3: {  	[sflag:s31] =	ssyncadd.s32 $0xFFFFE000  }
0xa4: {  	s25 =	simm.s32 $0x40;
	s21 =	simm.s32 $0x0;
	v2 =	vld [tilespmem:s23+$0x0]  }
.LBB2_10:
0xa5: {  	p0 =	sne.s32 s25, $0x1FC0;
	_ =	sdelay $0x3  }
0xa6: {  	v2 =	vadd.f32 $1.000000000e+00, v2;
	_ =	sdelay $0x1  }
0xa7: {  	v3 =	vshrl.u32 v2, $0x1;
	v2 =	vmul.f32 $5.000000000e-01, v2  }
0xa8: {  	v3 =	vsub.s32 $0x5F3759DF, v3  }
0xa9: {  	v4 =	vmul.f32 v3, v2;
	_ =	sdelay $0x1  }
0xaa: {  	v4 =	vmul.f32 v3, v4;
	_ =	sdelay $0x1  }
0xab: {  	v4 =	vsub.f32 $1.500000000e+00, v4;
	_ =	sdelay $0x1  }
0xac: {  	v3 =	vmul.f32 v3, v4;
	_ =	sdelay $0x1  }
0xad: {  	v4 =	vmul.f32 v3, v2;
	_ =	sdelay $0x1  }
0xae: {  	v4 =	vmul.f32 v4, v3;
	_ =	sdelay $0x1  }
0xaf: {  	v4 =	vsub.f32 $1.500000000e+00, v4;
	_ =	sdelay $0x1  }
0xb0: {  	v3 =	vmul.f32 v4, v3;
	_ =	sdelay $0x1  }
0xb1: {  	v2 =	vmul.f32 v3, v2;
	_ =	sdelay $0x1  }
0xb2: {  	v2 =	vmul.f32 v2, v3;
	_ =	sdelay $0x1  }
0xb3: {  	v2 =	vsub.f32 $1.500000000e+00, v2;
	_ =	sdelay $0x1  }
0xb4: {  	v2 =	vmul.f32 v2, v3;
	_ =	sdelay $0x1  }
0xb5: {  	v3 =	vmul.f32 $1.000000010e-01, v2;
	v2 =	vmul.f32 v2, v2  }
.Ltmp4:
0xb6: {  	s26 =	sshra.s32 s21, $0x2;
	s21 =	smov.u32 s25;
	(pc) =	sbr.rel @p0 .LBB2_10-.Ltmp4, $3  }
0xb7: {  	[tilespmem:s26+$0x1A800] =	vst v3;
	v2 =	vmul.f32 $8.999999760e-01, v2;
	_ =	sdelay $0x1  }
0xb8: {  	s23 =	sadd.s32 $0x40, s23;
	[tilespmem:s26+$0x1D000] =	vst v2  }
0xb9: {  	s25 =	sadd.s32 $0x40, s25;
	v2 =	vld [tilespmem:s23+$0x0]  }
0xba: {  	_ =	sdelay $0x3  }
0xbb: {  	v2 =	vadd.f32 $1.000000000e+00, v2;
	_ =	sdelay $0x1  }
0xbc: {  	v3 =	vshrl.u32 v2, $0x1;
	v2 =	vmul.f32 $5.000000000e-01, v2  }
0xbd: {  	v3 =	vsub.s32 $0x5F3759DF, v3  }
0xbe: {  	v4 =	vmul.f32 v3, v2;
	_ =	sdelay $0x1  }
0xbf: {  	v4 =	vmul.f32 v3, v4;
	_ =	sdelay $0x1  }
0xc0: {  	v4 =	vsub.f32 $1.500000000e+00, v4;
	_ =	sdelay $0x1  }
0xc1: {  	v3 =	vmul.f32 v3, v4;
	_ =	sdelay $0x1  }
0xc2: {  	v4 =	vmul.f32 v3, v2;
	_ =	sdelay $0x1  }
0xc3: {  	v4 =	vmul.f32 v4, v3;
	_ =	sdelay $0x1  }
0xc4: {  	v4 =	vsub.f32 $1.500000000e+00, v4;
	_ =	sdelay $0x1  }
0xc5: {  	v3 =	vmul.f32 v4, v3;
	_ =	sdelay $0x1  }
0xc6: {  	v2 =	vmul.f32 v3, v2;
	_ =	sdelay $0x1  }
0xc7: {  	v2 =	vmul.f32 v2, v3;
	_ =	sdelay $0x1  }
0xc8: {  	v2 =	vsub.f32 $1.500000000e+00, v2;
	_ =	sdelay $0x1  }
0xc9: {  	v2 =	vmul.f32 v2, v3;
	_ =	sdelay $0x1  }
0xca: {  	v3 =	vmul.f32 v2, v2  }
0xcb: {  	v2 =	vmul.f32 $1.000000010e-01, v2  }
0xcc: {  	s21 =	sshra.s32 s21, $0x2;
	v3 =	vmul.f32 $8.999999760e-01, v3  }
0xcd: {  	[tilespmem:s21+$0x1A800] =	vst v2  }
0xce: {  	s23 =	simm.s32 $0x14000;
	[tilespmem:s21+$0x1D000] =	vst v3  }
0xcf: {  	[tilespmem:s23], [sflag:$0x3] =	stream.linear.gather [spmem:s10], $0x2000, $0x38;
	[tilespmem:$0x1F000] =	vst v63  }
0xd0: {  	_ =	swait.ge [sflag:s31], $0x2000  }
0xd1: {  	[sflag:s31] =	ssyncset.done $0x0  }
0xd2: {  	[sflag:s31] =	ssyncadd.s32 $0xFFFFE000  }
0xd3: {  	s25 =	simm.s32 $0x40;
	s21 =	simm.s32 $0x0;
	v2 =	vld [tilespmem:s23+$0x0]  }
.LBB2_12:
0xd4: {  	p0 =	sne.s32 s25, $0x1FC0;
	_ =	sdelay $0x3  }
0xd5: {  	v2 =	vadd.f32 $1.000000000e+00, v2;
	_ =	sdelay $0x1  }
0xd6: {  	v3 =	vshrl.u32 v2, $0x1;
	v2 =	vmul.f32 $5.000000000e-01, v2  }
0xd7: {  	v3 =	vsub.s32 $0x5F3759DF, v3  }
0xd8: {  	v4 =	vmul.f32 v3, v2;
	_ =	sdelay $0x1  }
0xd9: {  	v4 =	vmul.f32 v3, v4;
	_ =	sdelay $0x1  }
0xda: {  	v4 =	vsub.f32 $1.500000000e+00, v4;
	_ =	sdelay $0x1  }
0xdb: {  	v3 =	vmul.f32 v3, v4;
	_ =	sdelay $0x1  }
0xdc: {  	v4 =	vmul.f32 v3, v2;
	_ =	sdelay $0x1  }
0xdd: {  	v4 =	vmul.f32 v4, v3;
	_ =	sdelay $0x1  }
0xde: {  	v4 =	vsub.f32 $1.500000000e+00, v4;
	_ =	sdelay $0x1  }
0xdf: {  	v3 =	vmul.f32 v4, v3;
	_ =	sdelay $0x1  }
0xe0: {  	v2 =	vmul.f32 v3, v2;
	_ =	sdelay $0x1  }
0xe1: {  	v2 =	vmul.f32 v2, v3;
	_ =	sdelay $0x1  }
0xe2: {  	v2 =	vsub.f32 $1.500000000e+00, v2;
	_ =	sdelay $0x1  }
0xe3: {  	v2 =	vmul.f32 v2, v3;
	_ =	sdelay $0x1  }
0xe4: {  	v3 =	vmul.f32 $1.000000010e-01, v2;
	v2 =	vmul.f32 v2, v2  }
.Ltmp5:
0xe5: {  	s26 =	sshra.s32 s21, $0x2;
	s21 =	smov.u32 s25;
	(pc) =	sbr.rel @p0 .LBB2_12-.Ltmp5, $3  }
0xe6: {  	[tilespmem:s26+$0x1B000] =	vst v3;
	v2 =	vmul.f32 $8.999999760e-01, v2;
	_ =	sdelay $0x1  }
0xe7: {  	s23 =	sadd.s32 $0x40, s23;
	[tilespmem:s26+$0x1D800] =	vst v2  }
0xe8: {  	s25 =	sadd.s32 $0x40, s25;
	v2 =	vld [tilespmem:s23+$0x0]  }
0xe9: {  	_ =	sdelay $0x3  }
0xea: {  	v2 =	vadd.f32 $1.000000000e+00, v2;
	_ =	sdelay $0x1  }
0xeb: {  	v3 =	vshrl.u32 v2, $0x1;
	v2 =	vmul.f32 $5.000000000e-01, v2  }
0xec: {  	v3 =	vsub.s32 $0x5F3759DF, v3  }
0xed: {  	v4 =	vmul.f32 v3, v2;
	_ =	sdelay $0x1  }
0xee: {  	v4 =	vmul.f32 v3, v4;
	_ =	sdelay $0x1  }
0xef: {  	v4 =	vsub.f32 $1.500000000e+00, v4;
	_ =	sdelay $0x1  }
0xf0: {  	v3 =	vmul.f32 v3, v4;
	_ =	sdelay $0x1  }
0xf1: {  	v4 =	vmul.f32 v3, v2;
	_ =	sdelay $0x1  }
0xf2: {  	v4 =	vmul.f32 v4, v3;
	_ =	sdelay $0x1  }
0xf3: {  	v4 =	vsub.f32 $1.500000000e+00, v4;
	_ =	sdelay $0x1  }
0xf4: {  	v3 =	vmul.f32 v4, v3;
	_ =	sdelay $0x1  }
0xf5: {  	v2 =	vmul.f32 v3, v2;
	_ =	sdelay $0x1  }
0xf6: {  	v2 =	vmul.f32 v2, v3;
	_ =	sdelay $0x1  }
0xf7: {  	v2 =	vsub.f32 $1.500000000e+00, v2;
	_ =	sdelay $0x1  }
0xf8: {  	v2 =	vmul.f32 v2, v3;
	_ =	sdelay $0x1  }
0xf9: {  	v3 =	vmul.f32 v2, v2  }
0xfa: {  	v2 =	vmul.f32 $1.000000010e-01, v2  }
0xfb: {  	s21 =	sshra.s32 s21, $0x2;
	v3 =	vmul.f32 $8.999999760e-01, v3  }
0xfc: {  	[tilespmem:s21+$0x1B000] =	vst v2  }
0xfd: {  	s23 =	simm.s32 $0x14000;
	[tilespmem:s21+$0x1D800] =	vst v3  }
0xfe: {  	[tilespmem:s23], [sflag:$0x3] =	stream.linear.gather [spmem:s11], $0x2000, $0x38;
	[tilespmem:$0x1F000] =	vst v63  }
0xff: {  	_ =	swait.ge [sflag:s31], $0x2000  }
0x100: {  	[sflag:s31] =	ssyncset.done $0x0  }
0x101: {  	[sflag:s31] =	ssyncadd.s32 $0xFFFFE000  }
0x102: {  	s25 =	simm.s32 $0x40;
	s21 =	simm.s32 $0x0;
	v2 =	vld [tilespmem:s23+$0x0]  }
.LBB2_14:
0x103: {  	p0 =	sne.s32 s25, $0x1FC0;
	_ =	sdelay $0x3  }
0x104: {  	v2 =	vadd.f32 $1.000000000e+00, v2;
	_ =	sdelay $0x1  }
0x105: {  	v3 =	vshrl.u32 v2, $0x1;
	v2 =	vmul.f32 $5.000000000e-01, v2  }
0x106: {  	v3 =	vsub.s32 $0x5F3759DF, v3  }
0x107: {  	v4 =	vmul.f32 v3, v2;
	_ =	sdelay $0x1  }
0x108: {  	v4 =	vmul.f32 v3, v4;
	_ =	sdelay $0x1  }
0x109: {  	v4 =	vsub.f32 $1.500000000e+00, v4;
	_ =	sdelay $0x1  }
0x10a: {  	v3 =	vmul.f32 v3, v4;
	_ =	sdelay $0x1  }
0x10b: {  	v4 =	vmul.f32 v3, v2;
	_ =	sdelay $0x1  }
0x10c: {  	v4 =	vmul.f32 v4, v3;
	_ =	sdelay $0x1  }
0x10d: {  	v4 =	vsub.f32 $1.500000000e+00, v4;
	_ =	sdelay $0x1  }
0x10e: {  	v3 =	vmul.f32 v4, v3;
	_ =	sdelay $0x1  }
0x10f: {  	v2 =	vmul.f32 v3, v2;
	_ =	sdelay $0x1  }
0x110: {  	v2 =	vmul.f32 v2, v3;
	_ =	sdelay $0x1  }
0x111: {  	v2 =	vsub.f32 $1.500000000e+00, v2;
	_ =	sdelay $0x1  }
0x112: {  	v2 =	vmul.f32 v2, v3;
	_ =	sdelay $0x1  }
0x113: {  	v3 =	vmul.f32 $1.000000010e-01, v2;
	v2 =	vmul.f32 v2, v2  }
.Ltmp6:
0x114: {  	s26 =	sshra.s32 s21, $0x2;
	s21 =	smov.u32 s25;
	(pc) =	sbr.rel @p0 .LBB2_14-.Ltmp6, $3  }
0x115: {  	[tilespmem:s26+$0x1B800] =	vst v3;
	v2 =	vmul.f32 $8.999999760e-01, v2;
	_ =	sdelay $0x1  }
0x116: {  	s23 =	sadd.s32 $0x40, s23;
	[tilespmem:s26+$0x1E000] =	vst v2  }
0x117: {  	s25 =	sadd.s32 $0x40, s25;
	v2 =	vld [tilespmem:s23+$0x0]  }
0x118: {  	_ =	sdelay $0x3  }
0x119: {  	v2 =	vadd.f32 $1.000000000e+00, v2;
	_ =	sdelay $0x1  }
0x11a: {  	v3 =	vshrl.u32 v2, $0x1;
	v2 =	vmul.f32 $5.000000000e-01, v2  }
0x11b: {  	v3 =	vsub.s32 $0x5F3759DF, v3  }
0x11c: {  	v4 =	vmul.f32 v3, v2;
	_ =	sdelay $0x1  }
0x11d: {  	v4 =	vmul.f32 v3, v4;
	_ =	sdelay $0x1  }
0x11e: {  	v4 =	vsub.f32 $1.500000000e+00, v4;
	_ =	sdelay $0x1  }
0x11f: {  	v3 =	vmul.f32 v3, v4;
	_ =	sdelay $0x1  }
0x120: {  	v4 =	vmul.f32 v3, v2;
	_ =	sdelay $0x1  }
0x121: {  	v4 =	vmul.f32 v4, v3;
	_ =	sdelay $0x1  }
0x122: {  	v4 =	vsub.f32 $1.500000000e+00, v4;
	_ =	sdelay $0x1  }
0x123: {  	v3 =	vmul.f32 v4, v3;
	_ =	sdelay $0x1  }
0x124: {  	v2 =	vmul.f32 v3, v2;
	_ =	sdelay $0x1  }
0x125: {  	v2 =	vmul.f32 v2, v3;
	_ =	sdelay $0x1  }
0x126: {  	v2 =	vsub.f32 $1.500000000e+00, v2;
	_ =	sdelay $0x1  }
0x127: {  	v2 =	vmul.f32 v2, v3;
	_ =	sdelay $0x1  }
0x128: {  	v3 =	vmul.f32 v2, v2  }
0x129: {  	v2 =	vmul.f32 $1.000000010e-01, v2  }
0x12a: {  	s21 =	sshra.s32 s21, $0x2;
	v3 =	vmul.f32 $8.999999760e-01, v3  }
0x12b: {  	[tilespmem:s21+$0x1B800] =	vst v2  }
0x12c: {  	s23 =	simm.s32 $0x14000;
	[tilespmem:s21+$0x1E000] =	vst v3  }
0x12d: {  	[tilespmem:s23], [sflag:$0x3] =	stream.linear.gather [spmem:s12], $0x2000, $0x38;
	[tilespmem:$0x1F000] =	vst v63  }
0x12e: {  	_ =	swait.ge [sflag:s31], $0x2000  }
0x12f: {  	[sflag:s31] =	ssyncset.done $0x0  }
0x130: {  	[sflag:s31] =	ssyncadd.s32 $0xFFFFE000  }
0x131: {  	s25 =	simm.s32 $0x40;
	s21 =	simm.s32 $0x0;
	v2 =	vld [tilespmem:s23+$0x0]  }
.LBB2_16:
0x132: {  	p0 =	sne.s32 s25, $0x1FC0;
	_ =	sdelay $0x3  }
0x133: {  	v2 =	vadd.f32 $1.000000000e+00, v2;
	_ =	sdelay $0x1  }
0x134: {  	v3 =	vshrl.u32 v2, $0x1;
	v2 =	vmul.f32 $5.000000000e-01, v2  }
0x135: {  	v3 =	vsub.s32 $0x5F3759DF, v3  }
0x136: {  	v4 =	vmul.f32 v3, v2;
	_ =	sdelay $0x1  }
0x137: {  	v4 =	vmul.f32 v3, v4;
	_ =	sdelay $0x1  }
0x138: {  	v4 =	vsub.f32 $1.500000000e+00, v4;
	_ =	sdelay $0x1  }
0x139: {  	v3 =	vmul.f32 v3, v4;
	_ =	sdelay $0x1  }
0x13a: {  	v4 =	vmul.f32 v3, v2;
	_ =	sdelay $0x1  }
0x13b: {  	v4 =	vmul.f32 v4, v3;
	_ =	sdelay $0x1  }
0x13c: {  	v4 =	vsub.f32 $1.500000000e+00, v4;
	_ =	sdelay $0x1  }
0x13d: {  	v3 =	vmul.f32 v4, v3;
	_ =	sdelay $0x1  }
0x13e: {  	v2 =	vmul.f32 v3, v2;
	_ =	sdelay $0x1  }
0x13f: {  	v2 =	vmul.f32 v2, v3;
	_ =	sdelay $0x1  }
0x140: {  	v2 =	vsub.f32 $1.500000000e+00, v2;
	_ =	sdelay $0x1  }
0x141: {  	v2 =	vmul.f32 v2, v3;
	_ =	sdelay $0x1  }
0x142: {  	v3 =	vmul.f32 $1.000000010e-01, v2;
	v2 =	vmul.f32 v2, v2  }
.Ltmp7:
0x143: {  	s26 =	sshra.s32 s21, $0x2;
	s21 =	smov.u32 s25;
	(pc) =	sbr.rel @p0 .LBB2_16-.Ltmp7, $3  }
0x144: {  	[tilespmem:s26+$0x1C000] =	vst v3;
	v2 =	vmul.f32 $8.999999760e-01, v2;
	_ =	sdelay $0x1  }
0x145: {  	s23 =	sadd.s32 $0x40, s23;
	[tilespmem:s26+$0x1E800] =	vst v2  }
0x146: {  	s25 =	sadd.s32 $0x40, s25;
	v2 =	vld [tilespmem:s23+$0x0]  }
0x147: {  	_ =	sdelay $0x3  }
0x148: {  	v2 =	vadd.f32 $1.000000000e+00, v2;
	_ =	sdelay $0x1  }
0x149: {  	v3 =	vshrl.u32 v2, $0x1;
	v2 =	vmul.f32 $5.000000000e-01, v2  }
0x14a: {  	v3 =	vsub.s32 $0x5F3759DF, v3  }
0x14b: {  	v4 =	vmul.f32 v3, v2;
	_ =	sdelay $0x1  }
0x14c: {  	v4 =	vmul.f32 v3, v4;
	_ =	sdelay $0x1  }
0x14d: {  	v4 =	vsub.f32 $1.500000000e+00, v4;
	_ =	sdelay $0x1  }
0x14e: {  	v3 =	vmul.f32 v3, v4;
	_ =	sdelay $0x1  }
0x14f: {  	v4 =	vmul.f32 v3, v2;
	_ =	sdelay $0x1  }
0x150: {  	v4 =	vmul.f32 v4, v3;
	_ =	sdelay $0x1  }
0x151: {  	v4 =	vsub.f32 $1.500000000e+00, v4;
	_ =	sdelay $0x1  }
0x152: {  	v3 =	vmul.f32 v4, v3;
	_ =	sdelay $0x1  }
0x153: {  	v2 =	vmul.f32 v3, v2;
	_ =	sdelay $0x1  }
0x154: {  	v2 =	vmul.f32 v2, v3;
	_ =	sdelay $0x1  }
0x155: {  	v2 =	vsub.f32 $1.500000000e+00, v2;
	_ =	sdelay $0x1  }
0x156: {  	v2 =	vmul.f32 v2, v3;
	_ =	sdelay $0x1  }
0x157: {  	v3 =	vmul.f32 v2, v2  }
0x158: {  	v2 =	vmul.f32 $1.000000010e-01, v2  }
0x159: {  	s21 =	sshra.s32 s21, $0x2;
	v3 =	vmul.f32 $8.999999760e-01, v3  }
0x15a: {  	[tilespmem:s21+$0x1C000] =	vst v2  }
0x15b: {  	s29 =	simm.s32 $0x0;
	[tilespmem:s21+$0x1E800] =	vst v3  }
0x15c: {  	[tilespmem:s7], [sflag:$0x3] =	stream.linear.gather [hbm4b:s13+s29], $0x2000, $0x38;
	[tilespmem:$0x1F000] =	vst v63  }
0x15d: {  	_ =	swait.ge [sflag:s31], $0x2000  }
0x15e: {  	[sflag:s31] =	ssyncset.done $0x0  }
0x15f: {  	s21 =	simm.s32 $0x0;
	[sflag:s31] =	ssyncadd.s32 $0xFFFFE000  }
0x160: {  	s23 =	simm.s32 $0x1A000;
	v2 =	vld [tilespmem:s21+$0x18000]  }
0x161: {  	s25 =	simm.s32 $0x100;
	v3 =	vld [tilespmem:s23+$0x0]  }
.LBB2_18:
0x162: {  	p0 =	sne.s32 s25, $0x7F00;
	v4 =	vld [tilespmem:s21+$0x18010]  }
0x163: {  	v5 =	vld [tilespmem:s21+$0x18020]  }
0x164: {  	v6 =	vld [tilespmem:s21+$0x18030];
	_ =	sdelay $0x1  }
0x165: {  	v3 =	vmul.f32 $1.000000000e+01, v3;
	_ =	sdelay $0x1  }
0x166: {  	v2 =	vmul.f32 v3, v2;
	v4 =	vmul.f32 v4, v3  }
0x167: {  	v5 =	vmul.f32 v5, v3;
	v3 =	vmul.f32 v6, v3  }
.Ltmp8:
0x168: {  	[tilespmem:s21+$0x14000] =	vst v2;
	(pc) =	sbr.rel @p0 .LBB2_18-.Ltmp8, $4  }
0x169: {  	[tilespmem:s21+$0x14010] =	vst v4  }
0x16a: {  	s26 =	sshra.s32 s25, $0x2;
	[tilespmem:s21+$0x14020] =	vst v5  }
0x16b: {  	s23 =	sadd.s32 $0x10, s23;
	v2 =	vld [tilespmem:s26+$0x18000];
	[tilespmem:s21+$0x14030] =	vst v3;
	s21 =	smov.u32 s26  }
0x16c: {  	s25 =	sadd.s32 $0x100, s25;
	v3 =	vld [tilespmem:s23+$0x0]  }
0x16d: {  	_ =	sdelay $0x1  }
0x16e: {  	v4 =	vld [tilespmem:s21+$0x18010]  }
0x16f: {  	v5 =	vld [tilespmem:s21+$0x18020]  }
0x170: {  	v6 =	vld [tilespmem:s21+$0x18030];
	v3 =	vmul.f32 $1.000000000e+01, v3;
	_ =	sdelay $0x1  }
0x171: {  	v2 =	vmul.f32 v3, v2  }
0x172: {  	v4 =	vmul.f32 v4, v3  }
0x173: {  	v5 =	vmul.f32 v5, v3;
	[tilespmem:s21+$0x14000] =	vst v2  }
0x174: {  	v2 =	vmul.f32 v6, v3;
	[tilespmem:s21+$0x14010] =	vst v4  }
0x175: {  	[tilespmem:s21+$0x14020] =	vst v5  }
0x176: {  	s29 =	simm.s32 $0x0;
	[tilespmem:s21+$0x14030] =	vst v2  }
0x177: {  	[hbm4b:s18+s29] =	stream.linear.scatter [tilespmem:s0], [sflag:$0x3], $0x2000, $0x38;
	[tilespmem:$0x1F000] =	vst v63  }
0x178: {  	_ =	swait.ge [sflag:s31], $0x2000  }
0x179: {  	[sflag:s31] =	ssyncset.done $0x0  }
0x17a: {  	[sflag:s31] =	ssyncadd.s32 $0xFFFFE000  }
0x17b: {  	[spmem:s8] =	stream.linear.scatter [tilespmem:s0], [sflag:$0x3], $0x2000, $0x38;
	[tilespmem:$0x1F000] =	vst v63  }
0x17c: {  	_ =	swait.ge [sflag:s31], $0x2000  }
0x17d: {  	[sflag:s31] =	ssyncset.done $0x0  }
0x17e: {  	[sflag:s31] =	ssyncadd.s32 $0xFFFFE000  }
0x17f: {  	[tilespmem:s7], [sflag:$0x3] =	stream.linear.gather [hbm4b:s14+s29], $0x2000, $0x38;
	[tilespmem:$0x1F000] =	vst v63  }
0x180: {  	_ =	swait.ge [sflag:s31], $0x2000  }
0x181: {  	[sflag:s31] =	ssyncset.done $0x0  }
0x182: {  	s21 =	simm.s32 $0x0;
	[sflag:s31] =	ssyncadd.s32 $0xFFFFE000  }
0x183: {  	s23 =	simm.s32 $0x1A800;
	v2 =	vld [tilespmem:s21+$0x18000]  }
0x184: {  	s25 =	simm.s32 $0x100;
	v3 =	vld [tilespmem:s23+$0x0]  }
.LBB2_20:
0x185: {  	p0 =	sne.s32 s25, $0x7F00;
	v4 =	vld [tilespmem:s21+$0x18010]  }
0x186: {  	v5 =	vld [tilespmem:s21+$0x18020]  }
0x187: {  	v6 =	vld [tilespmem:s21+$0x18030];
	_ =	sdelay $0x1  }
0x188: {  	v3 =	vmul.f32 $1.000000000e+01, v3;
	_ =	sdelay $0x1  }
0x189: {  	v2 =	vmul.f32 v3, v2;
	v4 =	vmul.f32 v4, v3  }
0x18a: {  	v5 =	vmul.f32 v5, v3;
	v3 =	vmul.f32 v6, v3  }
.Ltmp9:
0x18b: {  	[tilespmem:s21+$0x14000] =	vst v2;
	(pc) =	sbr.rel @p0 .LBB2_20-.Ltmp9, $4  }
0x18c: {  	[tilespmem:s21+$0x14010] =	vst v4  }
0x18d: {  	s26 =	sshra.s32 s25, $0x2;
	[tilespmem:s21+$0x14020] =	vst v5  }
0x18e: {  	s23 =	sadd.s32 $0x10, s23;
	v2 =	vld [tilespmem:s26+$0x18000];
	[tilespmem:s21+$0x14030] =	vst v3;
	s21 =	smov.u32 s26  }
0x18f: {  	s25 =	sadd.s32 $0x100, s25;
	v3 =	vld [tilespmem:s23+$0x0]  }
0x190: {  	_ =	sdelay $0x1  }
0x191: {  	v4 =	vld [tilespmem:s21+$0x18010]  }
0x192: {  	v5 =	vld [tilespmem:s21+$0x18020]  }
0x193: {  	v6 =	vld [tilespmem:s21+$0x18030];
	v3 =	vmul.f32 $1.000000000e+01, v3;
	_ =	sdelay $0x1  }
0x194: {  	v2 =	vmul.f32 v3, v2  }
0x195: {  	v4 =	vmul.f32 v4, v3  }
0x196: {  	v5 =	vmul.f32 v5, v3;
	[tilespmem:s21+$0x14000] =	vst v2  }
0x197: {  	v2 =	vmul.f32 v6, v3;
	[tilespmem:s21+$0x14010] =	vst v4  }
0x198: {  	[tilespmem:s21+$0x14020] =	vst v5  }
0x199: {  	s29 =	simm.s32 $0x0;
	[tilespmem:s21+$0x14030] =	vst v2  }
0x19a: {  	[hbm4b:s20+s29] =	stream.linear.scatter [tilespmem:s0], [sflag:$0x3], $0x2000, $0x38;
	[tilespmem:$0x1F000] =	vst v63  }
0x19b: {  	_ =	swait.ge [sflag:s31], $0x2000  }
0x19c: {  	[sflag:s31] =	ssyncset.done $0x0  }
0x19d: {  	[sflag:s31] =	ssyncadd.s32 $0xFFFFE000  }
0x19e: {  	[spmem:s9] =	stream.linear.scatter [tilespmem:s0], [sflag:$0x3], $0x2000, $0x38;
	[tilespmem:$0x1F000] =	vst v63  }
0x19f: {  	_ =	swait.ge [sflag:s31], $0x2000  }
0x1a0: {  	[sflag:s31] =	ssyncset.done $0x0  }
0x1a1: {  	[sflag:s31] =	ssyncadd.s32 $0xFFFFE000  }
0x1a2: {  	[tilespmem:s7], [sflag:$0x3] =	stream.linear.gather [hbm4b:s15+s29], $0x2000, $0x38;
	[tilespmem:$0x1F000] =	vst v63  }
0x1a3: {  	_ =	swait.ge [sflag:s31], $0x2000  }
0x1a4: {  	[sflag:s31] =	ssyncset.done $0x0  }
0x1a5: {  	s21 =	simm.s32 $0x0;
	[sflag:s31] =	ssyncadd.s32 $0xFFFFE000  }
0x1a6: {  	s23 =	simm.s32 $0x1B000;
	v2 =	vld [tilespmem:s21+$0x18000]  }
0x1a7: {  	s25 =	simm.s32 $0x100;
	v3 =	vld [tilespmem:s23+$0x0]  }
.LBB2_22:
0x1a8: {  	p0 =	sne.s32 s25, $0x7F00;
	v4 =	vld [tilespmem:s21+$0x18010]  }
0x1a9: {  	v5 =	vld [tilespmem:s21+$0x18020]  }
0x1aa: {  	v6 =	vld [tilespmem:s21+$0x18030];
	_ =	sdelay $0x1  }
0x1ab: {  	v3 =	vmul.f32 $1.000000000e+01, v3;
	_ =	sdelay $0x1  }
0x1ac: {  	v2 =	vmul.f32 v3, v2;
	v4 =	vmul.f32 v4, v3  }
0x1ad: {  	v5 =	vmul.f32 v5, v3;
	v3 =	vmul.f32 v6, v3  }
.Ltmp10:
0x1ae: {  	[tilespmem:s21+$0x14000] =	vst v2;
	(pc) =	sbr.rel @p0 .LBB2_22-.Ltmp10, $4  }
0x1af: {  	[tilespmem:s21+$0x14010] =	vst v4  }
0x1b0: {  	s26 =	sshra.s32 s25, $0x2;
	[tilespmem:s21+$0x14020] =	vst v5  }
0x1b1: {  	s23 =	sadd.s32 $0x10, s23;
	v2 =	vld [tilespmem:s26+$0x18000];
	[tilespmem:s21+$0x14030] =	vst v3;
	s21 =	smov.u32 s26  }
0x1b2: {  	s25 =	sadd.s32 $0x100, s25;
	v3 =	vld [tilespmem:s23+$0x0]  }
0x1b3: {  	_ =	sdelay $0x1  }
0x1b4: {  	v4 =	vld [tilespmem:s21+$0x18010]  }
0x1b5: {  	v5 =	vld [tilespmem:s21+$0x18020]  }
0x1b6: {  	v6 =	vld [tilespmem:s21+$0x18030];
	v3 =	vmul.f32 $1.000000000e+01, v3;
	_ =	sdelay $0x1  }
0x1b7: {  	v2 =	vmul.f32 v3, v2  }
0x1b8: {  	v4 =	vmul.f32 v4, v3  }
0x1b9: {  	v5 =	vmul.f32 v5, v3;
	[tilespmem:s21+$0x14000] =	vst v2  }
0x1ba: {  	v2 =	vmul.f32 v6, v3;
	[tilespmem:s21+$0x14010] =	vst v4  }
0x1bb: {  	[tilespmem:s21+$0x14020] =	vst v5  }
0x1bc: {  	s29 =	simm.s32 $0x0;
	[tilespmem:s21+$0x14030] =	vst v2  }
0x1bd: {  	[hbm4b:s22+s29] =	stream.linear.scatter [tilespmem:s0], [sflag:$0x3], $0x2000, $0x38;
	[tilespmem:$0x1F000] =	vst v63  }
0x1be: {  	_ =	swait.ge [sflag:s31], $0x2000  }
0x1bf: {  	[sflag:s31] =	ssyncset.done $0x0  }
0x1c0: {  	[sflag:s31] =	ssyncadd.s32 $0xFFFFE000  }
0x1c1: {  	[spmem:s10] =	stream.linear.scatter [tilespmem:s0], [sflag:$0x3], $0x2000, $0x38;
	[tilespmem:$0x1F000] =	vst v63  }
0x1c2: {  	_ =	swait.ge [sflag:s31], $0x2000  }
0x1c3: {  	[sflag:s31] =	ssyncset.done $0x0  }
0x1c4: {  	[sflag:s31] =	ssyncadd.s32 $0xFFFFE000  }
0x1c5: {  	[tilespmem:s7], [sflag:$0x3] =	stream.linear.gather [hbm4b:s16+s29], $0x2000, $0x38;
	[tilespmem:$0x1F000] =	vst v63  }
0x1c6: {  	_ =	swait.ge [sflag:s31], $0x2000  }
0x1c7: {  	[sflag:s31] =	ssyncset.done $0x0  }
0x1c8: {  	s21 =	simm.s32 $0x0;
	[sflag:s31] =	ssyncadd.s32 $0xFFFFE000  }
0x1c9: {  	s23 =	simm.s32 $0x1B800;
	v2 =	vld [tilespmem:s21+$0x18000]  }
0x1ca: {  	s25 =	simm.s32 $0x100;
	v3 =	vld [tilespmem:s23+$0x0]  }
.LBB2_24:
0x1cb: {  	p0 =	sne.s32 s25, $0x7F00;
	v4 =	vld [tilespmem:s21+$0x18010]  }
0x1cc: {  	v5 =	vld [tilespmem:s21+$0x18020]  }
0x1cd: {  	v6 =	vld [tilespmem:s21+$0x18030];
	_ =	sdelay $0x1  }
0x1ce: {  	v3 =	vmul.f32 $1.000000000e+01, v3;
	_ =	sdelay $0x1  }
0x1cf: {  	v2 =	vmul.f32 v3, v2;
	v4 =	vmul.f32 v4, v3  }
0x1d0: {  	v5 =	vmul.f32 v5, v3;
	v3 =	vmul.f32 v6, v3  }
.Ltmp11:
0x1d1: {  	[tilespmem:s21+$0x14000] =	vst v2;
	(pc) =	sbr.rel @p0 .LBB2_24-.Ltmp11, $4  }
0x1d2: {  	[tilespmem:s21+$0x14010] =	vst v4  }
0x1d3: {  	s26 =	sshra.s32 s25, $0x2;
	[tilespmem:s21+$0x14020] =	vst v5  }
0x1d4: {  	s23 =	sadd.s32 $0x10, s23;
	v2 =	vld [tilespmem:s26+$0x18000];
	[tilespmem:s21+$0x14030] =	vst v3;
	s21 =	smov.u32 s26  }
0x1d5: {  	s25 =	sadd.s32 $0x100, s25;
	v3 =	vld [tilespmem:s23+$0x0]  }
0x1d6: {  	_ =	sdelay $0x1  }
0x1d7: {  	v4 =	vld [tilespmem:s21+$0x18010]  }
0x1d8: {  	v5 =	vld [tilespmem:s21+$0x18020]  }
0x1d9: {  	v6 =	vld [tilespmem:s21+$0x18030];
	v3 =	vmul.f32 $1.000000000e+01, v3;
	_ =	sdelay $0x1  }
0x1da: {  	v2 =	vmul.f32 v3, v2  }
0x1db: {  	v4 =	vmul.f32 v4, v3  }
0x1dc: {  	v5 =	vmul.f32 v5, v3;
	[tilespmem:s21+$0x14000] =	vst v2  }
0x1dd: {  	v2 =	vmul.f32 v6, v3;
	[tilespmem:s21+$0x14010] =	vst v4  }
0x1de: {  	[tilespmem:s21+$0x14020] =	vst v5  }
0x1df: {  	s29 =	simm.s32 $0x0;
	[tilespmem:s21+$0x14030] =	vst v2  }
0x1e0: {  	[hbm4b:s24+s29] =	stream.linear.scatter [tilespmem:s0], [sflag:$0x3], $0x2000, $0x38;
	[tilespmem:$0x1F000] =	vst v63  }
0x1e1: {  	_ =	swait.ge [sflag:s31], $0x2000  }
0x1e2: {  	[sflag:s31] =	ssyncset.done $0x0  }
0x1e3: {  	[sflag:s31] =	ssyncadd.s32 $0xFFFFE000  }
0x1e4: {  	[spmem:s11] =	stream.linear.scatter [tilespmem:s0], [sflag:$0x3], $0x2000, $0x38;
	[tilespmem:$0x1F000] =	vst v63  }
0x1e5: {  	_ =	swait.ge [sflag:s31], $0x2000  }
0x1e6: {  	[sflag:s31] =	ssyncset.done $0x0  }
0x1e7: {  	[sflag:s31] =	ssyncadd.s32 $0xFFFFE000  }
0x1e8: {  	[tilespmem:s7], [sflag:$0x3] =	stream.linear.gather [hbm4b:s17+s29], $0x2000, $0x38;
	[tilespmem:$0x1F000] =	vst v63  }
0x1e9: {  	_ =	swait.ge [sflag:s31], $0x2000  }
0x1ea: {  	[sflag:s31] =	ssyncset.done $0x0  }
0x1eb: {  	s21 =	simm.s32 $0x0;
	[sflag:s31] =	ssyncadd.s32 $0xFFFFE000  }
0x1ec: {  	s23 =	simm.s32 $0x1C000;
	v2 =	vld [tilespmem:s21+$0x18000]  }
0x1ed: {  	s25 =	simm.s32 $0x100;
	v3 =	vld [tilespmem:s23+$0x0]  }
.LBB2_26:
0x1ee: {  	p0 =	sne.s32 s25, $0x7F00;
	v4 =	vld [tilespmem:s21+$0x18010]  }
0x1ef: {  	v5 =	vld [tilespmem:s21+$0x18020]  }
0x1f0: {  	v6 =	vld [tilespmem:s21+$0x18030];
	_ =	sdelay $0x1  }
0x1f1: {  	v3 =	vmul.f32 $1.000000000e+01, v3;
	_ =	sdelay $0x1  }
0x1f2: {  	v2 =	vmul.f32 v3, v2;
	v4 =	vmul.f32 v4, v3  }
0x1f3: {  	v5 =	vmul.f32 v5, v3;
	v3 =	vmul.f32 v6, v3  }
.Ltmp12:
0x1f4: {  	[tilespmem:s21+$0x14000] =	vst v2;
	(pc) =	sbr.rel @p0 .LBB2_26-.Ltmp12, $4  }
0x1f5: {  	[tilespmem:s21+$0x14010] =	vst v4  }
0x1f6: {  	s26 =	sshra.s32 s25, $0x2;
	[tilespmem:s21+$0x14020] =	vst v5  }
0x1f7: {  	s23 =	sadd.s32 $0x10, s23;
	v2 =	vld [tilespmem:s26+$0x18000];
	[tilespmem:s21+$0x14030] =	vst v3;
	s21 =	smov.u32 s26  }
0x1f8: {  	s25 =	sadd.s32 $0x100, s25;
	v3 =	vld [tilespmem:s23+$0x0]  }
0x1f9: {  	_ =	sdelay $0x1  }
0x1fa: {  	v4 =	vld [tilespmem:s21+$0x18010]  }
0x1fb: {  	v5 =	vld [tilespmem:s21+$0x18020]  }
0x1fc: {  	v6 =	vld [tilespmem:s21+$0x18030];
	v3 =	vmul.f32 $1.000000000e+01, v3;
	_ =	sdelay $0x1  }
0x1fd: {  	v2 =	vmul.f32 v3, v2  }
0x1fe: {  	v4 =	vmul.f32 v4, v3  }
0x1ff: {  	v5 =	vmul.f32 v5, v3;
	[tilespmem:s21+$0x14000] =	vst v2  }
0x200: {  	v2 =	vmul.f32 v6, v3;
	[tilespmem:s21+$0x14010] =	vst v4  }
0x201: {  	[tilespmem:s21+$0x14020] =	vst v5  }
0x202: {  	[tilespmem:s21+$0x14030] =	vst v2;
	s21 =	simm.s32 $0x0  }
0x203: {  	[hbm4b:s28+s21] =	stream.linear.scatter [tilespmem:s0], [sflag:$0x3], $0x2000, $0x38;
	[tilespmem:$0x1F000] =	vst v63  }
0x204: {  	_ =	swait.ge [sflag:s31], $0x2000  }
0x205: {  	[sflag:s31] =	ssyncset.done $0x0  }
0x206: {  	[sflag:s31] =	ssyncadd.s32 $0xFFFFE000  }
0x207: {  	[spmem:s12] =	stream.linear.scatter [tilespmem:s0], [sflag:$0x3], $0x2000, $0x38;
	[tilespmem:$0x1F000] =	vst v63  }
0x208: {  	_ =	swait.ge [sflag:s31], $0x2000  }
0x209: {  	[sflag:s31] =	ssyncset.done $0x0  }
0x20a: {  	[sflag:s31] =	ssyncadd.s32 $0xFFFFE000  }
0x20b: {  	[bflag:$0x0] =	sbarrier.arrive $0xFFFF  }
.LBB2_28:
0x20c: {  	s23 =	simm.s32 $0xA000  }
0x20d: {  	[tilespmem:s0], [sflag:$0x1] =	stream.indirect.gather [hbm4b:s5+s30], $0x40, s23, s30, $0xb8;
	[tilespmem:$0x1F000] =	vst v63  }
0x20e: {  	s25 =	simm.s32 $0xA080  }
0x20f: {  	[tilespmem:s1], [sflag:$0x2] =	stream.indirect.gather [hbm4b:s5+s30], $0x40, s25, s30, $0xb8;
	[tilespmem:$0x1F000] =	vst v63  }
0x210: {  	_ =	swait.ge [sflag:s4], $0x2000  }
0x211: {  	[sflag:s4] =	ssyncset.done $0x0  }
0x212: {  	s26 =	simm.s32 $0xF000;
	[sflag:s4] =	ssyncadd.s32 $0xFFFFE000;
	(ifvalue) =	ssetifvalue $0xFFFFFFFF  }
0x213: {  	[spmem:s2] =	stream.indirect.scatter.add.f32 [tilespmem:s0], [sflag:$0x1], $0x40, s26, s30, $0x40b8;
	[tilespmem:$0x1F000] =	vst v63  }
0x214: {  	_ =	swait.ge [sflag:s6], $0x2000  }
0x215: {  	[sflag:s6] =	ssyncset.done $0x0  }
0x216: {  	s29 =	simm.s32 $0xF080;
	[sflag:s6] =	ssyncadd.s32 $0xFFFFE000;
	(ifvalue) =	ssetifvalue $0xFFFFFFFF  }
0x217: {  	[spmem:s2] =	stream.indirect.scatter.add.f32 [tilespmem:s1], [sflag:$0x2], $0x40, s29, s30, $0x40b8;
	[tilespmem:$0x1F000] =	vst v63  }
0x218: {  	_ =	swait.ge [sflag:s4], $0x2000  }
0x219: {  	[sflag:s4] =	ssyncset.done $0x0  }
0x21a: {  	[sflag:s4] =	ssyncadd.s32 $0xFFFFE000  }
0x21b: {  	_ =	swait.ge [sflag:s6], $0x2000  }
0x21c: {  	s23 =	simm.s32 $0x100;
	s25 =	simm.s32 $0x800;
	[sflag:s6] =	ssyncset.done $0x0  }
.LBB2_29:
0x21d: {  	s26 =	sadd.s32 $0xA000, s23  }
0x21e: {  	[sflag:s6] =	ssyncadd.s32 $0xFFFFE000;
	s29 =	smov.u32 s25;
	s19 =	sadd.s32 $0x400, s25  }
0x21f: {  	[tilespmem:s0], [sflag:$0x1] =	stream.indirect.gather [hbm4b:s5+s30], $0x40, s26, s30, $0xb8;
	[tilespmem:$0x1F000] =	vst v63  }
0x220: {  	p0 =	sne.s32 s25, $0x13C00;
	s25 =	sadd.s32 $0xA080, s23  }
0x221: {  	[tilespmem:s1], [sflag:$0x2] =	stream.indirect.gather [hbm4b:s5+s30], $0x40, s25, s30, $0xb8;
	[tilespmem:$0x1F000] =	vst v63  }
0x222: {  	_ =	swait.ge [sflag:s4], $0x2000  }
0x223: {  	[sflag:s4] =	ssyncset.done $0x0  }
0x224: {  	[sflag:s4] =	ssyncadd.s32 $0xFFFFE000  }
0x225: {  	s25 =	sadd.s32 $0xF000, s23;
	(ifvalue) =	ssetifvalue $0xFFFFFFFF  }
0x226: {  	[spmem:s2] =	stream.indirect.scatter.add.f32 [tilespmem:s0], [sflag:$0x1], $0x40, s25, s30, $0x40b8;
	[tilespmem:$0x1F000] =	vst v63  }
0x227: {  	_ =	swait.ge [sflag:s6], $0x2000  }
0x228: {  	[sflag:s6] =	ssyncset.done $0x0  }
0x229: {  	[sflag:s6] =	ssyncadd.s32 $0xFFFFE000  }
0x22a: {  	s23 =	sadd.s32 $0xF080, s23;
	(ifvalue) =	ssetifvalue $0xFFFFFFFF  }
0x22b: {  	[spmem:s2] =	stream.indirect.scatter.add.f32 [tilespmem:s1], [sflag:$0x2], $0x40, s23, s30, $0x40b8;
	[tilespmem:$0x1F000] =	vst v63  }
.Ltmp13:
0x22c: {  	_ =	swait.ge [sflag:s4], $0x2000;
	(pc) =	sbr.rel @p0 .LBB2_29-.Ltmp13, $4  }
0x22d: {  	[sflag:s4] =	ssyncset.done $0x0  }
0x22e: {  	[sflag:s4] =	ssyncadd.s32 $0xFFFFE000  }
0x22f: {  	_ =	swait.ge [sflag:s6], $0x2000  }
0x230: {  	s25 =	smov.u32 s19;
	s23 =	sshra.s32 s29, $0x2;
	[sflag:s6] =	ssyncset.done $0x0  }
0x231: {  	s19 =	sadd.s32 $0xA000, s23;
	[sflag:s6] =	ssyncadd.s32 $0xFFFFE000  }
0x232: {  	[tilespmem:s0], [sflag:$0x1] =	stream.indirect.gather [hbm4b:s5+s30], $0x40, s19, s30, $0xb8;
	[tilespmem:$0x1F000] =	vst v63  }
0x233: {  	s25 =	sadd.s32 $0xA080, s23  }
0x234: {  	[tilespmem:s1], [sflag:$0x2] =	stream.indirect.gather [hbm4b:s5+s30], $0x40, s25, s30, $0xb8;
	[tilespmem:$0x1F000] =	vst v63  }
0x235: {  	_ =	swait.ge [sflag:s4], $0x2000  }
0x236: {  	[sflag:s4] =	ssyncset.done $0x0  }
0x237: {  	s26 =	sadd.s32 $0xF000, s23;
	[sflag:s4] =	ssyncadd.s32 $0xFFFFE000;
	(ifvalue) =	ssetifvalue $0xFFFFFFFF  }
0x238: {  	[spmem:s2] =	stream.indirect.scatter.add.f32 [tilespmem:s0], [sflag:$0x1], $0x40, s26, s30, $0x40b8;
	[tilespmem:$0x1F000] =	vst v63  }
0x239: {  	_ =	swait.ge [sflag:s6], $0x2000  }
0x23a: {  	[sflag:s6] =	ssyncset.done $0x0  }
0x23b: {  	s23 =	sadd.s32 $0xF080, s23;
	[sflag:s6] =	ssyncadd.s32 $0xFFFFE000;
	(ifvalue) =	ssetifvalue $0xFFFFFFFF  }
0x23c: {  	[spmem:s2] =	stream.indirect.scatter.add.f32 [tilespmem:s1], [sflag:$0x2], $0x40, s23, s30, $0x40b8;
	[tilespmem:$0x1F000] =	vst v63  }
0x23d: {  	_ =	swait.ge [sflag:s4], $0x2000  }
0x23e: {  	[sflag:s4] =	ssyncset.done $0x0  }
0x23f: {  	[sflag:s4] =	ssyncadd.s32 $0xFFFFE000  }
0x240: {  	_ =	swait.ge [sflag:s6], $0x2000  }
0x241: {  	[sflag:s6] =	ssyncset.done $0x0  }
0x242: {  	[sflag:s6] =	ssyncadd.s32 $0xFFFFE000  }
0x243: {  	[bflag:$0x0] =	sbarrier.arrive $0xFFFF  }
0x244: {  	[tilespmem:s0], [sflag:$0x3] =	stream.linear.gather [spmem:s8], $0x2000, $0x38;
	[tilespmem:$0x1F000] =	vst v63  }
0x245: {  	_ =	swait.ge [sflag:s31], $0x2000  }
0x246: {  	[sflag:s31] =	ssyncset.done $0x0  }
0x247: {  	s25 =	simm.s32 $0x0;
	[sflag:s31] =	ssyncadd.s32 $0xFFFFE000  }
0x248: {  	[tilespmem:s7], [sflag:$0x3] =	stream.linear.gather [hbm4b:s13+s25], $0x2000, $0x38;
	[tilespmem:$0x1F000] =	vst v63  }
0x249: {  	_ =	swait.ge [sflag:s31], $0x2000  }
0x24a: {  	[sflag:s31] =	ssyncset.done $0x0  }
0x24b: {  	s23 =	simm.s32 $0x14020;
	[sflag:s31] =	ssyncadd.s32 $0xFFFFE000  }
0x24c: {  	s25 =	simm.s32 $0x18020;
	v2 =	vld [tilespmem:s23+$0xFFFFFFE0]  }
0x24d: {  	s26 =	simm.s32 $0x0;
	v3 =	vld [tilespmem:s25+$0xFFFFFFE0]  }
0x24e: {  	v4 =	vld [tilespmem:s26+$0x1C800]  }
0x24f: {  	v5 =	vld [tilespmem:s26+$0x1A000];
	_ =	sdelay $0x4  }
0x250: {  	v2 =	vmul.f32 v2, v4;
	v3 =	vmul.f32 v3, v5;
	_ =	sdelay $0x1  }
0x251: {  	v2 =	vadd.f32 v3, v2;
	_ =	sdelay $0x1  }
0x252: {  	[tilespmem:s23+$0xFFFFFFE0] =	vst v2;
	v2 =	vld [tilespmem:s23+$0xFFFFFFF0]  }
0x253: {  	v3 =	vld [tilespmem:s25+$0xFFFFFFF0];
	_ =	sdelay $0x4  }
0x254: {  	v2 =	vmul.f32 v2, v4;
	v3 =	vmul.f32 v3, v5;
	_ =	sdelay $0x1  }
0x255: {  	v2 =	vadd.f32 v3, v2;
	_ =	sdelay $0x1  }
0x256: {  	[tilespmem:s23+$0xFFFFFFF0] =	vst v2;
	v2 =	vld [tilespmem:s23+$0x0]  }
0x257: {  	v3 =	vld [tilespmem:s25+$0x0];
	_ =	sdelay $0x4  }
0x258: {  	v2 =	vmul.f32 v2, v4;
	v3 =	vmul.f32 v3, v5;
	_ =	sdelay $0x1  }
0x259: {  	v2 =	vadd.f32 v3, v2;
	_ =	sdelay $0x1  }
0x25a: {  	[tilespmem:s23+$0x0] =	vst v2;
	v2 =	vld [tilespmem:s23+$0x10]  }
0x25b: {  	v3 =	vld [tilespmem:s25+$0x10];
	_ =	sdelay $0x4  }
0x25c: {  	v2 =	vmul.f32 v2, v4;
	v3 =	vmul.f32 v3, v5;
	_ =	sdelay $0x1  }
0x25d: {  	s29 =	simm.s32 $0x14020;
	s26 =	simm.s32 $0x40;
	v2 =	vadd.f32 v3, v2  }
.LBB2_31:
0x25e: {  	p0 =	sne.s32 s26, $0x1FC0;
	s23 =	sadd.s32 $0x40, s23;
	s25 =	sadd.s32 $0x40, s25  }
0x25f: {  	s19 =	smov.u32 s26;
	s26 =	sadd.s32 $0x40, s26;
	v3 =	vld [tilespmem:s23+$0xFFFFFFE0];
	[tilespmem:s29+$0x10] =	vst v2;
	s29 =	smov.u32 s23  }
0x260: {  	s19 =	sshra.s32 s19, $0x2;
	v2 =	vld [tilespmem:s25+$0xFFFFFFE0]  }
0x261: {  	v4 =	vld [tilespmem:s19+$0x1C800]  }
0x262: {  	v5 =	vld [tilespmem:s19+$0x1A000];
	_ =	sdelay $0x3  }
0x263: {  	v3 =	vmul.f32 v3, v4  }
0x264: {  	v2 =	vmul.f32 v2, v5;
	_ =	sdelay $0x1  }
0x265: {  	v2 =	vadd.f32 v2, v3;
	_ =	sdelay $0x1  }
0x266: {  	[tilespmem:s23+$0xFFFFFFE0] =	vst v2;
	v2 =	vld [tilespmem:s23+$0xFFFFFFF0]  }
0x267: {  	v3 =	vld [tilespmem:s25+$0xFFFFFFF0];
	_ =	sdelay $0x3  }
0x268: {  	v2 =	vmul.f32 v2, v4  }
0x269: {  	v3 =	vmul.f32 v3, v5;
	_ =	sdelay $0x1  }
0x26a: {  	v2 =	vadd.f32 v3, v2;
	_ =	sdelay $0x1  }
0x26b: {  	[tilespmem:s23+$0xFFFFFFF0] =	vst v2;
	v2 =	vld [tilespmem:s23+$0x0]  }
0x26c: {  	v3 =	vld [tilespmem:s25+$0x0];
	_ =	sdelay $0x3  }
0x26d: {  	v2 =	vmul.f32 v2, v4  }
0x26e: {  	v3 =	vmul.f32 v3, v5;
	_ =	sdelay $0x1  }
0x26f: {  	v2 =	vadd.f32 v3, v2;
	_ =	sdelay $0x1  }
0x270: {  	[tilespmem:s23+$0x0] =	vst v2;
	v2 =	vld [tilespmem:s23+$0x10]  }
0x271: {  	v3 =	vld [tilespmem:s25+$0x10];
	_ =	sdelay $0x2  }
.Ltmp14:
0x272: {  	(pc) =	sbr.rel @p0 .LBB2_31-.Ltmp14, $3  }
0x273: {  	v2 =	vmul.f32 v2, v4  }
0x274: {  	v3 =	vmul.f32 v3, v5;
	_ =	sdelay $0x1  }
0x275: {  	v2 =	vadd.f32 v3, v2  }
0x276: {  	_ = 	snop  }
0x277: {  	s19 =	simm.s32 $0x0;
	[tilespmem:s29+$0x10] =	vst v2  }
0x278: {  	[hbm4b:s18+s19] =	stream.linear.scatter [tilespmem:s0], [sflag:$0x3], $0x2000, $0x38;
	[tilespmem:$0x1F000] =	vst v63  }
0x279: {  	_ =	swait.ge [sflag:s31], $0x2000  }
0x27a: {  	[sflag:s31] =	ssyncset.done $0x0  }
0x27b: {  	[sflag:s31] =	ssyncadd.s32 $0xFFFFE000  }
0x27c: {  	[spmem:s8] =	stream.linear.scatter [tilespmem:s0], [sflag:$0x3], $0x2000, $0x38;
	[tilespmem:$0x1F000] =	vst v63  }
0x27d: {  	_ =	swait.ge [sflag:s31], $0x2000  }
0x27e: {  	[sflag:s31] =	ssyncset.done $0x0  }
0x27f: {  	[sflag:s31] =	ssyncadd.s32 $0xFFFFE000  }
0x280: {  	[tilespmem:s0], [sflag:$0x3] =	stream.linear.gather [spmem:s9], $0x2000, $0x38;
	[tilespmem:$0x1F000] =	vst v63  }
0x281: {  	_ =	swait.ge [sflag:s31], $0x2000  }
0x282: {  	[sflag:s31] =	ssyncset.done $0x0  }
0x283: {  	[sflag:s31] =	ssyncadd.s32 $0xFFFFE000  }
0x284: {  	[tilespmem:s7], [sflag:$0x3] =	stream.linear.gather [hbm4b:s14+s19], $0x2000, $0x38;
	[tilespmem:$0x1F000] =	vst v63  }
0x285: {  	_ =	swait.ge [sflag:s31], $0x2000  }
0x286: {  	[sflag:s31] =	ssyncset.done $0x0  }
0x287: {  	s23 =	simm.s32 $0x14020;
	[sflag:s31] =	ssyncadd.s32 $0xFFFFE000  }
0x288: {  	s25 =	simm.s32 $0x18020;
	v2 =	vld [tilespmem:s23+$0xFFFFFFE0]  }
0x289: {  	s26 =	simm.s32 $0x0;
	v3 =	vld [tilespmem:s25+$0xFFFFFFE0]  }
0x28a: {  	v4 =	vld [tilespmem:s26+$0x1D000]  }
0x28b: {  	v5 =	vld [tilespmem:s26+$0x1A800];
	_ =	sdelay $0x4  }
0x28c: {  	v2 =	vmul.f32 v2, v4;
	v3 =	vmul.f32 v3, v5;
	_ =	sdelay $0x1  }
0x28d: {  	v2 =	vadd.f32 v3, v2;
	_ =	sdelay $0x1  }
0x28e: {  	[tilespmem:s23+$0xFFFFFFE0] =	vst v2;
	v2 =	vld [tilespmem:s23+$0xFFFFFFF0]  }
0x28f: {  	v3 =	vld [tilespmem:s25+$0xFFFFFFF0];
	_ =	sdelay $0x4  }
0x290: {  	v2 =	vmul.f32 v2, v4;
	v3 =	vmul.f32 v3, v5;
	_ =	sdelay $0x1  }
0x291: {  	v2 =	vadd.f32 v3, v2;
	_ =	sdelay $0x1  }
0x292: {  	[tilespmem:s23+$0xFFFFFFF0] =	vst v2;
	v2 =	vld [tilespmem:s23+$0x0]  }
0x293: {  	v3 =	vld [tilespmem:s25+$0x0];
	_ =	sdelay $0x4  }
0x294: {  	v2 =	vmul.f32 v2, v4;
	v3 =	vmul.f32 v3, v5;
	_ =	sdelay $0x1  }
0x295: {  	v2 =	vadd.f32 v3, v2;
	_ =	sdelay $0x1  }
0x296: {  	[tilespmem:s23+$0x0] =	vst v2;
	v2 =	vld [tilespmem:s23+$0x10]  }
0x297: {  	v3 =	vld [tilespmem:s25+$0x10];
	_ =	sdelay $0x4  }
0x298: {  	v2 =	vmul.f32 v2, v4;
	v3 =	vmul.f32 v3, v5;
	_ =	sdelay $0x1  }
0x299: {  	s29 =	simm.s32 $0x14020;
	s26 =	simm.s32 $0x40;
	v2 =	vadd.f32 v3, v2  }
.LBB2_33:
0x29a: {  	p0 =	sne.s32 s26, $0x1FC0;
	s23 =	sadd.s32 $0x40, s23;
	s25 =	sadd.s32 $0x40, s25  }
0x29b: {  	s19 =	smov.u32 s26;
	s26 =	sadd.s32 $0x40, s26;
	v3 =	vld [tilespmem:s23+$0xFFFFFFE0];
	[tilespmem:s29+$0x10] =	vst v2;
	s29 =	smov.u32 s23  }
0x29c: {  	s19 =	sshra.s32 s19, $0x2;
	v2 =	vld [tilespmem:s25+$0xFFFFFFE0]  }
0x29d: {  	v4 =	vld [tilespmem:s19+$0x1D000]  }
0x29e: {  	v5 =	vld [tilespmem:s19+$0x1A800];
	_ =	sdelay $0x3  }
0x29f: {  	v3 =	vmul.f32 v3, v4  }
0x2a0: {  	v2 =	vmul.f32 v2, v5;
	_ =	sdelay $0x1  }
0x2a1: {  	v2 =	vadd.f32 v2, v3;
	_ =	sdelay $0x1  }
0x2a2: {  	[tilespmem:s23+$0xFFFFFFE0] =	vst v2;
	v2 =	vld [tilespmem:s23+$0xFFFFFFF0]  }
0x2a3: {  	v3 =	vld [tilespmem:s25+$0xFFFFFFF0];
	_ =	sdelay $0x3  }
0x2a4: {  	v2 =	vmul.f32 v2, v4  }
0x2a5: {  	v3 =	vmul.f32 v3, v5;
	_ =	sdelay $0x1  }
0x2a6: {  	v2 =	vadd.f32 v3, v2;
	_ =	sdelay $0x1  }
0x2a7: {  	[tilespmem:s23+$0xFFFFFFF0] =	vst v2;
	v2 =	vld [tilespmem:s23+$0x0]  }
0x2a8: {  	v3 =	vld [tilespmem:s25+$0x0];
	_ =	sdelay $0x3  }
0x2a9: {  	v2 =	vmul.f32 v2, v4  }
0x2aa: {  	v3 =	vmul.f32 v3, v5;
	_ =	sdelay $0x1  }
0x2ab: {  	v2 =	vadd.f32 v3, v2;
	_ =	sdelay $0x1  }
0x2ac: {  	[tilespmem:s23+$0x0] =	vst v2;
	v2 =	vld [tilespmem:s23+$0x10]  }
0x2ad: {  	v3 =	vld [tilespmem:s25+$0x10];
	_ =	sdelay $0x2  }
.Ltmp15:
0x2ae: {  	(pc) =	sbr.rel @p0 .LBB2_33-.Ltmp15, $3  }
0x2af: {  	v2 =	vmul.f32 v2, v4  }
0x2b0: {  	v3 =	vmul.f32 v3, v5;
	_ =	sdelay $0x1  }
0x2b1: {  	v2 =	vadd.f32 v3, v2  }
0x2b2: {  	_ = 	snop  }
0x2b3: {  	s19 =	simm.s32 $0x0;
	[tilespmem:s29+$0x10] =	vst v2  }
0x2b4: {  	[hbm4b:s20+s19] =	stream.linear.scatter [tilespmem:s0], [sflag:$0x3], $0x2000, $0x38;
	[tilespmem:$0x1F000] =	vst v63  }
0x2b5: {  	_ =	swait.ge [sflag:s31], $0x2000  }
0x2b6: {  	[sflag:s31] =	ssyncset.done $0x0  }
0x2b7: {  	[sflag:s31] =	ssyncadd.s32 $0xFFFFE000  }
0x2b8: {  	[spmem:s9] =	stream.linear.scatter [tilespmem:s0], [sflag:$0x3], $0x2000, $0x38;
	[tilespmem:$0x1F000] =	vst v63  }
0x2b9: {  	_ =	swait.ge [sflag:s31], $0x2000  }
0x2ba: {  	[sflag:s31] =	ssyncset.done $0x0  }
0x2bb: {  	[sflag:s31] =	ssyncadd.s32 $0xFFFFE000  }
0x2bc: {  	[tilespmem:s0], [sflag:$0x3] =	stream.linear.gather [spmem:s10], $0x2000, $0x38;
	[tilespmem:$0x1F000] =	vst v63  }
0x2bd: {  	_ =	swait.ge [sflag:s31], $0x2000  }
0x2be: {  	[sflag:s31] =	ssyncset.done $0x0  }
0x2bf: {  	[sflag:s31] =	ssyncadd.s32 $0xFFFFE000  }
0x2c0: {  	[tilespmem:s7], [sflag:$0x3] =	stream.linear.gather [hbm4b:s15+s19], $0x2000, $0x38;
	[tilespmem:$0x1F000] =	vst v63  }
0x2c1: {  	_ =	swait.ge [sflag:s31], $0x2000  }
0x2c2: {  	[sflag:s31] =	ssyncset.done $0x0  }
0x2c3: {  	s23 =	simm.s32 $0x14020;
	[sflag:s31] =	ssyncadd.s32 $0xFFFFE000  }
0x2c4: {  	s25 =	simm.s32 $0x18020;
	v2 =	vld [tilespmem:s23+$0xFFFFFFE0]  }
0x2c5: {  	s26 =	simm.s32 $0x0;
	v3 =	vld [tilespmem:s25+$0xFFFFFFE0]  }
0x2c6: {  	v4 =	vld [tilespmem:s26+$0x1D800]  }
0x2c7: {  	v5 =	vld [tilespmem:s26+$0x1B000];
	_ =	sdelay $0x4  }
0x2c8: {  	v2 =	vmul.f32 v2, v4;
	v3 =	vmul.f32 v3, v5;
	_ =	sdelay $0x1  }
0x2c9: {  	v2 =	vadd.f32 v3, v2;
	_ =	sdelay $0x1  }
0x2ca: {  	[tilespmem:s23+$0xFFFFFFE0] =	vst v2;
	v2 =	vld [tilespmem:s23+$0xFFFFFFF0]  }
0x2cb: {  	v3 =	vld [tilespmem:s25+$0xFFFFFFF0];
	_ =	sdelay $0x4  }
0x2cc: {  	v2 =	vmul.f32 v2, v4;
	v3 =	vmul.f32 v3, v5;
	_ =	sdelay $0x1  }
0x2cd: {  	v2 =	vadd.f32 v3, v2;
	_ =	sdelay $0x1  }
0x2ce: {  	[tilespmem:s23+$0xFFFFFFF0] =	vst v2;
	v2 =	vld [tilespmem:s23+$0x0]  }
0x2cf: {  	v3 =	vld [tilespmem:s25+$0x0];
	_ =	sdelay $0x4  }
0x2d0: {  	v2 =	vmul.f32 v2, v4;
	v3 =	vmul.f32 v3, v5;
	_ =	sdelay $0x1  }
0x2d1: {  	v2 =	vadd.f32 v3, v2;
	_ =	sdelay $0x1  }
0x2d2: {  	[tilespmem:s23+$0x0] =	vst v2;
	v2 =	vld [tilespmem:s23+$0x10]  }
0x2d3: {  	v3 =	vld [tilespmem:s25+$0x10];
	_ =	sdelay $0x4  }
0x2d4: {  	v2 =	vmul.f32 v2, v4;
	v3 =	vmul.f32 v3, v5;
	_ =	sdelay $0x1  }
0x2d5: {  	s29 =	simm.s32 $0x14020;
	s26 =	simm.s32 $0x40;
	v2 =	vadd.f32 v3, v2  }
.LBB2_35:
0x2d6: {  	p0 =	sne.s32 s26, $0x1FC0;
	s23 =	sadd.s32 $0x40, s23;
	s25 =	sadd.s32 $0x40, s25  }
0x2d7: {  	s19 =	smov.u32 s26;
	s26 =	sadd.s32 $0x40, s26;
	v3 =	vld [tilespmem:s23+$0xFFFFFFE0];
	[tilespmem:s29+$0x10] =	vst v2;
	s29 =	smov.u32 s23  }
0x2d8: {  	s19 =	sshra.s32 s19, $0x2;
	v2 =	vld [tilespmem:s25+$0xFFFFFFE0]  }
0x2d9: {  	v4 =	vld [tilespmem:s19+$0x1D800]  }
0x2da: {  	v5 =	vld [tilespmem:s19+$0x1B000];
	_ =	sdelay $0x3  }
0x2db: {  	v3 =	vmul.f32 v3, v4  }
0x2dc: {  	v2 =	vmul.f32 v2, v5;
	_ =	sdelay $0x1  }
0x2dd: {  	v2 =	vadd.f32 v2, v3;
	_ =	sdelay $0x1  }
0x2de: {  	[tilespmem:s23+$0xFFFFFFE0] =	vst v2;
	v2 =	vld [tilespmem:s23+$0xFFFFFFF0]  }
0x2df: {  	v3 =	vld [tilespmem:s25+$0xFFFFFFF0];
	_ =	sdelay $0x3  }
0x2e0: {  	v2 =	vmul.f32 v2, v4  }
0x2e1: {  	v3 =	vmul.f32 v3, v5;
	_ =	sdelay $0x1  }
0x2e2: {  	v2 =	vadd.f32 v3, v2;
	_ =	sdelay $0x1  }
0x2e3: {  	[tilespmem:s23+$0xFFFFFFF0] =	vst v2;
	v2 =	vld [tilespmem:s23+$0x0]  }
0x2e4: {  	v3 =	vld [tilespmem:s25+$0x0];
	_ =	sdelay $0x3  }
0x2e5: {  	v2 =	vmul.f32 v2, v4  }
0x2e6: {  	v3 =	vmul.f32 v3, v5;
	_ =	sdelay $0x1  }
0x2e7: {  	v2 =	vadd.f32 v3, v2;
	_ =	sdelay $0x1  }
0x2e8: {  	[tilespmem:s23+$0x0] =	vst v2;
	v2 =	vld [tilespmem:s23+$0x10]  }
0x2e9: {  	v3 =	vld [tilespmem:s25+$0x10];
	_ =	sdelay $0x2  }
.Ltmp16:
0x2ea: {  	(pc) =	sbr.rel @p0 .LBB2_35-.Ltmp16, $3  }
0x2eb: {  	v2 =	vmul.f32 v2, v4  }
0x2ec: {  	v3 =	vmul.f32 v3, v5;
	_ =	sdelay $0x1  }
0x2ed: {  	v2 =	vadd.f32 v3, v2  }
0x2ee: {  	_ = 	snop  }
0x2ef: {  	s19 =	simm.s32 $0x0;
	[tilespmem:s29+$0x10] =	vst v2  }
0x2f0: {  	[hbm4b:s22+s19] =	stream.linear.scatter [tilespmem:s0], [sflag:$0x3], $0x2000, $0x38;
	[tilespmem:$0x1F000] =	vst v63  }
0x2f1: {  	_ =	swait.ge [sflag:s31], $0x2000  }
0x2f2: {  	[sflag:s31] =	ssyncset.done $0x0  }
0x2f3: {  	[sflag:s31] =	ssyncadd.s32 $0xFFFFE000  }
0x2f4: {  	[spmem:s10] =	stream.linear.scatter [tilespmem:s0], [sflag:$0x3], $0x2000, $0x38;
	[tilespmem:$0x1F000] =	vst v63  }
0x2f5: {  	_ =	swait.ge [sflag:s31], $0x2000  }
0x2f6: {  	[sflag:s31] =	ssyncset.done $0x0  }
0x2f7: {  	[sflag:s31] =	ssyncadd.s32 $0xFFFFE000  }
0x2f8: {  	[tilespmem:s0], [sflag:$0x3] =	stream.linear.gather [spmem:s11], $0x2000, $0x38;
	[tilespmem:$0x1F000] =	vst v63  }
0x2f9: {  	_ =	swait.ge [sflag:s31], $0x2000  }
0x2fa: {  	[sflag:s31] =	ssyncset.done $0x0  }
0x2fb: {  	[sflag:s31] =	ssyncadd.s32 $0xFFFFE000  }
0x2fc: {  	[tilespmem:s7], [sflag:$0x3] =	stream.linear.gather [hbm4b:s16+s19], $0x2000, $0x38;
	[tilespmem:$0x1F000] =	vst v63  }
0x2fd: {  	_ =	swait.ge [sflag:s31], $0x2000  }
0x2fe: {  	[sflag:s31] =	ssyncset.done $0x0  }
0x2ff: {  	s23 =	simm.s32 $0x14020;
	[sflag:s31] =	ssyncadd.s32 $0xFFFFE000  }
0x300: {  	s25 =	simm.s32 $0x18020;
	v2 =	vld [tilespmem:s23+$0xFFFFFFE0]  }
0x301: {  	s26 =	simm.s32 $0x0;
	v3 =	vld [tilespmem:s25+$0xFFFFFFE0]  }
0x302: {  	v4 =	vld [tilespmem:s26+$0x1E000]  }
0x303: {  	v5 =	vld [tilespmem:s26+$0x1B800];
	_ =	sdelay $0x4  }
0x304: {  	v2 =	vmul.f32 v2, v4;
	v3 =	vmul.f32 v3, v5;
	_ =	sdelay $0x1  }
0x305: {  	v2 =	vadd.f32 v3, v2;
	_ =	sdelay $0x1  }
0x306: {  	[tilespmem:s23+$0xFFFFFFE0] =	vst v2;
	v2 =	vld [tilespmem:s23+$0xFFFFFFF0]  }
0x307: {  	v3 =	vld [tilespmem:s25+$0xFFFFFFF0];
	_ =	sdelay $0x4  }
0x308: {  	v2 =	vmul.f32 v2, v4;
	v3 =	vmul.f32 v3, v5;
	_ =	sdelay $0x1  }
0x309: {  	v2 =	vadd.f32 v3, v2;
	_ =	sdelay $0x1  }
0x30a: {  	[tilespmem:s23+$0xFFFFFFF0] =	vst v2;
	v2 =	vld [tilespmem:s23+$0x0]  }
0x30b: {  	v3 =	vld [tilespmem:s25+$0x0];
	_ =	sdelay $0x4  }
0x30c: {  	v2 =	vmul.f32 v2, v4;
	v3 =	vmul.f32 v3, v5;
	_ =	sdelay $0x1  }
0x30d: {  	v2 =	vadd.f32 v3, v2;
	_ =	sdelay $0x1  }
0x30e: {  	[tilespmem:s23+$0x0] =	vst v2;
	v2 =	vld [tilespmem:s23+$0x10]  }
0x30f: {  	v3 =	vld [tilespmem:s25+$0x10];
	_ =	sdelay $0x4  }
0x310: {  	v2 =	vmul.f32 v2, v4;
	v3 =	vmul.f32 v3, v5;
	_ =	sdelay $0x1  }
0x311: {  	s29 =	simm.s32 $0x14020;
	s26 =	simm.s32 $0x40;
	v2 =	vadd.f32 v3, v2  }
.LBB2_37:
0x312: {  	p0 =	sne.s32 s26, $0x1FC0;
	s23 =	sadd.s32 $0x40, s23;
	s25 =	sadd.s32 $0x40, s25  }
0x313: {  	s19 =	smov.u32 s26;
	s26 =	sadd.s32 $0x40, s26;
	v3 =	vld [tilespmem:s23+$0xFFFFFFE0];
	[tilespmem:s29+$0x10] =	vst v2;
	s29 =	smov.u32 s23  }
0x314: {  	s19 =	sshra.s32 s19, $0x2;
	v2 =	vld [tilespmem:s25+$0xFFFFFFE0]  }
0x315: {  	v4 =	vld [tilespmem:s19+$0x1E000]  }
0x316: {  	v5 =	vld [tilespmem:s19+$0x1B800];
	_ =	sdelay $0x3  }
0x317: {  	v3 =	vmul.f32 v3, v4  }
0x318: {  	v2 =	vmul.f32 v2, v5;
	_ =	sdelay $0x1  }
0x319: {  	v2 =	vadd.f32 v2, v3;
	_ =	sdelay $0x1  }
0x31a: {  	[tilespmem:s23+$0xFFFFFFE0] =	vst v2;
	v2 =	vld [tilespmem:s23+$0xFFFFFFF0]  }
0x31b: {  	v3 =	vld [tilespmem:s25+$0xFFFFFFF0];
	_ =	sdelay $0x3  }
0x31c: {  	v2 =	vmul.f32 v2, v4  }
0x31d: {  	v3 =	vmul.f32 v3, v5;
	_ =	sdelay $0x1  }
0x31e: {  	v2 =	vadd.f32 v3, v2;
	_ =	sdelay $0x1  }
0x31f: {  	[tilespmem:s23+$0xFFFFFFF0] =	vst v2;
	v2 =	vld [tilespmem:s23+$0x0]  }
0x320: {  	v3 =	vld [tilespmem:s25+$0x0];
	_ =	sdelay $0x3  }
0x321: {  	v2 =	vmul.f32 v2, v4  }
0x322: {  	v3 =	vmul.f32 v3, v5;
	_ =	sdelay $0x1  }
0x323: {  	v2 =	vadd.f32 v3, v2;
	_ =	sdelay $0x1  }
0x324: {  	[tilespmem:s23+$0x0] =	vst v2;
	v2 =	vld [tilespmem:s23+$0x10]  }
0x325: {  	v3 =	vld [tilespmem:s25+$0x10];
	_ =	sdelay $0x2  }
.Ltmp17:
0x326: {  	(pc) =	sbr.rel @p0 .LBB2_37-.Ltmp17, $3  }
0x327: {  	v2 =	vmul.f32 v2, v4  }
0x328: {  	v3 =	vmul.f32 v3, v5;
	_ =	sdelay $0x1  }
0x329: {  	v2 =	vadd.f32 v3, v2  }
0x32a: {  	_ = 	snop  }
0x32b: {  	s19 =	simm.s32 $0x0;
	[tilespmem:s29+$0x10] =	vst v2  }
0x32c: {  	[hbm4b:s24+s19] =	stream.linear.scatter [tilespmem:s0], [sflag:$0x3], $0x2000, $0x38;
	[tilespmem:$0x1F000] =	vst v63  }
0x32d: {  	_ =	swait.ge [sflag:s31], $0x2000  }
0x32e: {  	[sflag:s31] =	ssyncset.done $0x0  }
0x32f: {  	[sflag:s31] =	ssyncadd.s32 $0xFFFFE000  }
0x330: {  	[spmem:s11] =	stream.linear.scatter [tilespmem:s0], [sflag:$0x3], $0x2000, $0x38;
	[tilespmem:$0x1F000] =	vst v63  }
0x331: {  	_ =	swait.ge [sflag:s31], $0x2000  }
0x332: {  	[sflag:s31] =	ssyncset.done $0x0  }
0x333: {  	[sflag:s31] =	ssyncadd.s32 $0xFFFFE000  }
0x334: {  	[tilespmem:s0], [sflag:$0x3] =	stream.linear.gather [spmem:s12], $0x2000, $0x38;
	[tilespmem:$0x1F000] =	vst v63  }
0x335: {  	_ =	swait.ge [sflag:s31], $0x2000  }
0x336: {  	[sflag:s31] =	ssyncset.done $0x0  }
0x337: {  	[sflag:s31] =	ssyncadd.s32 $0xFFFFE000  }
0x338: {  	[tilespmem:s7], [sflag:$0x3] =	stream.linear.gather [hbm4b:s17+s19], $0x2000, $0x38;
	[tilespmem:$0x1F000] =	vst v63  }
0x339: {  	_ =	swait.ge [sflag:s31], $0x2000  }
0x33a: {  	[sflag:s31] =	ssyncset.done $0x0  }
0x33b: {  	s23 =	simm.s32 $0x14020;
	[sflag:s31] =	ssyncadd.s32 $0xFFFFE000  }
0x33c: {  	s25 =	simm.s32 $0x18020;
	v2 =	vld [tilespmem:s23+$0xFFFFFFE0]  }
0x33d: {  	s26 =	simm.s32 $0x0;
	v3 =	vld [tilespmem:s25+$0xFFFFFFE0]  }
0x33e: {  	v4 =	vld [tilespmem:s26+$0x1E800]  }
0x33f: {  	v5 =	vld [tilespmem:s26+$0x1C000];
	_ =	sdelay $0x4  }
0x340: {  	v2 =	vmul.f32 v2, v4;
	v3 =	vmul.f32 v3, v5;
	_ =	sdelay $0x1  }
0x341: {  	v2 =	vadd.f32 v3, v2;
	_ =	sdelay $0x1  }
0x342: {  	[tilespmem:s23+$0xFFFFFFE0] =	vst v2;
	v2 =	vld [tilespmem:s23+$0xFFFFFFF0]  }
0x343: {  	v3 =	vld [tilespmem:s25+$0xFFFFFFF0];
	_ =	sdelay $0x4  }
0x344: {  	v2 =	vmul.f32 v2, v4;
	v3 =	vmul.f32 v3, v5;
	_ =	sdelay $0x1  }
0x345: {  	v2 =	vadd.f32 v3, v2;
	_ =	sdelay $0x1  }
0x346: {  	[tilespmem:s23+$0xFFFFFFF0] =	vst v2;
	v2 =	vld [tilespmem:s23+$0x0]  }
0x347: {  	v3 =	vld [tilespmem:s25+$0x0];
	_ =	sdelay $0x4  }
0x348: {  	v2 =	vmul.f32 v2, v4;
	v3 =	vmul.f32 v3, v5;
	_ =	sdelay $0x1  }
0x349: {  	v2 =	vadd.f32 v3, v2;
	_ =	sdelay $0x1  }
0x34a: {  	[tilespmem:s23+$0x0] =	vst v2;
	v2 =	vld [tilespmem:s23+$0x10]  }
0x34b: {  	v3 =	vld [tilespmem:s25+$0x10];
	_ =	sdelay $0x4  }
0x34c: {  	v2 =	vmul.f32 v2, v4;
	v3 =	vmul.f32 v3, v5;
	_ =	sdelay $0x1  }
0x34d: {  	s29 =	simm.s32 $0x14020;
	s26 =	simm.s32 $0x40;
	v2 =	vadd.f32 v3, v2  }
.LBB2_39:
0x34e: {  	p0 =	sne.s32 s26, $0x1FC0;
	s23 =	sadd.s32 $0x40, s23;
	s25 =	sadd.s32 $0x40, s25  }
0x34f: {  	s19 =	smov.u32 s26;
	s26 =	sadd.s32 $0x40, s26;
	v3 =	vld [tilespmem:s23+$0xFFFFFFE0];
	[tilespmem:s29+$0x10] =	vst v2;
	s29 =	smov.u32 s23  }
0x350: {  	s19 =	sshra.s32 s19, $0x2;
	v2 =	vld [tilespmem:s25+$0xFFFFFFE0]  }
0x351: {  	v4 =	vld [tilespmem:s19+$0x1E800]  }
0x352: {  	v5 =	vld [tilespmem:s19+$0x1C000];
	_ =	sdelay $0x3  }
0x353: {  	v3 =	vmul.f32 v3, v4  }
0x354: {  	v2 =	vmul.f32 v2, v5;
	_ =	sdelay $0x1  }
0x355: {  	v2 =	vadd.f32 v2, v3;
	_ =	sdelay $0x1  }
0x356: {  	[tilespmem:s23+$0xFFFFFFE0] =	vst v2;
	v2 =	vld [tilespmem:s23+$0xFFFFFFF0]  }
0x357: {  	v3 =	vld [tilespmem:s25+$0xFFFFFFF0];
	_ =	sdelay $0x3  }
0x358: {  	v2 =	vmul.f32 v2, v4  }
0x359: {  	v3 =	vmul.f32 v3, v5;
	_ =	sdelay $0x1  }
0x35a: {  	v2 =	vadd.f32 v3, v2;
	_ =	sdelay $0x1  }
0x35b: {  	[tilespmem:s23+$0xFFFFFFF0] =	vst v2;
	v2 =	vld [tilespmem:s23+$0x0]  }
0x35c: {  	v3 =	vld [tilespmem:s25+$0x0];
	_ =	sdelay $0x3  }
0x35d: {  	v2 =	vmul.f32 v2, v4  }
0x35e: {  	v3 =	vmul.f32 v3, v5;
	_ =	sdelay $0x1  }
0x35f: {  	v2 =	vadd.f32 v3, v2;
	_ =	sdelay $0x1  }
0x360: {  	[tilespmem:s23+$0x0] =	vst v2;
	v2 =	vld [tilespmem:s23+$0x10]  }
0x361: {  	v3 =	vld [tilespmem:s25+$0x10];
	_ =	sdelay $0x2  }
.Ltmp18:
0x362: {  	(pc) =	sbr.rel @p0 .LBB2_39-.Ltmp18, $3  }
0x363: {  	v2 =	vmul.f32 v2, v4  }
0x364: {  	v3 =	vmul.f32 v3, v5;
	_ =	sdelay $0x1  }
0x365: {  	v2 =	vadd.f32 v3, v2  }
0x366: {  	_ = 	snop  }
0x367: {  	[tilespmem:s29+$0x10] =	vst v2  }
0x368: {  	[hbm4b:s28+s3] =	stream.linear.scatter [tilespmem:s0], [sflag:$0x3], $0x2000, $0x38;
	[tilespmem:$0x1F000] =	vst v63  }
0x369: {  	_ =	swait.ge [sflag:s31], $0x2000  }
0x36a: {  	s21 =	sadd.s32 $0x1, s21;
	[sflag:s31] =	ssyncset.done $0x0  }
0x36b: {  	p0 =	sne.s32 s21, $0xA;
	[sflag:s31] =	ssyncadd.s32 $0xFFFFE000  }
0x36c: {  	[spmem:s12] =	stream.linear.scatter [tilespmem:s0], [sflag:$0x3], $0x2000, $0x38;
	[tilespmem:$0x1F000] =	vst v63  }
.Ltmp19:
0x36d: {  	_ =	swait.ge [sflag:s31], $0x2000;
	(pc) =	sbr.rel @p0 .LBB2_28-.Ltmp19, $3  }
0x36e: {  	[sflag:s31] =	ssyncset.done $0x0  }
0x36f: {  	[sflag:s31] =	ssyncadd.s32 $0xFFFFE000  }
0x370: {  	[bflag:$0x0] =	sbarrier.arrive $0xFFFF;
	_ =	sdelay $0x1  }
0x371: {  	[tilespmem:s0], [sflag:$0x3] =	stream.linear.gather [spmem:s8], $0x2000, $0x38;
	[tilespmem:$0x1F000] =	vst v63  }
0x372: {  	_ =	swait.ge [sflag:s31], $0x2000  }
0x373: {  	[sflag:s31] =	ssyncset.done $0x0  }
0x374: {  	s19 =	simm.s32 $0x0;
	[sflag:s31] =	ssyncadd.s32 $0xFFFFE000  }
0x375: {  	v2 =	vld [tilespmem:s19+$0x1A000];
	_ =	sdelay $0x4  }
0x376: {  	(erf) = vrcp.f32 v2;
	_ =	sdelay $0x1  }
0x377: {  	s21 =	simm.s32 $0x14020  }
0x378: {  	v2 =	vld [tilespmem:s21+$0xFFFFFFE0]  }
0x379: {  	v3 =	vld [tilespmem:s21+$0xFFFFFFF0]  }
0x37a: {  	v4 =	vld [tilespmem:s21+$0x0]  }
0x37b: {  	v5 =	vld [tilespmem:s21+$0x10];
	_ =	sdelay $0x1  }
0x37c: {  	v2 =	vmul.f32 $1.000000010e-01, v2  }
0x37d: {  	v3 =	vmul.f32 $1.000000010e-01, v3;
	v6 =	vpop (erf)  }
0x37e: {  	v4 =	vmul.f32 $1.000000010e-01, v4;
	v2 =	vmul.f32 v2, v6  }
0x37f: {  	v5 =	vmul.f32 $1.000000010e-01, v5;
	v3 =	vmul.f32 v3, v6  }
0x380: {  	v4 =	vmul.f32 v4, v6;
	[tilespmem:s21+$0xFFFFFFE0] =	vst v2  }
0x381: {  	v2 =	vmul.f32 v5, v6;
	[tilespmem:s21+$0xFFFFFFF0] =	vst v3  }
0x382: {  	[tilespmem:s21+$0x0] =	vst v4  }
0x383: {  	s25 =	simm.s32 $0x10;
	s23 =	simm.s32 $0x80;
	[tilespmem:s21+$0x10] =	vst v2  }
.LBB2_42:
0x384: {  	p0 =	sne.s32 s23, $0x1FC0;
	v2 =	vld [tilespmem:s25+$0x1A000];
	_ =	sdelay $0x4  }
0x385: {  	s21 =	sadd.s32 $0x40, s21;
	(erf) = vrcp.f32 v2  }
0x386: {  	v2 =	vld [tilespmem:s21+$0xFFFFFFF0]  }
0x387: {  	v3 =	vld [tilespmem:s21+$0x10]  }
0x388: {  	v4 =	vld [tilespmem:s21+$0xFFFFFFE0]  }
0x389: {  	v5 =	vld [tilespmem:s21+$0x0];
	_ =	sdelay $0x3  }
0x38a: {  	v2 =	vmul.f32 $1.000000010e-01, v2;
	v4 =	vmul.f32 $1.000000010e-01, v4  }
0x38b: {  	v3 =	vmul.f32 $1.000000010e-01, v3;
	v5 =	vmul.f32 $1.000000010e-01, v5;
	v6 =	vpop (erf)  }
0x38c: {  	v4 =	vmul.f32 v4, v6;
	v2 =	vmul.f32 v2, v6  }
.Ltmp20:
0x38d: {  	v3 =	vmul.f32 v3, v6;
	v5 =	vmul.f32 v5, v6;
	(pc) =	sbr.rel @p0 .LBB2_42-.Ltmp20, $4  }
0x38e: {  	[tilespmem:s21+$0xFFFFFFE0] =	vst v4  }
0x38f: {  	[tilespmem:s21+$0xFFFFFFF0] =	vst v2  }
0x390: {  	[tilespmem:s21+$0x0] =	vst v5  }
0x391: {  	s25 =	sshra.s32 s23, $0x2;
	s23 =	sadd.s32 $0x40, s23;
	[tilespmem:s21+$0x10] =	vst v3  }
0x392: {  	v2 =	vld [tilespmem:s25+$0x1A000];
	_ =	sdelay $0x4  }
0x393: {  	(erf) = vrcp.f32 v2;
	_ =	sdelay $0x1  }
0x394: {  	s19 =	sadd.s32 $0x40, s21  }
0x395: {  	v2 =	vld [tilespmem:s19+$0xFFFFFFE0]  }
0x396: {  	v3 =	vld [tilespmem:s19+$0xFFFFFFF0]  }
0x397: {  	v4 =	vld [tilespmem:s19+$0x0]  }
0x398: {  	v5 =	vld [tilespmem:s19+$0x10];
	_ =	sdelay $0x1  }
0x399: {  	v2 =	vmul.f32 $1.000000010e-01, v2  }
0x39a: {  	v3 =	vmul.f32 $1.000000010e-01, v3;
	v6 =	vpop (erf)  }
0x39b: {  	v4 =	vmul.f32 $1.000000010e-01, v4;
	v2 =	vmul.f32 v2, v6  }
0x39c: {  	v5 =	vmul.f32 $1.000000010e-01, v5;
	v3 =	vmul.f32 v3, v6  }
0x39d: {  	v4 =	vmul.f32 v4, v6;
	[tilespmem:s19+$0xFFFFFFE0] =	vst v2  }
0x39e: {  	v2 =	vmul.f32 v5, v6;
	[tilespmem:s19+$0xFFFFFFF0] =	vst v3  }
0x39f: {  	[tilespmem:s19+$0x0] =	vst v4  }
0x3a0: {  	s25 =	simm.s32 $0x0;
	s26 =	rddreg [dreg:$0x7];
	[tilespmem:s19+$0x10] =	vst v2  }
0x3a1: {  	[hbm4b:s26+s25] =	stream.linear.scatter [tilespmem:s0], [sflag:$0x3], $0x2000, $0x38;
	[tilespmem:$0x1F000] =	vst v63  }
0x3a2: {  	_ =	swait.ge [sflag:s31], $0x2000  }
0x3a3: {  	[sflag:s31] =	ssyncset.done $0x0  }
0x3a4: {  	[sflag:s31] =	ssyncadd.s32 $0xFFFFE000  }
0x3a5: {  	[tilespmem:s0], [sflag:$0x3] =	stream.linear.gather [spmem:s9], $0x2000, $0x38;
	[tilespmem:$0x1F000] =	vst v63  }
0x3a6: {  	_ =	swait.ge [sflag:s31], $0x2000  }
0x3a7: {  	[sflag:s31] =	ssyncset.done $0x0  }
0x3a8: {  	s29 =	simm.s32 $0x0;
	[sflag:s31] =	ssyncadd.s32 $0xFFFFE000  }
0x3a9: {  	v2 =	vld [tilespmem:s29+$0x1A800];
	_ =	sdelay $0x4  }
0x3aa: {  	(erf) = vrcp.f32 v2;
	_ =	sdelay $0x1  }
0x3ab: {  	s21 =	simm.s32 $0x14020  }
0x3ac: {  	v2 =	vld [tilespmem:s21+$0xFFFFFFE0]  }
0x3ad: {  	v3 =	vld [tilespmem:s21+$0xFFFFFFF0]  }
0x3ae: {  	v61 =	vld [tilespmem:s21+$0x0]  }
0x3af: {  	v62 =	vld [tilespmem:s21+$0x10];
	_ =	sdelay $0x1  }
0x3b0: {  	v2 =	vmul.f32 $1.000000010e-01, v2  }
0x3b1: {  	v3 =	vmul.f32 $1.000000010e-01, v3;
	v63 =	vpop (erf)  }
0x3b2: {  	v4 =	vmul.f32 $1.000000010e-01, v61;
	v2 =	vmul.f32 v2, v63  }
0x3b3: {  	v5 =	vmul.f32 $1.000000010e-01, v62;
	v3 =	vmul.f32 v3, v63  }
0x3b4: {  	v4 =	vmul.f32 v4, v63;
	[tilespmem:s21+$0xFFFFFFE0] =	vst v2  }
0x3b5: {  	v2 =	vmul.f32 v5, v63;
	[tilespmem:s21+$0xFFFFFFF0] =	vst v3  }
0x3b6: {  	[tilespmem:s21+$0x0] =	vst v4  }
0x3b7: {  	s23 =	simm.s32 $0x80;
	s25 =	simm.s32 $0x10;
	[tilespmem:s21+$0x10] =	vst v2  }
.LBB2_44:
0x3b8: {  	p0 =	sne.s32 s23, $0x1FC0;
	v2 =	vld [tilespmem:s25+$0x1A800];
	_ =	sdelay $0x4  }
0x3b9: {  	s21 =	sadd.s32 $0x40, s21;
	(erf) = vrcp.f32 v2  }
0x3ba: {  	v2 =	vld [tilespmem:s21+$0xFFFFFFF0]  }
0x3bb: {  	v3 =	vld [tilespmem:s21+$0x10]  }
0x3bc: {  	v4 =	vld [tilespmem:s21+$0xFFFFFFE0]  }
0x3bd: {  	v5 =	vld [tilespmem:s21+$0x0];
	_ =	sdelay $0x3  }
0x3be: {  	v2 =	vmul.f32 $1.000000010e-01, v2;
	v4 =	vmul.f32 $1.000000010e-01, v4  }
0x3bf: {  	v3 =	vmul.f32 $1.000000010e-01, v3;
	v5 =	vmul.f32 $1.000000010e-01, v5;
	v6 =	vpop (erf)  }
0x3c0: {  	v4 =	vmul.f32 v4, v6;
	v2 =	vmul.f32 v2, v6  }
.Ltmp21:
0x3c1: {  	v3 =	vmul.f32 v3, v6;
	v5 =	vmul.f32 v5, v6;
	(pc) =	sbr.rel @p0 .LBB2_44-.Ltmp21, $4  }
0x3c2: {  	[tilespmem:s21+$0xFFFFFFE0] =	vst v4  }
0x3c3: {  	[tilespmem:s21+$0xFFFFFFF0] =	vst v2  }
0x3c4: {  	[tilespmem:s21+$0x0] =	vst v5  }
0x3c5: {  	s25 =	sshra.s32 s23, $0x2;
	s23 =	sadd.s32 $0x40, s23;
	[tilespmem:s21+$0x10] =	vst v3  }
0x3c6: {  	v2 =	vld [tilespmem:s25+$0x1A800];
	_ =	sdelay $0x4  }
0x3c7: {  	(erf) = vrcp.f32 v2;
	_ =	sdelay $0x1  }
0x3c8: {  	s19 =	sadd.s32 $0x40, s21  }
0x3c9: {  	v2 =	vld [tilespmem:s19+$0xFFFFFFE0]  }
0x3ca: {  	v3 =	vld [tilespmem:s19+$0xFFFFFFF0]  }
0x3cb: {  	v4 =	vld [tilespmem:s19+$0x0]  }
0x3cc: {  	v5 =	vld [tilespmem:s19+$0x10];
	_ =	sdelay $0x1  }
0x3cd: {  	v2 =	vmul.f32 $1.000000010e-01, v2  }
0x3ce: {  	v3 =	vmul.f32 $1.000000010e-01, v3;
	v6 =	vpop (erf)  }
0x3cf: {  	v4 =	vmul.f32 $1.000000010e-01, v4;
	v2 =	vmul.f32 v2, v6  }
0x3d0: {  	v5 =	vmul.f32 $1.000000010e-01, v5;
	v3 =	vmul.f32 v3, v6  }
0x3d1: {  	v4 =	vmul.f32 v4, v6;
	[tilespmem:s19+$0xFFFFFFE0] =	vst v2  }
0x3d2: {  	v2 =	vmul.f32 v5, v6;
	[tilespmem:s19+$0xFFFFFFF0] =	vst v3  }
0x3d3: {  	[tilespmem:s19+$0x0] =	vst v4  }
0x3d4: {  	s25 =	simm.s32 $0x0;
	s26 =	rddreg [dreg:$0x8];
	[tilespmem:s19+$0x10] =	vst v2  }
0x3d5: {  	[hbm4b:s26+s25] =	stream.linear.scatter [tilespmem:s0], [sflag:$0x3], $0x2000, $0x38;
	[tilespmem:$0x1F000] =	vst v63  }
0x3d6: {  	_ =	swait.ge [sflag:s31], $0x2000  }
0x3d7: {  	[sflag:s31] =	ssyncset.done $0x0  }
0x3d8: {  	[sflag:s31] =	ssyncadd.s32 $0xFFFFE000  }
0x3d9: {  	[tilespmem:s0], [sflag:$0x3] =	stream.linear.gather [spmem:s10], $0x2000, $0x38;
	[tilespmem:$0x1F000] =	vst v63  }
0x3da: {  	_ =	swait.ge [sflag:s31], $0x2000  }
0x3db: {  	[sflag:s31] =	ssyncset.done $0x0  }
0x3dc: {  	s29 =	simm.s32 $0x0;
	[sflag:s31] =	ssyncadd.s32 $0xFFFFE000  }
0x3dd: {  	v2 =	vld [tilespmem:s29+$0x1B000];
	_ =	sdelay $0x4  }
0x3de: {  	(erf) = vrcp.f32 v2;
	_ =	sdelay $0x1  }
0x3df: {  	s21 =	simm.s32 $0x14020  }
0x3e0: {  	v2 =	vld [tilespmem:s21+$0xFFFFFFE0]  }
0x3e1: {  	v3 =	vld [tilespmem:s21+$0xFFFFFFF0]  }
0x3e2: {  	v61 =	vld [tilespmem:s21+$0x0]  }
0x3e3: {  	v62 =	vld [tilespmem:s21+$0x10];
	_ =	sdelay $0x1  }
0x3e4: {  	v2 =	vmul.f32 $1.000000010e-01, v2  }
0x3e5: {  	v3 =	vmul.f32 $1.000000010e-01, v3;
	v63 =	vpop (erf)  }
0x3e6: {  	v4 =	vmul.f32 $1.000000010e-01, v61;
	v2 =	vmul.f32 v2, v63  }
0x3e7: {  	v5 =	vmul.f32 $1.000000010e-01, v62;
	v3 =	vmul.f32 v3, v63  }
0x3e8: {  	v4 =	vmul.f32 v4, v63;
	[tilespmem:s21+$0xFFFFFFE0] =	vst v2  }
0x3e9: {  	v2 =	vmul.f32 v5, v63;
	[tilespmem:s21+$0xFFFFFFF0] =	vst v3  }
0x3ea: {  	[tilespmem:s21+$0x0] =	vst v4  }
0x3eb: {  	s23 =	simm.s32 $0x80;
	s25 =	simm.s32 $0x10;
	[tilespmem:s21+$0x10] =	vst v2  }
.LBB2_46:
0x3ec: {  	p0 =	sne.s32 s23, $0x1FC0;
	v2 =	vld [tilespmem:s25+$0x1B000];
	_ =	sdelay $0x4  }
0x3ed: {  	s21 =	sadd.s32 $0x40, s21;
	(erf) = vrcp.f32 v2  }
0x3ee: {  	v2 =	vld [tilespmem:s21+$0xFFFFFFF0]  }
0x3ef: {  	v3 =	vld [tilespmem:s21+$0x10]  }
0x3f0: {  	v4 =	vld [tilespmem:s21+$0xFFFFFFE0]  }
0x3f1: {  	v5 =	vld [tilespmem:s21+$0x0];
	_ =	sdelay $0x3  }
0x3f2: {  	v2 =	vmul.f32 $1.000000010e-01, v2;
	v4 =	vmul.f32 $1.000000010e-01, v4  }
0x3f3: {  	v3 =	vmul.f32 $1.000000010e-01, v3;
	v5 =	vmul.f32 $1.000000010e-01, v5;
	v6 =	vpop (erf)  }
0x3f4: {  	v4 =	vmul.f32 v4, v6;
	v2 =	vmul.f32 v2, v6  }
.Ltmp22:
0x3f5: {  	v3 =	vmul.f32 v3, v6;
	v5 =	vmul.f32 v5, v6;
	(pc) =	sbr.rel @p0 .LBB2_46-.Ltmp22, $4  }
0x3f6: {  	[tilespmem:s21+$0xFFFFFFE0] =	vst v4  }
0x3f7: {  	[tilespmem:s21+$0xFFFFFFF0] =	vst v2  }
0x3f8: {  	[tilespmem:s21+$0x0] =	vst v5  }
0x3f9: {  	s25 =	sshra.s32 s23, $0x2;
	s23 =	sadd.s32 $0x40, s23;
	[tilespmem:s21+$0x10] =	vst v3  }
0x3fa: {  	v2 =	vld [tilespmem:s25+$0x1B000];
	_ =	sdelay $0x4  }
0x3fb: {  	(erf) = vrcp.f32 v2;
	_ =	sdelay $0x1  }
0x3fc: {  	s19 =	sadd.s32 $0x40, s21  }
0x3fd: {  	v2 =	vld [tilespmem:s19+$0xFFFFFFE0]  }
0x3fe: {  	v3 =	vld [tilespmem:s19+$0xFFFFFFF0]  }
0x3ff: {  	v4 =	vld [tilespmem:s19+$0x0]  }
0x400: {  	v5 =	vld [tilespmem:s19+$0x10];
	_ =	sdelay $0x1  }
0x401: {  	v2 =	vmul.f32 $1.000000010e-01, v2  }
0x402: {  	v3 =	vmul.f32 $1.000000010e-01, v3;
	v6 =	vpop (erf)  }
0x403: {  	v4 =	vmul.f32 $1.000000010e-01, v4;
	v2 =	vmul.f32 v2, v6  }
0x404: {  	v5 =	vmul.f32 $1.000000010e-01, v5;
	v3 =	vmul.f32 v3, v6  }
0x405: {  	v4 =	vmul.f32 v4, v6;
	[tilespmem:s19+$0xFFFFFFE0] =	vst v2  }
0x406: {  	v2 =	vmul.f32 v5, v6;
	[tilespmem:s19+$0xFFFFFFF0] =	vst v3  }
0x407: {  	[tilespmem:s19+$0x0] =	vst v4  }
0x408: {  	s25 =	simm.s32 $0x0;
	s26 =	rddreg [dreg:$0x9];
	[tilespmem:s19+$0x10] =	vst v2  }
0x409: {  	[hbm4b:s26+s25] =	stream.linear.scatter [tilespmem:s0], [sflag:$0x3], $0x2000, $0x38;
	[tilespmem:$0x1F000] =	vst v63  }
0x40a: {  	_ =	swait.ge [sflag:s31], $0x2000  }
0x40b: {  	[sflag:s31] =	ssyncset.done $0x0  }
0x40c: {  	[sflag:s31] =	ssyncadd.s32 $0xFFFFE000  }
0x40d: {  	[tilespmem:s0], [sflag:$0x3] =	stream.linear.gather [spmem:s11], $0x2000, $0x38;
	[tilespmem:$0x1F000] =	vst v63  }
0x40e: {  	_ =	swait.ge [sflag:s31], $0x2000  }
0x40f: {  	[sflag:s31] =	ssyncset.done $0x0  }
0x410: {  	s29 =	simm.s32 $0x0;
	[sflag:s31] =	ssyncadd.s32 $0xFFFFE000  }
0x411: {  	v2 =	vld [tilespmem:s29+$0x1B800];
	_ =	sdelay $0x4  }
0x412: {  	(erf) = vrcp.f32 v2;
	_ =	sdelay $0x1  }
0x413: {  	s21 =	simm.s32 $0x14020  }
0x414: {  	v2 =	vld [tilespmem:s21+$0xFFFFFFE0]  }
0x415: {  	v3 =	vld [tilespmem:s21+$0xFFFFFFF0]  }
0x416: {  	v61 =	vld [tilespmem:s21+$0x0]  }
0x417: {  	v62 =	vld [tilespmem:s21+$0x10];
	_ =	sdelay $0x1  }
0x418: {  	v2 =	vmul.f32 $1.000000010e-01, v2  }
0x419: {  	v3 =	vmul.f32 $1.000000010e-01, v3;
	v63 =	vpop (erf)  }
0x41a: {  	v4 =	vmul.f32 $1.000000010e-01, v61;
	v2 =	vmul.f32 v2, v63  }
0x41b: {  	v5 =	vmul.f32 $1.000000010e-01, v62;
	v3 =	vmul.f32 v3, v63  }
0x41c: {  	v4 =	vmul.f32 v4, v63;
	[tilespmem:s21+$0xFFFFFFE0] =	vst v2  }
0x41d: {  	v2 =	vmul.f32 v5, v63;
	[tilespmem:s21+$0xFFFFFFF0] =	vst v3  }
0x41e: {  	[tilespmem:s21+$0x0] =	vst v4  }
0x41f: {  	s23 =	simm.s32 $0x80;
	s25 =	simm.s32 $0x10;
	[tilespmem:s21+$0x10] =	vst v2  }
.LBB2_48:
0x420: {  	p0 =	sne.s32 s23, $0x1FC0;
	v2 =	vld [tilespmem:s25+$0x1B800];
	_ =	sdelay $0x4  }
0x421: {  	s21 =	sadd.s32 $0x40, s21;
	(erf) = vrcp.f32 v2  }
0x422: {  	v2 =	vld [tilespmem:s21+$0xFFFFFFF0]  }
0x423: {  	v3 =	vld [tilespmem:s21+$0x10]  }
0x424: {  	v4 =	vld [tilespmem:s21+$0xFFFFFFE0]  }
0x425: {  	v5 =	vld [tilespmem:s21+$0x0];
	_ =	sdelay $0x3  }
0x426: {  	v2 =	vmul.f32 $1.000000010e-01, v2;
	v4 =	vmul.f32 $1.000000010e-01, v4  }
0x427: {  	v3 =	vmul.f32 $1.000000010e-01, v3;
	v5 =	vmul.f32 $1.000000010e-01, v5;
	v6 =	vpop (erf)  }
0x428: {  	v4 =	vmul.f32 v4, v6;
	v2 =	vmul.f32 v2, v6  }
.Ltmp23:
0x429: {  	v3 =	vmul.f32 v3, v6;
	v5 =	vmul.f32 v5, v6;
	(pc) =	sbr.rel @p0 .LBB2_48-.Ltmp23, $4  }
0x42a: {  	[tilespmem:s21+$0xFFFFFFE0] =	vst v4  }
0x42b: {  	[tilespmem:s21+$0xFFFFFFF0] =	vst v2  }
0x42c: {  	[tilespmem:s21+$0x0] =	vst v5  }
0x42d: {  	s25 =	sshra.s32 s23, $0x2;
	s23 =	sadd.s32 $0x40, s23;
	[tilespmem:s21+$0x10] =	vst v3  }
0x42e: {  	v2 =	vld [tilespmem:s25+$0x1B800];
	_ =	sdelay $0x4  }
0x42f: {  	(erf) = vrcp.f32 v2;
	_ =	sdelay $0x1  }
0x430: {  	s19 =	sadd.s32 $0x40, s21  }
0x431: {  	v2 =	vld [tilespmem:s19+$0xFFFFFFE0]  }
0x432: {  	v3 =	vld [tilespmem:s19+$0xFFFFFFF0]  }
0x433: {  	v4 =	vld [tilespmem:s19+$0x0]  }
0x434: {  	v5 =	vld [tilespmem:s19+$0x10];
	_ =	sdelay $0x1  }
0x435: {  	v2 =	vmul.f32 $1.000000010e-01, v2  }
0x436: {  	v3 =	vmul.f32 $1.000000010e-01, v3;
	v6 =	vpop (erf)  }
0x437: {  	v4 =	vmul.f32 $1.000000010e-01, v4;
	v2 =	vmul.f32 v2, v6  }
0x438: {  	v5 =	vmul.f32 $1.000000010e-01, v5;
	v3 =	vmul.f32 v3, v6  }
0x439: {  	v4 =	vmul.f32 v4, v6;
	[tilespmem:s19+$0xFFFFFFE0] =	vst v2  }
0x43a: {  	v2 =	vmul.f32 v5, v6;
	[tilespmem:s19+$0xFFFFFFF0] =	vst v3  }
0x43b: {  	[tilespmem:s19+$0x0] =	vst v4  }
0x43c: {  	s25 =	simm.s32 $0x0;
	s26 =	rddreg [dreg:$0xa];
	[tilespmem:s19+$0x10] =	vst v2  }
0x43d: {  	[hbm4b:s26+s25] =	stream.linear.scatter [tilespmem:s0], [sflag:$0x3], $0x2000, $0x38;
	[tilespmem:$0x1F000] =	vst v63  }
0x43e: {  	_ =	swait.ge [sflag:s31], $0x2000  }
0x43f: {  	[sflag:s31] =	ssyncset.done $0x0  }
0x440: {  	[sflag:s31] =	ssyncadd.s32 $0xFFFFE000  }
0x441: {  	[tilespmem:s0], [sflag:$0x3] =	stream.linear.gather [spmem:s12], $0x2000, $0x38;
	[tilespmem:$0x1F000] =	vst v63  }
0x442: {  	_ =	swait.ge [sflag:s31], $0x2000  }
0x443: {  	[sflag:s31] =	ssyncset.done $0x0  }
0x444: {  	s29 =	simm.s32 $0x0;
	[sflag:s31] =	ssyncadd.s32 $0xFFFFE000  }
0x445: {  	v2 =	vld [tilespmem:s29+$0x1C000];
	_ =	sdelay $0x4  }
0x446: {  	(erf) = vrcp.f32 v2;
	_ =	sdelay $0x1  }
0x447: {  	s21 =	simm.s32 $0x14020  }
0x448: {  	v2 =	vld [tilespmem:s21+$0xFFFFFFE0]  }
0x449: {  	v3 =	vld [tilespmem:s21+$0xFFFFFFF0]  }
0x44a: {  	v61 =	vld [tilespmem:s21+$0x0]  }
0x44b: {  	v62 =	vld [tilespmem:s21+$0x10];
	_ =	sdelay $0x1  }
0x44c: {  	v2 =	vmul.f32 $1.000000010e-01, v2  }
0x44d: {  	v3 =	vmul.f32 $1.000000010e-01, v3;
	v63 =	vpop (erf)  }
0x44e: {  	v4 =	vmul.f32 $1.000000010e-01, v61;
	v2 =	vmul.f32 v2, v63  }
0x44f: {  	v5 =	vmul.f32 $1.000000010e-01, v62;
	v3 =	vmul.f32 v3, v63  }
0x450: {  	v4 =	vmul.f32 v4, v63;
	[tilespmem:s21+$0xFFFFFFE0] =	vst v2  }
0x451: {  	v2 =	vmul.f32 v5, v63;
	[tilespmem:s21+$0xFFFFFFF0] =	vst v3  }
0x452: {  	[tilespmem:s21+$0x0] =	vst v4  }
0x453: {  	s23 =	simm.s32 $0x80;
	s25 =	simm.s32 $0x10;
	[tilespmem:s21+$0x10] =	vst v2  }
.LBB2_50:
0x454: {  	p0 =	sne.s32 s23, $0x1FC0;
	v2 =	vld [tilespmem:s25+$0x1C000];
	_ =	sdelay $0x4  }
0x455: {  	s21 =	sadd.s32 $0x40, s21;
	(erf) = vrcp.f32 v2  }
0x456: {  	v2 =	vld [tilespmem:s21+$0xFFFFFFF0]  }
0x457: {  	v3 =	vld [tilespmem:s21+$0x10]  }
0x458: {  	v4 =	vld [tilespmem:s21+$0xFFFFFFE0]  }
0x459: {  	v5 =	vld [tilespmem:s21+$0x0];
	_ =	sdelay $0x3  }
0x45a: {  	v2 =	vmul.f32 $1.000000010e-01, v2;
	v4 =	vmul.f32 $1.000000010e-01, v4  }
0x45b: {  	v3 =	vmul.f32 $1.000000010e-01, v3;
	v5 =	vmul.f32 $1.000000010e-01, v5;
	v6 =	vpop (erf)  }
0x45c: {  	v4 =	vmul.f32 v4, v6;
	v2 =	vmul.f32 v2, v6  }
.Ltmp24:
0x45d: {  	v3 =	vmul.f32 v3, v6;
	v5 =	vmul.f32 v5, v6;
	(pc) =	sbr.rel @p0 .LBB2_50-.Ltmp24, $4  }
0x45e: {  	[tilespmem:s21+$0xFFFFFFE0] =	vst v4  }
0x45f: {  	[tilespmem:s21+$0xFFFFFFF0] =	vst v2  }
0x460: {  	[tilespmem:s21+$0x0] =	vst v5  }
0x461: {  	s25 =	sshra.s32 s23, $0x2;
	s23 =	sadd.s32 $0x40, s23;
	[tilespmem:s21+$0x10] =	vst v3  }
0x462: {  	v2 =	vld [tilespmem:s25+$0x1C000];
	_ =	sdelay $0x4  }
0x463: {  	(erf) = vrcp.f32 v2;
	_ =	sdelay $0x1  }
0x464: {  	s19 =	sadd.s32 $0x40, s21  }
0x465: {  	v2 =	vld [tilespmem:s19+$0xFFFFFFE0]  }
0x466: {  	v3 =	vld [tilespmem:s19+$0xFFFFFFF0]  }
0x467: {  	v4 =	vld [tilespmem:s19+$0x0]  }
0x468: {  	v5 =	vld [tilespmem:s19+$0x10];
	_ =	sdelay $0x1  }
0x469: {  	v2 =	vmul.f32 $1.000000010e-01, v2  }
0x46a: {  	v3 =	vmul.f32 $1.000000010e-01, v3;
	v6 =	vpop (erf)  }
0x46b: {  	v4 =	vmul.f32 $1.000000010e-01, v4;
	v2 =	vmul.f32 v2, v6  }
0x46c: {  	v5 =	vmul.f32 $1.000000010e-01, v5;
	v3 =	vmul.f32 v3, v6  }
0x46d: {  	v4 =	vmul.f32 v4, v6;
	[tilespmem:s19+$0xFFFFFFE0] =	vst v2  }
0x46e: {  	v2 =	vmul.f32 v5, v6;
	[tilespmem:s19+$0xFFFFFFF0] =	vst v3  }
0x46f: {  	[tilespmem:s19+$0x0] =	vst v4  }
0x470: {  	s25 =	rddreg [dreg:$0xb];
	[tilespmem:s19+$0x10] =	vst v2  }
0x471: {  	[hbm4b:s25+s3] =	stream.linear.scatter [tilespmem:s0], [sflag:$0x3], $0x2000, $0x38;
	[tilespmem:$0x1F000] =	vst v63  }
0x472: {  	_ =	swait.ge [sflag:s31], $0x2000  }
0x473: {  	s26 =	rddreg [dreg:$0xd]  }
0x474: {  	s29 =	rddreg [dreg:$0xc];
	s21 =	sadd.s32 $0x1, s26  }
0x475: {  	p0 =	sne.s32 s21, s29  }
.Ltmp25:
0x476: {  	_ = 	snop;
	(pc) =	sbr.rel @p0 .LBB2_1-.Ltmp25, $3  }
0x477: {  	_ =	sdelay $0x1  }
0x478: {  	[sflag:s31] =	ssyncset.done $0x0  }
0x479: {  	[sflag:s31] =	ssyncadd.s32 $0xFFFFE000  }
0x47a: {  	_ =	sfence.sel $0x180000  }
0x47b: {  	[bflag:$0x0] =	sbarrier.arrive $0xFFFF  }
0x47c: {  	_ =	strace $0x90000047  }
0x47d: {  	s0 =	stileid.u32;
	[bflag:$0x2] =	sbarrier.arrive $0xFFFF  }
0x47e: {  	p0 =	sne.s32 s0, $0x0;
	s0 =	rddreg [dreg:$0x3]  }
0x47f: {  	s0 =	sadd.s32 @!p0 $0x100000, s0  }
0x480: {  	[sflag:s0] =	ssyncadd.tile.s32 @!p0 $0x1;
	_ =	shalt  }
.Lfunc_end2:
_tile_overlayer_lowered:
.L_overlay_start_2:
0x481: {  	(tag) =	ssettag $0x2  }
0x482: {  	s0 =	rddreg [dreg:$0x0];
	s2 =	stileid.u32  }
0x483: {  	s1 =	rddreg [dreg:$0x1];
	p0 =	sne.s32 s2, $0x0  }
0x484: {  	s3 =	rddreg [dreg:$0x2];
	[bflag:$0x3] =	sbarrier.arrive $0xFFFF;
	s2 =	simm.s32 @!p0 $0x1C03  }
0x485: {  	[timem:s3], [sflag:s2] =	dma.local @!p0 [hbm:s0], s1  }
0x486: {  	s0 =	simm.s32 @!p0 $0x3  }
0x487: {  	_ =	swait.ge @!p0 [sflag:s0], s1  }
0x488: {  	s1 =	ssub.s32 @!p0 $0x0, s1;
	[sflag:s0] =	ssyncset.done @!p0 $0x0  }
0x489: {  	[sflag:s0] =	ssyncadd.s32 @!p0 s1  }
0x48a: {  	[bflag:$0x3] =	sbarrier.arrive $0xFFFF  }
0x48b: {  	_ =	shalt  }

</sc_bundles>
